<compile_context>
chip_gen: v7x
topology: tpu7x:2x2x1
jax: 0.10.2.dev20260603
libtpu: 0.0.44.dev20260713+nightly
codegen_flags: <defaults>
</compile_context>

<pallas_src>
import jax
import jax.numpy as jnp
from jax import lax
from jax.experimental import pallas as pl
from jax.experimental.pallas import tpu as pltpu
from jax.experimental.pallas import tpu_sc as plsc

MAXLEN = 200
EMB_DIM = 64
SMALL_DIM = 32
OUT_DIM = EMB_DIM + 4 * SMALL_DIM

B, L = 4096, 200
N_TOK = B * L

POS_OFF = MAXLEN
NER_OFF = MAXLEN + 48
SMALL_ROWS = MAXLEN + 48 + 20

NUM_CORES = 2
NUM_SUBCORES = 16
NUM_WORKERS = NUM_CORES * NUM_SUBCORES
TOK_PER_WORKER = N_TOK // NUM_WORKERS
CHUNK = 320
N_CHUNKS = TOK_PER_WORKER // CHUNK
N_PAIRS = N_CHUNKS // 2
LANES = 16


def _body(words, subj, obj, pos, ner, word_table, small_table, out, *scratch):
  (wi_a, si_a, wr_a, sr_a, wi_b, si_b, wr_b, sr_b,
   semi_a, semg_a, sems_a, semi_b, semg_b, sems_b) = scratch
  slot_a = (wi_a, si_a, wr_a, sr_a, semi_a, semg_a, sems_a)
  slot_b = (wi_b, si_b, wr_b, sr_b, semi_b, semg_b, sems_b)

  c = lax.axis_index("c")
  s = lax.axis_index("s")
  wid = s * NUM_CORES + c
  rep_base = wid * SMALL_ROWS

  def idx_ops(i, slot):
    wi, si = slot[0], slot[1]
    semi = slot[4]
    base = wid * TOK_PER_WORKER + i * CHUNK
    tok = pl.ds(base, CHUNK)
    return [
        (words.at[tok], wi, semi),
        (subj.at[tok], si.at[pl.ds(0, CHUNK)], semi),
        (obj.at[tok], si.at[pl.ds(CHUNK, CHUNK)], semi),
        (pos.at[tok], si.at[pl.ds(2 * CHUNK, CHUNK)], semi),
        (ner.at[tok], si.at[pl.ds(3 * CHUNK, CHUNK)], semi),
    ]

  def start(i, slot):
    wi, si, wr, sr, semi, semg, _ = slot
    ops = idx_ops(i, slot)
    for src, dst, sem in ops:
      pltpu.async_copy(src, dst, sem)
    for src, dst, sem in ops:
      pltpu.make_async_copy(src, dst, sem).wait()
    for k in range(2 * CHUNK // LANES):
      sl = pl.ds(k * LANES, LANES)
      si[sl] = si[sl] + rep_base
    for k in range(CHUNK // LANES):
      sl = pl.ds(2 * CHUNK + k * LANES, LANES)
      si[sl] = si[sl] + (rep_base + POS_OFF)
    for k in range(CHUNK // LANES):
      sl = pl.ds(3 * CHUNK + k * LANES, LANES)
      si[sl] = si[sl] + (rep_base + NER_OFF)
    pltpu.async_copy(word_table.at[wi], wr, semg)
    pltpu.async_copy(small_table.at[si], sr, semg)

  def wait_gathers(slot):
    wi, si, wr, sr, _, semg, _ = slot
    pltpu.make_async_copy(word_table.at[wi], wr, semg).wait()
    pltpu.make_async_copy(small_table.at[si], sr, semg).wait()

  def scatter_ops(i, slot):
    wr, sr, sems = slot[2], slot[3], slot[6]
    base = wid * TOK_PER_WORKER + i * CHUNK
    tok = pl.ds(base, CHUNK)
    ops = [(wr, out.at[tok, pl.ds(0, EMB_DIM)], sems)]
    for f in range(4):
      ops.append((sr.at[pl.ds(f * CHUNK, CHUNK)],
                  out.at[tok, pl.ds(EMB_DIM + f * SMALL_DIM, SMALL_DIM)],
                  sems))
    return ops

  def fire_scatters(i, slot):
    for src, dst, sem in scatter_ops(i, slot):
      pltpu.async_copy(src, dst, sem)

  def drain_scatters(i, slot):
    for src, dst, sem in scatter_ops(i, slot):
      pltpu.make_async_copy(src, dst, sem).wait()

  start(0, slot_a)

  @pl.loop(0, N_PAIRS)
  def _pair(j):
    i0 = 2 * j
    i1 = i0 + 1

    @pl.when(j > 0)
    def _():
      drain_scatters(i0, slot_b)
    start(i1, slot_b)
    wait_gathers(slot_a)
    fire_scatters(i0, slot_a)

    @pl.when(j < N_PAIRS - 1)
    def _():
      drain_scatters(i0, slot_a)
      start(i0 + 2, slot_a)
    wait_gathers(slot_b)
    fire_scatters(i1, slot_b)

  drain_scatters(0, slot_a)
  drain_scatters(0, slot_b)


@jax.jit
def _run(words, subj, obj, pos, ner, word_table, small_table):
  mesh = plsc.VectorSubcoreMesh(
      core_axis_name="c", subcore_axis_name="s",
      num_cores=NUM_CORES, num_subcores=NUM_SUBCORES)
  grid_kernel = pl.kernel(
      _body,
      out_type=jax.ShapeDtypeStruct((N_TOK, OUT_DIM), jnp.float32),
      mesh=mesh,
      scratch_types=[
          pltpu.VMEM((CHUNK,), jnp.int32),
          pltpu.VMEM((4 * CHUNK,), jnp.int32),
          pltpu.VMEM((CHUNK, EMB_DIM), jnp.float32),
          pltpu.VMEM((4 * CHUNK, SMALL_DIM), jnp.float32),
          pltpu.VMEM((CHUNK,), jnp.int32),
          pltpu.VMEM((4 * CHUNK,), jnp.int32),
          pltpu.VMEM((CHUNK, EMB_DIM), jnp.float32),
          pltpu.VMEM((4 * CHUNK, SMALL_DIM), jnp.float32),
          pltpu.SemaphoreType.DMA,
          pltpu.SemaphoreType.DMA,
          pltpu.SemaphoreType.DMA,
          pltpu.SemaphoreType.DMA,
          pltpu.SemaphoreType.DMA,
          pltpu.SemaphoreType.DMA,
      ],
      compiler_params=pltpu.CompilerParams(use_tc_tiling_on_sc=False),
      name="embed_concat_sc",
  )
  return grid_kernel(words, subj, obj, pos, ner, word_table, small_table)


def kernel(words, pos, ner, subj_pos, obj_pos,
           word_table, pos_table, ner_table, position_table):
  small_table = jnp.tile(
      jnp.concatenate([position_table[MAXLEN:], pos_table, ner_table], axis=0),
      (NUM_WORKERS, 1))
  out = _run(words.reshape(N_TOK), subj_pos.reshape(N_TOK),
             obj_pos.reshape(N_TOK), pos.reshape(N_TOK), ner.reshape(N_TOK),
             word_table, small_table)
  return out.reshape(B, L, OUT_DIM)

# --- scband reference (transcript-rebuilt; emitter-appended) ---
"""Pipeline reference for scband-embedding-5703716569099 (READ-ONLY COPY).

The authoritative reference and input builder live on the scoring server;
editing this copy changes nothing except your own understanding.
"""

import jax, jax.numpy as jnp
import numpy as np

MAXLEN = 200
VOCAB = 1000000
EMB_DIM = 64
POS_VOCAB = 48
NER_VOCAB = 20
POS_DIM = 32
NER_DIM = 32
POSITION_DIM = 32
B, L = 4096, 200


def setup_inputs(seed: int = 0) -> dict:
    key = jax.random.key(seed)
    ks = jax.random.split(key, 9)
    words = jax.random.randint(ks[0], (B, L), 0, VOCAB).astype(jnp.int32)
    pos = jax.random.randint(ks[1], (B, L), 0, POS_VOCAB).astype(jnp.int32)
    ner = jax.random.randint(ks[2], (B, L), 0, NER_VOCAB).astype(jnp.int32)
    subj_pos = jax.random.randint(ks[3], (B, L), 0, MAXLEN).astype(jnp.int32)
    obj_pos = jax.random.randint(ks[4], (B, L), 0, MAXLEN).astype(jnp.int32)
    # learned tables (padding_idx=0 rows zeroed for word/pos/ner, as in torch init)
    word_table = jax.random.uniform(ks[5], (VOCAB, EMB_DIM), minval=-1.0, maxval=1.0, dtype=jnp.float32).at[0].set(0.0)
    pos_table = jax.random.uniform(ks[6], (POS_VOCAB, POS_DIM), minval=-1.0, maxval=1.0, dtype=jnp.float32).at[0].set(0.0)
    ner_table = jax.random.uniform(ks[7], (NER_VOCAB, NER_DIM), minval=-1.0, maxval=1.0, dtype=jnp.float32).at[0].set(0.0)
    position_table = jax.random.uniform(ks[8], (2 * MAXLEN, POSITION_DIM), minval=-1.0, maxval=1.0, dtype=jnp.float32)
    return {
        'words': words,
        'pos': pos,
        'ner': ner,
        'subj_pos': subj_pos,
        'obj_pos': obj_pos,
        'word_table': word_table,
        'pos_table': pos_table,
        'ner_table': ner_table,
        'position_table': position_table,
    }


def reference(words, pos, ner, subj_pos, obj_pos, word_table, pos_table, ner_table, position_table):
    emb_words = jnp.take(word_table, words, axis=0)
    emb_subj_pos = jnp.take(position_table, subj_pos + MAXLEN, axis=0)
    emb_obj_pos = jnp.take(position_table, obj_pos + MAXLEN, axis=0)
    emb_pos = jnp.take(pos_table, pos, axis=0)
    emb_ner = jnp.take(ner_table, ner, axis=0)
    input_embs = jnp.concatenate([emb_words, emb_subj_pos, emb_obj_pos, emb_pos, emb_ner], axis=2)
    return input_embs

if __name__ == "__main__":
    import jax
    _d = setup_inputs()
    print(jax.jit(kernel)(*tuple(_d.values())))

</pallas_src>

<mosaic_0001>
#map = affine_map<(d0, d1) -> (0)>
#map1 = affine_map<(d0, d1) -> (0, 0)>
module attributes {stable_mosaic.version = 14 : i64} {
  func.func @embed_concat_sc(%arg0: i32, %arg1: i32, %arg2: memref<819200xi32, #tpu.memory_space<hbm>>, %arg3: memref<819200xi32, #tpu.memory_space<hbm>>, %arg4: memref<819200xi32, #tpu.memory_space<hbm>>, %arg5: memref<819200xi32, #tpu.memory_space<hbm>>, %arg6: memref<819200xi32, #tpu.memory_space<hbm>>, %arg7: memref<1000000x64xf32, #tpu.memory_space<hbm>>, %arg8: memref<8576x32xf32, #tpu.memory_space<hbm>>, %arg9: memref<819200x192xf32, #tpu.memory_space<hbm>>, %arg10: memref<320xi32, #tpu.memory_space<vmem>>, %arg11: memref<1280xi32, #tpu.memory_space<vmem>>, %arg12: memref<320x64xf32, #tpu.memory_space<vmem>>, %arg13: memref<1280x32xf32, #tpu.memory_space<vmem>>, %arg14: memref<320xi32, #tpu.memory_space<vmem>>, %arg15: memref<1280xi32, #tpu.memory_space<vmem>>, %arg16: memref<320x64xf32, #tpu.memory_space<vmem>>, %arg17: memref<1280x32xf32, #tpu.memory_space<vmem>>, %arg18: memref<!tpu.dma_semaphore, #tpu.memory_space<semaphore_mem>>, %arg19: memref<!tpu.dma_semaphore, #tpu.memory_space<semaphore_mem>>, %arg20: memref<!tpu.dma_semaphore, #tpu.memory_space<semaphore_mem>>, %arg21: memref<!tpu.dma_semaphore, #tpu.memory_space<semaphore_mem>>, %arg22: memref<!tpu.dma_semaphore, #tpu.memory_space<semaphore_mem>>, %arg23: memref<!tpu.dma_semaphore, #tpu.memory_space<semaphore_mem>>) attributes {dimension_semantics = [#tpu.dimension_semantics<core_parallel>, #tpu.dimension_semantics<subcore_parallel>], iteration_bounds = array<i64: 2, 16>, scalar_prefetch = 0 : i64, scratch_operands = 14 : i64, tpu.core_type = #tpu.core_type<sc_vector_subcore>, window_params = [{transform_indices = #map}, {transform_indices = #map}, {transform_indices = #map}, {transform_indices = #map}, {transform_indices = #map}, {transform_indices = #map1}, {transform_indices = #map1}, {transform_indices = #map1}]} {
    %mul3A = arith.constant 2 : i32
    %mul3A_0 = arith.muli %arg1, %mul3A : i32
    %add3A = arith.addi %mul3A_0, %arg0 : i32
    %mul3A_1 = arith.constant 268 : i32
    %mul3A_2 = arith.muli %add3A, %mul3A_1 : i32
    %mul3A_3 = arith.constant 25600 : i32
    %mul3A_4 = arith.muli %add3A, %mul3A_3 : i32
    %add3A_5 = arith.constant 0 : i32
    %add3A_6 = arith.addi %mul3A_4, %add3A_5 : i32
    %dma_start3A = tpu.memref_slice %arg2[%add3A_6] : memref<819200xi32, #tpu.memory_space<hbm>> -> memref<320xi32, #tpu.memory_space<hbm>>
    %dma_start3A_7 = tpu.memref_slice %arg2[%add3A_6] : memref<819200xi32, #tpu.memory_space<hbm>> -> memref<320xi32, #tpu.memory_space<hbm>>
    tpu.enqueue_dma source(%dma_start3A_7 : memref<320xi32, #tpu.memory_space<hbm>>) target(%arg10 : memref<320xi32, #tpu.memory_space<vmem>>) target_semaphore(%arg18 : memref<!tpu.dma_semaphore, #tpu.memory_space<semaphore_mem>>)
    %dma_start3A_8 = arith.constant 0 : i32
    %dma_start3A_9 = tpu.memref_slice %arg11[%dma_start3A_8] : memref<1280xi32, #tpu.memory_space<vmem>> -> memref<320xi32, #tpu.memory_space<vmem>>
    %dma_start3A_10 = tpu.memref_slice %arg3[%add3A_6] : memref<819200xi32, #tpu.memory_space<hbm>> -> memref<320xi32, #tpu.memory_space<hbm>>
    %dma_start3A_11 = arith.constant 0 : i32
    %dma_start3A_12 = tpu.memref_slice %arg11[%dma_start3A_11] : memref<1280xi32, #tpu.memory_space<vmem>> -> memref<320xi32, #tpu.memory_space<vmem>>
    %dma_start3A_13 = tpu.memref_slice %arg3[%add3A_6] : memref<819200xi32, #tpu.memory_space<hbm>> -> memref<320xi32, #tpu.memory_space<hbm>>
    tpu.enqueue_dma source(%dma_start3A_13 : memref<320xi32, #tpu.memory_space<hbm>>) target(%dma_start3A_12 : memref<320xi32, #tpu.memory_space<vmem>>) target_semaphore(%arg18 : memref<!tpu.dma_semaphore, #tpu.memory_space<semaphore_mem>>)
    %dma_start3A_14 = arith.constant 320 : i32
    %dma_start3A_15 = tpu.memref_slice %arg11[%dma_start3A_14] : memref<1280xi32, #tpu.memory_space<vmem>> -> memref<320xi32, #tpu.memory_space<vmem>>
    %dma_start3A_16 = tpu.memref_slice %arg4[%add3A_6] : memref<819200xi32, #tpu.memory_space<hbm>> -> memref<320xi32, #tpu.memory_space<hbm>>
    %dma_start3A_17 = arith.constant 320 : i32
    %dma_start3A_18 = tpu.memref_slice %arg11[%dma_start3A_17] : memref<1280xi32, #tpu.memory_space<vmem>> -> memref<320xi32, #tpu.memory_space<vmem>>
    %dma_start3A_19 = tpu.memref_slice %arg4[%add3A_6] : memref<819200xi32, #tpu.memory_space<hbm>> -> memref<320xi32, #tpu.memory_space<hbm>>
    tpu.enqueue_dma source(%dma_start3A_19 : memref<320xi32, #tpu.memory_space<hbm>>) target(%dma_start3A_18 : memref<320xi32, #tpu.memory_space<vmem>>) target_semaphore(%arg18 : memref<!tpu.dma_semaphore, #tpu.memory_space<semaphore_mem>>)
    %dma_start3A_20 = arith.constant 640 : i32
    %dma_start3A_21 = tpu.memref_slice %arg11[%dma_start3A_20] : memref<1280xi32, #tpu.memory_space<vmem>> -> memref<320xi32, #tpu.memory_space<vmem>>
    %dma_start3A_22 = tpu.memref_slice %arg5[%add3A_6] : memref<819200xi32, #tpu.memory_space<hbm>> -> memref<320xi32, #tpu.memory_space<hbm>>
    %dma_start3A_23 = arith.constant 640 : i32
    %dma_start3A_24 = tpu.memref_slice %arg11[%dma_start3A_23] : memref<1280xi32, #tpu.memory_space<vmem>> -> memref<320xi32, #tpu.memory_space<vmem>>
    %dma_start3A_25 = tpu.memref_slice %arg5[%add3A_6] : memref<819200xi32, #tpu.memory_space<hbm>> -> memref<320xi32, #tpu.memory_space<hbm>>
    tpu.enqueue_dma source(%dma_start3A_25 : memref<320xi32, #tpu.memory_space<hbm>>) target(%dma_start3A_24 : memref<320xi32, #tpu.memory_space<vmem>>) target_semaphore(%arg18 : memref<!tpu.dma_semaphore, #tpu.memory_space<semaphore_mem>>)
    %dma_start3A_26 = arith.constant 960 : i32
    %dma_start3A_27 = tpu.memref_slice %arg11[%dma_start3A_26] : memref<1280xi32, #tpu.memory_space<vmem>> -> memref<320xi32, #tpu.memory_space<vmem>>
    %dma_start3A_28 = tpu.memref_slice %arg6[%add3A_6] : memref<819200xi32, #tpu.memory_space<hbm>> -> memref<320xi32, #tpu.memory_space<hbm>>
    %dma_start3A_29 = arith.constant 960 : i32
    %dma_start3A_30 = tpu.memref_slice %arg11[%dma_start3A_29] : memref<1280xi32, #tpu.memory_space<vmem>> -> memref<320xi32, #tpu.memory_space<vmem>>
    %dma_start3A_31 = tpu.memref_slice %arg6[%add3A_6] : memref<819200xi32, #tpu.memory_space<hbm>> -> memref<320xi32, #tpu.memory_space<hbm>>
    tpu.enqueue_dma source(%dma_start3A_31 : memref<320xi32, #tpu.memory_space<hbm>>) target(%dma_start3A_30 : memref<320xi32, #tpu.memory_space<vmem>>) target_semaphore(%arg18 : memref<!tpu.dma_semaphore, #tpu.memory_space<semaphore_mem>>)
    %dma_wait3A = tpu.memref_slice %arg2[%add3A_6] : memref<819200xi32, #tpu.memory_space<hbm>> -> memref<320xi32, #tpu.memory_space<hbm>>
    %dma_wait3A_32 = tpu.memref_slice %arg2[%add3A_6] : memref<819200xi32, #tpu.memory_space<hbm>> -> memref<320xi32, #tpu.memory_space<hbm>>
    tpu.wait_dma2 semaphore(%arg18 : memref<!tpu.dma_semaphore, #tpu.memory_space<semaphore_mem>>) src(%dma_wait3A_32 : memref<320xi32, #tpu.memory_space<hbm>>) dst(%arg10 : memref<320xi32, #tpu.memory_space<vmem>>)
    %dma_wait3A_33 = arith.constant 0 : i32
    %dma_wait3A_34 = tpu.memref_slice %arg11[%dma_wait3A_33] : memref<1280xi32, #tpu.memory_space<vmem>> -> memref<320xi32, #tpu.memory_space<vmem>>
    %dma_wait3A_35 = tpu.memref_slice %arg3[%add3A_6] : memref<819200xi32, #tpu.memory_space<hbm>> -> memref<320xi32, #tpu.memory_space<hbm>>
    %dma_wait3A_36 = arith.constant 0 : i32
    %dma_wait3A_37 = tpu.memref_slice %arg11[%dma_wait3A_36] : memref<1280xi32, #tpu.memory_space<vmem>> -> memref<320xi32, #tpu.memory_space<vmem>>
    %dma_wait3A_38 = tpu.memref_slice %arg3[%add3A_6] : memref<819200xi32, #tpu.memory_space<hbm>> -> memref<320xi32, #tpu.memory_space<hbm>>
    tpu.wait_dma2 semaphore(%arg18 : memref<!tpu.dma_semaphore, #tpu.memory_space<semaphore_mem>>) src(%dma_wait3A_38 : memref<320xi32, #tpu.memory_space<hbm>>) dst(%dma_wait3A_37 : memref<320xi32, #tpu.memory_space<vmem>>)
    %dma_wait3A_39 = arith.constant 320 : i32
    %dma_wait3A_40 = tpu.memref_slice %arg11[%dma_wait3A_39] : memref<1280xi32, #tpu.memory_space<vmem>> -> memref<320xi32, #tpu.memory_space<vmem>>
    %dma_wait3A_41 = tpu.memref_slice %arg4[%add3A_6] : memref<819200xi32, #tpu.memory_space<hbm>> -> memref<320xi32, #tpu.memory_space<hbm>>
    %dma_wait3A_42 = arith.constant 320 : i32
    %dma_wait3A_43 = tpu.memref_slice %arg11[%dma_wait3A_42] : memref<1280xi32, #tpu.memory_space<vmem>> -> memref<320xi32, #tpu.memory_space<vmem>>
    %dma_wait3A_44 = tpu.memref_slice %arg4[%add3A_6] : memref<819200xi32, #tpu.memory_space<hbm>> -> memref<320xi32, #tpu.memory_space<hbm>>
    tpu.wait_dma2 semaphore(%arg18 : memref<!tpu.dma_semaphore, #tpu.memory_space<semaphore_mem>>) src(%dma_wait3A_44 : memref<320xi32, #tpu.memory_space<hbm>>) dst(%dma_wait3A_43 : memref<320xi32, #tpu.memory_space<vmem>>)
    %dma_wait3A_45 = arith.constant 640 : i32
    %dma_wait3A_46 = tpu.memref_slice %arg11[%dma_wait3A_45] : memref<1280xi32, #tpu.memory_space<vmem>> -> memref<320xi32, #tpu.memory_space<vmem>>
    %dma_wait3A_47 = tpu.memref_slice %arg5[%add3A_6] : memref<819200xi32, #tpu.memory_space<hbm>> -> memref<320xi32, #tpu.memory_space<hbm>>
    %dma_wait3A_48 = arith.constant 640 : i32
    %dma_wait3A_49 = tpu.memref_slice %arg11[%dma_wait3A_48] : memref<1280xi32, #tpu.memory_space<vmem>> -> memref<320xi32, #tpu.memory_space<vmem>>
    %dma_wait3A_50 = tpu.memref_slice %arg5[%add3A_6] : memref<819200xi32, #tpu.memory_space<hbm>> -> memref<320xi32, #tpu.memory_space<hbm>>
    tpu.wait_dma2 semaphore(%arg18 : memref<!tpu.dma_semaphore, #tpu.memory_space<semaphore_mem>>) src(%dma_wait3A_50 : memref<320xi32, #tpu.memory_space<hbm>>) dst(%dma_wait3A_49 : memref<320xi32, #tpu.memory_space<vmem>>)
    %dma_wait3A_51 = arith.constant 960 : i32
    %dma_wait3A_52 = tpu.memref_slice %arg11[%dma_wait3A_51] : memref<1280xi32, #tpu.memory_space<vmem>> -> memref<320xi32, #tpu.memory_space<vmem>>
    %dma_wait3A_53 = tpu.memref_slice %arg6[%add3A_6] : memref<819200xi32, #tpu.memory_space<hbm>> -> memref<320xi32, #tpu.memory_space<hbm>>
    %dma_wait3A_54 = arith.constant 960 : i32
    %dma_wait3A_55 = tpu.memref_slice %arg11[%dma_wait3A_54] : memref<1280xi32, #tpu.memory_space<vmem>> -> memref<320xi32, #tpu.memory_space<vmem>>
    %dma_wait3A_56 = tpu.memref_slice %arg6[%add3A_6] : memref<819200xi32, #tpu.memory_space<hbm>> -> memref<320xi32, #tpu.memory_space<hbm>>
    tpu.wait_dma2 semaphore(%arg18 : memref<!tpu.dma_semaphore, #tpu.memory_space<semaphore_mem>>) src(%dma_wait3A_56 : memref<320xi32, #tpu.memory_space<hbm>>) dst(%dma_wait3A_55 : memref<320xi32, #tpu.memory_space<vmem>>)
    %get3A = arith.constant 0 : index
    %get3A_57 = tpu.vector_load %arg11[%get3A] {strides = array<i32>} : memref<1280xi32, #tpu.memory_space<vmem>>, vector<16xi32>,
    %get3A_58 = vector.shape_cast %get3A_57 : vector<16xi32> to vector<16xi32>
    %add3A_59 = vector.broadcast %mul3A_2 : i32 to vector<16xi32>
    %add3A_60 = arith.addi %get3A_58, %add3A_59 : vector<16xi32>
    %swap3A = arith.constant 0 : index
    %swap3A_61 = tpu.vector_load %arg11[%swap3A] {strides = array<i32>} : memref<1280xi32, #tpu.memory_space<vmem>>, vector<16xi32>,
    %swap3A_62 = vector.shape_cast %swap3A_61 : vector<16xi32> to vector<16xi32>
    %swap3A_63 = vector.shape_cast %add3A_60 : vector<16xi32> to vector<16xi32>
    tpu.vector_store %arg11[%swap3A], %swap3A_63 {strides = array<i32>} : memref<1280xi32, #tpu.memory_space<vmem>>, vector<16xi32>,
    %get3A_64 = arith.constant 16 : index
    %get3A_65 = tpu.vector_load %arg11[%get3A_64] {strides = array<i32>} : memref<1280xi32, #tpu.memory_space<vmem>>, vector<16xi32>,
    %get3A_66 = vector.shape_cast %get3A_65 : vector<16xi32> to vector<16xi32>
    %add3A_67 = vector.broadcast %mul3A_2 : i32 to vector<16xi32>
    %add3A_68 = arith.addi %get3A_66, %add3A_67 : vector<16xi32>
    %swap3A_69 = arith.constant 16 : index
    %swap3A_70 = tpu.vector_load %arg11[%swap3A_69] {strides = array<i32>} : memref<1280xi32, #tpu.memory_space<vmem>>, vector<16xi32>,
    %swap3A_71 = vector.shape_cast %swap3A_70 : vector<16xi32> to vector<16xi32>
    %swap3A_72 = vector.shape_cast %add3A_68 : vector<16xi32> to vector<16xi32>
    tpu.vector_store %arg11[%swap3A_69], %swap3A_72 {strides = array<i32>} : memref<1280xi32, #tpu.memory_space<vmem>>, vector<16xi32>,
    %get3A_73 = arith.constant 32 : index
    %get3A_74 = tpu.vector_load %arg11[%get3A_73] {strides = array<i32>} : memref<1280xi32, #tpu.memory_space<vmem>>, vector<16xi32>,
    %get3A_75 = vector.shape_cast %get3A_74 : vector<16xi32> to vector<16xi32>
    %add3A_76 = vector.broadcast %mul3A_2 : i32 to vector<16xi32>
    %add3A_77 = arith.addi %get3A_75, %add3A_76 : vector<16xi32>
    %swap3A_78 = arith.constant 32 : index
    %swap3A_79 = tpu.vector_load %arg11[%swap3A_78] {strides = array<i32>} : memref<1280xi32, #tpu.memory_space<vmem>>, vector<16xi32>,
    %swap3A_80 = vector.shape_cast %swap3A_79 : vector<16xi32> to vector<16xi32>
    %swap3A_81 = vector.shape_cast %add3A_77 : vector<16xi32> to vector<16xi32>
    tpu.vector_store %arg11[%swap3A_78], %swap3A_81 {strides = array<i32>} : memref<1280xi32, #tpu.memory_space<vmem>>, vector<16xi32>,
    %get3A_82 = arith.constant 48 : index
    %get3A_83 = tpu.vector_load %arg11[%get3A_82] {strides = array<i32>} : memref<1280xi32, #tpu.memory_space<vmem>>, vector<16xi32>,
    %get3A_84 = vector.shape_cast %get3A_83 : vector<16xi32> to vector<16xi32>
    %add3A_85 = vector.broadcast %mul3A_2 : i32 to vector<16xi32>
    %add3A_86 = arith.addi %get3A_84, %add3A_85 : vector<16xi32>
    %swap3A_87 = arith.constant 48 : index
    %swap3A_88 = tpu.vector_load %arg11[%swap3A_87] {strides = array<i32>} : memref<1280xi32, #tpu.memory_space<vmem>>, vector<16xi32>,
    %swap3A_89 = vector.shape_cast %swap3A_88 : vector<16xi32> to vector<16xi32>
    %swap3A_90 = vector.shape_cast %add3A_86 : vector<16xi32> to vector<16xi32>
    tpu.vector_store %arg11[%swap3A_87], %swap3A_90 {strides = array<i32>} : memref<1280xi32, #tpu.memory_space<vmem>>, vector<16xi32>,
    %get3A_91 = arith.constant 64 : index
    %get3A_92 = tpu.vector_load %arg11[%get3A_91] {strides = array<i32>} : memref<1280xi32, #tpu.memory_space<vmem>>, vector<16xi32>,
    %get3A_93 = vector.shape_cast %get3A_92 : vector<16xi32> to vector<16xi32>
    %add3A_94 = vector.broadcast %mul3A_2 : i32 to vector<16xi32>
    %add3A_95 = arith.addi %get3A_93, %add3A_94 : vector<16xi32>
    %swap3A_96 = arith.constant 64 : index
    %swap3A_97 = tpu.vector_load %arg11[%swap3A_96] {strides = array<i32>} : memref<1280xi32, #tpu.memory_space<vmem>>, vector<16xi32>,
    %swap3A_98 = vector.shape_cast %swap3A_97 : vector<16xi32> to vector<16xi32>
    %swap3A_99 = vector.shape_cast %add3A_95 : vector<16xi32> to vector<16xi32>
    tpu.vector_store %arg11[%swap3A_96], %swap3A_99 {strides = array<i32>} : memref<1280xi32, #tpu.memory_space<vmem>>, vector<16xi32>,
    %get3A_100 = arith.constant 80 : index
    %get3A_101 = tpu.vector_load %arg11[%get3A_100] {strides = array<i32>} : memref<1280xi32, #tpu.memory_space<vmem>>, vector<16xi32>,
    %get3A_102 = vector.shape_cast %get3A_101 : vector<16xi32> to vector<16xi32>
    %add3A_103 = vector.broadcast %mul3A_2 : i32 to vector<16xi32>
    %add3A_104 = arith.addi %get3A_102, %add3A_103 : vector<16xi32>
    %swap3A_105 = arith.constant 80 : index
    %swap3A_106 = tpu.vector_load %arg11[%swap3A_105] {strides = array<i32>} : memref<1280xi32, #tpu.memory_space<vmem>>, vector<16xi32>,
    %swap3A_107 = vector.shape_cast %swap3A_106 : vector<16xi32> to vector<16xi32>
    %swap3A_108 = vector.shape_cast %add3A_104 : vector<16xi32> to vector<16xi32>
    tpu.vector_store %arg11[%swap3A_105], %swap3A_108 {strides = array<i32>} : memref<1280xi32, #tpu.memory_space<vmem>>, vector<16xi32>,
    %get3A_109 = arith.constant 96 : index
    %get3A_110 = tpu.vector_load %arg11[%get3A_109] {strides = array<i32>} : memref<1280xi32, #tpu.memory_space<vmem>>, vector<16xi32>,
    %get3A_111 = vector.shape_cast %get3A_110 : vector<16xi32> to vector<16xi32>
    %add3A_112 = vector.broadcast %mul3A_2 : i32 to vector<16xi32>
    %add3A_113 = arith.addi %get3A_111, %add3A_112 : vector<16xi32>
    %swap3A_114 = arith.constant 96 : index
    %swap3A_115 = tpu.vector_load %arg11[%swap3A_114] {strides = array<i32>} : memref<1280xi32, #tpu.memory_space<vmem>>, vector<16xi32>,
    %swap3A_116 = vector.shape_cast %swap3A_115 : vector<16xi32> to vector<16xi32>
    %swap3A_117 = vector.shape_cast %add3A_113 : vector<16xi32> to vector<16xi32>
    tpu.vector_store %arg11[%swap3A_114], %swap3A_117 {strides = array<i32>} : memref<1280xi32, #tpu.memory_space<vmem>>, vector<16xi32>,
    %get3A_118 = arith.constant 112 : index
    %get3A_119 = tpu.vector_load %arg11[%get3A_118] {strides = array<i32>} : memref<1280xi32, #tpu.memory_space<vmem>>, vector<16xi32>,
    %get3A_120 = vector.shape_cast %get3A_119 : vector<16xi32> to vector<16xi32>
    %add3A_121 = vector.broadcast %mul3A_2 : i32 to vector<16xi32>
    %add3A_122 = arith.addi %get3A_120, %add3A_121 : vector<16xi32>
    %swap3A_123 = arith.constant 112 : index
    %swap3A_124 = tpu.vector_load %arg11[%swap3A_123] {strides = array<i32>} : memref<1280xi32, #tpu.memory_space<vmem>>, vector<16xi32>,
    %swap3A_125 = vector.shape_cast %swap3A_124 : vector<16xi32> to vector<16xi32>
    %swap3A_126 = vector.shape_cast %add3A_122 : vector<16xi32> to vector<16xi32>
    tpu.vector_store %arg11[%swap3A_123], %swap3A_126 {strides = array<i32>} : memref<1280xi32, #tpu.memory_space<vmem>>, vector<16xi32>,
    %get3A_127 = arith.constant 128 : index
    %get3A_128 = tpu.vector_load %arg11[%get3A_127] {strides = array<i32>} : memref<1280xi32, #tpu.memory_space<vmem>>, vector<16xi32>,
    %get3A_129 = vector.shape_cast %get3A_128 : vector<16xi32> to vector<16xi32>
    %add3A_130 = vector.broadcast %mul3A_2 : i32 to vector<16xi32>
    %add3A_131 = arith.addi %get3A_129, %add3A_130 : vector<16xi32>
    %swap3A_132 = arith.constant 128 : index
    %swap3A_133 = tpu.vector_load %arg11[%swap3A_132] {strides = array<i32>} : memref<1280xi32, #tpu.memory_space<vmem>>, vector<16xi32>,
    %swap3A_134 = vector.shape_cast %swap3A_133 : vector<16xi32> to vector<16xi32>
    %swap3A_135 = vector.shape_cast %add3A_131 : vector<16xi32> to vector<16xi32>
    tpu.vector_store %arg11[%swap3A_132], %swap3A_135 {strides = array<i32>} : memref<1280xi32, #tpu.memory_space<vmem>>, vector<16xi32>,
    %get3A_136 = arith.constant 144 : index
    %get3A_137 = tpu.vector_load %arg11[%get3A_136] {strides = array<i32>} : memref<1280xi32, #tpu.memory_space<vmem>>, vector<16xi32>,
    %get3A_138 = vector.shape_cast %get3A_137 : vector<16xi32> to vector<16xi32>
    %add3A_139 = vector.broadcast %mul3A_2 : i32 to vector<16xi32>
    %add3A_140 = arith.addi %get3A_138, %add3A_139 : vector<16xi32>
    %swap3A_141 = arith.constant 144 : index
    %swap3A_142 = tpu.vector_load %arg11[%swap3A_141] {strides = array<i32>} : memref<1280xi32, #tpu.memory_space<vmem>>, vector<16xi32>,
    %swap3A_143 = vector.shape_cast %swap3A_142 : vector<16xi32> to vector<16xi32>
    %swap3A_144 = vector.shape_cast %add3A_140 : vector<16xi32> to vector<16xi32>
    tpu.vector_store %arg11[%swap3A_141], %swap3A_144 {strides = array<i32>} : memref<1280xi32, #tpu.memory_space<vmem>>, vector<16xi32>,
    %get3A_145 = arith.constant 160 : index
    %get3A_146 = tpu.vector_load %arg11[%get3A_145] {strides = array<i32>} : memref<1280xi32, #tpu.memory_space<vmem>>, vector<16xi32>,
    %get3A_147 = vector.shape_cast %get3A_146 : vector<16xi32> to vector<16xi32>
    %add3A_148 = vector.broadcast %mul3A_2 : i32 to vector<16xi32>
    %add3A_149 = arith.addi %get3A_147, %add3A_148 : vector<16xi32>
    %swap3A_150 = arith.constant 160 : index
    %swap3A_151 = tpu.vector_load %arg11[%swap3A_150] {strides = array<i32>} : memref<1280xi32, #tpu.memory_space<vmem>>, vector<16xi32>,
    %swap3A_152 = vector.shape_cast %swap3A_151 : vector<16xi32> to vector<16xi32>
    %swap3A_153 = vector.shape_cast %add3A_149 : vector<16xi32> to vector<16xi32>
    tpu.vector_store %arg11[%swap3A_150], %swap3A_153 {strides = array<i32>} : memref<1280xi32, #tpu.memory_space<vmem>>, vector<16xi32>,
    %get3A_154 = arith.constant 176 : index
    %get3A_155 = tpu.vector_load %arg11[%get3A_154] {strides = array<i32>} : memref<1280xi32, #tpu.memory_space<vmem>>, vector<16xi32>,
    %get3A_156 = vector.shape_cast %get3A_155 : vector<16xi32> to vector<16xi32>
    %add3A_157 = vector.broadcast %mul3A_2 : i32 to vector<16xi32>
    %add3A_158 = arith.addi %get3A_156, %add3A_157 : vector<16xi32>
    %swap3A_159 = arith.constant 176 : index
    %swap3A_160 = tpu.vector_load %arg11[%swap3A_159] {strides = array<i32>} : memref<1280xi32, #tpu.memory_space<vmem>>, vector<16xi32>,
    %swap3A_161 = vector.shape_cast %swap3A_160 : vector<16xi32> to vector<16xi32>
    %swap3A_162 = vector.shape_cast %add3A_158 : vector<16xi32> to vector<16xi32>
    tpu.vector_store %arg11[%swap3A_159], %swap3A_162 {strides = array<i32>} : memref<1280xi32, #tpu.memory_space<vmem>>, vector<16xi32>,
    %get3A_163 = arith.constant 192 : index
    %get3A_164 = tpu.vector_load %arg11[%get3A_163] {strides = array<i32>} : memref<1280xi32, #tpu.memory_space<vmem>>, vector<16xi32>,
    %get3A_165 = vector.shape_cast %get3A_164 : vector<16xi32> to vector<16xi32>
    %add3A_166 = vector.broadcast %mul3A_2 : i32 to vector<16xi32>
    %add3A_167 = arith.addi %get3A_165, %add3A_166 : vector<16xi32>
    %swap3A_168 = arith.constant 192 : index
    %swap3A_169 = tpu.vector_load %arg11[%swap3A_168] {strides = array<i32>} : memref<1280xi32, #tpu.memory_space<vmem>>, vector<16xi32>,
    %swap3A_170 = vector.shape_cast %swap3A_169 : vector<16xi32> to vector<16xi32>
    %swap3A_171 = vector.shape_cast %add3A_167 : vector<16xi32> to vector<16xi32>
    tpu.vector_store %arg11[%swap3A_168], %swap3A_171 {strides = array<i32>} : memref<1280xi32, #tpu.memory_space<vmem>>, vector<16xi32>,
    %get3A_172 = arith.constant 208 : index
    %get3A_173 = tpu.vector_load %arg11[%get3A_172] {strides = array<i32>} : memref<1280xi32, #tpu.memory_space<vmem>>, vector<16xi32>,
    %get3A_174 = vector.shape_cast %get3A_173 : vector<16xi32> to vector<16xi32>
    %add3A_175 = vector.broadcast %mul3A_2 : i32 to vector<16xi32>
    %add3A_176 = arith.addi %get3A_174, %add3A_175 : vector<16xi32>
    %swap3A_177 = arith.constant 208 : index
    %swap3A_178 = tpu.vector_load %arg11[%swap3A_177] {strides = array<i32>} : memref<1280xi32, #tpu.memory_space<vmem>>, vector<16xi32>,
    %swap3A_179 = vector.shape_cast %swap3A_178 : vector<16xi32> to vector<16xi32>
    %swap3A_180 = vector.shape_cast %add3A_176 : vector<16xi32> to vector<16xi32>
    tpu.vector_store %arg11[%swap3A_177], %swap3A_180 {strides = array<i32>} : memref<1280xi32, #tpu.memory_space<vmem>>, vector<16xi32>,
    %get3A_181 = arith.constant 224 : index
    %get3A_182 = tpu.vector_load %arg11[%get3A_181] {strides = array<i32>} : memref<1280xi32, #tpu.memory_space<vmem>>, vector<16xi32>,
    %get3A_183 = vector.shape_cast %get3A_182 : vector<16xi32> to vector<16xi32>
    %add3A_184 = vector.broadcast %mul3A_2 : i32 to vector<16xi32>
    %add3A_185 = arith.addi %get3A_183, %add3A_184 : vector<16xi32>
    %swap3A_186 = arith.constant 224 : index
    %swap3A_187 = tpu.vector_load %arg11[%swap3A_186] {strides = array<i32>} : memref<1280xi32, #tpu.memory_space<vmem>>, vector<16xi32>,
    %swap3A_188 = vector.shape_cast %swap3A_187 : vector<16xi32> to vector<16xi32>
    %swap3A_189 = vector.shape_cast %add3A_185 : vector<16xi32> to vector<16xi32>
    tpu.vector_store %arg11[%swap3A_186], %swap3A_189 {strides = array<i32>} : memref<1280xi32, #tpu.memory_space<vmem>>, vector<16xi32>,
    %get3A_190 = arith.constant 240 : index
    %get3A_191 = tpu.vector_load %arg11[%get3A_190] {strides = array<i32>} : memref<1280xi32, #tpu.memory_space<vmem>>, vector<16xi32>,
    %get3A_192 = vector.shape_cast %get3A_191 : vector<16xi32> to vector<16xi32>
    %add3A_193 = vector.broadcast %mul3A_2 : i32 to vector<16xi32>
    %add3A_194 = arith.addi %get3A_192, %add3A_193 : vector<16xi32>
    %swap3A_195 = arith.constant 240 : index
    %swap3A_196 = tpu.vector_load %arg11[%swap3A_195] {strides = array<i32>} : memref<1280xi32, #tpu.memory_space<vmem>>, vector<16xi32>,
    %swap3A_197 = vector.shape_cast %swap3A_196 : vector<16xi32> to vector<16xi32>
    %swap3A_198 = vector.shape_cast %add3A_194 : vector<16xi32> to vector<16xi32>
    tpu.vector_store %arg11[%swap3A_195], %swap3A_198 {strides = array<i32>} : memref<1280xi32, #tpu.memory_space<vmem>>, vector<16xi32>,
    %get3A_199 = arith.constant 256 : index
    %get3A_200 = tpu.vector_load %arg11[%get3A_199] {strides = array<i32>} : memref<1280xi32, #tpu.memory_space<vmem>>, vector<16xi32>,
    %get3A_201 = vector.shape_cast %get3A_200 : vector<16xi32> to vector<16xi32>
    %add3A_202 = vector.broadcast %mul3A_2 : i32 to vector<16xi32>
    %add3A_203 = arith.addi %get3A_201, %add3A_202 : vector<16xi32>
    %swap3A_204 = arith.constant 256 : index
    %swap3A_205 = tpu.vector_load %arg11[%swap3A_204] {strides = array<i32>} : memref<1280xi32, #tpu.memory_space<vmem>>, vector<16xi32>,
    %swap3A_206 = vector.shape_cast %swap3A_205 : vector<16xi32> to vector<16xi32>
    %swap3A_207 = vector.shape_cast %add3A_203 : vector<16xi32> to vector<16xi32>
    tpu.vector_store %arg11[%swap3A_204], %swap3A_207 {strides = array<i32>} : memref<1280xi32, #tpu.memory_space<vmem>>, vector<16xi32>,
    %get3A_208 = arith.constant 272 : index
    %get3A_209 = tpu.vector_load %arg11[%get3A_208] {strides = array<i32>} : memref<1280xi32, #tpu.memory_space<vmem>>, vector<16xi32>,
    %get3A_210 = vector.shape_cast %get3A_209 : vector<16xi32> to vector<16xi32>
    %add3A_211 = vector.broadcast %mul3A_2 : i32 to vector<16xi32>
    %add3A_212 = arith.addi %get3A_210, %add3A_211 : vector<16xi32>
    %swap3A_213 = arith.constant 272 : index
    %swap3A_214 = tpu.vector_load %arg11[%swap3A_213] {strides = array<i32>} : memref<1280xi32, #tpu.memory_space<vmem>>, vector<16xi32>,
    %swap3A_215 = vector.shape_cast %swap3A_214 : vector<16xi32> to vector<16xi32>
    %swap3A_216 = vector.shape_cast %add3A_212 : vector<16xi32> to vector<16xi32>
    tpu.vector_store %arg11[%swap3A_213], %swap3A_216 {strides = array<i32>} : memref<1280xi32, #tpu.memory_space<vmem>>, vector<16xi32>,
    %get3A_217 = arith.constant 288 : index
    %get3A_218 = tpu.vector_load %arg11[%get3A_217] {strides = array<i32>} : memref<1280xi32, #tpu.memory_space<vmem>>, vector<16xi32>,
    %get3A_219 = vector.shape_cast %get3A_218 : vector<16xi32> to vector<16xi32>
    %add3A_220 = vector.broadcast %mul3A_2 : i32 to vector<16xi32>
    %add3A_221 = arith.addi %get3A_219, %add3A_220 : vector<16xi32>
    %swap3A_222 = arith.constant 288 : index
    %swap3A_223 = tpu.vector_load %arg11[%swap3A_222] {strides = array<i32>} : memref<1280xi32, #tpu.memory_space<vmem>>, vector<16xi32>,
    %swap3A_224 = vector.shape_cast %swap3A_223 : vector<16xi32> to vector<16xi32>
    %swap3A_225 = vector.shape_cast %add3A_221 : vector<16xi32> to vector<16xi32>
    tpu.vector_store %arg11[%swap3A_222], %swap3A_225 {strides = array<i32>} : memref<1280xi32, #tpu.memory_space<vmem>>, vector<16xi32>,
    %get3A_226 = arith.constant 304 : index
    %get3A_227 = tpu.vector_load %arg11[%get3A_226] {strides = array<i32>} : memref<1280xi32, #tpu.memory_space<vmem>>, vector<16xi32>,
    %get3A_228 = vector.shape_cast %get3A_227 : vector<16xi32> to vector<16xi32>
    %add3A_229 = vector.broadcast %mul3A_2 : i32 to vector<16xi32>
    %add3A_230 = arith.addi %get3A_228, %add3A_229 : vector<16xi32>
    %swap3A_231 = arith.constant 304 : index
    %swap3A_232 = tpu.vector_load %arg11[%swap3A_231] {strides = array<i32>} : memref<1280xi32, #tpu.memory_space<vmem>>, vector<16xi32>,
    %swap3A_233 = vector.shape_cast %swap3A_232 : vector<16xi32> to vector<16xi32>
    %swap3A_234 = vector.shape_cast %add3A_230 : vector<16xi32> to vector<16xi32>
    tpu.vector_store %arg11[%swap3A_231], %swap3A_234 {strides = array<i32>} : memref<1280xi32, #tpu.memory_space<vmem>>, vector<16xi32>,
    %get3A_235 = arith.constant 320 : index
    %get3A_236 = tpu.vector_load %arg11[%get3A_235] {strides = array<i32>} : memref<1280xi32, #tpu.memory_space<vmem>>, vector<16xi32>,
    %get3A_237 = vector.shape_cast %get3A_236 : vector<16xi32> to vector<16xi32>
    %add3A_238 = vector.broadcast %mul3A_2 : i32 to vector<16xi32>
    %add3A_239 = arith.addi %get3A_237, %add3A_238 : vector<16xi32>
    %swap3A_240 = arith.constant 320 : index
    %swap3A_241 = tpu.vector_load %arg11[%swap3A_240] {strides = array<i32>} : memref<1280xi32, #tpu.memory_space<vmem>>, vector<16xi32>,
    %swap3A_242 = vector.shape_cast %swap3A_241 : vector<16xi32> to vector<16xi32>
    %swap3A_243 = vector.shape_cast %add3A_239 : vector<16xi32> to vector<16xi32>
    tpu.vector_store %arg11[%swap3A_240], %swap3A_243 {strides = array<i32>} : memref<1280xi32, #tpu.memory_space<vmem>>, vector<16xi32>,
    %get3A_244 = arith.constant 336 : index
    %get3A_245 = tpu.vector_load %arg11[%get3A_244] {strides = array<i32>} : memref<1280xi32, #tpu.memory_space<vmem>>, vector<16xi32>,
    %get3A_246 = vector.shape_cast %get3A_245 : vector<16xi32> to vector<16xi32>
    %add3A_247 = vector.broadcast %mul3A_2 : i32 to vector<16xi32>
    %add3A_248 = arith.addi %get3A_246, %add3A_247 : vector<16xi32>
    %swap3A_249 = arith.constant 336 : index
    %swap3A_250 = tpu.vector_load %arg11[%swap3A_249] {strides = array<i32>} : memref<1280xi32, #tpu.memory_space<vmem>>, vector<16xi32>,
    %swap3A_251 = vector.shape_cast %swap3A_250 : vector<16xi32> to vector<16xi32>
    %swap3A_252 = vector.shape_cast %add3A_248 : vector<16xi32> to vector<16xi32>
    tpu.vector_store %arg11[%swap3A_249], %swap3A_252 {strides = array<i32>} : memref<1280xi32, #tpu.memory_space<vmem>>, vector<16xi32>,
    %get3A_253 = arith.constant 352 : index
    %get3A_254 = tpu.vector_load %arg11[%get3A_253] {strides = array<i32>} : memref<1280xi32, #tpu.memory_space<vmem>>, vector<16xi32>,
    %get3A_255 = vector.shape_cast %get3A_254 : vector<16xi32> to vector<16xi32>
    %add3A_256 = vector.broadcast %mul3A_2 : i32 to vector<16xi32>
    %add3A_257 = arith.addi %get3A_255, %add3A_256 : vector<16xi32>
    %swap3A_258 = arith.constant 352 : index
    %swap3A_259 = tpu.vector_load %arg11[%swap3A_258] {strides = array<i32>} : memref<1280xi32, #tpu.memory_space<vmem>>, vector<16xi32>,
    %swap3A_260 = vector.shape_cast %swap3A_259 : vector<16xi32> to vector<16xi32>
    %swap3A_261 = vector.shape_cast %add3A_257 : vector<16xi32> to vector<16xi32>
    tpu.vector_store %arg11[%swap3A_258], %swap3A_261 {strides = array<i32>} : memref<1280xi32, #tpu.memory_space<vmem>>, vector<16xi32>,
    %get3A_262 = arith.constant 368 : index
    %get3A_263 = tpu.vector_load %arg11[%get3A_262] {strides = array<i32>} : memref<1280xi32, #tpu.memory_space<vmem>>, vector<16xi32>,
    %get3A_264 = vector.shape_cast %get3A_263 : vector<16xi32> to vector<16xi32>
    %add3A_265 = vector.broadcast %mul3A_2 : i32 to vector<16xi32>
    %add3A_266 = arith.addi %get3A_264, %add3A_265 : vector<16xi32>
    %swap3A_267 = arith.constant 368 : index
    %swap3A_268 = tpu.vector_load %arg11[%swap3A_267] {strides = array<i32>} : memref<1280xi32, #tpu.memory_space<vmem>>, vector<16xi32>,
    %swap3A_269 = vector.shape_cast %swap3A_268 : vector<16xi32> to vector<16xi32>
    %swap3A_270 = vector.shape_cast %add3A_266 : vector<16xi32> to vector<16xi32>
    tpu.vector_store %arg11[%swap3A_267], %swap3A_270 {strides = array<i32>} : memref<1280xi32, #tpu.memory_space<vmem>>, vector<16xi32>,
    %get3A_271 = arith.constant 384 : index
    %get3A_272 = tpu.vector_load %arg11[%get3A_271] {strides = array<i32>} : memref<1280xi32, #tpu.memory_space<vmem>>, vector<16xi32>,
    %get3A_273 = vector.shape_cast %get3A_272 : vector<16xi32> to vector<16xi32>
    %add3A_274 = vector.broadcast %mul3A_2 : i32 to vector<16xi32>
    %add3A_275 = arith.addi %get3A_273, %add3A_274 : vector<16xi32>
    %swap3A_276 = arith.constant 384 : index
    %swap3A_277 = tpu.vector_load %arg11[%swap3A_276] {strides = array<i32>} : memref<1280xi32, #tpu.memory_space<vmem>>, vector<16xi32>,
    %swap3A_278 = vector.shape_cast %swap3A_277 : vector<16xi32> to vector<16xi32>
    %swap3A_279 = vector.shape_cast %add3A_275 : vector<16xi32> to vector<16xi32>
    tpu.vector_store %arg11[%swap3A_276], %swap3A_279 {strides = array<i32>} : memref<1280xi32, #tpu.memory_space<vmem>>, vector<16xi32>,
    %get3A_280 = arith.constant 400 : index
    %get3A_281 = tpu.vector_load %arg11[%get3A_280] {strides = array<i32>} : memref<1280xi32, #tpu.memory_space<vmem>>, vector<16xi32>,
    %get3A_282 = vector.shape_cast %get3A_281 : vector<16xi32> to vector<16xi32>
    %add3A_283 = vector.broadcast %mul3A_2 : i32 to vector<16xi32>
    %add3A_284 = arith.addi %get3A_282, %add3A_283 : vector<16xi32>
    %swap3A_285 = arith.constant 400 : index
    %swap3A_286 = tpu.vector_load %arg11[%swap3A_285] {strides = array<i32>} : memref<1280xi32, #tpu.memory_space<vmem>>, vector<16xi32>,
    %swap3A_287 = vector.shape_cast %swap3A_286 : vector<16xi32> to vector<16xi32>
    %swap3A_288 = vector.shape_cast %add3A_284 : vector<16xi32> to vector<16xi32>
    tpu.vector_store %arg11[%swap3A_285], %swap3A_288 {strides = array<i32>} : memref<1280xi32, #tpu.memory_space<vmem>>, vector<16xi32>,
    %get3A_289 = arith.constant 416 : index
    %get3A_290 = tpu.vector_load %arg11[%get3A_289] {strides = array<i32>} : memref<1280xi32, #tpu.memory_space<vmem>>, vector<16xi32>,
    %get3A_291 = vector.shape_cast %get3A_290 : vector<16xi32> to vector<16xi32>
    %add3A_292 = vector.broadcast %mul3A_2 : i32 to vector<16xi32>
    %add3A_293 = arith.addi %get3A_291, %add3A_292 : vector<16xi32>
    %swap3A_294 = arith.constant 416 : index
    %swap3A_295 = tpu.vector_load %arg11[%swap3A_294] {strides = array<i32>} : memref<1280xi32, #tpu.memory_space<vmem>>, vector<16xi32>,
    %swap3A_296 = vector.shape_cast %swap3A_295 : vector<16xi32> to vector<16xi32>
    %swap3A_297 = vector.shape_cast %add3A_293 : vector<16xi32> to vector<16xi32>
    tpu.vector_store %arg11[%swap3A_294], %swap3A_297 {strides = array<i32>} : memref<1280xi32, #tpu.memory_space<vmem>>, vector<16xi32>,
    %get3A_298 = arith.constant 432 : index
    %get3A_299 = tpu.vector_load %arg11[%get3A_298] {strides = array<i32>} : memref<1280xi32, #tpu.memory_space<vmem>>, vector<16xi32>,
    %get3A_300 = vector.shape_cast %get3A_299 : vector<16xi32> to vector<16xi32>
    %add3A_301 = vector.broadcast %mul3A_2 : i32 to vector<16xi32>
    %add3A_302 = arith.addi %get3A_300, %add3A_301 : vector<16xi32>
    %swap3A_303 = arith.constant 432 : index
    %swap3A_304 = tpu.vector_load %arg11[%swap3A_303] {strides = array<i32>} : memref<1280xi32, #tpu.memory_space<vmem>>, vector<16xi32>,
    %swap3A_305 = vector.shape_cast %swap3A_304 : vector<16xi32> to vector<16xi32>
    %swap3A_306 = vector.shape_cast %add3A_302 : vector<16xi32> to vector<16xi32>
    tpu.vector_store %arg11[%swap3A_303], %swap3A_306 {strides = array<i32>} : memref<1280xi32, #tpu.memory_space<vmem>>, vector<16xi32>,
    %get3A_307 = arith.constant 448 : index
    %get3A_308 = tpu.vector_load %arg11[%get3A_307] {strides = array<i32>} : memref<1280xi32, #tpu.memory_space<vmem>>, vector<16xi32>,
    %get3A_309 = vector.shape_cast %get3A_308 : vector<16xi32> to vector<16xi32>
    %add3A_310 = vector.broadcast %mul3A_2 : i32 to vector<16xi32>
    %add3A_311 = arith.addi %get3A_309, %add3A_310 : vector<16xi32>
    %swap3A_312 = arith.constant 448 : index
    %swap3A_313 = tpu.vector_load %arg11[%swap3A_312] {strides = array<i32>} : memref<1280xi32, #tpu.memory_space<vmem>>, vector<16xi32>,
    %swap3A_314 = vector.shape_cast %swap3A_313 : vector<16xi32> to vector<16xi32>
    %swap3A_315 = vector.shape_cast %add3A_311 : vector<16xi32> to vector<16xi32>
    tpu.vector_store %arg11[%swap3A_312], %swap3A_315 {strides = array<i32>} : memref<1280xi32, #tpu.memory_space<vmem>>, vector<16xi32>,
    %get3A_316 = arith.constant 464 : index
    %get3A_317 = tpu.vector_load %arg11[%get3A_316] {strides = array<i32>} : memref<1280xi32, #tpu.memory_space<vmem>>, vector<16xi32>,
    %get3A_318 = vector.shape_cast %get3A_317 : vector<16xi32> to vector<16xi32>
    %add3A_319 = vector.broadcast %mul3A_2 : i32 to vector<16xi32>
    %add3A_320 = arith.addi %get3A_318, %add3A_319 : vector<16xi32>
    %swap3A_321 = arith.constant 464 : index
    %swap3A_322 = tpu.vector_load %arg11[%swap3A_321] {strides = array<i32>} : memref<1280xi32, #tpu.memory_space<vmem>>, vector<16xi32>,
    %swap3A_323 = vector.shape_cast %swap3A_322 : vector<16xi32> to vector<16xi32>
    %swap3A_324 = vector.shape_cast %add3A_320 : vector<16xi32> to vector<16xi32>
    tpu.vector_store %arg11[%swap3A_321], %swap3A_324 {strides = array<i32>} : memref<1280xi32, #tpu.memory_space<vmem>>, vector<16xi32>,
    %get3A_325 = arith.constant 480 : index
    %get3A_326 = tpu.vector_load %arg11[%get3A_325] {strides = array<i32>} : memref<1280xi32, #tpu.memory_space<vmem>>, vector<16xi32>,
    %get3A_327 = vector.shape_cast %get3A_326 : vector<16xi32> to vector<16xi32>
    %add3A_328 = vector.broadcast %mul3A_2 : i32 to vector<16xi32>
    %add3A_329 = arith.addi %get3A_327, %add3A_328 : vector<16xi32>
    %swap3A_330 = arith.constant 480 : index
    %swap3A_331 = tpu.vector_load %arg11[%swap3A_330] {strides = array<i32>} : memref<1280xi32, #tpu.memory_space<vmem>>, vector<16xi32>,
    %swap3A_332 = vector.shape_cast %swap3A_331 : vector<16xi32> to vector<16xi32>
    %swap3A_333 = vector.shape_cast %add3A_329 : vector<16xi32> to vector<16xi32>
    tpu.vector_store %arg11[%swap3A_330], %swap3A_333 {strides = array<i32>} : memref<1280xi32, #tpu.memory_space<vmem>>, vector<16xi32>,
    %get3A_334 = arith.constant 496 : index
    %get3A_335 = tpu.vector_load %arg11[%get3A_334] {strides = array<i32>} : memref<1280xi32, #tpu.memory_space<vmem>>, vector<16xi32>,
    %get3A_336 = vector.shape_cast %get3A_335 : vector<16xi32> to vector<16xi32>
    %add3A_337 = vector.broadcast %mul3A_2 : i32 to vector<16xi32>
    %add3A_338 = arith.addi %get3A_336, %add3A_337 : vector<16xi32>
    %swap3A_339 = arith.constant 496 : index
    %swap3A_340 = tpu.vector_load %arg11[%swap3A_339] {strides = array<i32>} : memref<1280xi32, #tpu.memory_space<vmem>>, vector<16xi32>,
    %swap3A_341 = vector.shape_cast %swap3A_340 : vector<16xi32> to vector<16xi32>
    %swap3A_342 = vector.shape_cast %add3A_338 : vector<16xi32> to vector<16xi32>
    tpu.vector_store %arg11[%swap3A_339], %swap3A_342 {strides = array<i32>} : memref<1280xi32, #tpu.memory_space<vmem>>, vector<16xi32>,
    %get3A_343 = arith.constant 512 : index
    %get3A_344 = tpu.vector_load %arg11[%get3A_343] {strides = array<i32>} : memref<1280xi32, #tpu.memory_space<vmem>>, vector<16xi32>,
    %get3A_345 = vector.shape_cast %get3A_344 : vector<16xi32> to vector<16xi32>
    %add3A_346 = vector.broadcast %mul3A_2 : i32 to vector<16xi32>
    %add3A_347 = arith.addi %get3A_345, %add3A_346 : vector<16xi32>
    %swap3A_348 = arith.constant 512 : index
    %swap3A_349 = tpu.vector_load %arg11[%swap3A_348] {strides = array<i32>} : memref<1280xi32, #tpu.memory_space<vmem>>, vector<16xi32>,
    %swap3A_350 = vector.shape_cast %swap3A_349 : vector<16xi32> to vector<16xi32>
    %swap3A_351 = vector.shape_cast %add3A_347 : vector<16xi32> to vector<16xi32>
    tpu.vector_store %arg11[%swap3A_348], %swap3A_351 {strides = array<i32>} : memref<1280xi32, #tpu.memory_space<vmem>>, vector<16xi32>,
    %get3A_352 = arith.constant 528 : index
    %get3A_353 = tpu.vector_load %arg11[%get3A_352] {strides = array<i32>} : memref<1280xi32, #tpu.memory_space<vmem>>, vector<16xi32>,
    %get3A_354 = vector.shape_cast %get3A_353 : vector<16xi32> to vector<16xi32>
    %add3A_355 = vector.broadcast %mul3A_2 : i32 to vector<16xi32>
    %add3A_356 = arith.addi %get3A_354, %add3A_355 : vector<16xi32>
    %swap3A_357 = arith.constant 528 : index
    %swap3A_358 = tpu.vector_load %arg11[%swap3A_357] {strides = array<i32>} : memref<1280xi32, #tpu.memory_space<vmem>>, vector<16xi32>,
    %swap3A_359 = vector.shape_cast %swap3A_358 : vector<16xi32> to vector<16xi32>
    %swap3A_360 = vector.shape_cast %add3A_356 : vector<16xi32> to vector<16xi32>
    tpu.vector_store %arg11[%swap3A_357], %swap3A_360 {strides = array<i32>} : memref<1280xi32, #tpu.memory_space<vmem>>, vector<16xi32>,
    %get3A_361 = arith.constant 544 : index
    %get3A_362 = tpu.vector_load %arg11[%get3A_361] {strides = array<i32>} : memref<1280xi32, #tpu.memory_space<vmem>>, vector<16xi32>,
    %get3A_363 = vector.shape_cast %get3A_362 : vector<16xi32> to vector<16xi32>
    %add3A_364 = vector.broadcast %mul3A_2 : i32 to vector<16xi32>
    %add3A_365 = arith.addi %get3A_363, %add3A_364 : vector<16xi32>
    %swap3A_366 = arith.constant 544 : index
    %swap3A_367 = tpu.vector_load %arg11[%swap3A_366] {strides = array<i32>} : memref<1280xi32, #tpu.memory_space<vmem>>, vector<16xi32>,
    %swap3A_368 = vector.shape_cast %swap3A_367 : vector<16xi32> to vector<16xi32>
    %swap3A_369 = vector.shape_cast %add3A_365 : vector<16xi32> to vector<16xi32>
    tpu.vector_store %arg11[%swap3A_366], %swap3A_369 {strides = array<i32>} : memref<1280xi32, #tpu.memory_space<vmem>>, vector<16xi32>,
    %get3A_370 = arith.constant 560 : index
    %get3A_371 = tpu.vector_load %arg11[%get3A_370] {strides = array<i32>} : memref<1280xi32, #tpu.memory_space<vmem>>, vector<16xi32>,
    %get3A_372 = vector.shape_cast %get3A_371 : vector<16xi32> to vector<16xi32>
    %add3A_373 = vector.broadcast %mul3A_2 : i32 to vector<16xi32>
    %add3A_374 = arith.addi %get3A_372, %add3A_373 : vector<16xi32>
    %swap3A_375 = arith.constant 560 : index
    %swap3A_376 = tpu.vector_load %arg11[%swap3A_375] {strides = array<i32>} : memref<1280xi32, #tpu.memory_space<vmem>>, vector<16xi32>,
    %swap3A_377 = vector.shape_cast %swap3A_376 : vector<16xi32> to vector<16xi32>
    %swap3A_378 = vector.shape_cast %add3A_374 : vector<16xi32> to vector<16xi32>
    tpu.vector_store %arg11[%swap3A_375], %swap3A_378 {strides = array<i32>} : memref<1280xi32, #tpu.memory_space<vmem>>, vector<16xi32>,
    %get3A_379 = arith.constant 576 : index
    %get3A_380 = tpu.vector_load %arg11[%get3A_379] {strides = array<i32>} : memref<1280xi32, #tpu.memory_space<vmem>>, vector<16xi32>,
    %get3A_381 = vector.shape_cast %get3A_380 : vector<16xi32> to vector<16xi32>
    %add3A_382 = vector.broadcast %mul3A_2 : i32 to vector<16xi32>
    %add3A_383 = arith.addi %get3A_381, %add3A_382 : vector<16xi32>
    %swap3A_384 = arith.constant 576 : index
    %swap3A_385 = tpu.vector_load %arg11[%swap3A_384] {strides = array<i32>} : memref<1280xi32, #tpu.memory_space<vmem>>, vector<16xi32>,
    %swap3A_386 = vector.shape_cast %swap3A_385 : vector<16xi32> to vector<16xi32>
    %swap3A_387 = vector.shape_cast %add3A_383 : vector<16xi32> to vector<16xi32>
    tpu.vector_store %arg11[%swap3A_384], %swap3A_387 {strides = array<i32>} : memref<1280xi32, #tpu.memory_space<vmem>>, vector<16xi32>,
    %get3A_388 = arith.constant 592 : index
    %get3A_389 = tpu.vector_load %arg11[%get3A_388] {strides = array<i32>} : memref<1280xi32, #tpu.memory_space<vmem>>, vector<16xi32>,
    %get3A_390 = vector.shape_cast %get3A_389 : vector<16xi32> to vector<16xi32>
    %add3A_391 = vector.broadcast %mul3A_2 : i32 to vector<16xi32>
    %add3A_392 = arith.addi %get3A_390, %add3A_391 : vector<16xi32>
    %swap3A_393 = arith.constant 592 : index
    %swap3A_394 = tpu.vector_load %arg11[%swap3A_393] {strides = array<i32>} : memref<1280xi32, #tpu.memory_space<vmem>>, vector<16xi32>,
    %swap3A_395 = vector.shape_cast %swap3A_394 : vector<16xi32> to vector<16xi32>
    %swap3A_396 = vector.shape_cast %add3A_392 : vector<16xi32> to vector<16xi32>
    tpu.vector_store %arg11[%swap3A_393], %swap3A_396 {strides = array<i32>} : memref<1280xi32, #tpu.memory_space<vmem>>, vector<16xi32>,
    %get3A_397 = arith.constant 608 : index
    %get3A_398 = tpu.vector_load %arg11[%get3A_397] {strides = array<i32>} : memref<1280xi32, #tpu.memory_space<vmem>>, vector<16xi32>,
    %get3A_399 = vector.shape_cast %get3A_398 : vector<16xi32> to vector<16xi32>
    %add3A_400 = vector.broadcast %mul3A_2 : i32 to vector<16xi32>
    %add3A_401 = arith.addi %get3A_399, %add3A_400 : vector<16xi32>
    %swap3A_402 = arith.constant 608 : index
    %swap3A_403 = tpu.vector_load %arg11[%swap3A_402] {strides = array<i32>} : memref<1280xi32, #tpu.memory_space<vmem>>, vector<16xi32>,
    %swap3A_404 = vector.shape_cast %swap3A_403 : vector<16xi32> to vector<16xi32>
    %swap3A_405 = vector.shape_cast %add3A_401 : vector<16xi32> to vector<16xi32>
    tpu.vector_store %arg11[%swap3A_402], %swap3A_405 {strides = array<i32>} : memref<1280xi32, #tpu.memory_space<vmem>>, vector<16xi32>,
    %get3A_406 = arith.constant 624 : index
    %get3A_407 = tpu.vector_load %arg11[%get3A_406] {strides = array<i32>} : memref<1280xi32, #tpu.memory_space<vmem>>, vector<16xi32>,
    %get3A_408 = vector.shape_cast %get3A_407 : vector<16xi32> to vector<16xi32>
    %add3A_409 = vector.broadcast %mul3A_2 : i32 to vector<16xi32>
    %add3A_410 = arith.addi %get3A_408, %add3A_409 : vector<16xi32>
    %swap3A_411 = arith.constant 624 : index
    %swap3A_412 = tpu.vector_load %arg11[%swap3A_411] {strides = array<i32>} : memref<1280xi32, #tpu.memory_space<vmem>>, vector<16xi32>,
    %swap3A_413 = vector.shape_cast %swap3A_412 : vector<16xi32> to vector<16xi32>
    %swap3A_414 = vector.shape_cast %add3A_410 : vector<16xi32> to vector<16xi32>
    tpu.vector_store %arg11[%swap3A_411], %swap3A_414 {strides = array<i32>} : memref<1280xi32, #tpu.memory_space<vmem>>, vector<16xi32>,
    %get3A_415 = arith.constant 640 : index
    %get3A_416 = tpu.vector_load %arg11[%get3A_415] {strides = array<i32>} : memref<1280xi32, #tpu.memory_space<vmem>>, vector<16xi32>,
    %get3A_417 = vector.shape_cast %get3A_416 : vector<16xi32> to vector<16xi32>
    %add3A_418 = arith.constant 200 : i32
    %add3A_419 = arith.addi %mul3A_2, %add3A_418 : i32
    %add3A_420 = vector.broadcast %add3A_419 : i32 to vector<16xi32>
    %add3A_421 = arith.addi %get3A_417, %add3A_420 : vector<16xi32>
    %swap3A_422 = arith.constant 640 : index
    %swap3A_423 = tpu.vector_load %arg11[%swap3A_422] {strides = array<i32>} : memref<1280xi32, #tpu.memory_space<vmem>>, vector<16xi32>,
    %swap3A_424 = vector.shape_cast %swap3A_423 : vector<16xi32> to vector<16xi32>
    %swap3A_425 = vector.shape_cast %add3A_421 : vector<16xi32> to vector<16xi32>
    tpu.vector_store %arg11[%swap3A_422], %swap3A_425 {strides = array<i32>} : memref<1280xi32, #tpu.memory_space<vmem>>, vector<16xi32>,
    %get3A_426 = arith.constant 656 : index
    %get3A_427 = tpu.vector_load %arg11[%get3A_426] {strides = array<i32>} : memref<1280xi32, #tpu.memory_space<vmem>>, vector<16xi32>,
    %get3A_428 = vector.shape_cast %get3A_427 : vector<16xi32> to vector<16xi32>
    %add3A_429 = arith.constant 200 : i32
    %add3A_430 = arith.addi %mul3A_2, %add3A_429 : i32
    %add3A_431 = vector.broadcast %add3A_430 : i32 to vector<16xi32>
    %add3A_432 = arith.addi %get3A_428, %add3A_431 : vector<16xi32>
    %swap3A_433 = arith.constant 656 : index
    %swap3A_434 = tpu.vector_load %arg11[%swap3A_433] {strides = array<i32>} : memref<1280xi32, #tpu.memory_space<vmem>>, vector<16xi32>,
    %swap3A_435 = vector.shape_cast %swap3A_434 : vector<16xi32> to vector<16xi32>
    %swap3A_436 = vector.shape_cast %add3A_432 : vector<16xi32> to vector<16xi32>
    tpu.vector_store %arg11[%swap3A_433], %swap3A_436 {strides = array<i32>} : memref<1280xi32, #tpu.memory_space<vmem>>, vector<16xi32>,
    %get3A_437 = arith.constant 672 : index
    %get3A_438 = tpu.vector_load %arg11[%get3A_437] {strides = array<i32>} : memref<1280xi32, #tpu.memory_space<vmem>>, vector<16xi32>,
    %get3A_439 = vector.shape_cast %get3A_438 : vector<16xi32> to vector<16xi32>
    %add3A_440 = arith.constant 200 : i32
    %add3A_441 = arith.addi %mul3A_2, %add3A_440 : i32
    %add3A_442 = vector.broadcast %add3A_441 : i32 to vector<16xi32>
    %add3A_443 = arith.addi %get3A_439, %add3A_442 : vector<16xi32>
    %swap3A_444 = arith.constant 672 : index
    %swap3A_445 = tpu.vector_load %arg11[%swap3A_444] {strides = array<i32>} : memref<1280xi32, #tpu.memory_space<vmem>>, vector<16xi32>,
    %swap3A_446 = vector.shape_cast %swap3A_445 : vector<16xi32> to vector<16xi32>
    %swap3A_447 = vector.shape_cast %add3A_443 : vector<16xi32> to vector<16xi32>
    tpu.vector_store %arg11[%swap3A_444], %swap3A_447 {strides = array<i32>} : memref<1280xi32, #tpu.memory_space<vmem>>, vector<16xi32>,
    %get3A_448 = arith.constant 688 : index
    %get3A_449 = tpu.vector_load %arg11[%get3A_448] {strides = array<i32>} : memref<1280xi32, #tpu.memory_space<vmem>>, vector<16xi32>,
    %get3A_450 = vector.shape_cast %get3A_449 : vector<16xi32> to vector<16xi32>
    %add3A_451 = arith.constant 200 : i32
    %add3A_452 = arith.addi %mul3A_2, %add3A_451 : i32
    %add3A_453 = vector.broadcast %add3A_452 : i32 to vector<16xi32>
    %add3A_454 = arith.addi %get3A_450, %add3A_453 : vector<16xi32>
    %swap3A_455 = arith.constant 688 : index
    %swap3A_456 = tpu.vector_load %arg11[%swap3A_455] {strides = array<i32>} : memref<1280xi32, #tpu.memory_space<vmem>>, vector<16xi32>,
    %swap3A_457 = vector.shape_cast %swap3A_456 : vector<16xi32> to vector<16xi32>
    %swap3A_458 = vector.shape_cast %add3A_454 : vector<16xi32> to vector<16xi32>
    tpu.vector_store %arg11[%swap3A_455], %swap3A_458 {strides = array<i32>} : memref<1280xi32, #tpu.memory_space<vmem>>, vector<16xi32>,
    %get3A_459 = arith.constant 704 : index
    %get3A_460 = tpu.vector_load %arg11[%get3A_459] {strides = array<i32>} : memref<1280xi32, #tpu.memory_space<vmem>>, vector<16xi32>,
    %get3A_461 = vector.shape_cast %get3A_460 : vector<16xi32> to vector<16xi32>
    %add3A_462 = arith.constant 200 : i32
    %add3A_463 = arith.addi %mul3A_2, %add3A_462 : i32
    %add3A_464 = vector.broadcast %add3A_463 : i32 to vector<16xi32>
    %add3A_465 = arith.addi %get3A_461, %add3A_464 : vector<16xi32>
    %swap3A_466 = arith.constant 704 : index
    %swap3A_467 = tpu.vector_load %arg11[%swap3A_466] {strides = array<i32>} : memref<1280xi32, #tpu.memory_space<vmem>>, vector<16xi32>,
    %swap3A_468 = vector.shape_cast %swap3A_467 : vector<16xi32> to vector<16xi32>
    %swap3A_469 = vector.shape_cast %add3A_465 : vector<16xi32> to vector<16xi32>
    tpu.vector_store %arg11[%swap3A_466], %swap3A_469 {strides = array<i32>} : memref<1280xi32, #tpu.memory_space<vmem>>, vector<16xi32>,
    %get3A_470 = arith.constant 720 : index
    %get3A_471 = tpu.vector_load %arg11[%get3A_470] {strides = array<i32>} : memref<1280xi32, #tpu.memory_space<vmem>>, vector<16xi32>,
    %get3A_472 = vector.shape_cast %get3A_471 : vector<16xi32> to vector<16xi32>
    %add3A_473 = arith.constant 200 : i32
    %add3A_474 = arith.addi %mul3A_2, %add3A_473 : i32
    %add3A_475 = vector.broadcast %add3A_474 : i32 to vector<16xi32>
    %add3A_476 = arith.addi %get3A_472, %add3A_475 : vector<16xi32>
    %swap3A_477 = arith.constant 720 : index
    %swap3A_478 = tpu.vector_load %arg11[%swap3A_477] {strides = array<i32>} : memref<1280xi32, #tpu.memory_space<vmem>>, vector<16xi32>,
    %swap3A_479 = vector.shape_cast %swap3A_478 : vector<16xi32> to vector<16xi32>
    %swap3A_480 = vector.shape_cast %add3A_476 : vector<16xi32> to vector<16xi32>
    tpu.vector_store %arg11[%swap3A_477], %swap3A_480 {strides = array<i32>} : memref<1280xi32, #tpu.memory_space<vmem>>, vector<16xi32>,
    %get3A_481 = arith.constant 736 : index
    %get3A_482 = tpu.vector_load %arg11[%get3A_481] {strides = array<i32>} : memref<1280xi32, #tpu.memory_space<vmem>>, vector<16xi32>,
    %get3A_483 = vector.shape_cast %get3A_482 : vector<16xi32> to vector<16xi32>
    %add3A_484 = arith.constant 200 : i32
    %add3A_485 = arith.addi %mul3A_2, %add3A_484 : i32
    %add3A_486 = vector.broadcast %add3A_485 : i32 to vector<16xi32>
    %add3A_487 = arith.addi %get3A_483, %add3A_486 : vector<16xi32>
    %swap3A_488 = arith.constant 736 : index
    %swap3A_489 = tpu.vector_load %arg11[%swap3A_488] {strides = array<i32>} : memref<1280xi32, #tpu.memory_space<vmem>>, vector<16xi32>,
    %swap3A_490 = vector.shape_cast %swap3A_489 : vector<16xi32> to vector<16xi32>
    %swap3A_491 = vector.shape_cast %add3A_487 : vector<16xi32> to vector<16xi32>
    tpu.vector_store %arg11[%swap3A_488], %swap3A_491 {strides = array<i32>} : memref<1280xi32, #tpu.memory_space<vmem>>, vector<16xi32>,
    %get3A_492 = arith.constant 752 : index
    %get3A_493 = tpu.vector_load %arg11[%get3A_492] {strides = array<i32>} : memref<1280xi32, #tpu.memory_space<vmem>>, vector<16xi32>,
    %get3A_494 = vector.shape_cast %get3A_493 : vector<16xi32> to vector<16xi32>
    %add3A_495 = arith.constant 200 : i32
    %add3A_496 = arith.addi %mul3A_2, %add3A_495 : i32
    %add3A_497 = vector.broadcast %add3A_496 : i32 to vector<16xi32>
    %add3A_498 = arith.addi %get3A_494, %add3A_497 : vector<16xi32>
    %swap3A_499 = arith.constant 752 : index
    %swap3A_500 = tpu.vector_load %arg11[%swap3A_499] {strides = array<i32>} : memref<1280xi32, #tpu.memory_space<vmem>>, vector<16xi32>,
    %swap3A_501 = vector.shape_cast %swap3A_500 : vector<16xi32> to vector<16xi32>
    %swap3A_502 = vector.shape_cast %add3A_498 : vector<16xi32> to vector<16xi32>
    tpu.vector_store %arg11[%swap3A_499], %swap3A_502 {strides = array<i32>} : memref<1280xi32, #tpu.memory_space<vmem>>, vector<16xi32>,
    %get3A_503 = arith.constant 768 : index
    %get3A_504 = tpu.vector_load %arg11[%get3A_503] {strides = array<i32>} : memref<1280xi32, #tpu.memory_space<vmem>>, vector<16xi32>,
    %get3A_505 = vector.shape_cast %get3A_504 : vector<16xi32> to vector<16xi32>
    %add3A_506 = arith.constant 200 : i32
    %add3A_507 = arith.addi %mul3A_2, %add3A_506 : i32
    %add3A_508 = vector.broadcast %add3A_507 : i32 to vector<16xi32>
    %add3A_509 = arith.addi %get3A_505, %add3A_508 : vector<16xi32>
    %swap3A_510 = arith.constant 768 : index
    %swap3A_511 = tpu.vector_load %arg11[%swap3A_510] {strides = array<i32>} : memref<1280xi32, #tpu.memory_space<vmem>>, vector<16xi32>,
    %swap3A_512 = vector.shape_cast %swap3A_511 : vector<16xi32> to vector<16xi32>
    %swap3A_513 = vector.shape_cast %add3A_509 : vector<16xi32> to vector<16xi32>
    tpu.vector_store %arg11[%swap3A_510], %swap3A_513 {strides = array<i32>} : memref<1280xi32, #tpu.memory_space<vmem>>, vector<16xi32>,
    %get3A_514 = arith.constant 784 : index
    %get3A_515 = tpu.vector_load %arg11[%get3A_514] {strides = array<i32>} : memref<1280xi32, #tpu.memory_space<vmem>>, vector<16xi32>,
    %get3A_516 = vector.shape_cast %get3A_515 : vector<16xi32> to vector<16xi32>
    %add3A_517 = arith.constant 200 : i32
    %add3A_518 = arith.addi %mul3A_2, %add3A_517 : i32
    %add3A_519 = vector.broadcast %add3A_518 : i32 to vector<16xi32>
    %add3A_520 = arith.addi %get3A_516, %add3A_519 : vector<16xi32>
    %swap3A_521 = arith.constant 784 : index
    %swap3A_522 = tpu.vector_load %arg11[%swap3A_521] {strides = array<i32>} : memref<1280xi32, #tpu.memory_space<vmem>>, vector<16xi32>,
    %swap3A_523 = vector.shape_cast %swap3A_522 : vector<16xi32> to vector<16xi32>
    %swap3A_524 = vector.shape_cast %add3A_520 : vector<16xi32> to vector<16xi32>
    tpu.vector_store %arg11[%swap3A_521], %swap3A_524 {strides = array<i32>} : memref<1280xi32, #tpu.memory_space<vmem>>, vector<16xi32>,
    %get3A_525 = arith.constant 800 : index
    %get3A_526 = tpu.vector_load %arg11[%get3A_525] {strides = array<i32>} : memref<1280xi32, #tpu.memory_space<vmem>>, vector<16xi32>,
    %get3A_527 = vector.shape_cast %get3A_526 : vector<16xi32> to vector<16xi32>
    %add3A_528 = arith.constant 200 : i32
    %add3A_529 = arith.addi %mul3A_2, %add3A_528 : i32
    %add3A_530 = vector.broadcast %add3A_529 : i32 to vector<16xi32>
    %add3A_531 = arith.addi %get3A_527, %add3A_530 : vector<16xi32>
    %swap3A_532 = arith.constant 800 : index
    %swap3A_533 = tpu.vector_load %arg11[%swap3A_532] {strides = array<i32>} : memref<1280xi32, #tpu.memory_space<vmem>>, vector<16xi32>,
    %swap3A_534 = vector.shape_cast %swap3A_533 : vector<16xi32> to vector<16xi32>
    %swap3A_535 = vector.shape_cast %add3A_531 : vector<16xi32> to vector<16xi32>
    tpu.vector_store %arg11[%swap3A_532], %swap3A_535 {strides = array<i32>} : memref<1280xi32, #tpu.memory_space<vmem>>, vector<16xi32>,
    %get3A_536 = arith.constant 816 : index
    %get3A_537 = tpu.vector_load %arg11[%get3A_536] {strides = array<i32>} : memref<1280xi32, #tpu.memory_space<vmem>>, vector<16xi32>,
    %get3A_538 = vector.shape_cast %get3A_537 : vector<16xi32> to vector<16xi32>
    %add3A_539 = arith.constant 200 : i32
    %add3A_540 = arith.addi %mul3A_2, %add3A_539 : i32
    %add3A_541 = vector.broadcast %add3A_540 : i32 to vector<16xi32>
    %add3A_542 = arith.addi %get3A_538, %add3A_541 : vector<16xi32>
    %swap3A_543 = arith.constant 816 : index
    %swap3A_544 = tpu.vector_load %arg11[%swap3A_543] {strides = array<i32>} : memref<1280xi32, #tpu.memory_space<vmem>>, vector<16xi32>,
    %swap3A_545 = vector.shape_cast %swap3A_544 : vector<16xi32> to vector<16xi32>
    %swap3A_546 = vector.shape_cast %add3A_542 : vector<16xi32> to vector<16xi32>
    tpu.vector_store %arg11[%swap3A_543], %swap3A_546 {strides = array<i32>} : memref<1280xi32, #tpu.memory_space<vmem>>, vector<16xi32>,
    %get3A_547 = arith.constant 832 : index
    %get3A_548 = tpu.vector_load %arg11[%get3A_547] {strides = array<i32>} : memref<1280xi32, #tpu.memory_space<vmem>>, vector<16xi32>,
    %get3A_549 = vector.shape_cast %get3A_548 : vector<16xi32> to vector<16xi32>
    %add3A_550 = arith.constant 200 : i32
    %add3A_551 = arith.addi %mul3A_2, %add3A_550 : i32
    %add3A_552 = vector.broadcast %add3A_551 : i32 to vector<16xi32>
    %add3A_553 = arith.addi %get3A_549, %add3A_552 : vector<16xi32>
    %swap3A_554 = arith.constant 832 : index
    %swap3A_555 = tpu.vector_load %arg11[%swap3A_554] {strides = array<i32>} : memref<1280xi32, #tpu.memory_space<vmem>>, vector<16xi32>,
    %swap3A_556 = vector.shape_cast %swap3A_555 : vector<16xi32> to vector<16xi32>
    %swap3A_557 = vector.shape_cast %add3A_553 : vector<16xi32> to vector<16xi32>
    tpu.vector_store %arg11[%swap3A_554], %swap3A_557 {strides = array<i32>} : memref<1280xi32, #tpu.memory_space<vmem>>, vector<16xi32>,
    %get3A_558 = arith.constant 848 : index
    %get3A_559 = tpu.vector_load %arg11[%get3A_558] {strides = array<i32>} : memref<1280xi32, #tpu.memory_space<vmem>>, vector<16xi32>,
    %get3A_560 = vector.shape_cast %get3A_559 : vector<16xi32> to vector<16xi32>
    %add3A_561 = arith.constant 200 : i32
    %add3A_562 = arith.addi %mul3A_2, %add3A_561 : i32
    %add3A_563 = vector.broadcast %add3A_562 : i32 to vector<16xi32>
    %add3A_564 = arith.addi %get3A_560, %add3A_563 : vector<16xi32>
    %swap3A_565 = arith.constant 848 : index
    %swap3A_566 = tpu.vector_load %arg11[%swap3A_565] {strides = array<i32>} : memref<1280xi32, #tpu.memory_space<vmem>>, vector<16xi32>,
    %swap3A_567 = vector.shape_cast %swap3A_566 : vector<16xi32> to vector<16xi32>
    %swap3A_568 = vector.shape_cast %add3A_564 : vector<16xi32> to vector<16xi32>
    tpu.vector_store %arg11[%swap3A_565], %swap3A_568 {strides = array<i32>} : memref<1280xi32, #tpu.memory_space<vmem>>, vector<16xi32>,
    %get3A_569 = arith.constant 864 : index
    %get3A_570 = tpu.vector_load %arg11[%get3A_569] {strides = array<i32>} : memref<1280xi32, #tpu.memory_space<vmem>>, vector<16xi32>,
    %get3A_571 = vector.shape_cast %get3A_570 : vector<16xi32> to vector<16xi32>
    %add3A_572 = arith.constant 200 : i32
    %add3A_573 = arith.addi %mul3A_2, %add3A_572 : i32
    %add3A_574 = vector.broadcast %add3A_573 : i32 to vector<16xi32>
    %add3A_575 = arith.addi %get3A_571, %add3A_574 : vector<16xi32>
    %swap3A_576 = arith.constant 864 : index
    %swap3A_577 = tpu.vector_load %arg11[%swap3A_576] {strides = array<i32>} : memref<1280xi32, #tpu.memory_space<vmem>>, vector<16xi32>,
    %swap3A_578 = vector.shape_cast %swap3A_577 : vector<16xi32> to vector<16xi32>
    %swap3A_579 = vector.shape_cast %add3A_575 : vector<16xi32> to vector<16xi32>
    tpu.vector_store %arg11[%swap3A_576], %swap3A_579 {strides = array<i32>} : memref<1280xi32, #tpu.memory_space<vmem>>, vector<16xi32>,
    %get3A_580 = arith.constant 880 : index
    %get3A_581 = tpu.vector_load %arg11[%get3A_580] {strides = array<i32>} : memref<1280xi32, #tpu.memory_space<vmem>>, vector<16xi32>,
    %get3A_582 = vector.shape_cast %get3A_581 : vector<16xi32> to vector<16xi32>
    %add3A_583 = arith.constant 200 : i32
    %add3A_584 = arith.addi %mul3A_2, %add3A_583 : i32
    %add3A_585 = vector.broadcast %add3A_584 : i32 to vector<16xi32>
    %add3A_586 = arith.addi %get3A_582, %add3A_585 : vector<16xi32>
    %swap3A_587 = arith.constant 880 : index
    %swap3A_588 = tpu.vector_load %arg11[%swap3A_587] {strides = array<i32>} : memref<1280xi32, #tpu.memory_space<vmem>>, vector<16xi32>,
    %swap3A_589 = vector.shape_cast %swap3A_588 : vector<16xi32> to vector<16xi32>
    %swap3A_590 = vector.shape_cast %add3A_586 : vector<16xi32> to vector<16xi32>
    tpu.vector_store %arg11[%swap3A_587], %swap3A_590 {strides = array<i32>} : memref<1280xi32, #tpu.memory_space<vmem>>, vector<16xi32>,
    %get3A_591 = arith.constant 896 : index
    %get3A_592 = tpu.vector_load %arg11[%get3A_591] {strides = array<i32>} : memref<1280xi32, #tpu.memory_space<vmem>>, vector<16xi32>,
    %get3A_593 = vector.shape_cast %get3A_592 : vector<16xi32> to vector<16xi32>
    %add3A_594 = arith.constant 200 : i32
    %add3A_595 = arith.addi %mul3A_2, %add3A_594 : i32
    %add3A_596 = vector.broadcast %add3A_595 : i32 to vector<16xi32>
    %add3A_597 = arith.addi %get3A_593, %add3A_596 : vector<16xi32>
    %swap3A_598 = arith.constant 896 : index
    %swap3A_599 = tpu.vector_load %arg11[%swap3A_598] {strides = array<i32>} : memref<1280xi32, #tpu.memory_space<vmem>>, vector<16xi32>,
    %swap3A_600 = vector.shape_cast %swap3A_599 : vector<16xi32> to vector<16xi32>
    %swap3A_601 = vector.shape_cast %add3A_597 : vector<16xi32> to vector<16xi32>
    tpu.vector_store %arg11[%swap3A_598], %swap3A_601 {strides = array<i32>} : memref<1280xi32, #tpu.memory_space<vmem>>, vector<16xi32>,
    %get3A_602 = arith.constant 912 : index
    %get3A_603 = tpu.vector_load %arg11[%get3A_602] {strides = array<i32>} : memref<1280xi32, #tpu.memory_space<vmem>>, vector<16xi32>,
    %get3A_604 = vector.shape_cast %get3A_603 : vector<16xi32> to vector<16xi32>
    %add3A_605 = arith.constant 200 : i32
    %add3A_606 = arith.addi %mul3A_2, %add3A_605 : i32
    %add3A_607 = vector.broadcast %add3A_606 : i32 to vector<16xi32>
    %add3A_608 = arith.addi %get3A_604, %add3A_607 : vector<16xi32>
    %swap3A_609 = arith.constant 912 : index
    %swap3A_610 = tpu.vector_load %arg11[%swap3A_609] {strides = array<i32>} : memref<1280xi32, #tpu.memory_space<vmem>>, vector<16xi32>,
    %swap3A_611 = vector.shape_cast %swap3A_610 : vector<16xi32> to vector<16xi32>
    %swap3A_612 = vector.shape_cast %add3A_608 : vector<16xi32> to vector<16xi32>
    tpu.vector_store %arg11[%swap3A_609], %swap3A_612 {strides = array<i32>} : memref<1280xi32, #tpu.memory_space<vmem>>, vector<16xi32>,
    %get3A_613 = arith.constant 928 : index
    %get3A_614 = tpu.vector_load %arg11[%get3A_613] {strides = array<i32>} : memref<1280xi32, #tpu.memory_space<vmem>>, vector<16xi32>,
    %get3A_615 = vector.shape_cast %get3A_614 : vector<16xi32> to vector<16xi32>
    %add3A_616 = arith.constant 200 : i32
    %add3A_617 = arith.addi %mul3A_2, %add3A_616 : i32
    %add3A_618 = vector.broadcast %add3A_617 : i32 to vector<16xi32>
    %add3A_619 = arith.addi %get3A_615, %add3A_618 : vector<16xi32>
    %swap3A_620 = arith.constant 928 : index
    %swap3A_621 = tpu.vector_load %arg11[%swap3A_620] {strides = array<i32>} : memref<1280xi32, #tpu.memory_space<vmem>>, vector<16xi32>,
    %swap3A_622 = vector.shape_cast %swap3A_621 : vector<16xi32> to vector<16xi32>
    %swap3A_623 = vector.shape_cast %add3A_619 : vector<16xi32> to vector<16xi32>
    tpu.vector_store %arg11[%swap3A_620], %swap3A_623 {strides = array<i32>} : memref<1280xi32, #tpu.memory_space<vmem>>, vector<16xi32>,
    %get3A_624 = arith.constant 944 : index
    %get3A_625 = tpu.vector_load %arg11[%get3A_624] {strides = array<i32>} : memref<1280xi32, #tpu.memory_space<vmem>>, vector<16xi32>,
    %get3A_626 = vector.shape_cast %get3A_625 : vector<16xi32> to vector<16xi32>
    %add3A_627 = arith.constant 200 : i32
    %add3A_628 = arith.addi %mul3A_2, %add3A_627 : i32
    %add3A_629 = vector.broadcast %add3A_628 : i32 to vector<16xi32>
    %add3A_630 = arith.addi %get3A_626, %add3A_629 : vector<16xi32>
    %swap3A_631 = arith.constant 944 : index
    %swap3A_632 = tpu.vector_load %arg11[%swap3A_631] {strides = array<i32>} : memref<1280xi32, #tpu.memory_space<vmem>>, vector<16xi32>,
    %swap3A_633 = vector.shape_cast %swap3A_632 : vector<16xi32> to vector<16xi32>
    %swap3A_634 = vector.shape_cast %add3A_630 : vector<16xi32> to vector<16xi32>
    tpu.vector_store %arg11[%swap3A_631], %swap3A_634 {strides = array<i32>} : memref<1280xi32, #tpu.memory_space<vmem>>, vector<16xi32>,
    %get3A_635 = arith.constant 960 : index
    %get3A_636 = tpu.vector_load %arg11[%get3A_635] {strides = array<i32>} : memref<1280xi32, #tpu.memory_space<vmem>>, vector<16xi32>,
    %get3A_637 = vector.shape_cast %get3A_636 : vector<16xi32> to vector<16xi32>
    %add3A_638 = arith.constant 248 : i32
    %add3A_639 = arith.addi %mul3A_2, %add3A_638 : i32
    %add3A_640 = vector.broadcast %add3A_639 : i32 to vector<16xi32>
    %add3A_641 = arith.addi %get3A_637, %add3A_640 : vector<16xi32>
    %swap3A_642 = arith.constant 960 : index
    %swap3A_643 = tpu.vector_load %arg11[%swap3A_642] {strides = array<i32>} : memref<1280xi32, #tpu.memory_space<vmem>>, vector<16xi32>,
    %swap3A_644 = vector.shape_cast %swap3A_643 : vector<16xi32> to vector<16xi32>
    %swap3A_645 = vector.shape_cast %add3A_641 : vector<16xi32> to vector<16xi32>
    tpu.vector_store %arg11[%swap3A_642], %swap3A_645 {strides = array<i32>} : memref<1280xi32, #tpu.memory_space<vmem>>, vector<16xi32>,
    %get3A_646 = arith.constant 976 : index
    %get3A_647 = tpu.vector_load %arg11[%get3A_646] {strides = array<i32>} : memref<1280xi32, #tpu.memory_space<vmem>>, vector<16xi32>,
    %get3A_648 = vector.shape_cast %get3A_647 : vector<16xi32> to vector<16xi32>
    %add3A_649 = arith.constant 248 : i32
    %add3A_650 = arith.addi %mul3A_2, %add3A_649 : i32
    %add3A_651 = vector.broadcast %add3A_650 : i32 to vector<16xi32>
    %add3A_652 = arith.addi %get3A_648, %add3A_651 : vector<16xi32>
    %swap3A_653 = arith.constant 976 : index
    %swap3A_654 = tpu.vector_load %arg11[%swap3A_653] {strides = array<i32>} : memref<1280xi32, #tpu.memory_space<vmem>>, vector<16xi32>,
    %swap3A_655 = vector.shape_cast %swap3A_654 : vector<16xi32> to vector<16xi32>
    %swap3A_656 = vector.shape_cast %add3A_652 : vector<16xi32> to vector<16xi32>
    tpu.vector_store %arg11[%swap3A_653], %swap3A_656 {strides = array<i32>} : memref<1280xi32, #tpu.memory_space<vmem>>, vector<16xi32>,
    %get3A_657 = arith.constant 992 : index
    %get3A_658 = tpu.vector_load %arg11[%get3A_657] {strides = array<i32>} : memref<1280xi32, #tpu.memory_space<vmem>>, vector<16xi32>,
    %get3A_659 = vector.shape_cast %get3A_658 : vector<16xi32> to vector<16xi32>
    %add3A_660 = arith.constant 248 : i32
    %add3A_661 = arith.addi %mul3A_2, %add3A_660 : i32
    %add3A_662 = vector.broadcast %add3A_661 : i32 to vector<16xi32>
    %add3A_663 = arith.addi %get3A_659, %add3A_662 : vector<16xi32>
    %swap3A_664 = arith.constant 992 : index
    %swap3A_665 = tpu.vector_load %arg11[%swap3A_664] {strides = array<i32>} : memref<1280xi32, #tpu.memory_space<vmem>>, vector<16xi32>,
    %swap3A_666 = vector.shape_cast %swap3A_665 : vector<16xi32> to vector<16xi32>
    %swap3A_667 = vector.shape_cast %add3A_663 : vector<16xi32> to vector<16xi32>
    tpu.vector_store %arg11[%swap3A_664], %swap3A_667 {strides = array<i32>} : memref<1280xi32, #tpu.memory_space<vmem>>, vector<16xi32>,
    %get3A_668 = arith.constant 1008 : index
    %get3A_669 = tpu.vector_load %arg11[%get3A_668] {strides = array<i32>} : memref<1280xi32, #tpu.memory_space<vmem>>, vector<16xi32>,
    %get3A_670 = vector.shape_cast %get3A_669 : vector<16xi32> to vector<16xi32>
    %add3A_671 = arith.constant 248 : i32
    %add3A_672 = arith.addi %mul3A_2, %add3A_671 : i32
    %add3A_673 = vector.broadcast %add3A_672 : i32 to vector<16xi32>
    %add3A_674 = arith.addi %get3A_670, %add3A_673 : vector<16xi32>
    %swap3A_675 = arith.constant 1008 : index
    %swap3A_676 = tpu.vector_load %arg11[%swap3A_675] {strides = array<i32>} : memref<1280xi32, #tpu.memory_space<vmem>>, vector<16xi32>,
    %swap3A_677 = vector.shape_cast %swap3A_676 : vector<16xi32> to vector<16xi32>
    %swap3A_678 = vector.shape_cast %add3A_674 : vector<16xi32> to vector<16xi32>
    tpu.vector_store %arg11[%swap3A_675], %swap3A_678 {strides = array<i32>} : memref<1280xi32, #tpu.memory_space<vmem>>, vector<16xi32>,
    %get3A_679 = arith.constant 1024 : index
    %get3A_680 = tpu.vector_load %arg11[%get3A_679] {strides = array<i32>} : memref<1280xi32, #tpu.memory_space<vmem>>, vector<16xi32>,
    %get3A_681 = vector.shape_cast %get3A_680 : vector<16xi32> to vector<16xi32>
    %add3A_682 = arith.constant 248 : i32
    %add3A_683 = arith.addi %mul3A_2, %add3A_682 : i32
    %add3A_684 = vector.broadcast %add3A_683 : i32 to vector<16xi32>
    %add3A_685 = arith.addi %get3A_681, %add3A_684 : vector<16xi32>
    %swap3A_686 = arith.constant 1024 : index
    %swap3A_687 = tpu.vector_load %arg11[%swap3A_686] {strides = array<i32>} : memref<1280xi32, #tpu.memory_space<vmem>>, vector<16xi32>,
    %swap3A_688 = vector.shape_cast %swap3A_687 : vector<16xi32> to vector<16xi32>
    %swap3A_689 = vector.shape_cast %add3A_685 : vector<16xi32> to vector<16xi32>
    tpu.vector_store %arg11[%swap3A_686], %swap3A_689 {strides = array<i32>} : memref<1280xi32, #tpu.memory_space<vmem>>, vector<16xi32>,
    %get3A_690 = arith.constant 1040 : index
    %get3A_691 = tpu.vector_load %arg11[%get3A_690] {strides = array<i32>} : memref<1280xi32, #tpu.memory_space<vmem>>, vector<16xi32>,
    %get3A_692 = vector.shape_cast %get3A_691 : vector<16xi32> to vector<16xi32>
    %add3A_693 = arith.constant 248 : i32
    %add3A_694 = arith.addi %mul3A_2, %add3A_693 : i32
    %add3A_695 = vector.broadcast %add3A_694 : i32 to vector<16xi32>
    %add3A_696 = arith.addi %get3A_692, %add3A_695 : vector<16xi32>
    %swap3A_697 = arith.constant 1040 : index
    %swap3A_698 = tpu.vector_load %arg11[%swap3A_697] {strides = array<i32>} : memref<1280xi32, #tpu.memory_space<vmem>>, vector<16xi32>,
    %swap3A_699 = vector.shape_cast %swap3A_698 : vector<16xi32> to vector<16xi32>
    %swap3A_700 = vector.shape_cast %add3A_696 : vector<16xi32> to vector<16xi32>
    tpu.vector_store %arg11[%swap3A_697], %swap3A_700 {strides = array<i32>} : memref<1280xi32, #tpu.memory_space<vmem>>, vector<16xi32>,
    %get3A_701 = arith.constant 1056 : index
    %get3A_702 = tpu.vector_load %arg11[%get3A_701] {strides = array<i32>} : memref<1280xi32, #tpu.memory_space<vmem>>, vector<16xi32>,
    %get3A_703 = vector.shape_cast %get3A_702 : vector<16xi32> to vector<16xi32>
    %add3A_704 = arith.constant 248 : i32
    %add3A_705 = arith.addi %mul3A_2, %add3A_704 : i32
    %add3A_706 = vector.broadcast %add3A_705 : i32 to vector<16xi32>
    %add3A_707 = arith.addi %get3A_703, %add3A_706 : vector<16xi32>
    %swap3A_708 = arith.constant 1056 : index
    %swap3A_709 = tpu.vector_load %arg11[%swap3A_708] {strides = array<i32>} : memref<1280xi32, #tpu.memory_space<vmem>>, vector<16xi32>,
    %swap3A_710 = vector.shape_cast %swap3A_709 : vector<16xi32> to vector<16xi32>
    %swap3A_711 = vector.shape_cast %add3A_707 : vector<16xi32> to vector<16xi32>
    tpu.vector_store %arg11[%swap3A_708], %swap3A_711 {strides = array<i32>} : memref<1280xi32, #tpu.memory_space<vmem>>, vector<16xi32>,
    %get3A_712 = arith.constant 1072 : index
    %get3A_713 = tpu.vector_load %arg11[%get3A_712] {strides = array<i32>} : memref<1280xi32, #tpu.memory_space<vmem>>, vector<16xi32>,
    %get3A_714 = vector.shape_cast %get3A_713 : vector<16xi32> to vector<16xi32>
    %add3A_715 = arith.constant 248 : i32
    %add3A_716 = arith.addi %mul3A_2, %add3A_715 : i32
    %add3A_717 = vector.broadcast %add3A_716 : i32 to vector<16xi32>
    %add3A_718 = arith.addi %get3A_714, %add3A_717 : vector<16xi32>
    %swap3A_719 = arith.constant 1072 : index
    %swap3A_720 = tpu.vector_load %arg11[%swap3A_719] {strides = array<i32>} : memref<1280xi32, #tpu.memory_space<vmem>>, vector<16xi32>,
    %swap3A_721 = vector.shape_cast %swap3A_720 : vector<16xi32> to vector<16xi32>
    %swap3A_722 = vector.shape_cast %add3A_718 : vector<16xi32> to vector<16xi32>
    tpu.vector_store %arg11[%swap3A_719], %swap3A_722 {strides = array<i32>} : memref<1280xi32, #tpu.memory_space<vmem>>, vector<16xi32>,
    %get3A_723 = arith.constant 1088 : index
    %get3A_724 = tpu.vector_load %arg11[%get3A_723] {strides = array<i32>} : memref<1280xi32, #tpu.memory_space<vmem>>, vector<16xi32>,
    %get3A_725 = vector.shape_cast %get3A_724 : vector<16xi32> to vector<16xi32>
    %add3A_726 = arith.constant 248 : i32
    %add3A_727 = arith.addi %mul3A_2, %add3A_726 : i32
    %add3A_728 = vector.broadcast %add3A_727 : i32 to vector<16xi32>
    %add3A_729 = arith.addi %get3A_725, %add3A_728 : vector<16xi32>
    %swap3A_730 = arith.constant 1088 : index
    %swap3A_731 = tpu.vector_load %arg11[%swap3A_730] {strides = array<i32>} : memref<1280xi32, #tpu.memory_space<vmem>>, vector<16xi32>,
    %swap3A_732 = vector.shape_cast %swap3A_731 : vector<16xi32> to vector<16xi32>
    %swap3A_733 = vector.shape_cast %add3A_729 : vector<16xi32> to vector<16xi32>
    tpu.vector_store %arg11[%swap3A_730], %swap3A_733 {strides = array<i32>} : memref<1280xi32, #tpu.memory_space<vmem>>, vector<16xi32>,
    %get3A_734 = arith.constant 1104 : index
    %get3A_735 = tpu.vector_load %arg11[%get3A_734] {strides = array<i32>} : memref<1280xi32, #tpu.memory_space<vmem>>, vector<16xi32>,
    %get3A_736 = vector.shape_cast %get3A_735 : vector<16xi32> to vector<16xi32>
    %add3A_737 = arith.constant 248 : i32
    %add3A_738 = arith.addi %mul3A_2, %add3A_737 : i32
    %add3A_739 = vector.broadcast %add3A_738 : i32 to vector<16xi32>
    %add3A_740 = arith.addi %get3A_736, %add3A_739 : vector<16xi32>
    %swap3A_741 = arith.constant 1104 : index
    %swap3A_742 = tpu.vector_load %arg11[%swap3A_741] {strides = array<i32>} : memref<1280xi32, #tpu.memory_space<vmem>>, vector<16xi32>,
    %swap3A_743 = vector.shape_cast %swap3A_742 : vector<16xi32> to vector<16xi32>
    %swap3A_744 = vector.shape_cast %add3A_740 : vector<16xi32> to vector<16xi32>
    tpu.vector_store %arg11[%swap3A_741], %swap3A_744 {strides = array<i32>} : memref<1280xi32, #tpu.memory_space<vmem>>, vector<16xi32>,
    %get3A_745 = arith.constant 1120 : index
    %get3A_746 = tpu.vector_load %arg11[%get3A_745] {strides = array<i32>} : memref<1280xi32, #tpu.memory_space<vmem>>, vector<16xi32>,
    %get3A_747 = vector.shape_cast %get3A_746 : vector<16xi32> to vector<16xi32>
    %add3A_748 = arith.constant 248 : i32
    %add3A_749 = arith.addi %mul3A_2, %add3A_748 : i32
    %add3A_750 = vector.broadcast %add3A_749 : i32 to vector<16xi32>
    %add3A_751 = arith.addi %get3A_747, %add3A_750 : vector<16xi32>
    %swap3A_752 = arith.constant 1120 : index
    %swap3A_753 = tpu.vector_load %arg11[%swap3A_752] {strides = array<i32>} : memref<1280xi32, #tpu.memory_space<vmem>>, vector<16xi32>,
    %swap3A_754 = vector.shape_cast %swap3A_753 : vector<16xi32> to vector<16xi32>
    %swap3A_755 = vector.shape_cast %add3A_751 : vector<16xi32> to vector<16xi32>
    tpu.vector_store %arg11[%swap3A_752], %swap3A_755 {strides = array<i32>} : memref<1280xi32, #tpu.memory_space<vmem>>, vector<16xi32>,
    %get3A_756 = arith.constant 1136 : index
    %get3A_757 = tpu.vector_load %arg11[%get3A_756] {strides = array<i32>} : memref<1280xi32, #tpu.memory_space<vmem>>, vector<16xi32>,
    %get3A_758 = vector.shape_cast %get3A_757 : vector<16xi32> to vector<16xi32>
    %add3A_759 = arith.constant 248 : i32
    %add3A_760 = arith.addi %mul3A_2, %add3A_759 : i32
    %add3A_761 = vector.broadcast %add3A_760 : i32 to vector<16xi32>
    %add3A_762 = arith.addi %get3A_758, %add3A_761 : vector<16xi32>
    %swap3A_763 = arith.constant 1136 : index
    %swap3A_764 = tpu.vector_load %arg11[%swap3A_763] {strides = array<i32>} : memref<1280xi32, #tpu.memory_space<vmem>>, vector<16xi32>,
    %swap3A_765 = vector.shape_cast %swap3A_764 : vector<16xi32> to vector<16xi32>
    %swap3A_766 = vector.shape_cast %add3A_762 : vector<16xi32> to vector<16xi32>
    tpu.vector_store %arg11[%swap3A_763], %swap3A_766 {strides = array<i32>} : memref<1280xi32, #tpu.memory_space<vmem>>, vector<16xi32>,
    %get3A_767 = arith.constant 1152 : index
    %get3A_768 = tpu.vector_load %arg11[%get3A_767] {strides = array<i32>} : memref<1280xi32, #tpu.memory_space<vmem>>, vector<16xi32>,
    %get3A_769 = vector.shape_cast %get3A_768 : vector<16xi32> to vector<16xi32>
    %add3A_770 = arith.constant 248 : i32
    %add3A_771 = arith.addi %mul3A_2, %add3A_770 : i32
    %add3A_772 = vector.broadcast %add3A_771 : i32 to vector<16xi32>
    %add3A_773 = arith.addi %get3A_769, %add3A_772 : vector<16xi32>
    %swap3A_774 = arith.constant 1152 : index
    %swap3A_775 = tpu.vector_load %arg11[%swap3A_774] {strides = array<i32>} : memref<1280xi32, #tpu.memory_space<vmem>>, vector<16xi32>,
    %swap3A_776 = vector.shape_cast %swap3A_775 : vector<16xi32> to vector<16xi32>
    %swap3A_777 = vector.shape_cast %add3A_773 : vector<16xi32> to vector<16xi32>
    tpu.vector_store %arg11[%swap3A_774], %swap3A_777 {strides = array<i32>} : memref<1280xi32, #tpu.memory_space<vmem>>, vector<16xi32>,
    %get3A_778 = arith.constant 1168 : index
    %get3A_779 = tpu.vector_load %arg11[%get3A_778] {strides = array<i32>} : memref<1280xi32, #tpu.memory_space<vmem>>, vector<16xi32>,
    %get3A_780 = vector.shape_cast %get3A_779 : vector<16xi32> to vector<16xi32>
    %add3A_781 = arith.constant 248 : i32
    %add3A_782 = arith.addi %mul3A_2, %add3A_781 : i32
    %add3A_783 = vector.broadcast %add3A_782 : i32 to vector<16xi32>
    %add3A_784 = arith.addi %get3A_780, %add3A_783 : vector<16xi32>
    %swap3A_785 = arith.constant 1168 : index
    %swap3A_786 = tpu.vector_load %arg11[%swap3A_785] {strides = array<i32>} : memref<1280xi32, #tpu.memory_space<vmem>>, vector<16xi32>,
    %swap3A_787 = vector.shape_cast %swap3A_786 : vector<16xi32> to vector<16xi32>
    %swap3A_788 = vector.shape_cast %add3A_784 : vector<16xi32> to vector<16xi32>
    tpu.vector_store %arg11[%swap3A_785], %swap3A_788 {strides = array<i32>} : memref<1280xi32, #tpu.memory_space<vmem>>, vector<16xi32>,
    %get3A_789 = arith.constant 1184 : index
    %get3A_790 = tpu.vector_load %arg11[%get3A_789] {strides = array<i32>} : memref<1280xi32, #tpu.memory_space<vmem>>, vector<16xi32>,
    %get3A_791 = vector.shape_cast %get3A_790 : vector<16xi32> to vector<16xi32>
    %add3A_792 = arith.constant 248 : i32
    %add3A_793 = arith.addi %mul3A_2, %add3A_792 : i32
    %add3A_794 = vector.broadcast %add3A_793 : i32 to vector<16xi32>
    %add3A_795 = arith.addi %get3A_791, %add3A_794 : vector<16xi32>
    %swap3A_796 = arith.constant 1184 : index
    %swap3A_797 = tpu.vector_load %arg11[%swap3A_796] {strides = array<i32>} : memref<1280xi32, #tpu.memory_space<vmem>>, vector<16xi32>,
    %swap3A_798 = vector.shape_cast %swap3A_797 : vector<16xi32> to vector<16xi32>
    %swap3A_799 = vector.shape_cast %add3A_795 : vector<16xi32> to vector<16xi32>
    tpu.vector_store %arg11[%swap3A_796], %swap3A_799 {strides = array<i32>} : memref<1280xi32, #tpu.memory_space<vmem>>, vector<16xi32>,
    %get3A_800 = arith.constant 1200 : index
    %get3A_801 = tpu.vector_load %arg11[%get3A_800] {strides = array<i32>} : memref<1280xi32, #tpu.memory_space<vmem>>, vector<16xi32>,
    %get3A_802 = vector.shape_cast %get3A_801 : vector<16xi32> to vector<16xi32>
    %add3A_803 = arith.constant 248 : i32
    %add3A_804 = arith.addi %mul3A_2, %add3A_803 : i32
    %add3A_805 = vector.broadcast %add3A_804 : i32 to vector<16xi32>
    %add3A_806 = arith.addi %get3A_802, %add3A_805 : vector<16xi32>
    %swap3A_807 = arith.constant 1200 : index
    %swap3A_808 = tpu.vector_load %arg11[%swap3A_807] {strides = array<i32>} : memref<1280xi32, #tpu.memory_space<vmem>>, vector<16xi32>,
    %swap3A_809 = vector.shape_cast %swap3A_808 : vector<16xi32> to vector<16xi32>
    %swap3A_810 = vector.shape_cast %add3A_806 : vector<16xi32> to vector<16xi32>
    tpu.vector_store %arg11[%swap3A_807], %swap3A_810 {strides = array<i32>} : memref<1280xi32, #tpu.memory_space<vmem>>, vector<16xi32>,
    %get3A_811 = arith.constant 1216 : index
    %get3A_812 = tpu.vector_load %arg11[%get3A_811] {strides = array<i32>} : memref<1280xi32, #tpu.memory_space<vmem>>, vector<16xi32>,
    %get3A_813 = vector.shape_cast %get3A_812 : vector<16xi32> to vector<16xi32>
    %add3A_814 = arith.constant 248 : i32
    %add3A_815 = arith.addi %mul3A_2, %add3A_814 : i32
    %add3A_816 = vector.broadcast %add3A_815 : i32 to vector<16xi32>
    %add3A_817 = arith.addi %get3A_813, %add3A_816 : vector<16xi32>
    %swap3A_818 = arith.constant 1216 : index
    %swap3A_819 = tpu.vector_load %arg11[%swap3A_818] {strides = array<i32>} : memref<1280xi32, #tpu.memory_space<vmem>>, vector<16xi32>,
    %swap3A_820 = vector.shape_cast %swap3A_819 : vector<16xi32> to vector<16xi32>
    %swap3A_821 = vector.shape_cast %add3A_817 : vector<16xi32> to vector<16xi32>
    tpu.vector_store %arg11[%swap3A_818], %swap3A_821 {strides = array<i32>} : memref<1280xi32, #tpu.memory_space<vmem>>, vector<16xi32>,
    %get3A_822 = arith.constant 1232 : index
    %get3A_823 = tpu.vector_load %arg11[%get3A_822] {strides = array<i32>} : memref<1280xi32, #tpu.memory_space<vmem>>, vector<16xi32>,
    %get3A_824 = vector.shape_cast %get3A_823 : vector<16xi32> to vector<16xi32>
    %add3A_825 = arith.constant 248 : i32
    %add3A_826 = arith.addi %mul3A_2, %add3A_825 : i32
    %add3A_827 = vector.broadcast %add3A_826 : i32 to vector<16xi32>
    %add3A_828 = arith.addi %get3A_824, %add3A_827 : vector<16xi32>
    %swap3A_829 = arith.constant 1232 : index
    %swap3A_830 = tpu.vector_load %arg11[%swap3A_829] {strides = array<i32>} : memref<1280xi32, #tpu.memory_space<vmem>>, vector<16xi32>,
    %swap3A_831 = vector.shape_cast %swap3A_830 : vector<16xi32> to vector<16xi32>
    %swap3A_832 = vector.shape_cast %add3A_828 : vector<16xi32> to vector<16xi32>
    tpu.vector_store %arg11[%swap3A_829], %swap3A_832 {strides = array<i32>} : memref<1280xi32, #tpu.memory_space<vmem>>, vector<16xi32>,
    %get3A_833 = arith.constant 1248 : index
    %get3A_834 = tpu.vector_load %arg11[%get3A_833] {strides = array<i32>} : memref<1280xi32, #tpu.memory_space<vmem>>, vector<16xi32>,
    %get3A_835 = vector.shape_cast %get3A_834 : vector<16xi32> to vector<16xi32>
    %add3A_836 = arith.constant 248 : i32
    %add3A_837 = arith.addi %mul3A_2, %add3A_836 : i32
    %add3A_838 = vector.broadcast %add3A_837 : i32 to vector<16xi32>
    %add3A_839 = arith.addi %get3A_835, %add3A_838 : vector<16xi32>
    %swap3A_840 = arith.constant 1248 : index
    %swap3A_841 = tpu.vector_load %arg11[%swap3A_840] {strides = array<i32>} : memref<1280xi32, #tpu.memory_space<vmem>>, vector<16xi32>,
    %swap3A_842 = vector.shape_cast %swap3A_841 : vector<16xi32> to vector<16xi32>
    %swap3A_843 = vector.shape_cast %add3A_839 : vector<16xi32> to vector<16xi32>
    tpu.vector_store %arg11[%swap3A_840], %swap3A_843 {strides = array<i32>} : memref<1280xi32, #tpu.memory_space<vmem>>, vector<16xi32>,
    %get3A_844 = arith.constant 1264 : index
    %get3A_845 = tpu.vector_load %arg11[%get3A_844] {strides = array<i32>} : memref<1280xi32, #tpu.memory_space<vmem>>, vector<16xi32>,
    %get3A_846 = vector.shape_cast %get3A_845 : vector<16xi32> to vector<16xi32>
    %add3A_847 = arith.constant 248 : i32
    %add3A_848 = arith.addi %mul3A_2, %add3A_847 : i32
    %add3A_849 = vector.broadcast %add3A_848 : i32 to vector<16xi32>
    %add3A_850 = arith.addi %get3A_846, %add3A_849 : vector<16xi32>
    %swap3A_851 = arith.constant 1264 : index
    %swap3A_852 = tpu.vector_load %arg11[%swap3A_851] {strides = array<i32>} : memref<1280xi32, #tpu.memory_space<vmem>>, vector<16xi32>,
    %swap3A_853 = vector.shape_cast %swap3A_852 : vector<16xi32> to vector<16xi32>
    %swap3A_854 = vector.shape_cast %add3A_850 : vector<16xi32> to vector<16xi32>
    tpu.vector_store %arg11[%swap3A_851], %swap3A_854 {strides = array<i32>} : memref<1280xi32, #tpu.memory_space<vmem>>, vector<16xi32>,
    %dma_start3A_855 = arith.constant 0 : i32
    %dma_start3A_856 = arith.constant 0 : i32
    %dma_start3A_857 = tpu.memref_slice %arg7[%dma_start3A_855, %dma_start3A_856] : memref<1000000x64xf32, #tpu.memory_space<hbm>> -> memref<1000000x64xf32, #tpu.memory_space<hbm>>
    tpu.enqueue_indirect_dma source(%dma_start3A_857 : memref<1000000x64xf32, #tpu.memory_space<hbm>>) target(%arg12 : memref<320x64xf32, #tpu.memory_space<vmem>>) offsets(%arg10 : memref<320xi32, #tpu.memory_space<vmem>>) semaphore(%arg19 : memref<!tpu.dma_semaphore, #tpu.memory_space<semaphore_mem>>)
    %dma_start3A_858 = arith.constant 0 : i32
    %dma_start3A_859 = arith.constant 0 : i32
    %dma_start3A_860 = tpu.memref_slice %arg8[%dma_start3A_858, %dma_start3A_859] : memref<8576x32xf32, #tpu.memory_space<hbm>> -> memref<8576x32xf32, #tpu.memory_space<hbm>>
    tpu.enqueue_indirect_dma source(%dma_start3A_860 : memref<8576x32xf32, #tpu.memory_space<hbm>>) target(%arg13 : memref<1280x32xf32, #tpu.memory_space<vmem>>) offsets(%arg11 : memref<1280xi32, #tpu.memory_space<vmem>>) semaphore(%arg19 : memref<!tpu.dma_semaphore, #tpu.memory_space<semaphore_mem>>)
    %scan3A = arith.constant 0 : i32
    %scan3A_861 = arith.constant 40 : i32
    %scan3A_862 = arith.addi %scan3A, %scan3A_861 : i32
    %scan3A_863 = arith.constant 1 : i32
    scf.for %scan3A_961 = %scan3A to %scan3A_862 step %scan3A_863  : i32 {
      %mul3A_962 = arith.constant 1 : i32
      %mul3A_963 = arith.muli %scan3A_961, %mul3A_962 : i32
      %add3A_964 = arith.constant 0 : i32
      %add3A_965 = arith.addi %add3A_964, %mul3A_963 : i32
      %mul3A_966 = arith.constant 2 : i32
      %mul3A_967 = arith.muli %mul3A_966, %add3A_965 : i32
      %add3A_968 = arith.constant 1 : i32
      %add3A_969 = arith.addi %mul3A_967, %add3A_968 : i32
      %gt3A = arith.constant 0 : i32
      %gt3A_970 = arith.cmpi sgt, %add3A_965, %gt3A : i32
      %convert_element_type3A = arith.extui %gt3A_970 : i1 to i32
      %cond3A = arith.constant 0 : i32
      %cond3A_971 = arith.cmpi ne, %convert_element_type3A, %cond3A : i32
      scf.if %cond3A_971 {
        %mul3A_1949 = arith.constant 25600 : i32
        %mul3A_1950 = arith.muli %add3A, %mul3A_1949 : i32
        %mul3A_1951 = arith.constant 320 : i32
        %mul3A_1952 = arith.muli %mul3A_967, %mul3A_1951 : i32
        %add3A_1953 = arith.addi %mul3A_1950, %mul3A_1952 : i32
        %dma_wait3A_1954 = arith.constant 0 : i32
        %dma_wait3A_1955 = tpu.memref_slice %arg9[%add3A_1953, %dma_wait3A_1954] : memref<819200x192xf32, #tpu.memory_space<hbm>> -> memref<320x64xf32, #tpu.memory_space<hbm>>
        %dma_wait3A_1956 = arith.constant 0 : i32
        %dma_wait3A_1957 = tpu.memref_slice %arg9[%add3A_1953, %dma_wait3A_1956] : memref<819200x192xf32, #tpu.memory_space<hbm>> -> memref<320x64xf32, #tpu.memory_space<hbm>>
        tpu.wait_dma2 semaphore(%arg23 : memref<!tpu.dma_semaphore, #tpu.memory_space<semaphore_mem>>) src(%arg16 : memref<320x64xf32, #tpu.memory_space<vmem>>) dst(%dma_wait3A_1957 : memref<320x64xf32, #tpu.memory_space<hbm>>)
        %dma_wait3A_1958 = arith.constant 0 : i32
        %dma_wait3A_1959 = arith.constant 0 : i32
        %dma_wait3A_1960 = tpu.memref_slice %arg17[%dma_wait3A_1958, %dma_wait3A_1959] : memref<1280x32xf32, #tpu.memory_space<vmem>> -> memref<320x32xf32, #tpu.memory_space<vmem>>
        %dma_wait3A_1961 = arith.constant 64 : i32
        %dma_wait3A_1962 = tpu.memref_slice %arg9[%add3A_1953, %dma_wait3A_1961] : memref<819200x192xf32, #tpu.memory_space<hbm>> -> memref<320x32xf32, #tpu.memory_space<hbm>>
        %dma_wait3A_1963 = arith.constant 64 : i32
        %dma_wait3A_1964 = tpu.memref_slice %arg9[%add3A_1953, %dma_wait3A_1963] : memref<819200x192xf32, #tpu.memory_space<hbm>> -> memref<320x32xf32, #tpu.memory_space<hbm>>
        %dma_wait3A_1965 = arith.constant 0 : i32
        %dma_wait3A_1966 = arith.constant 0 : i32
        %dma_wait3A_1967 = tpu.memref_slice %arg17[%dma_wait3A_1965, %dma_wait3A_1966] : memref<1280x32xf32, #tpu.memory_space<vmem>> -> memref<320x32xf32, #tpu.memory_space<vmem>>
        tpu.wait_dma2 semaphore(%arg23 : memref<!tpu.dma_semaphore, #tpu.memory_space<semaphore_mem>>) src(%dma_wait3A_1967 : memref<320x32xf32, #tpu.memory_space<vmem>>) dst(%dma_wait3A_1964 : memref<320x32xf32, #tpu.memory_space<hbm>>)
        %dma_wait3A_1968 = arith.constant 320 : i32
        %dma_wait3A_1969 = arith.constant 0 : i32
        %dma_wait3A_1970 = tpu.memref_slice %arg17[%dma_wait3A_1968, %dma_wait3A_1969] : memref<1280x32xf32, #tpu.memory_space<vmem>> -> memref<320x32xf32, #tpu.memory_space<vmem>>
        %dma_wait3A_1971 = arith.constant 96 : i32
        %dma_wait3A_1972 = tpu.memref_slice %arg9[%add3A_1953, %dma_wait3A_1971] : memref<819200x192xf32, #tpu.memory_space<hbm>> -> memref<320x32xf32, #tpu.memory_space<hbm>>
        %dma_wait3A_1973 = arith.constant 96 : i32
        %dma_wait3A_1974 = tpu.memref_slice %arg9[%add3A_1953, %dma_wait3A_1973] : memref<819200x192xf32, #tpu.memory_space<hbm>> -> memref<320x32xf32, #tpu.memory_space<hbm>>
        %dma_wait3A_1975 = arith.constant 320 : i32
        %dma_wait3A_1976 = arith.constant 0 : i32
        %dma_wait3A_1977 = tpu.memref_slice %arg17[%dma_wait3A_1975, %dma_wait3A_1976] : memref<1280x32xf32, #tpu.memory_space<vmem>> -> memref<320x32xf32, #tpu.memory_space<vmem>>
        tpu.wait_dma2 semaphore(%arg23 : memref<!tpu.dma_semaphore, #tpu.memory_space<semaphore_mem>>) src(%dma_wait3A_1977 : memref<320x32xf32, #tpu.memory_space<vmem>>) dst(%dma_wait3A_1974 : memref<320x32xf32, #tpu.memory_space<hbm>>)
        %dma_wait3A_1978 = arith.constant 640 : i32
        %dma_wait3A_1979 = arith.constant 0 : i32
        %dma_wait3A_1980 = tpu.memref_slice %arg17[%dma_wait3A_1978, %dma_wait3A_1979] : memref<1280x32xf32, #tpu.memory_space<vmem>> -> memref<320x32xf32, #tpu.memory_space<vmem>>
        %dma_wait3A_1981 = arith.constant 128 : i32
        %dma_wait3A_1982 = tpu.memref_slice %arg9[%add3A_1953, %dma_wait3A_1981] : memref<819200x192xf32, #tpu.memory_space<hbm>> -> memref<320x32xf32, #tpu.memory_space<hbm>>
        %dma_wait3A_1983 = arith.constant 128 : i32
        %dma_wait3A_1984 = tpu.memref_slice %arg9[%add3A_1953, %dma_wait3A_1983] : memref<819200x192xf32, #tpu.memory_space<hbm>> -> memref<320x32xf32, #tpu.memory_space<hbm>>
        %dma_wait3A_1985 = arith.constant 640 : i32
        %dma_wait3A_1986 = arith.constant 0 : i32
        %dma_wait3A_1987 = tpu.memref_slice %arg17[%dma_wait3A_1985, %dma_wait3A_1986] : memref<1280x32xf32, #tpu.memory_space<vmem>> -> memref<320x32xf32, #tpu.memory_space<vmem>>
        tpu.wait_dma2 semaphore(%arg23 : memref<!tpu.dma_semaphore, #tpu.memory_space<semaphore_mem>>) src(%dma_wait3A_1987 : memref<320x32xf32, #tpu.memory_space<vmem>>) dst(%dma_wait3A_1984 : memref<320x32xf32, #tpu.memory_space<hbm>>)
        %dma_wait3A_1988 = arith.constant 960 : i32
        %dma_wait3A_1989 = arith.constant 0 : i32
        %dma_wait3A_1990 = tpu.memref_slice %arg17[%dma_wait3A_1988, %dma_wait3A_1989] : memref<1280x32xf32, #tpu.memory_space<vmem>> -> memref<320x32xf32, #tpu.memory_space<vmem>>
        %dma_wait3A_1991 = arith.constant 160 : i32
        %dma_wait3A_1992 = tpu.memref_slice %arg9[%add3A_1953, %dma_wait3A_1991] : memref<819200x192xf32, #tpu.memory_space<hbm>> -> memref<320x32xf32, #tpu.memory_space<hbm>>
        %dma_wait3A_1993 = arith.constant 160 : i32
        %dma_wait3A_1994 = tpu.memref_slice %arg9[%add3A_1953, %dma_wait3A_1993] : memref<819200x192xf32, #tpu.memory_space<hbm>> -> memref<320x32xf32, #tpu.memory_space<hbm>>
        %dma_wait3A_1995 = arith.constant 960 : i32
        %dma_wait3A_1996 = arith.constant 0 : i32
        %dma_wait3A_1997 = tpu.memref_slice %arg17[%dma_wait3A_1995, %dma_wait3A_1996] : memref<1280x32xf32, #tpu.memory_space<vmem>> -> memref<320x32xf32, #tpu.memory_space<vmem>>
        tpu.wait_dma2 semaphore(%arg23 : memref<!tpu.dma_semaphore, #tpu.memory_space<semaphore_mem>>) src(%dma_wait3A_1997 : memref<320x32xf32, #tpu.memory_space<vmem>>) dst(%dma_wait3A_1994 : memref<320x32xf32, #tpu.memory_space<hbm>>)
      } else {
      }
      %mul3A_972 = arith.constant 25600 : i32
      %mul3A_973 = arith.muli %add3A, %mul3A_972 : i32
      %mul3A_974 = arith.constant 320 : i32
      %mul3A_975 = arith.muli %add3A_969, %mul3A_974 : i32
      %add3A_976 = arith.addi %mul3A_973, %mul3A_975 : i32
      %dma_start3A_977 = tpu.memref_slice %arg2[%add3A_976] : memref<819200xi32, #tpu.memory_space<hbm>> -> memref<320xi32, #tpu.memory_space<hbm>>
      %dma_start3A_978 = tpu.memref_slice %arg2[%add3A_976] : memref<819200xi32, #tpu.memory_space<hbm>> -> memref<320xi32, #tpu.memory_space<hbm>>
      tpu.enqueue_dma source(%dma_start3A_978 : memref<320xi32, #tpu.memory_space<hbm>>) target(%arg14 : memref<320xi32, #tpu.memory_space<vmem>>) target_semaphore(%arg21 : memref<!tpu.dma_semaphore, #tpu.memory_space<semaphore_mem>>)
      %dma_start3A_979 = arith.constant 0 : i32
      %dma_start3A_980 = tpu.memref_slice %arg15[%dma_start3A_979] : memref<1280xi32, #tpu.memory_space<vmem>> -> memref<320xi32, #tpu.memory_space<vmem>>
      %dma_start3A_981 = tpu.memref_slice %arg3[%add3A_976] : memref<819200xi32, #tpu.memory_space<hbm>> -> memref<320xi32, #tpu.memory_space<hbm>>
      %dma_start3A_982 = arith.constant 0 : i32
      %dma_start3A_983 = tpu.memref_slice %arg15[%dma_start3A_982] : memref<1280xi32, #tpu.memory_space<vmem>> -> memref<320xi32, #tpu.memory_space<vmem>>
      %dma_start3A_984 = tpu.memref_slice %arg3[%add3A_976] : memref<819200xi32, #tpu.memory_space<hbm>> -> memref<320xi32, #tpu.memory_space<hbm>>
      tpu.enqueue_dma source(%dma_start3A_984 : memref<320xi32, #tpu.memory_space<hbm>>) target(%dma_start3A_983 : memref<320xi32, #tpu.memory_space<vmem>>) target_semaphore(%arg21 : memref<!tpu.dma_semaphore, #tpu.memory_space<semaphore_mem>>)
      %dma_start3A_985 = arith.constant 320 : i32
      %dma_start3A_986 = tpu.memref_slice %arg15[%dma_start3A_985] : memref<1280xi32, #tpu.memory_space<vmem>> -> memref<320xi32, #tpu.memory_space<vmem>>
      %dma_start3A_987 = tpu.memref_slice %arg4[%add3A_976] : memref<819200xi32, #tpu.memory_space<hbm>> -> memref<320xi32, #tpu.memory_space<hbm>>
      %dma_start3A_988 = arith.constant 320 : i32
      %dma_start3A_989 = tpu.memref_slice %arg15[%dma_start3A_988] : memref<1280xi32, #tpu.memory_space<vmem>> -> memref<320xi32, #tpu.memory_space<vmem>>
      %dma_start3A_990 = tpu.memref_slice %arg4[%add3A_976] : memref<819200xi32, #tpu.memory_space<hbm>> -> memref<320xi32, #tpu.memory_space<hbm>>
      tpu.enqueue_dma source(%dma_start3A_990 : memref<320xi32, #tpu.memory_space<hbm>>) target(%dma_start3A_989 : memref<320xi32, #tpu.memory_space<vmem>>) target_semaphore(%arg21 : memref<!tpu.dma_semaphore, #tpu.memory_space<semaphore_mem>>)
      %dma_start3A_991 = arith.constant 640 : i32
      %dma_start3A_992 = tpu.memref_slice %arg15[%dma_start3A_991] : memref<1280xi32, #tpu.memory_space<vmem>> -> memref<320xi32, #tpu.memory_space<vmem>>
      %dma_start3A_993 = tpu.memref_slice %arg5[%add3A_976] : memref<819200xi32, #tpu.memory_space<hbm>> -> memref<320xi32, #tpu.memory_space<hbm>>
      %dma_start3A_994 = arith.constant 640 : i32
      %dma_start3A_995 = tpu.memref_slice %arg15[%dma_start3A_994] : memref<1280xi32, #tpu.memory_space<vmem>> -> memref<320xi32, #tpu.memory_space<vmem>>
      %dma_start3A_996 = tpu.memref_slice %arg5[%add3A_976] : memref<819200xi32, #tpu.memory_space<hbm>> -> memref<320xi32, #tpu.memory_space<hbm>>
      tpu.enqueue_dma source(%dma_start3A_996 : memref<320xi32, #tpu.memory_space<hbm>>) target(%dma_start3A_995 : memref<320xi32, #tpu.memory_space<vmem>>) target_semaphore(%arg21 : memref<!tpu.dma_semaphore, #tpu.memory_space<semaphore_mem>>)
      %dma_start3A_997 = arith.constant 960 : i32
      %dma_start3A_998 = tpu.memref_slice %arg15[%dma_start3A_997] : memref<1280xi32, #tpu.memory_space<vmem>> -> memref<320xi32, #tpu.memory_space<vmem>>
      %dma_start3A_999 = tpu.memref_slice %arg6[%add3A_976] : memref<819200xi32, #tpu.memory_space<hbm>> -> memref<320xi32, #tpu.memory_space<hbm>>
      %dma_start3A_1000 = arith.constant 960 : i32
      %dma_start3A_1001 = tpu.memref_slice %arg15[%dma_start3A_1000] : memref<1280xi32, #tpu.memory_space<vmem>> -> memref<320xi32, #tpu.memory_space<vmem>>
      %dma_start3A_1002 = tpu.memref_slice %arg6[%add3A_976] : memref<819200xi32, #tpu.memory_space<hbm>> -> memref<320xi32, #tpu.memory_space<hbm>>
      tpu.enqueue_dma source(%dma_start3A_1002 : memref<320xi32, #tpu.memory_space<hbm>>) target(%dma_start3A_1001 : memref<320xi32, #tpu.memory_space<vmem>>) target_semaphore(%arg21 : memref<!tpu.dma_semaphore, #tpu.memory_space<semaphore_mem>>)
      %dma_wait3A_1003 = tpu.memref_slice %arg2[%add3A_976] : memref<819200xi32, #tpu.memory_space<hbm>> -> memref<320xi32, #tpu.memory_space<hbm>>
      %dma_wait3A_1004 = tpu.memref_slice %arg2[%add3A_976] : memref<819200xi32, #tpu.memory_space<hbm>> -> memref<320xi32, #tpu.memory_space<hbm>>
      tpu.wait_dma2 semaphore(%arg21 : memref<!tpu.dma_semaphore, #tpu.memory_space<semaphore_mem>>) src(%dma_wait3A_1004 : memref<320xi32, #tpu.memory_space<hbm>>) dst(%arg14 : memref<320xi32, #tpu.memory_space<vmem>>)
      %dma_wait3A_1005 = arith.constant 0 : i32
      %dma_wait3A_1006 = tpu.memref_slice %arg15[%dma_wait3A_1005] : memref<1280xi32, #tpu.memory_space<vmem>> -> memref<320xi32, #tpu.memory_space<vmem>>
      %dma_wait3A_1007 = tpu.memref_slice %arg3[%add3A_976] : memref<819200xi32, #tpu.memory_space<hbm>> -> memref<320xi32, #tpu.memory_space<hbm>>
      %dma_wait3A_1008 = arith.constant 0 : i32
      %dma_wait3A_1009 = tpu.memref_slice %arg15[%dma_wait3A_1008] : memref<1280xi32, #tpu.memory_space<vmem>> -> memref<320xi32, #tpu.memory_space<vmem>>
      %dma_wait3A_1010 = tpu.memref_slice %arg3[%add3A_976] : memref<819200xi32, #tpu.memory_space<hbm>> -> memref<320xi32, #tpu.memory_space<hbm>>
      tpu.wait_dma2 semaphore(%arg21 : memref<!tpu.dma_semaphore, #tpu.memory_space<semaphore_mem>>) src(%dma_wait3A_1010 : memref<320xi32, #tpu.memory_space<hbm>>) dst(%dma_wait3A_1009 : memref<320xi32, #tpu.memory_space<vmem>>)
      %dma_wait3A_1011 = arith.constant 320 : i32
      %dma_wait3A_1012 = tpu.memref_slice %arg15[%dma_wait3A_1011] : memref<1280xi32, #tpu.memory_space<vmem>> -> memref<320xi32, #tpu.memory_space<vmem>>
      %dma_wait3A_1013 = tpu.memref_slice %arg4[%add3A_976] : memref<819200xi32, #tpu.memory_space<hbm>> -> memref<320xi32, #tpu.memory_space<hbm>>
      %dma_wait3A_1014 = arith.constant 320 : i32
      %dma_wait3A_1015 = tpu.memref_slice %arg15[%dma_wait3A_1014] : memref<1280xi32, #tpu.memory_space<vmem>> -> memref<320xi32, #tpu.memory_space<vmem>>
      %dma_wait3A_1016 = tpu.memref_slice %arg4[%add3A_976] : memref<819200xi32, #tpu.memory_space<hbm>> -> memref<320xi32, #tpu.memory_space<hbm>>
      tpu.wait_dma2 semaphore(%arg21 : memref<!tpu.dma_semaphore, #tpu.memory_space<semaphore_mem>>) src(%dma_wait3A_1016 : memref<320xi32, #tpu.memory_space<hbm>>) dst(%dma_wait3A_1015 : memref<320xi32, #tpu.memory_space<vmem>>)
      %dma_wait3A_1017 = arith.constant 640 : i32
      %dma_wait3A_1018 = tpu.memref_slice %arg15[%dma_wait3A_1017] : memref<1280xi32, #tpu.memory_space<vmem>> -> memref<320xi32, #tpu.memory_space<vmem>>
      %dma_wait3A_1019 = tpu.memref_slice %arg5[%add3A_976] : memref<819200xi32, #tpu.memory_space<hbm>> -> memref<320xi32, #tpu.memory_space<hbm>>
      %dma_wait3A_1020 = arith.constant 640 : i32
      %dma_wait3A_1021 = tpu.memref_slice %arg15[%dma_wait3A_1020] : memref<1280xi32, #tpu.memory_space<vmem>> -> memref<320xi32, #tpu.memory_space<vmem>>
      %dma_wait3A_1022 = tpu.memref_slice %arg5[%add3A_976] : memref<819200xi32, #tpu.memory_space<hbm>> -> memref<320xi32, #tpu.memory_space<hbm>>
      tpu.wait_dma2 semaphore(%arg21 : memref<!tpu.dma_semaphore, #tpu.memory_space<semaphore_mem>>) src(%dma_wait3A_1022 : memref<320xi32, #tpu.memory_space<hbm>>) dst(%dma_wait3A_1021 : memref<320xi32, #tpu.memory_space<vmem>>)
      %dma_wait3A_1023 = arith.constant 960 : i32
      %dma_wait3A_1024 = tpu.memref_slice %arg15[%dma_wait3A_1023] : memref<1280xi32, #tpu.memory_space<vmem>> -> memref<320xi32, #tpu.memory_space<vmem>>
      %dma_wait3A_1025 = tpu.memref_slice %arg6[%add3A_976] : memref<819200xi32, #tpu.memory_space<hbm>> -> memref<320xi32, #tpu.memory_space<hbm>>
      %dma_wait3A_1026 = arith.constant 960 : i32
      %dma_wait3A_1027 = tpu.memref_slice %arg15[%dma_wait3A_1026] : memref<1280xi32, #tpu.memory_space<vmem>> -> memref<320xi32, #tpu.memory_space<vmem>>
      %dma_wait3A_1028 = tpu.memref_slice %arg6[%add3A_976] : memref<819200xi32, #tpu.memory_space<hbm>> -> memref<320xi32, #tpu.memory_space<hbm>>
      tpu.wait_dma2 semaphore(%arg21 : memref<!tpu.dma_semaphore, #tpu.memory_space<semaphore_mem>>) src(%dma_wait3A_1028 : memref<320xi32, #tpu.memory_space<hbm>>) dst(%dma_wait3A_1027 : memref<320xi32, #tpu.memory_space<vmem>>)
      %get3A_1029 = arith.constant 0 : index
      %get3A_1030 = tpu.vector_load %arg15[%get3A_1029] {strides = array<i32>} : memref<1280xi32, #tpu.memory_space<vmem>>, vector<16xi32>,
      %get3A_1031 = vector.shape_cast %get3A_1030 : vector<16xi32> to vector<16xi32>
      %add3A_1032 = vector.broadcast %mul3A_2 : i32 to vector<16xi32>
      %add3A_1033 = arith.addi %get3A_1031, %add3A_1032 : vector<16xi32>
      %swap3A_1034 = arith.constant 0 : index
      %swap3A_1035 = tpu.vector_load %arg15[%swap3A_1034] {strides = array<i32>} : memref<1280xi32, #tpu.memory_space<vmem>>, vector<16xi32>,
      %swap3A_1036 = vector.shape_cast %swap3A_1035 : vector<16xi32> to vector<16xi32>
      %swap3A_1037 = vector.shape_cast %add3A_1033 : vector<16xi32> to vector<16xi32>
      tpu.vector_store %arg15[%swap3A_1034], %swap3A_1037 {strides = array<i32>} : memref<1280xi32, #tpu.memory_space<vmem>>, vector<16xi32>,
      %get3A_1038 = arith.constant 16 : index
      %get3A_1039 = tpu.vector_load %arg15[%get3A_1038] {strides = array<i32>} : memref<1280xi32, #tpu.memory_space<vmem>>, vector<16xi32>,
      %get3A_1040 = vector.shape_cast %get3A_1039 : vector<16xi32> to vector<16xi32>
      %add3A_1041 = vector.broadcast %mul3A_2 : i32 to vector<16xi32>
      %add3A_1042 = arith.addi %get3A_1040, %add3A_1041 : vector<16xi32>
      %swap3A_1043 = arith.constant 16 : index
      %swap3A_1044 = tpu.vector_load %arg15[%swap3A_1043] {strides = array<i32>} : memref<1280xi32, #tpu.memory_space<vmem>>, vector<16xi32>,
      %swap3A_1045 = vector.shape_cast %swap3A_1044 : vector<16xi32> to vector<16xi32>
      %swap3A_1046 = vector.shape_cast %add3A_1042 : vector<16xi32> to vector<16xi32>
      tpu.vector_store %arg15[%swap3A_1043], %swap3A_1046 {strides = array<i32>} : memref<1280xi32, #tpu.memory_space<vmem>>, vector<16xi32>,
      %get3A_1047 = arith.constant 32 : index
      %get3A_1048 = tpu.vector_load %arg15[%get3A_1047] {strides = array<i32>} : memref<1280xi32, #tpu.memory_space<vmem>>, vector<16xi32>,
      %get3A_1049 = vector.shape_cast %get3A_1048 : vector<16xi32> to vector<16xi32>
      %add3A_1050 = vector.broadcast %mul3A_2 : i32 to vector<16xi32>
      %add3A_1051 = arith.addi %get3A_1049, %add3A_1050 : vector<16xi32>
      %swap3A_1052 = arith.constant 32 : index
      %swap3A_1053 = tpu.vector_load %arg15[%swap3A_1052] {strides = array<i32>} : memref<1280xi32, #tpu.memory_space<vmem>>, vector<16xi32>,
      %swap3A_1054 = vector.shape_cast %swap3A_1053 : vector<16xi32> to vector<16xi32>
      %swap3A_1055 = vector.shape_cast %add3A_1051 : vector<16xi32> to vector<16xi32>
      tpu.vector_store %arg15[%swap3A_1052], %swap3A_1055 {strides = array<i32>} : memref<1280xi32, #tpu.memory_space<vmem>>, vector<16xi32>,
      %get3A_1056 = arith.constant 48 : index
      %get3A_1057 = tpu.vector_load %arg15[%get3A_1056] {strides = array<i32>} : memref<1280xi32, #tpu.memory_space<vmem>>, vector<16xi32>,
      %get3A_1058 = vector.shape_cast %get3A_1057 : vector<16xi32> to vector<16xi32>
      %add3A_1059 = vector.broadcast %mul3A_2 : i32 to vector<16xi32>
      %add3A_1060 = arith.addi %get3A_1058, %add3A_1059 : vector<16xi32>
      %swap3A_1061 = arith.constant 48 : index
      %swap3A_1062 = tpu.vector_load %arg15[%swap3A_1061] {strides = array<i32>} : memref<1280xi32, #tpu.memory_space<vmem>>, vector<16xi32>,
      %swap3A_1063 = vector.shape_cast %swap3A_1062 : vector<16xi32> to vector<16xi32>
      %swap3A_1064 = vector.shape_cast %add3A_1060 : vector<16xi32> to vector<16xi32>
      tpu.vector_store %arg15[%swap3A_1061], %swap3A_1064 {strides = array<i32>} : memref<1280xi32, #tpu.memory_space<vmem>>, vector<16xi32>,
      %get3A_1065 = arith.constant 64 : index
      %get3A_1066 = tpu.vector_load %arg15[%get3A_1065] {strides = array<i32>} : memref<1280xi32, #tpu.memory_space<vmem>>, vector<16xi32>,
      %get3A_1067 = vector.shape_cast %get3A_1066 : vector<16xi32> to vector<16xi32>
      %add3A_1068 = vector.broadcast %mul3A_2 : i32 to vector<16xi32>
      %add3A_1069 = arith.addi %get3A_1067, %add3A_1068 : vector<16xi32>
      %swap3A_1070 = arith.constant 64 : index
      %swap3A_1071 = tpu.vector_load %arg15[%swap3A_1070] {strides = array<i32>} : memref<1280xi32, #tpu.memory_space<vmem>>, vector<16xi32>,
      %swap3A_1072 = vector.shape_cast %swap3A_1071 : vector<16xi32> to vector<16xi32>
      %swap3A_1073 = vector.shape_cast %add3A_1069 : vector<16xi32> to vector<16xi32>
      tpu.vector_store %arg15[%swap3A_1070], %swap3A_1073 {strides = array<i32>} : memref<1280xi32, #tpu.memory_space<vmem>>, vector<16xi32>,
      %get3A_1074 = arith.constant 80 : index
      %get3A_1075 = tpu.vector_load %arg15[%get3A_1074] {strides = array<i32>} : memref<1280xi32, #tpu.memory_space<vmem>>, vector<16xi32>,
      %get3A_1076 = vector.shape_cast %get3A_1075 : vector<16xi32> to vector<16xi32>
      %add3A_1077 = vector.broadcast %mul3A_2 : i32 to vector<16xi32>
      %add3A_1078 = arith.addi %get3A_1076, %add3A_1077 : vector<16xi32>
      %swap3A_1079 = arith.constant 80 : index
      %swap3A_1080 = tpu.vector_load %arg15[%swap3A_1079] {strides = array<i32>} : memref<1280xi32, #tpu.memory_space<vmem>>, vector<16xi32>,
      %swap3A_1081 = vector.shape_cast %swap3A_1080 : vector<16xi32> to vector<16xi32>
      %swap3A_1082 = vector.shape_cast %add3A_1078 : vector<16xi32> to vector<16xi32>
      tpu.vector_store %arg15[%swap3A_1079], %swap3A_1082 {strides = array<i32>} : memref<1280xi32, #tpu.memory_space<vmem>>, vector<16xi32>,
      %get3A_1083 = arith.constant 96 : index
      %get3A_1084 = tpu.vector_load %arg15[%get3A_1083] {strides = array<i32>} : memref<1280xi32, #tpu.memory_space<vmem>>, vector<16xi32>,
      %get3A_1085 = vector.shape_cast %get3A_1084 : vector<16xi32> to vector<16xi32>
      %add3A_1086 = vector.broadcast %mul3A_2 : i32 to vector<16xi32>
      %add3A_1087 = arith.addi %get3A_1085, %add3A_1086 : vector<16xi32>
      %swap3A_1088 = arith.constant 96 : index
      %swap3A_1089 = tpu.vector_load %arg15[%swap3A_1088] {strides = array<i32>} : memref<1280xi32, #tpu.memory_space<vmem>>, vector<16xi32>,
      %swap3A_1090 = vector.shape_cast %swap3A_1089 : vector<16xi32> to vector<16xi32>
      %swap3A_1091 = vector.shape_cast %add3A_1087 : vector<16xi32> to vector<16xi32>
      tpu.vector_store %arg15[%swap3A_1088], %swap3A_1091 {strides = array<i32>} : memref<1280xi32, #tpu.memory_space<vmem>>, vector<16xi32>,
      %get3A_1092 = arith.constant 112 : index
      %get3A_1093 = tpu.vector_load %arg15[%get3A_1092] {strides = array<i32>} : memref<1280xi32, #tpu.memory_space<vmem>>, vector<16xi32>,
      %get3A_1094 = vector.shape_cast %get3A_1093 : vector<16xi32> to vector<16xi32>
      %add3A_1095 = vector.broadcast %mul3A_2 : i32 to vector<16xi32>
      %add3A_1096 = arith.addi %get3A_1094, %add3A_1095 : vector<16xi32>
      %swap3A_1097 = arith.constant 112 : index
      %swap3A_1098 = tpu.vector_load %arg15[%swap3A_1097] {strides = array<i32>} : memref<1280xi32, #tpu.memory_space<vmem>>, vector<16xi32>,
      %swap3A_1099 = vector.shape_cast %swap3A_1098 : vector<16xi32> to vector<16xi32>
      %swap3A_1100 = vector.shape_cast %add3A_1096 : vector<16xi32> to vector<16xi32>
      tpu.vector_store %arg15[%swap3A_1097], %swap3A_1100 {strides = array<i32>} : memref<1280xi32, #tpu.memory_space<vmem>>, vector<16xi32>,
      %get3A_1101 = arith.constant 128 : index
      %get3A_1102 = tpu.vector_load %arg15[%get3A_1101] {strides = array<i32>} : memref<1280xi32, #tpu.memory_space<vmem>>, vector<16xi32>,
      %get3A_1103 = vector.shape_cast %get3A_1102 : vector<16xi32> to vector<16xi32>
      %add3A_1104 = vector.broadcast %mul3A_2 : i32 to vector<16xi32>
      %add3A_1105 = arith.addi %get3A_1103, %add3A_1104 : vector<16xi32>
      %swap3A_1106 = arith.constant 128 : index
      %swap3A_1107 = tpu.vector_load %arg15[%swap3A_1106] {strides = array<i32>} : memref<1280xi32, #tpu.memory_space<vmem>>, vector<16xi32>,
      %swap3A_1108 = vector.shape_cast %swap3A_1107 : vector<16xi32> to vector<16xi32>
      %swap3A_1109 = vector.shape_cast %add3A_1105 : vector<16xi32> to vector<16xi32>
      tpu.vector_store %arg15[%swap3A_1106], %swap3A_1109 {strides = array<i32>} : memref<1280xi32, #tpu.memory_space<vmem>>, vector<16xi32>,
      %get3A_1110 = arith.constant 144 : index
      %get3A_1111 = tpu.vector_load %arg15[%get3A_1110] {strides = array<i32>} : memref<1280xi32, #tpu.memory_space<vmem>>, vector<16xi32>,
      %get3A_1112 = vector.shape_cast %get3A_1111 : vector<16xi32> to vector<16xi32>
      %add3A_1113 = vector.broadcast %mul3A_2 : i32 to vector<16xi32>
      %add3A_1114 = arith.addi %get3A_1112, %add3A_1113 : vector<16xi32>
      %swap3A_1115 = arith.constant 144 : index
      %swap3A_1116 = tpu.vector_load %arg15[%swap3A_1115] {strides = array<i32>} : memref<1280xi32, #tpu.memory_space<vmem>>, vector<16xi32>,
      %swap3A_1117 = vector.shape_cast %swap3A_1116 : vector<16xi32> to vector<16xi32>
      %swap3A_1118 = vector.shape_cast %add3A_1114 : vector<16xi32> to vector<16xi32>
      tpu.vector_store %arg15[%swap3A_1115], %swap3A_1118 {strides = array<i32>} : memref<1280xi32, #tpu.memory_space<vmem>>, vector<16xi32>,
      %get3A_1119 = arith.constant 160 : index
      %get3A_1120 = tpu.vector_load %arg15[%get3A_1119] {strides = array<i32>} : memref<1280xi32, #tpu.memory_space<vmem>>, vector<16xi32>,
      %get3A_1121 = vector.shape_cast %get3A_1120 : vector<16xi32> to vector<16xi32>
      %add3A_1122 = vector.broadcast %mul3A_2 : i32 to vector<16xi32>
      %add3A_1123 = arith.addi %get3A_1121, %add3A_1122 : vector<16xi32>
      %swap3A_1124 = arith.constant 160 : index
      %swap3A_1125 = tpu.vector_load %arg15[%swap3A_1124] {strides = array<i32>} : memref<1280xi32, #tpu.memory_space<vmem>>, vector<16xi32>,
      %swap3A_1126 = vector.shape_cast %swap3A_1125 : vector<16xi32> to vector<16xi32>
      %swap3A_1127 = vector.shape_cast %add3A_1123 : vector<16xi32> to vector<16xi32>
      tpu.vector_store %arg15[%swap3A_1124], %swap3A_1127 {strides = array<i32>} : memref<1280xi32, #tpu.memory_space<vmem>>, vector<16xi32>,
      %get3A_1128 = arith.constant 176 : index
      %get3A_1129 = tpu.vector_load %arg15[%get3A_1128] {strides = array<i32>} : memref<1280xi32, #tpu.memory_space<vmem>>, vector<16xi32>,
      %get3A_1130 = vector.shape_cast %get3A_1129 : vector<16xi32> to vector<16xi32>
      %add3A_1131 = vector.broadcast %mul3A_2 : i32 to vector<16xi32>
      %add3A_1132 = arith.addi %get3A_1130, %add3A_1131 : vector<16xi32>
      %swap3A_1133 = arith.constant 176 : index
      %swap3A_1134 = tpu.vector_load %arg15[%swap3A_1133] {strides = array<i32>} : memref<1280xi32, #tpu.memory_space<vmem>>, vector<16xi32>,
      %swap3A_1135 = vector.shape_cast %swap3A_1134 : vector<16xi32> to vector<16xi32>
      %swap3A_1136 = vector.shape_cast %add3A_1132 : vector<16xi32> to vector<16xi32>
      tpu.vector_store %arg15[%swap3A_1133], %swap3A_1136 {strides = array<i32>} : memref<1280xi32, #tpu.memory_space<vmem>>, vector<16xi32>,
      %get3A_1137 = arith.constant 192 : index
      %get3A_1138 = tpu.vector_load %arg15[%get3A_1137] {strides = array<i32>} : memref<1280xi32, #tpu.memory_space<vmem>>, vector<16xi32>,
      %get3A_1139 = vector.shape_cast %get3A_1138 : vector<16xi32> to vector<16xi32>
      %add3A_1140 = vector.broadcast %mul3A_2 : i32 to vector<16xi32>
      %add3A_1141 = arith.addi %get3A_1139, %add3A_1140 : vector<16xi32>
      %swap3A_1142 = arith.constant 192 : index
      %swap3A_1143 = tpu.vector_load %arg15[%swap3A_1142] {strides = array<i32>} : memref<1280xi32, #tpu.memory_space<vmem>>, vector<16xi32>,
      %swap3A_1144 = vector.shape_cast %swap3A_1143 : vector<16xi32> to vector<16xi32>
      %swap3A_1145 = vector.shape_cast %add3A_1141 : vector<16xi32> to vector<16xi32>
      tpu.vector_store %arg15[%swap3A_1142], %swap3A_1145 {strides = array<i32>} : memref<1280xi32, #tpu.memory_space<vmem>>, vector<16xi32>,
      %get3A_1146 = arith.constant 208 : index
      %get3A_1147 = tpu.vector_load %arg15[%get3A_1146] {strides = array<i32>} : memref<1280xi32, #tpu.memory_space<vmem>>, vector<16xi32>,
      %get3A_1148 = vector.shape_cast %get3A_1147 : vector<16xi32> to vector<16xi32>
      %add3A_1149 = vector.broadcast %mul3A_2 : i32 to vector<16xi32>
      %add3A_1150 = arith.addi %get3A_1148, %add3A_1149 : vector<16xi32>
      %swap3A_1151 = arith.constant 208 : index
      %swap3A_1152 = tpu.vector_load %arg15[%swap3A_1151] {strides = array<i32>} : memref<1280xi32, #tpu.memory_space<vmem>>, vector<16xi32>,
      %swap3A_1153 = vector.shape_cast %swap3A_1152 : vector<16xi32> to vector<16xi32>
      %swap3A_1154 = vector.shape_cast %add3A_1150 : vector<16xi32> to vector<16xi32>
      tpu.vector_store %arg15[%swap3A_1151], %swap3A_1154 {strides = array<i32>} : memref<1280xi32, #tpu.memory_space<vmem>>, vector<16xi32>,
      %get3A_1155 = arith.constant 224 : index
      %get3A_1156 = tpu.vector_load %arg15[%get3A_1155] {strides = array<i32>} : memref<1280xi32, #tpu.memory_space<vmem>>, vector<16xi32>,
      %get3A_1157 = vector.shape_cast %get3A_1156 : vector<16xi32> to vector<16xi32>
      %add3A_1158 = vector.broadcast %mul3A_2 : i32 to vector<16xi32>
      %add3A_1159 = arith.addi %get3A_1157, %add3A_1158 : vector<16xi32>
      %swap3A_1160 = arith.constant 224 : index
      %swap3A_1161 = tpu.vector_load %arg15[%swap3A_1160] {strides = array<i32>} : memref<1280xi32, #tpu.memory_space<vmem>>, vector<16xi32>,
      %swap3A_1162 = vector.shape_cast %swap3A_1161 : vector<16xi32> to vector<16xi32>
      %swap3A_1163 = vector.shape_cast %add3A_1159 : vector<16xi32> to vector<16xi32>
      tpu.vector_store %arg15[%swap3A_1160], %swap3A_1163 {strides = array<i32>} : memref<1280xi32, #tpu.memory_space<vmem>>, vector<16xi32>,
      %get3A_1164 = arith.constant 240 : index
      %get3A_1165 = tpu.vector_load %arg15[%get3A_1164] {strides = array<i32>} : memref<1280xi32, #tpu.memory_space<vmem>>, vector<16xi32>,
      %get3A_1166 = vector.shape_cast %get3A_1165 : vector<16xi32> to vector<16xi32>
      %add3A_1167 = vector.broadcast %mul3A_2 : i32 to vector<16xi32>
      %add3A_1168 = arith.addi %get3A_1166, %add3A_1167 : vector<16xi32>
      %swap3A_1169 = arith.constant 240 : index
      %swap3A_1170 = tpu.vector_load %arg15[%swap3A_1169] {strides = array<i32>} : memref<1280xi32, #tpu.memory_space<vmem>>, vector<16xi32>,
      %swap3A_1171 = vector.shape_cast %swap3A_1170 : vector<16xi32> to vector<16xi32>
      %swap3A_1172 = vector.shape_cast %add3A_1168 : vector<16xi32> to vector<16xi32>
      tpu.vector_store %arg15[%swap3A_1169], %swap3A_1172 {strides = array<i32>} : memref<1280xi32, #tpu.memory_space<vmem>>, vector<16xi32>,
      %get3A_1173 = arith.constant 256 : index
      %get3A_1174 = tpu.vector_load %arg15[%get3A_1173] {strides = array<i32>} : memref<1280xi32, #tpu.memory_space<vmem>>, vector<16xi32>,
      %get3A_1175 = vector.shape_cast %get3A_1174 : vector<16xi32> to vector<16xi32>
      %add3A_1176 = vector.broadcast %mul3A_2 : i32 to vector<16xi32>
      %add3A_1177 = arith.addi %get3A_1175, %add3A_1176 : vector<16xi32>
      %swap3A_1178 = arith.constant 256 : index
      %swap3A_1179 = tpu.vector_load %arg15[%swap3A_1178] {strides = array<i32>} : memref<1280xi32, #tpu.memory_space<vmem>>, vector<16xi32>,
      %swap3A_1180 = vector.shape_cast %swap3A_1179 : vector<16xi32> to vector<16xi32>
      %swap3A_1181 = vector.shape_cast %add3A_1177 : vector<16xi32> to vector<16xi32>
      tpu.vector_store %arg15[%swap3A_1178], %swap3A_1181 {strides = array<i32>} : memref<1280xi32, #tpu.memory_space<vmem>>, vector<16xi32>,
      %get3A_1182 = arith.constant 272 : index
      %get3A_1183 = tpu.vector_load %arg15[%get3A_1182] {strides = array<i32>} : memref<1280xi32, #tpu.memory_space<vmem>>, vector<16xi32>,
      %get3A_1184 = vector.shape_cast %get3A_1183 : vector<16xi32> to vector<16xi32>
      %add3A_1185 = vector.broadcast %mul3A_2 : i32 to vector<16xi32>
      %add3A_1186 = arith.addi %get3A_1184, %add3A_1185 : vector<16xi32>
      %swap3A_1187 = arith.constant 272 : index
      %swap3A_1188 = tpu.vector_load %arg15[%swap3A_1187] {strides = array<i32>} : memref<1280xi32, #tpu.memory_space<vmem>>, vector<16xi32>,
      %swap3A_1189 = vector.shape_cast %swap3A_1188 : vector<16xi32> to vector<16xi32>
      %swap3A_1190 = vector.shape_cast %add3A_1186 : vector<16xi32> to vector<16xi32>
      tpu.vector_store %arg15[%swap3A_1187], %swap3A_1190 {strides = array<i32>} : memref<1280xi32, #tpu.memory_space<vmem>>, vector<16xi32>,
      %get3A_1191 = arith.constant 288 : index
      %get3A_1192 = tpu.vector_load %arg15[%get3A_1191] {strides = array<i32>} : memref<1280xi32, #tpu.memory_space<vmem>>, vector<16xi32>,
      %get3A_1193 = vector.shape_cast %get3A_1192 : vector<16xi32> to vector<16xi32>
      %add3A_1194 = vector.broadcast %mul3A_2 : i32 to vector<16xi32>
      %add3A_1195 = arith.addi %get3A_1193, %add3A_1194 : vector<16xi32>
      %swap3A_1196 = arith.constant 288 : index
      %swap3A_1197 = tpu.vector_load %arg15[%swap3A_1196] {strides = array<i32>} : memref<1280xi32, #tpu.memory_space<vmem>>, vector<16xi32>,
      %swap3A_1198 = vector.shape_cast %swap3A_1197 : vector<16xi32> to vector<16xi32>
      %swap3A_1199 = vector.shape_cast %add3A_1195 : vector<16xi32> to vector<16xi32>
      tpu.vector_store %arg15[%swap3A_1196], %swap3A_1199 {strides = array<i32>} : memref<1280xi32, #tpu.memory_space<vmem>>, vector<16xi32>,
      %get3A_1200 = arith.constant 304 : index
      %get3A_1201 = tpu.vector_load %arg15[%get3A_1200] {strides = array<i32>} : memref<1280xi32, #tpu.memory_space<vmem>>, vector<16xi32>,
      %get3A_1202 = vector.shape_cast %get3A_1201 : vector<16xi32> to vector<16xi32>
      %add3A_1203 = vector.broadcast %mul3A_2 : i32 to vector<16xi32>
      %add3A_1204 = arith.addi %get3A_1202, %add3A_1203 : vector<16xi32>
      %swap3A_1205 = arith.constant 304 : index
      %swap3A_1206 = tpu.vector_load %arg15[%swap3A_1205] {strides = array<i32>} : memref<1280xi32, #tpu.memory_space<vmem>>, vector<16xi32>,
      %swap3A_1207 = vector.shape_cast %swap3A_1206 : vector<16xi32> to vector<16xi32>
      %swap3A_1208 = vector.shape_cast %add3A_1204 : vector<16xi32> to vector<16xi32>
      tpu.vector_store %arg15[%swap3A_1205], %swap3A_1208 {strides = array<i32>} : memref<1280xi32, #tpu.memory_space<vmem>>, vector<16xi32>,
      %get3A_1209 = arith.constant 320 : index
      %get3A_1210 = tpu.vector_load %arg15[%get3A_1209] {strides = array<i32>} : memref<1280xi32, #tpu.memory_space<vmem>>, vector<16xi32>,
      %get3A_1211 = vector.shape_cast %get3A_1210 : vector<16xi32> to vector<16xi32>
      %add3A_1212 = vector.broadcast %mul3A_2 : i32 to vector<16xi32>
      %add3A_1213 = arith.addi %get3A_1211, %add3A_1212 : vector<16xi32>
      %swap3A_1214 = arith.constant 320 : index
      %swap3A_1215 = tpu.vector_load %arg15[%swap3A_1214] {strides = array<i32>} : memref<1280xi32, #tpu.memory_space<vmem>>, vector<16xi32>,
      %swap3A_1216 = vector.shape_cast %swap3A_1215 : vector<16xi32> to vector<16xi32>
      %swap3A_1217 = vector.shape_cast %add3A_1213 : vector<16xi32> to vector<16xi32>
      tpu.vector_store %arg15[%swap3A_1214], %swap3A_1217 {strides = array<i32>} : memref<1280xi32, #tpu.memory_space<vmem>>, vector<16xi32>,
      %get3A_1218 = arith.constant 336 : index
      %get3A_1219 = tpu.vector_load %arg15[%get3A_1218] {strides = array<i32>} : memref<1280xi32, #tpu.memory_space<vmem>>, vector<16xi32>,
      %get3A_1220 = vector.shape_cast %get3A_1219 : vector<16xi32> to vector<16xi32>
      %add3A_1221 = vector.broadcast %mul3A_2 : i32 to vector<16xi32>
      %add3A_1222 = arith.addi %get3A_1220, %add3A_1221 : vector<16xi32>
      %swap3A_1223 = arith.constant 336 : index
      %swap3A_1224 = tpu.vector_load %arg15[%swap3A_1223] {strides = array<i32>} : memref<1280xi32, #tpu.memory_space<vmem>>, vector<16xi32>,
      %swap3A_1225 = vector.shape_cast %swap3A_1224 : vector<16xi32> to vector<16xi32>
      %swap3A_1226 = vector.shape_cast %add3A_1222 : vector<16xi32> to vector<16xi32>
      tpu.vector_store %arg15[%swap3A_1223], %swap3A_1226 {strides = array<i32>} : memref<1280xi32, #tpu.memory_space<vmem>>, vector<16xi32>,
      %get3A_1227 = arith.constant 352 : index
      %get3A_1228 = tpu.vector_load %arg15[%get3A_1227] {strides = array<i32>} : memref<1280xi32, #tpu.memory_space<vmem>>, vector<16xi32>,
      %get3A_1229 = vector.shape_cast %get3A_1228 : vector<16xi32> to vector<16xi32>
      %add3A_1230 = vector.broadcast %mul3A_2 : i32 to vector<16xi32>
      %add3A_1231 = arith.addi %get3A_1229, %add3A_1230 : vector<16xi32>
      %swap3A_1232 = arith.constant 352 : index
      %swap3A_1233 = tpu.vector_load %arg15[%swap3A_1232] {strides = array<i32>} : memref<1280xi32, #tpu.memory_space<vmem>>, vector<16xi32>,
      %swap3A_1234 = vector.shape_cast %swap3A_1233 : vector<16xi32> to vector<16xi32>
      %swap3A_1235 = vector.shape_cast %add3A_1231 : vector<16xi32> to vector<16xi32>
      tpu.vector_store %arg15[%swap3A_1232], %swap3A_1235 {strides = array<i32>} : memref<1280xi32, #tpu.memory_space<vmem>>, vector<16xi32>,
      %get3A_1236 = arith.constant 368 : index
      %get3A_1237 = tpu.vector_load %arg15[%get3A_1236] {strides = array<i32>} : memref<1280xi32, #tpu.memory_space<vmem>>, vector<16xi32>,
      %get3A_1238 = vector.shape_cast %get3A_1237 : vector<16xi32> to vector<16xi32>
      %add3A_1239 = vector.broadcast %mul3A_2 : i32 to vector<16xi32>
      %add3A_1240 = arith.addi %get3A_1238, %add3A_1239 : vector<16xi32>
      %swap3A_1241 = arith.constant 368 : index
      %swap3A_1242 = tpu.vector_load %arg15[%swap3A_1241] {strides = array<i32>} : memref<1280xi32, #tpu.memory_space<vmem>>, vector<16xi32>,
      %swap3A_1243 = vector.shape_cast %swap3A_1242 : vector<16xi32> to vector<16xi32>
      %swap3A_1244 = vector.shape_cast %add3A_1240 : vector<16xi32> to vector<16xi32>
      tpu.vector_store %arg15[%swap3A_1241], %swap3A_1244 {strides = array<i32>} : memref<1280xi32, #tpu.memory_space<vmem>>, vector<16xi32>,
      %get3A_1245 = arith.constant 384 : index
      %get3A_1246 = tpu.vector_load %arg15[%get3A_1245] {strides = array<i32>} : memref<1280xi32, #tpu.memory_space<vmem>>, vector<16xi32>,
      %get3A_1247 = vector.shape_cast %get3A_1246 : vector<16xi32> to vector<16xi32>
      %add3A_1248 = vector.broadcast %mul3A_2 : i32 to vector<16xi32>
      %add3A_1249 = arith.addi %get3A_1247, %add3A_1248 : vector<16xi32>
      %swap3A_1250 = arith.constant 384 : index
      %swap3A_1251 = tpu.vector_load %arg15[%swap3A_1250] {strides = array<i32>} : memref<1280xi32, #tpu.memory_space<vmem>>, vector<16xi32>,
      %swap3A_1252 = vector.shape_cast %swap3A_1251 : vector<16xi32> to vector<16xi32>
      %swap3A_1253 = vector.shape_cast %add3A_1249 : vector<16xi32> to vector<16xi32>
      tpu.vector_store %arg15[%swap3A_1250], %swap3A_1253 {strides = array<i32>} : memref<1280xi32, #tpu.memory_space<vmem>>, vector<16xi32>,
      %get3A_1254 = arith.constant 400 : index
      %get3A_1255 = tpu.vector_load %arg15[%get3A_1254] {strides = array<i32>} : memref<1280xi32, #tpu.memory_space<vmem>>, vector<16xi32>,
      %get3A_1256 = vector.shape_cast %get3A_1255 : vector<16xi32> to vector<16xi32>
      %add3A_1257 = vector.broadcast %mul3A_2 : i32 to vector<16xi32>
      %add3A_1258 = arith.addi %get3A_1256, %add3A_1257 : vector<16xi32>
      %swap3A_1259 = arith.constant 400 : index
      %swap3A_1260 = tpu.vector_load %arg15[%swap3A_1259] {strides = array<i32>} : memref<1280xi32, #tpu.memory_space<vmem>>, vector<16xi32>,
      %swap3A_1261 = vector.shape_cast %swap3A_1260 : vector<16xi32> to vector<16xi32>
      %swap3A_1262 = vector.shape_cast %add3A_1258 : vector<16xi32> to vector<16xi32>
      tpu.vector_store %arg15[%swap3A_1259], %swap3A_1262 {strides = array<i32>} : memref<1280xi32, #tpu.memory_space<vmem>>, vector<16xi32>,
      %get3A_1263 = arith.constant 416 : index
      %get3A_1264 = tpu.vector_load %arg15[%get3A_1263] {strides = array<i32>} : memref<1280xi32, #tpu.memory_space<vmem>>, vector<16xi32>,
      %get3A_1265 = vector.shape_cast %get3A_1264 : vector<16xi32> to vector<16xi32>
      %add3A_1266 = vector.broadcast %mul3A_2 : i32 to vector<16xi32>
      %add3A_1267 = arith.addi %get3A_1265, %add3A_1266 : vector<16xi32>
      %swap3A_1268 = arith.constant 416 : index
      %swap3A_1269 = tpu.vector_load %arg15[%swap3A_1268] {strides = array<i32>} : memref<1280xi32, #tpu.memory_space<vmem>>, vector<16xi32>,
      %swap3A_1270 = vector.shape_cast %swap3A_1269 : vector<16xi32> to vector<16xi32>
      %swap3A_1271 = vector.shape_cast %add3A_1267 : vector<16xi32> to vector<16xi32>
      tpu.vector_store %arg15[%swap3A_1268], %swap3A_1271 {strides = array<i32>} : memref<1280xi32, #tpu.memory_space<vmem>>, vector<16xi32>,
      %get3A_1272 = arith.constant 432 : index
      %get3A_1273 = tpu.vector_load %arg15[%get3A_1272] {strides = array<i32>} : memref<1280xi32, #tpu.memory_space<vmem>>, vector<16xi32>,
      %get3A_1274 = vector.shape_cast %get3A_1273 : vector<16xi32> to vector<16xi32>
      %add3A_1275 = vector.broadcast %mul3A_2 : i32 to vector<16xi32>
      %add3A_1276 = arith.addi %get3A_1274, %add3A_1275 : vector<16xi32>
      %swap3A_1277 = arith.constant 432 : index
      %swap3A_1278 = tpu.vector_load %arg15[%swap3A_1277] {strides = array<i32>} : memref<1280xi32, #tpu.memory_space<vmem>>, vector<16xi32>,
      %swap3A_1279 = vector.shape_cast %swap3A_1278 : vector<16xi32> to vector<16xi32>
      %swap3A_1280 = vector.shape_cast %add3A_1276 : vector<16xi32> to vector<16xi32>
      tpu.vector_store %arg15[%swap3A_1277], %swap3A_1280 {strides = array<i32>} : memref<1280xi32, #tpu.memory_space<vmem>>, vector<16xi32>,
      %get3A_1281 = arith.constant 448 : index
      %get3A_1282 = tpu.vector_load %arg15[%get3A_1281] {strides = array<i32>} : memref<1280xi32, #tpu.memory_space<vmem>>, vector<16xi32>,
      %get3A_1283 = vector.shape_cast %get3A_1282 : vector<16xi32> to vector<16xi32>
      %add3A_1284 = vector.broadcast %mul3A_2 : i32 to vector<16xi32>
      %add3A_1285 = arith.addi %get3A_1283, %add3A_1284 : vector<16xi32>
      %swap3A_1286 = arith.constant 448 : index
      %swap3A_1287 = tpu.vector_load %arg15[%swap3A_1286] {strides = array<i32>} : memref<1280xi32, #tpu.memory_space<vmem>>, vector<16xi32>,
      %swap3A_1288 = vector.shape_cast %swap3A_1287 : vector<16xi32> to vector<16xi32>
      %swap3A_1289 = vector.shape_cast %add3A_1285 : vector<16xi32> to vector<16xi32>
      tpu.vector_store %arg15[%swap3A_1286], %swap3A_1289 {strides = array<i32>} : memref<1280xi32, #tpu.memory_space<vmem>>, vector<16xi32>,
      %get3A_1290 = arith.constant 464 : index
      %get3A_1291 = tpu.vector_load %arg15[%get3A_1290] {strides = array<i32>} : memref<1280xi32, #tpu.memory_space<vmem>>, vector<16xi32>,
      %get3A_1292 = vector.shape_cast %get3A_1291 : vector<16xi32> to vector<16xi32>
      %add3A_1293 = vector.broadcast %mul3A_2 : i32 to vector<16xi32>
      %add3A_1294 = arith.addi %get3A_1292, %add3A_1293 : vector<16xi32>
      %swap3A_1295 = arith.constant 464 : index
      %swap3A_1296 = tpu.vector_load %arg15[%swap3A_1295] {strides = array<i32>} : memref<1280xi32, #tpu.memory_space<vmem>>, vector<16xi32>,
      %swap3A_1297 = vector.shape_cast %swap3A_1296 : vector<16xi32> to vector<16xi32>
      %swap3A_1298 = vector.shape_cast %add3A_1294 : vector<16xi32> to vector<16xi32>
      tpu.vector_store %arg15[%swap3A_1295], %swap3A_1298 {strides = array<i32>} : memref<1280xi32, #tpu.memory_space<vmem>>, vector<16xi32>,
      %get3A_1299 = arith.constant 480 : index
      %get3A_1300 = tpu.vector_load %arg15[%get3A_1299] {strides = array<i32>} : memref<1280xi32, #tpu.memory_space<vmem>>, vector<16xi32>,
      %get3A_1301 = vector.shape_cast %get3A_1300 : vector<16xi32> to vector<16xi32>
      %add3A_1302 = vector.broadcast %mul3A_2 : i32 to vector<16xi32>
      %add3A_1303 = arith.addi %get3A_1301, %add3A_1302 : vector<16xi32>
      %swap3A_1304 = arith.constant 480 : index
      %swap3A_1305 = tpu.vector_load %arg15[%swap3A_1304] {strides = array<i32>} : memref<1280xi32, #tpu.memory_space<vmem>>, vector<16xi32>,
      %swap3A_1306 = vector.shape_cast %swap3A_1305 : vector<16xi32> to vector<16xi32>
      %swap3A_1307 = vector.shape_cast %add3A_1303 : vector<16xi32> to vector<16xi32>
      tpu.vector_store %arg15[%swap3A_1304], %swap3A_1307 {strides = array<i32>} : memref<1280xi32, #tpu.memory_space<vmem>>, vector<16xi32>,
      %get3A_1308 = arith.constant 496 : index
      %get3A_1309 = tpu.vector_load %arg15[%get3A_1308] {strides = array<i32>} : memref<1280xi32, #tpu.memory_space<vmem>>, vector<16xi32>,
      %get3A_1310 = vector.shape_cast %get3A_1309 : vector<16xi32> to vector<16xi32>
      %add3A_1311 = vector.broadcast %mul3A_2 : i32 to vector<16xi32>
      %add3A_1312 = arith.addi %get3A_1310, %add3A_1311 : vector<16xi32>
      %swap3A_1313 = arith.constant 496 : index
      %swap3A_1314 = tpu.vector_load %arg15[%swap3A_1313] {strides = array<i32>} : memref<1280xi32, #tpu.memory_space<vmem>>, vector<16xi32>,
      %swap3A_1315 = vector.shape_cast %swap3A_1314 : vector<16xi32> to vector<16xi32>
      %swap3A_1316 = vector.shape_cast %add3A_1312 : vector<16xi32> to vector<16xi32>
      tpu.vector_store %arg15[%swap3A_1313], %swap3A_1316 {strides = array<i32>} : memref<1280xi32, #tpu.memory_space<vmem>>, vector<16xi32>,
      %get3A_1317 = arith.constant 512 : index
      %get3A_1318 = tpu.vector_load %arg15[%get3A_1317] {strides = array<i32>} : memref<1280xi32, #tpu.memory_space<vmem>>, vector<16xi32>,
      %get3A_1319 = vector.shape_cast %get3A_1318 : vector<16xi32> to vector<16xi32>
      %add3A_1320 = vector.broadcast %mul3A_2 : i32 to vector<16xi32>
      %add3A_1321 = arith.addi %get3A_1319, %add3A_1320 : vector<16xi32>
      %swap3A_1322 = arith.constant 512 : index
      %swap3A_1323 = tpu.vector_load %arg15[%swap3A_1322] {strides = array<i32>} : memref<1280xi32, #tpu.memory_space<vmem>>, vector<16xi32>,
      %swap3A_1324 = vector.shape_cast %swap3A_1323 : vector<16xi32> to vector<16xi32>
      %swap3A_1325 = vector.shape_cast %add3A_1321 : vector<16xi32> to vector<16xi32>
      tpu.vector_store %arg15[%swap3A_1322], %swap3A_1325 {strides = array<i32>} : memref<1280xi32, #tpu.memory_space<vmem>>, vector<16xi32>,
      %get3A_1326 = arith.constant 528 : index
      %get3A_1327 = tpu.vector_load %arg15[%get3A_1326] {strides = array<i32>} : memref<1280xi32, #tpu.memory_space<vmem>>, vector<16xi32>,
      %get3A_1328 = vector.shape_cast %get3A_1327 : vector<16xi32> to vector<16xi32>
      %add3A_1329 = vector.broadcast %mul3A_2 : i32 to vector<16xi32>
      %add3A_1330 = arith.addi %get3A_1328, %add3A_1329 : vector<16xi32>
      %swap3A_1331 = arith.constant 528 : index
      %swap3A_1332 = tpu.vector_load %arg15[%swap3A_1331] {strides = array<i32>} : memref<1280xi32, #tpu.memory_space<vmem>>, vector<16xi32>,
      %swap3A_1333 = vector.shape_cast %swap3A_1332 : vector<16xi32> to vector<16xi32>
      %swap3A_1334 = vector.shape_cast %add3A_1330 : vector<16xi32> to vector<16xi32>
      tpu.vector_store %arg15[%swap3A_1331], %swap3A_1334 {strides = array<i32>} : memref<1280xi32, #tpu.memory_space<vmem>>, vector<16xi32>,
      %get3A_1335 = arith.constant 544 : index
      %get3A_1336 = tpu.vector_load %arg15[%get3A_1335] {strides = array<i32>} : memref<1280xi32, #tpu.memory_space<vmem>>, vector<16xi32>,
      %get3A_1337 = vector.shape_cast %get3A_1336 : vector<16xi32> to vector<16xi32>
      %add3A_1338 = vector.broadcast %mul3A_2 : i32 to vector<16xi32>
      %add3A_1339 = arith.addi %get3A_1337, %add3A_1338 : vector<16xi32>
      %swap3A_1340 = arith.constant 544 : index
      %swap3A_1341 = tpu.vector_load %arg15[%swap3A_1340] {strides = array<i32>} : memref<1280xi32, #tpu.memory_space<vmem>>, vector<16xi32>,
      %swap3A_1342 = vector.shape_cast %swap3A_1341 : vector<16xi32> to vector<16xi32>
      %swap3A_1343 = vector.shape_cast %add3A_1339 : vector<16xi32> to vector<16xi32>
      tpu.vector_store %arg15[%swap3A_1340], %swap3A_1343 {strides = array<i32>} : memref<1280xi32, #tpu.memory_space<vmem>>, vector<16xi32>,
      %get3A_1344 = arith.constant 560 : index
      %get3A_1345 = tpu.vector_load %arg15[%get3A_1344] {strides = array<i32>} : memref<1280xi32, #tpu.memory_space<vmem>>, vector<16xi32>,
      %get3A_1346 = vector.shape_cast %get3A_1345 : vector<16xi32> to vector<16xi32>
      %add3A_1347 = vector.broadcast %mul3A_2 : i32 to vector<16xi32>
      %add3A_1348 = arith.addi %get3A_1346, %add3A_1347 : vector<16xi32>
      %swap3A_1349 = arith.constant 560 : index
      %swap3A_1350 = tpu.vector_load %arg15[%swap3A_1349] {strides = array<i32>} : memref<1280xi32, #tpu.memory_space<vmem>>, vector<16xi32>,
      %swap3A_1351 = vector.shape_cast %swap3A_1350 : vector<16xi32> to vector<16xi32>
      %swap3A_1352 = vector.shape_cast %add3A_1348 : vector<16xi32> to vector<16xi32>
      tpu.vector_store %arg15[%swap3A_1349], %swap3A_1352 {strides = array<i32>} : memref<1280xi32, #tpu.memory_space<vmem>>, vector<16xi32>,
      %get3A_1353 = arith.constant 576 : index
      %get3A_1354 = tpu.vector_load %arg15[%get3A_1353] {strides = array<i32>} : memref<1280xi32, #tpu.memory_space<vmem>>, vector<16xi32>,
      %get3A_1355 = vector.shape_cast %get3A_1354 : vector<16xi32> to vector<16xi32>
      %add3A_1356 = vector.broadcast %mul3A_2 : i32 to vector<16xi32>
      %add3A_1357 = arith.addi %get3A_1355, %add3A_1356 : vector<16xi32>
      %swap3A_1358 = arith.constant 576 : index
      %swap3A_1359 = tpu.vector_load %arg15[%swap3A_1358] {strides = array<i32>} : memref<1280xi32, #tpu.memory_space<vmem>>, vector<16xi32>,
      %swap3A_1360 = vector.shape_cast %swap3A_1359 : vector<16xi32> to vector<16xi32>
      %swap3A_1361 = vector.shape_cast %add3A_1357 : vector<16xi32> to vector<16xi32>
      tpu.vector_store %arg15[%swap3A_1358], %swap3A_1361 {strides = array<i32>} : memref<1280xi32, #tpu.memory_space<vmem>>, vector<16xi32>,
      %get3A_1362 = arith.constant 592 : index
      %get3A_1363 = tpu.vector_load %arg15[%get3A_1362] {strides = array<i32>} : memref<1280xi32, #tpu.memory_space<vmem>>, vector<16xi32>,
      %get3A_1364 = vector.shape_cast %get3A_1363 : vector<16xi32> to vector<16xi32>
      %add3A_1365 = vector.broadcast %mul3A_2 : i32 to vector<16xi32>
      %add3A_1366 = arith.addi %get3A_1364, %add3A_1365 : vector<16xi32>
      %swap3A_1367 = arith.constant 592 : index
      %swap3A_1368 = tpu.vector_load %arg15[%swap3A_1367] {strides = array<i32>} : memref<1280xi32, #tpu.memory_space<vmem>>, vector<16xi32>,
      %swap3A_1369 = vector.shape_cast %swap3A_1368 : vector<16xi32> to vector<16xi32>
      %swap3A_1370 = vector.shape_cast %add3A_1366 : vector<16xi32> to vector<16xi32>
      tpu.vector_store %arg15[%swap3A_1367], %swap3A_1370 {strides = array<i32>} : memref<1280xi32, #tpu.memory_space<vmem>>, vector<16xi32>,
      %get3A_1371 = arith.constant 608 : index
      %get3A_1372 = tpu.vector_load %arg15[%get3A_1371] {strides = array<i32>} : memref<1280xi32, #tpu.memory_space<vmem>>, vector<16xi32>,
      %get3A_1373 = vector.shape_cast %get3A_1372 : vector<16xi32> to vector<16xi32>
      %add3A_1374 = vector.broadcast %mul3A_2 : i32 to vector<16xi32>
      %add3A_1375 = arith.addi %get3A_1373, %add3A_1374 : vector<16xi32>
      %swap3A_1376 = arith.constant 608 : index
      %swap3A_1377 = tpu.vector_load %arg15[%swap3A_1376] {strides = array<i32>} : memref<1280xi32, #tpu.memory_space<vmem>>, vector<16xi32>,
      %swap3A_1378 = vector.shape_cast %swap3A_1377 : vector<16xi32> to vector<16xi32>
      %swap3A_1379 = vector.shape_cast %add3A_1375 : vector<16xi32> to vector<16xi32>
      tpu.vector_store %arg15[%swap3A_1376], %swap3A_1379 {strides = array<i32>} : memref<1280xi32, #tpu.memory_space<vmem>>, vector<16xi32>,
      %get3A_1380 = arith.constant 624 : index
      %get3A_1381 = tpu.vector_load %arg15[%get3A_1380] {strides = array<i32>} : memref<1280xi32, #tpu.memory_space<vmem>>, vector<16xi32>,
      %get3A_1382 = vector.shape_cast %get3A_1381 : vector<16xi32> to vector<16xi32>
      %add3A_1383 = vector.broadcast %mul3A_2 : i32 to vector<16xi32>
      %add3A_1384 = arith.addi %get3A_1382, %add3A_1383 : vector<16xi32>
      %swap3A_1385 = arith.constant 624 : index
      %swap3A_1386 = tpu.vector_load %arg15[%swap3A_1385] {strides = array<i32>} : memref<1280xi32, #tpu.memory_space<vmem>>, vector<16xi32>,
      %swap3A_1387 = vector.shape_cast %swap3A_1386 : vector<16xi32> to vector<16xi32>
      %swap3A_1388 = vector.shape_cast %add3A_1384 : vector<16xi32> to vector<16xi32>
      tpu.vector_store %arg15[%swap3A_1385], %swap3A_1388 {strides = array<i32>} : memref<1280xi32, #tpu.memory_space<vmem>>, vector<16xi32>,
      %get3A_1389 = arith.constant 640 : index
      %get3A_1390 = tpu.vector_load %arg15[%get3A_1389] {strides = array<i32>} : memref<1280xi32, #tpu.memory_space<vmem>>, vector<16xi32>,
      %get3A_1391 = vector.shape_cast %get3A_1390 : vector<16xi32> to vector<16xi32>
      %add3A_1392 = arith.constant 200 : i32
      %add3A_1393 = arith.addi %mul3A_2, %add3A_1392 : i32
      %add3A_1394 = vector.broadcast %add3A_1393 : i32 to vector<16xi32>
      %add3A_1395 = arith.addi %get3A_1391, %add3A_1394 : vector<16xi32>
      %swap3A_1396 = arith.constant 640 : index
      %swap3A_1397 = tpu.vector_load %arg15[%swap3A_1396] {strides = array<i32>} : memref<1280xi32, #tpu.memory_space<vmem>>, vector<16xi32>,
      %swap3A_1398 = vector.shape_cast %swap3A_1397 : vector<16xi32> to vector<16xi32>
      %swap3A_1399 = vector.shape_cast %add3A_1395 : vector<16xi32> to vector<16xi32>
      tpu.vector_store %arg15[%swap3A_1396], %swap3A_1399 {strides = array<i32>} : memref<1280xi32, #tpu.memory_space<vmem>>, vector<16xi32>,
      %get3A_1400 = arith.constant 656 : index
      %get3A_1401 = tpu.vector_load %arg15[%get3A_1400] {strides = array<i32>} : memref<1280xi32, #tpu.memory_space<vmem>>, vector<16xi32>,
      %get3A_1402 = vector.shape_cast %get3A_1401 : vector<16xi32> to vector<16xi32>
      %add3A_1403 = arith.constant 200 : i32
      %add3A_1404 = arith.addi %mul3A_2, %add3A_1403 : i32
      %add3A_1405 = vector.broadcast %add3A_1404 : i32 to vector<16xi32>
      %add3A_1406 = arith.addi %get3A_1402, %add3A_1405 : vector<16xi32>
      %swap3A_1407 = arith.constant 656 : index
      %swap3A_1408 = tpu.vector_load %arg15[%swap3A_1407] {strides = array<i32>} : memref<1280xi32, #tpu.memory_space<vmem>>, vector<16xi32>,
      %swap3A_1409 = vector.shape_cast %swap3A_1408 : vector<16xi32> to vector<16xi32>
      %swap3A_1410 = vector.shape_cast %add3A_1406 : vector<16xi32> to vector<16xi32>
      tpu.vector_store %arg15[%swap3A_1407], %swap3A_1410 {strides = array<i32>} : memref<1280xi32, #tpu.memory_space<vmem>>, vector<16xi32>,
      %get3A_1411 = arith.constant 672 : index
      %get3A_1412 = tpu.vector_load %arg15[%get3A_1411] {strides = array<i32>} : memref<1280xi32, #tpu.memory_space<vmem>>, vector<16xi32>,
      %get3A_1413 = vector.shape_cast %get3A_1412 : vector<16xi32> to vector<16xi32>
      %add3A_1414 = arith.constant 200 : i32
      %add3A_1415 = arith.addi %mul3A_2, %add3A_1414 : i32
      %add3A_1416 = vector.broadcast %add3A_1415 : i32 to vector<16xi32>
      %add3A_1417 = arith.addi %get3A_1413, %add3A_1416 : vector<16xi32>
      %swap3A_1418 = arith.constant 672 : index
      %swap3A_1419 = tpu.vector_load %arg15[%swap3A_1418] {strides = array<i32>} : memref<1280xi32, #tpu.memory_space<vmem>>, vector<16xi32>,
      %swap3A_1420 = vector.shape_cast %swap3A_1419 : vector<16xi32> to vector<16xi32>
      %swap3A_1421 = vector.shape_cast %add3A_1417 : vector<16xi32> to vector<16xi32>
      tpu.vector_store %arg15[%swap3A_1418], %swap3A_1421 {strides = array<i32>} : memref<1280xi32, #tpu.memory_space<vmem>>, vector<16xi32>,
      %get3A_1422 = arith.constant 688 : index
      %get3A_1423 = tpu.vector_load %arg15[%get3A_1422] {strides = array<i32>} : memref<1280xi32, #tpu.memory_space<vmem>>, vector<16xi32>,
      %get3A_1424 = vector.shape_cast %get3A_1423 : vector<16xi32> to vector<16xi32>
      %add3A_1425 = arith.constant 200 : i32
      %add3A_1426 = arith.addi %mul3A_2, %add3A_1425 : i32
      %add3A_1427 = vector.broadcast %add3A_1426 : i32 to vector<16xi32>
      %add3A_1428 = arith.addi %get3A_1424, %add3A_1427 : vector<16xi32>
      %swap3A_1429 = arith.constant 688 : index
      %swap3A_1430 = tpu.vector_load %arg15[%swap3A_1429] {strides = array<i32>} : memref<1280xi32, #tpu.memory_space<vmem>>, vector<16xi32>,
      %swap3A_1431 = vector.shape_cast %swap3A_1430 : vector<16xi32> to vector<16xi32>
      %swap3A_1432 = vector.shape_cast %add3A_1428 : vector<16xi32> to vector<16xi32>
      tpu.vector_store %arg15[%swap3A_1429], %swap3A_1432 {strides = array<i32>} : memref<1280xi32, #tpu.memory_space<vmem>>, vector<16xi32>,
      %get3A_1433 = arith.constant 704 : index
      %get3A_1434 = tpu.vector_load %arg15[%get3A_1433] {strides = array<i32>} : memref<1280xi32, #tpu.memory_space<vmem>>, vector<16xi32>,
      %get3A_1435 = vector.shape_cast %get3A_1434 : vector<16xi32> to vector<16xi32>
      %add3A_1436 = arith.constant 200 : i32
      %add3A_1437 = arith.addi %mul3A_2, %add3A_1436 : i32
      %add3A_1438 = vector.broadcast %add3A_1437 : i32 to vector<16xi32>
      %add3A_1439 = arith.addi %get3A_1435, %add3A_1438 : vector<16xi32>
      %swap3A_1440 = arith.constant 704 : index
      %swap3A_1441 = tpu.vector_load %arg15[%swap3A_1440] {strides = array<i32>} : memref<1280xi32, #tpu.memory_space<vmem>>, vector<16xi32>,
      %swap3A_1442 = vector.shape_cast %swap3A_1441 : vector<16xi32> to vector<16xi32>
      %swap3A_1443 = vector.shape_cast %add3A_1439 : vector<16xi32> to vector<16xi32>
      tpu.vector_store %arg15[%swap3A_1440], %swap3A_1443 {strides = array<i32>} : memref<1280xi32, #tpu.memory_space<vmem>>, vector<16xi32>,
      %get3A_1444 = arith.constant 720 : index
      %get3A_1445 = tpu.vector_load %arg15[%get3A_1444] {strides = array<i32>} : memref<1280xi32, #tpu.memory_space<vmem>>, vector<16xi32>,
      %get3A_1446 = vector.shape_cast %get3A_1445 : vector<16xi32> to vector<16xi32>
      %add3A_1447 = arith.constant 200 : i32
      %add3A_1448 = arith.addi %mul3A_2, %add3A_1447 : i32
      %add3A_1449 = vector.broadcast %add3A_1448 : i32 to vector<16xi32>
      %add3A_1450 = arith.addi %get3A_1446, %add3A_1449 : vector<16xi32>
      %swap3A_1451 = arith.constant 720 : index
      %swap3A_1452 = tpu.vector_load %arg15[%swap3A_1451] {strides = array<i32>} : memref<1280xi32, #tpu.memory_space<vmem>>, vector<16xi32>,
      %swap3A_1453 = vector.shape_cast %swap3A_1452 : vector<16xi32> to vector<16xi32>
      %swap3A_1454 = vector.shape_cast %add3A_1450 : vector<16xi32> to vector<16xi32>
      tpu.vector_store %arg15[%swap3A_1451], %swap3A_1454 {strides = array<i32>} : memref<1280xi32, #tpu.memory_space<vmem>>, vector<16xi32>,
      %get3A_1455 = arith.constant 736 : index
      %get3A_1456 = tpu.vector_load %arg15[%get3A_1455] {strides = array<i32>} : memref<1280xi32, #tpu.memory_space<vmem>>, vector<16xi32>,
      %get3A_1457 = vector.shape_cast %get3A_1456 : vector<16xi32> to vector<16xi32>
      %add3A_1458 = arith.constant 200 : i32
      %add3A_1459 = arith.addi %mul3A_2, %add3A_1458 : i32
      %add3A_1460 = vector.broadcast %add3A_1459 : i32 to vector<16xi32>
      %add3A_1461 = arith.addi %get3A_1457, %add3A_1460 : vector<16xi32>
      %swap3A_1462 = arith.constant 736 : index
      %swap3A_1463 = tpu.vector_load %arg15[%swap3A_1462] {strides = array<i32>} : memref<1280xi32, #tpu.memory_space<vmem>>, vector<16xi32>,
      %swap3A_1464 = vector.shape_cast %swap3A_1463 : vector<16xi32> to vector<16xi32>
      %swap3A_1465 = vector.shape_cast %add3A_1461 : vector<16xi32> to vector<16xi32>
      tpu.vector_store %arg15[%swap3A_1462], %swap3A_1465 {strides = array<i32>} : memref<1280xi32, #tpu.memory_space<vmem>>, vector<16xi32>,
      %get3A_1466 = arith.constant 752 : index
      %get3A_1467 = tpu.vector_load %arg15[%get3A_1466] {strides = array<i32>} : memref<1280xi32, #tpu.memory_space<vmem>>, vector<16xi32>,
      %get3A_1468 = vector.shape_cast %get3A_1467 : vector<16xi32> to vector<16xi32>
      %add3A_1469 = arith.constant 200 : i32
      %add3A_1470 = arith.addi %mul3A_2, %add3A_1469 : i32
      %add3A_1471 = vector.broadcast %add3A_1470 : i32 to vector<16xi32>
      %add3A_1472 = arith.addi %get3A_1468, %add3A_1471 : vector<16xi32>
      %swap3A_1473 = arith.constant 752 : index
      %swap3A_1474 = tpu.vector_load %arg15[%swap3A_1473] {strides = array<i32>} : memref<1280xi32, #tpu.memory_space<vmem>>, vector<16xi32>,
      %swap3A_1475 = vector.shape_cast %swap3A_1474 : vector<16xi32> to vector<16xi32>
      %swap3A_1476 = vector.shape_cast %add3A_1472 : vector<16xi32> to vector<16xi32>
      tpu.vector_store %arg15[%swap3A_1473], %swap3A_1476 {strides = array<i32>} : memref<1280xi32, #tpu.memory_space<vmem>>, vector<16xi32>,
      %get3A_1477 = arith.constant 768 : index
      %get3A_1478 = tpu.vector_load %arg15[%get3A_1477] {strides = array<i32>} : memref<1280xi32, #tpu.memory_space<vmem>>, vector<16xi32>,
      %get3A_1479 = vector.shape_cast %get3A_1478 : vector<16xi32> to vector<16xi32>
      %add3A_1480 = arith.constant 200 : i32
      %add3A_1481 = arith.addi %mul3A_2, %add3A_1480 : i32
      %add3A_1482 = vector.broadcast %add3A_1481 : i32 to vector<16xi32>
      %add3A_1483 = arith.addi %get3A_1479, %add3A_1482 : vector<16xi32>
      %swap3A_1484 = arith.constant 768 : index
      %swap3A_1485 = tpu.vector_load %arg15[%swap3A_1484] {strides = array<i32>} : memref<1280xi32, #tpu.memory_space<vmem>>, vector<16xi32>,
      %swap3A_1486 = vector.shape_cast %swap3A_1485 : vector<16xi32> to vector<16xi32>
      %swap3A_1487 = vector.shape_cast %add3A_1483 : vector<16xi32> to vector<16xi32>
      tpu.vector_store %arg15[%swap3A_1484], %swap3A_1487 {strides = array<i32>} : memref<1280xi32, #tpu.memory_space<vmem>>, vector<16xi32>,
      %get3A_1488 = arith.constant 784 : index
      %get3A_1489 = tpu.vector_load %arg15[%get3A_1488] {strides = array<i32>} : memref<1280xi32, #tpu.memory_space<vmem>>, vector<16xi32>,
      %get3A_1490 = vector.shape_cast %get3A_1489 : vector<16xi32> to vector<16xi32>
      %add3A_1491 = arith.constant 200 : i32
      %add3A_1492 = arith.addi %mul3A_2, %add3A_1491 : i32
      %add3A_1493 = vector.broadcast %add3A_1492 : i32 to vector<16xi32>
      %add3A_1494 = arith.addi %get3A_1490, %add3A_1493 : vector<16xi32>
      %swap3A_1495 = arith.constant 784 : index
      %swap3A_1496 = tpu.vector_load %arg15[%swap3A_1495] {strides = array<i32>} : memref<1280xi32, #tpu.memory_space<vmem>>, vector<16xi32>,
      %swap3A_1497 = vector.shape_cast %swap3A_1496 : vector<16xi32> to vector<16xi32>
      %swap3A_1498 = vector.shape_cast %add3A_1494 : vector<16xi32> to vector<16xi32>
      tpu.vector_store %arg15[%swap3A_1495], %swap3A_1498 {strides = array<i32>} : memref<1280xi32, #tpu.memory_space<vmem>>, vector<16xi32>,
      %get3A_1499 = arith.constant 800 : index
      %get3A_1500 = tpu.vector_load %arg15[%get3A_1499] {strides = array<i32>} : memref<1280xi32, #tpu.memory_space<vmem>>, vector<16xi32>,
      %get3A_1501 = vector.shape_cast %get3A_1500 : vector<16xi32> to vector<16xi32>
      %add3A_1502 = arith.constant 200 : i32
      %add3A_1503 = arith.addi %mul3A_2, %add3A_1502 : i32
      %add3A_1504 = vector.broadcast %add3A_1503 : i32 to vector<16xi32>
      %add3A_1505 = arith.addi %get3A_1501, %add3A_1504 : vector<16xi32>
      %swap3A_1506 = arith.constant 800 : index
      %swap3A_1507 = tpu.vector_load %arg15[%swap3A_1506] {strides = array<i32>} : memref<1280xi32, #tpu.memory_space<vmem>>, vector<16xi32>,
      %swap3A_1508 = vector.shape_cast %swap3A_1507 : vector<16xi32> to vector<16xi32>
      %swap3A_1509 = vector.shape_cast %add3A_1505 : vector<16xi32> to vector<16xi32>
      tpu.vector_store %arg15[%swap3A_1506], %swap3A_1509 {strides = array<i32>} : memref<1280xi32, #tpu.memory_space<vmem>>, vector<16xi32>,
      %get3A_1510 = arith.constant 816 : index
      %get3A_1511 = tpu.vector_load %arg15[%get3A_1510] {strides = array<i32>} : memref<1280xi32, #tpu.memory_space<vmem>>, vector<16xi32>,
      %get3A_1512 = vector.shape_cast %get3A_1511 : vector<16xi32> to vector<16xi32>
      %add3A_1513 = arith.constant 200 : i32
      %add3A_1514 = arith.addi %mul3A_2, %add3A_1513 : i32
      %add3A_1515 = vector.broadcast %add3A_1514 : i32 to vector<16xi32>
      %add3A_1516 = arith.addi %get3A_1512, %add3A_1515 : vector<16xi32>
      %swap3A_1517 = arith.constant 816 : index
      %swap3A_1518 = tpu.vector_load %arg15[%swap3A_1517] {strides = array<i32>} : memref<1280xi32, #tpu.memory_space<vmem>>, vector<16xi32>,
      %swap3A_1519 = vector.shape_cast %swap3A_1518 : vector<16xi32> to vector<16xi32>
      %swap3A_1520 = vector.shape_cast %add3A_1516 : vector<16xi32> to vector<16xi32>
      tpu.vector_store %arg15[%swap3A_1517], %swap3A_1520 {strides = array<i32>} : memref<1280xi32, #tpu.memory_space<vmem>>, vector<16xi32>,
      %get3A_1521 = arith.constant 832 : index
      %get3A_1522 = tpu.vector_load %arg15[%get3A_1521] {strides = array<i32>} : memref<1280xi32, #tpu.memory_space<vmem>>, vector<16xi32>,
      %get3A_1523 = vector.shape_cast %get3A_1522 : vector<16xi32> to vector<16xi32>
      %add3A_1524 = arith.constant 200 : i32
      %add3A_1525 = arith.addi %mul3A_2, %add3A_1524 : i32
      %add3A_1526 = vector.broadcast %add3A_1525 : i32 to vector<16xi32>
      %add3A_1527 = arith.addi %get3A_1523, %add3A_1526 : vector<16xi32>
      %swap3A_1528 = arith.constant 832 : index
      %swap3A_1529 = tpu.vector_load %arg15[%swap3A_1528] {strides = array<i32>} : memref<1280xi32, #tpu.memory_space<vmem>>, vector<16xi32>,
      %swap3A_1530 = vector.shape_cast %swap3A_1529 : vector<16xi32> to vector<16xi32>
      %swap3A_1531 = vector.shape_cast %add3A_1527 : vector<16xi32> to vector<16xi32>
      tpu.vector_store %arg15[%swap3A_1528], %swap3A_1531 {strides = array<i32>} : memref<1280xi32, #tpu.memory_space<vmem>>, vector<16xi32>,
      %get3A_1532 = arith.constant 848 : index
      %get3A_1533 = tpu.vector_load %arg15[%get3A_1532] {strides = array<i32>} : memref<1280xi32, #tpu.memory_space<vmem>>, vector<16xi32>,
      %get3A_1534 = vector.shape_cast %get3A_1533 : vector<16xi32> to vector<16xi32>
      %add3A_1535 = arith.constant 200 : i32
      %add3A_1536 = arith.addi %mul3A_2, %add3A_1535 : i32
      %add3A_1537 = vector.broadcast %add3A_1536 : i32 to vector<16xi32>
      %add3A_1538 = arith.addi %get3A_1534, %add3A_1537 : vector<16xi32>
      %swap3A_1539 = arith.constant 848 : index
      %swap3A_1540 = tpu.vector_load %arg15[%swap3A_1539] {strides = array<i32>} : memref<1280xi32, #tpu.memory_space<vmem>>, vector<16xi32>,
      %swap3A_1541 = vector.shape_cast %swap3A_1540 : vector<16xi32> to vector<16xi32>
      %swap3A_1542 = vector.shape_cast %add3A_1538 : vector<16xi32> to vector<16xi32>
      tpu.vector_store %arg15[%swap3A_1539], %swap3A_1542 {strides = array<i32>} : memref<1280xi32, #tpu.memory_space<vmem>>, vector<16xi32>,
      %get3A_1543 = arith.constant 864 : index
      %get3A_1544 = tpu.vector_load %arg15[%get3A_1543] {strides = array<i32>} : memref<1280xi32, #tpu.memory_space<vmem>>, vector<16xi32>,
      %get3A_1545 = vector.shape_cast %get3A_1544 : vector<16xi32> to vector<16xi32>
      %add3A_1546 = arith.constant 200 : i32
      %add3A_1547 = arith.addi %mul3A_2, %add3A_1546 : i32
      %add3A_1548 = vector.broadcast %add3A_1547 : i32 to vector<16xi32>
      %add3A_1549 = arith.addi %get3A_1545, %add3A_1548 : vector<16xi32>
      %swap3A_1550 = arith.constant 864 : index
      %swap3A_1551 = tpu.vector_load %arg15[%swap3A_1550] {strides = array<i32>} : memref<1280xi32, #tpu.memory_space<vmem>>, vector<16xi32>,
      %swap3A_1552 = vector.shape_cast %swap3A_1551 : vector<16xi32> to vector<16xi32>
      %swap3A_1553 = vector.shape_cast %add3A_1549 : vector<16xi32> to vector<16xi32>
      tpu.vector_store %arg15[%swap3A_1550], %swap3A_1553 {strides = array<i32>} : memref<1280xi32, #tpu.memory_space<vmem>>, vector<16xi32>,
      %get3A_1554 = arith.constant 880 : index
      %get3A_1555 = tpu.vector_load %arg15[%get3A_1554] {strides = array<i32>} : memref<1280xi32, #tpu.memory_space<vmem>>, vector<16xi32>,
      %get3A_1556 = vector.shape_cast %get3A_1555 : vector<16xi32> to vector<16xi32>
      %add3A_1557 = arith.constant 200 : i32
      %add3A_1558 = arith.addi %mul3A_2, %add3A_1557 : i32
      %add3A_1559 = vector.broadcast %add3A_1558 : i32 to vector<16xi32>
      %add3A_1560 = arith.addi %get3A_1556, %add3A_1559 : vector<16xi32>
      %swap3A_1561 = arith.constant 880 : index
      %swap3A_1562 = tpu.vector_load %arg15[%swap3A_1561] {strides = array<i32>} : memref<1280xi32, #tpu.memory_space<vmem>>, vector<16xi32>,
      %swap3A_1563 = vector.shape_cast %swap3A_1562 : vector<16xi32> to vector<16xi32>
      %swap3A_1564 = vector.shape_cast %add3A_1560 : vector<16xi32> to vector<16xi32>
      tpu.vector_store %arg15[%swap3A_1561], %swap3A_1564 {strides = array<i32>} : memref<1280xi32, #tpu.memory_space<vmem>>, vector<16xi32>,
      %get3A_1565 = arith.constant 896 : index
      %get3A_1566 = tpu.vector_load %arg15[%get3A_1565] {strides = array<i32>} : memref<1280xi32, #tpu.memory_space<vmem>>, vector<16xi32>,
      %get3A_1567 = vector.shape_cast %get3A_1566 : vector<16xi32> to vector<16xi32>
      %add3A_1568 = arith.constant 200 : i32
      %add3A_1569 = arith.addi %mul3A_2, %add3A_1568 : i32
      %add3A_1570 = vector.broadcast %add3A_1569 : i32 to vector<16xi32>
      %add3A_1571 = arith.addi %get3A_1567, %add3A_1570 : vector<16xi32>
      %swap3A_1572 = arith.constant 896 : index
      %swap3A_1573 = tpu.vector_load %arg15[%swap3A_1572] {strides = array<i32>} : memref<1280xi32, #tpu.memory_space<vmem>>, vector<16xi32>,
      %swap3A_1574 = vector.shape_cast %swap3A_1573 : vector<16xi32> to vector<16xi32>
      %swap3A_1575 = vector.shape_cast %add3A_1571 : vector<16xi32> to vector<16xi32>
      tpu.vector_store %arg15[%swap3A_1572], %swap3A_1575 {strides = array<i32>} : memref<1280xi32, #tpu.memory_space<vmem>>, vector<16xi32>,
      %get3A_1576 = arith.constant 912 : index
      %get3A_1577 = tpu.vector_load %arg15[%get3A_1576] {strides = array<i32>} : memref<1280xi32, #tpu.memory_space<vmem>>, vector<16xi32>,
      %get3A_1578 = vector.shape_cast %get3A_1577 : vector<16xi32> to vector<16xi32>
      %add3A_1579 = arith.constant 200 : i32
      %add3A_1580 = arith.addi %mul3A_2, %add3A_1579 : i32
      %add3A_1581 = vector.broadcast %add3A_1580 : i32 to vector<16xi32>
      %add3A_1582 = arith.addi %get3A_1578, %add3A_1581 : vector<16xi32>
      %swap3A_1583 = arith.constant 912 : index
      %swap3A_1584 = tpu.vector_load %arg15[%swap3A_1583] {strides = array<i32>} : memref<1280xi32, #tpu.memory_space<vmem>>, vector<16xi32>,
      %swap3A_1585 = vector.shape_cast %swap3A_1584 : vector<16xi32> to vector<16xi32>
      %swap3A_1586 = vector.shape_cast %add3A_1582 : vector<16xi32> to vector<16xi32>
      tpu.vector_store %arg15[%swap3A_1583], %swap3A_1586 {strides = array<i32>} : memref<1280xi32, #tpu.memory_space<vmem>>, vector<16xi32>,
      %get3A_1587 = arith.constant 928 : index
      %get3A_1588 = tpu.vector_load %arg15[%get3A_1587] {strides = array<i32>} : memref<1280xi32, #tpu.memory_space<vmem>>, vector<16xi32>,
      %get3A_1589 = vector.shape_cast %get3A_1588 : vector<16xi32> to vector<16xi32>
      %add3A_1590 = arith.constant 200 : i32
      %add3A_1591 = arith.addi %mul3A_2, %add3A_1590 : i32
      %add3A_1592 = vector.broadcast %add3A_1591 : i32 to vector<16xi32>
      %add3A_1593 = arith.addi %get3A_1589, %add3A_1592 : vector<16xi32>
      %swap3A_1594 = arith.constant 928 : index
      %swap3A_1595 = tpu.vector_load %arg15[%swap3A_1594] {strides = array<i32>} : memref<1280xi32, #tpu.memory_space<vmem>>, vector<16xi32>,
      %swap3A_1596 = vector.shape_cast %swap3A_1595 : vector<16xi32> to vector<16xi32>
      %swap3A_1597 = vector.shape_cast %add3A_1593 : vector<16xi32> to vector<16xi32>
      tpu.vector_store %arg15[%swap3A_1594], %swap3A_1597 {strides = array<i32>} : memref<1280xi32, #tpu.memory_space<vmem>>, vector<16xi32>,
      %get3A_1598 = arith.constant 944 : index
      %get3A_1599 = tpu.vector_load %arg15[%get3A_1598] {strides = array<i32>} : memref<1280xi32, #tpu.memory_space<vmem>>, vector<16xi32>,
      %get3A_1600 = vector.shape_cast %get3A_1599 : vector<16xi32> to vector<16xi32>
      %add3A_1601 = arith.constant 200 : i32
      %add3A_1602 = arith.addi %mul3A_2, %add3A_1601 : i32
      %add3A_1603 = vector.broadcast %add3A_1602 : i32 to vector<16xi32>
      %add3A_1604 = arith.addi %get3A_1600, %add3A_1603 : vector<16xi32>
      %swap3A_1605 = arith.constant 944 : index
      %swap3A_1606 = tpu.vector_load %arg15[%swap3A_1605] {strides = array<i32>} : memref<1280xi32, #tpu.memory_space<vmem>>, vector<16xi32>,
      %swap3A_1607 = vector.shape_cast %swap3A_1606 : vector<16xi32> to vector<16xi32>
      %swap3A_1608 = vector.shape_cast %add3A_1604 : vector<16xi32> to vector<16xi32>
      tpu.vector_store %arg15[%swap3A_1605], %swap3A_1608 {strides = array<i32>} : memref<1280xi32, #tpu.memory_space<vmem>>, vector<16xi32>,
      %get3A_1609 = arith.constant 960 : index
      %get3A_1610 = tpu.vector_load %arg15[%get3A_1609] {strides = array<i32>} : memref<1280xi32, #tpu.memory_space<vmem>>, vector<16xi32>,
      %get3A_1611 = vector.shape_cast %get3A_1610 : vector<16xi32> to vector<16xi32>
      %add3A_1612 = arith.constant 248 : i32
      %add3A_1613 = arith.addi %mul3A_2, %add3A_1612 : i32
      %add3A_1614 = vector.broadcast %add3A_1613 : i32 to vector<16xi32>
      %add3A_1615 = arith.addi %get3A_1611, %add3A_1614 : vector<16xi32>
      %swap3A_1616 = arith.constant 960 : index
      %swap3A_1617 = tpu.vector_load %arg15[%swap3A_1616] {strides = array<i32>} : memref<1280xi32, #tpu.memory_space<vmem>>, vector<16xi32>,
      %swap3A_1618 = vector.shape_cast %swap3A_1617 : vector<16xi32> to vector<16xi32>
      %swap3A_1619 = vector.shape_cast %add3A_1615 : vector<16xi32> to vector<16xi32>
      tpu.vector_store %arg15[%swap3A_1616], %swap3A_1619 {strides = array<i32>} : memref<1280xi32, #tpu.memory_space<vmem>>, vector<16xi32>,
      %get3A_1620 = arith.constant 976 : index
      %get3A_1621 = tpu.vector_load %arg15[%get3A_1620] {strides = array<i32>} : memref<1280xi32, #tpu.memory_space<vmem>>, vector<16xi32>,
      %get3A_1622 = vector.shape_cast %get3A_1621 : vector<16xi32> to vector<16xi32>
      %add3A_1623 = arith.constant 248 : i32
      %add3A_1624 = arith.addi %mul3A_2, %add3A_1623 : i32
      %add3A_1625 = vector.broadcast %add3A_1624 : i32 to vector<16xi32>
      %add3A_1626 = arith.addi %get3A_1622, %add3A_1625 : vector<16xi32>
      %swap3A_1627 = arith.constant 976 : index
      %swap3A_1628 = tpu.vector_load %arg15[%swap3A_1627] {strides = array<i32>} : memref<1280xi32, #tpu.memory_space<vmem>>, vector<16xi32>,
      %swap3A_1629 = vector.shape_cast %swap3A_1628 : vector<16xi32> to vector<16xi32>
      %swap3A_1630 = vector.shape_cast %add3A_1626 : vector<16xi32> to vector<16xi32>
      tpu.vector_store %arg15[%swap3A_1627], %swap3A_1630 {strides = array<i32>} : memref<1280xi32, #tpu.memory_space<vmem>>, vector<16xi32>,
      %get3A_1631 = arith.constant 992 : index
      %get3A_1632 = tpu.vector_load %arg15[%get3A_1631] {strides = array<i32>} : memref<1280xi32, #tpu.memory_space<vmem>>, vector<16xi32>,
      %get3A_1633 = vector.shape_cast %get3A_1632 : vector<16xi32> to vector<16xi32>
      %add3A_1634 = arith.constant 248 : i32
      %add3A_1635 = arith.addi %mul3A_2, %add3A_1634 : i32
      %add3A_1636 = vector.broadcast %add3A_1635 : i32 to vector<16xi32>
      %add3A_1637 = arith.addi %get3A_1633, %add3A_1636 : vector<16xi32>
      %swap3A_1638 = arith.constant 992 : index
      %swap3A_1639 = tpu.vector_load %arg15[%swap3A_1638] {strides = array<i32>} : memref<1280xi32, #tpu.memory_space<vmem>>, vector<16xi32>,
      %swap3A_1640 = vector.shape_cast %swap3A_1639 : vector<16xi32> to vector<16xi32>
      %swap3A_1641 = vector.shape_cast %add3A_1637 : vector<16xi32> to vector<16xi32>
      tpu.vector_store %arg15[%swap3A_1638], %swap3A_1641 {strides = array<i32>} : memref<1280xi32, #tpu.memory_space<vmem>>, vector<16xi32>,
      %get3A_1642 = arith.constant 1008 : index
      %get3A_1643 = tpu.vector_load %arg15[%get3A_1642] {strides = array<i32>} : memref<1280xi32, #tpu.memory_space<vmem>>, vector<16xi32>,
      %get3A_1644 = vector.shape_cast %get3A_1643 : vector<16xi32> to vector<16xi32>
      %add3A_1645 = arith.constant 248 : i32
      %add3A_1646 = arith.addi %mul3A_2, %add3A_1645 : i32
      %add3A_1647 = vector.broadcast %add3A_1646 : i32 to vector<16xi32>
      %add3A_1648 = arith.addi %get3A_1644, %add3A_1647 : vector<16xi32>
      %swap3A_1649 = arith.constant 1008 : index
      %swap3A_1650 = tpu.vector_load %arg15[%swap3A_1649] {strides = array<i32>} : memref<1280xi32, #tpu.memory_space<vmem>>, vector<16xi32>,
      %swap3A_1651 = vector.shape_cast %swap3A_1650 : vector<16xi32> to vector<16xi32>
      %swap3A_1652 = vector.shape_cast %add3A_1648 : vector<16xi32> to vector<16xi32>
      tpu.vector_store %arg15[%swap3A_1649], %swap3A_1652 {strides = array<i32>} : memref<1280xi32, #tpu.memory_space<vmem>>, vector<16xi32>,
      %get3A_1653 = arith.constant 1024 : index
      %get3A_1654 = tpu.vector_load %arg15[%get3A_1653] {strides = array<i32>} : memref<1280xi32, #tpu.memory_space<vmem>>, vector<16xi32>,
      %get3A_1655 = vector.shape_cast %get3A_1654 : vector<16xi32> to vector<16xi32>
      %add3A_1656 = arith.constant 248 : i32
      %add3A_1657 = arith.addi %mul3A_2, %add3A_1656 : i32
      %add3A_1658 = vector.broadcast %add3A_1657 : i32 to vector<16xi32>
      %add3A_1659 = arith.addi %get3A_1655, %add3A_1658 : vector<16xi32>
      %swap3A_1660 = arith.constant 1024 : index
      %swap3A_1661 = tpu.vector_load %arg15[%swap3A_1660] {strides = array<i32>} : memref<1280xi32, #tpu.memory_space<vmem>>, vector<16xi32>,
      %swap3A_1662 = vector.shape_cast %swap3A_1661 : vector<16xi32> to vector<16xi32>
      %swap3A_1663 = vector.shape_cast %add3A_1659 : vector<16xi32> to vector<16xi32>
      tpu.vector_store %arg15[%swap3A_1660], %swap3A_1663 {strides = array<i32>} : memref<1280xi32, #tpu.memory_space<vmem>>, vector<16xi32>,
      %get3A_1664 = arith.constant 1040 : index
      %get3A_1665 = tpu.vector_load %arg15[%get3A_1664] {strides = array<i32>} : memref<1280xi32, #tpu.memory_space<vmem>>, vector<16xi32>,
      %get3A_1666 = vector.shape_cast %get3A_1665 : vector<16xi32> to vector<16xi32>
      %add3A_1667 = arith.constant 248 : i32
      %add3A_1668 = arith.addi %mul3A_2, %add3A_1667 : i32
      %add3A_1669 = vector.broadcast %add3A_1668 : i32 to vector<16xi32>
      %add3A_1670 = arith.addi %get3A_1666, %add3A_1669 : vector<16xi32>
      %swap3A_1671 = arith.constant 1040 : index
      %swap3A_1672 = tpu.vector_load %arg15[%swap3A_1671] {strides = array<i32>} : memref<1280xi32, #tpu.memory_space<vmem>>, vector<16xi32>,
      %swap3A_1673 = vector.shape_cast %swap3A_1672 : vector<16xi32> to vector<16xi32>
      %swap3A_1674 = vector.shape_cast %add3A_1670 : vector<16xi32> to vector<16xi32>
      tpu.vector_store %arg15[%swap3A_1671], %swap3A_1674 {strides = array<i32>} : memref<1280xi32, #tpu.memory_space<vmem>>, vector<16xi32>,
      %get3A_1675 = arith.constant 1056 : index
      %get3A_1676 = tpu.vector_load %arg15[%get3A_1675] {strides = array<i32>} : memref<1280xi32, #tpu.memory_space<vmem>>, vector<16xi32>,
      %get3A_1677 = vector.shape_cast %get3A_1676 : vector<16xi32> to vector<16xi32>
      %add3A_1678 = arith.constant 248 : i32
      %add3A_1679 = arith.addi %mul3A_2, %add3A_1678 : i32
      %add3A_1680 = vector.broadcast %add3A_1679 : i32 to vector<16xi32>
      %add3A_1681 = arith.addi %get3A_1677, %add3A_1680 : vector<16xi32>
      %swap3A_1682 = arith.constant 1056 : index
      %swap3A_1683 = tpu.vector_load %arg15[%swap3A_1682] {strides = array<i32>} : memref<1280xi32, #tpu.memory_space<vmem>>, vector<16xi32>,
      %swap3A_1684 = vector.shape_cast %swap3A_1683 : vector<16xi32> to vector<16xi32>
      %swap3A_1685 = vector.shape_cast %add3A_1681 : vector<16xi32> to vector<16xi32>
      tpu.vector_store %arg15[%swap3A_1682], %swap3A_1685 {strides = array<i32>} : memref<1280xi32, #tpu.memory_space<vmem>>, vector<16xi32>,
      %get3A_1686 = arith.constant 1072 : index
      %get3A_1687 = tpu.vector_load %arg15[%get3A_1686] {strides = array<i32>} : memref<1280xi32, #tpu.memory_space<vmem>>, vector<16xi32>,
      %get3A_1688 = vector.shape_cast %get3A_1687 : vector<16xi32> to vector<16xi32>
      %add3A_1689 = arith.constant 248 : i32
      %add3A_1690 = arith.addi %mul3A_2, %add3A_1689 : i32
      %add3A_1691 = vector.broadcast %add3A_1690 : i32 to vector<16xi32>
      %add3A_1692 = arith.addi %get3A_1688, %add3A_1691 : vector<16xi32>
      %swap3A_1693 = arith.constant 1072 : index
      %swap3A_1694 = tpu.vector_load %arg15[%swap3A_1693] {strides = array<i32>} : memref<1280xi32, #tpu.memory_space<vmem>>, vector<16xi32>,
      %swap3A_1695 = vector.shape_cast %swap3A_1694 : vector<16xi32> to vector<16xi32>
      %swap3A_1696 = vector.shape_cast %add3A_1692 : vector<16xi32> to vector<16xi32>
      tpu.vector_store %arg15[%swap3A_1693], %swap3A_1696 {strides = array<i32>} : memref<1280xi32, #tpu.memory_space<vmem>>, vector<16xi32>,
      %get3A_1697 = arith.constant 1088 : index
      %get3A_1698 = tpu.vector_load %arg15[%get3A_1697] {strides = array<i32>} : memref<1280xi32, #tpu.memory_space<vmem>>, vector<16xi32>,
      %get3A_1699 = vector.shape_cast %get3A_1698 : vector<16xi32> to vector<16xi32>
      %add3A_1700 = arith.constant 248 : i32
      %add3A_1701 = arith.addi %mul3A_2, %add3A_1700 : i32
      %add3A_1702 = vector.broadcast %add3A_1701 : i32 to vector<16xi32>
      %add3A_1703 = arith.addi %get3A_1699, %add3A_1702 : vector<16xi32>
      %swap3A_1704 = arith.constant 1088 : index
      %swap3A_1705 = tpu.vector_load %arg15[%swap3A_1704] {strides = array<i32>} : memref<1280xi32, #tpu.memory_space<vmem>>, vector<16xi32>,
      %swap3A_1706 = vector.shape_cast %swap3A_1705 : vector<16xi32> to vector<16xi32>
      %swap3A_1707 = vector.shape_cast %add3A_1703 : vector<16xi32> to vector<16xi32>
      tpu.vector_store %arg15[%swap3A_1704], %swap3A_1707 {strides = array<i32>} : memref<1280xi32, #tpu.memory_space<vmem>>, vector<16xi32>,
      %get3A_1708 = arith.constant 1104 : index
      %get3A_1709 = tpu.vector_load %arg15[%get3A_1708] {strides = array<i32>} : memref<1280xi32, #tpu.memory_space<vmem>>, vector<16xi32>,
      %get3A_1710 = vector.shape_cast %get3A_1709 : vector<16xi32> to vector<16xi32>
      %add3A_1711 = arith.constant 248 : i32
      %add3A_1712 = arith.addi %mul3A_2, %add3A_1711 : i32
      %add3A_1713 = vector.broadcast %add3A_1712 : i32 to vector<16xi32>
      %add3A_1714 = arith.addi %get3A_1710, %add3A_1713 : vector<16xi32>
      %swap3A_1715 = arith.constant 1104 : index
      %swap3A_1716 = tpu.vector_load %arg15[%swap3A_1715] {strides = array<i32>} : memref<1280xi32, #tpu.memory_space<vmem>>, vector<16xi32>,
      %swap3A_1717 = vector.shape_cast %swap3A_1716 : vector<16xi32> to vector<16xi32>
      %swap3A_1718 = vector.shape_cast %add3A_1714 : vector<16xi32> to vector<16xi32>
      tpu.vector_store %arg15[%swap3A_1715], %swap3A_1718 {strides = array<i32>} : memref<1280xi32, #tpu.memory_space<vmem>>, vector<16xi32>,
      %get3A_1719 = arith.constant 1120 : index
      %get3A_1720 = tpu.vector_load %arg15[%get3A_1719] {strides = array<i32>} : memref<1280xi32, #tpu.memory_space<vmem>>, vector<16xi32>,
      %get3A_1721 = vector.shape_cast %get3A_1720 : vector<16xi32> to vector<16xi32>
      %add3A_1722 = arith.constant 248 : i32
      %add3A_1723 = arith.addi %mul3A_2, %add3A_1722 : i32
      %add3A_1724 = vector.broadcast %add3A_1723 : i32 to vector<16xi32>
      %add3A_1725 = arith.addi %get3A_1721, %add3A_1724 : vector<16xi32>
      %swap3A_1726 = arith.constant 1120 : index
      %swap3A_1727 = tpu.vector_load %arg15[%swap3A_1726] {strides = array<i32>} : memref<1280xi32, #tpu.memory_space<vmem>>, vector<16xi32>,
      %swap3A_1728 = vector.shape_cast %swap3A_1727 : vector<16xi32> to vector<16xi32>
      %swap3A_1729 = vector.shape_cast %add3A_1725 : vector<16xi32> to vector<16xi32>
      tpu.vector_store %arg15[%swap3A_1726], %swap3A_1729 {strides = array<i32>} : memref<1280xi32, #tpu.memory_space<vmem>>, vector<16xi32>,
      %get3A_1730 = arith.constant 1136 : index
      %get3A_1731 = tpu.vector_load %arg15[%get3A_1730] {strides = array<i32>} : memref<1280xi32, #tpu.memory_space<vmem>>, vector<16xi32>,
      %get3A_1732 = vector.shape_cast %get3A_1731 : vector<16xi32> to vector<16xi32>
      %add3A_1733 = arith.constant 248 : i32
      %add3A_1734 = arith.addi %mul3A_2, %add3A_1733 : i32
      %add3A_1735 = vector.broadcast %add3A_1734 : i32 to vector<16xi32>
      %add3A_1736 = arith.addi %get3A_1732, %add3A_1735 : vector<16xi32>
      %swap3A_1737 = arith.constant 1136 : index
      %swap3A_1738 = tpu.vector_load %arg15[%swap3A_1737] {strides = array<i32>} : memref<1280xi32, #tpu.memory_space<vmem>>, vector<16xi32>,
      %swap3A_1739 = vector.shape_cast %swap3A_1738 : vector<16xi32> to vector<16xi32>
      %swap3A_1740 = vector.shape_cast %add3A_1736 : vector<16xi32> to vector<16xi32>
      tpu.vector_store %arg15[%swap3A_1737], %swap3A_1740 {strides = array<i32>} : memref<1280xi32, #tpu.memory_space<vmem>>, vector<16xi32>,
      %get3A_1741 = arith.constant 1152 : index
      %get3A_1742 = tpu.vector_load %arg15[%get3A_1741] {strides = array<i32>} : memref<1280xi32, #tpu.memory_space<vmem>>, vector<16xi32>,
      %get3A_1743 = vector.shape_cast %get3A_1742 : vector<16xi32> to vector<16xi32>
      %add3A_1744 = arith.constant 248 : i32
      %add3A_1745 = arith.addi %mul3A_2, %add3A_1744 : i32
      %add3A_1746 = vector.broadcast %add3A_1745 : i32 to vector<16xi32>
      %add3A_1747 = arith.addi %get3A_1743, %add3A_1746 : vector<16xi32>
      %swap3A_1748 = arith.constant 1152 : index
      %swap3A_1749 = tpu.vector_load %arg15[%swap3A_1748] {strides = array<i32>} : memref<1280xi32, #tpu.memory_space<vmem>>, vector<16xi32>,
      %swap3A_1750 = vector.shape_cast %swap3A_1749 : vector<16xi32> to vector<16xi32>
      %swap3A_1751 = vector.shape_cast %add3A_1747 : vector<16xi32> to vector<16xi32>
      tpu.vector_store %arg15[%swap3A_1748], %swap3A_1751 {strides = array<i32>} : memref<1280xi32, #tpu.memory_space<vmem>>, vector<16xi32>,
      %get3A_1752 = arith.constant 1168 : index
      %get3A_1753 = tpu.vector_load %arg15[%get3A_1752] {strides = array<i32>} : memref<1280xi32, #tpu.memory_space<vmem>>, vector<16xi32>,
      %get3A_1754 = vector.shape_cast %get3A_1753 : vector<16xi32> to vector<16xi32>
      %add3A_1755 = arith.constant 248 : i32
      %add3A_1756 = arith.addi %mul3A_2, %add3A_1755 : i32
      %add3A_1757 = vector.broadcast %add3A_1756 : i32 to vector<16xi32>
      %add3A_1758 = arith.addi %get3A_1754, %add3A_1757 : vector<16xi32>
      %swap3A_1759 = arith.constant 1168 : index
      %swap3A_1760 = tpu.vector_load %arg15[%swap3A_1759] {strides = array<i32>} : memref<1280xi32, #tpu.memory_space<vmem>>, vector<16xi32>,
      %swap3A_1761 = vector.shape_cast %swap3A_1760 : vector<16xi32> to vector<16xi32>
      %swap3A_1762 = vector.shape_cast %add3A_1758 : vector<16xi32> to vector<16xi32>
      tpu.vector_store %arg15[%swap3A_1759], %swap3A_1762 {strides = array<i32>} : memref<1280xi32, #tpu.memory_space<vmem>>, vector<16xi32>,
      %get3A_1763 = arith.constant 1184 : index
      %get3A_1764 = tpu.vector_load %arg15[%get3A_1763] {strides = array<i32>} : memref<1280xi32, #tpu.memory_space<vmem>>, vector<16xi32>,
      %get3A_1765 = vector.shape_cast %get3A_1764 : vector<16xi32> to vector<16xi32>
      %add3A_1766 = arith.constant 248 : i32
      %add3A_1767 = arith.addi %mul3A_2, %add3A_1766 : i32
      %add3A_1768 = vector.broadcast %add3A_1767 : i32 to vector<16xi32>
      %add3A_1769 = arith.addi %get3A_1765, %add3A_1768 : vector<16xi32>
      %swap3A_1770 = arith.constant 1184 : index
      %swap3A_1771 = tpu.vector_load %arg15[%swap3A_1770] {strides = array<i32>} : memref<1280xi32, #tpu.memory_space<vmem>>, vector<16xi32>,
      %swap3A_1772 = vector.shape_cast %swap3A_1771 : vector<16xi32> to vector<16xi32>
      %swap3A_1773 = vector.shape_cast %add3A_1769 : vector<16xi32> to vector<16xi32>
      tpu.vector_store %arg15[%swap3A_1770], %swap3A_1773 {strides = array<i32>} : memref<1280xi32, #tpu.memory_space<vmem>>, vector<16xi32>,
      %get3A_1774 = arith.constant 1200 : index
      %get3A_1775 = tpu.vector_load %arg15[%get3A_1774] {strides = array<i32>} : memref<1280xi32, #tpu.memory_space<vmem>>, vector<16xi32>,
      %get3A_1776 = vector.shape_cast %get3A_1775 : vector<16xi32> to vector<16xi32>
      %add3A_1777 = arith.constant 248 : i32
      %add3A_1778 = arith.addi %mul3A_2, %add3A_1777 : i32
      %add3A_1779 = vector.broadcast %add3A_1778 : i32 to vector<16xi32>
      %add3A_1780 = arith.addi %get3A_1776, %add3A_1779 : vector<16xi32>
      %swap3A_1781 = arith.constant 1200 : index
      %swap3A_1782 = tpu.vector_load %arg15[%swap3A_1781] {strides = array<i32>} : memref<1280xi32, #tpu.memory_space<vmem>>, vector<16xi32>,
      %swap3A_1783 = vector.shape_cast %swap3A_1782 : vector<16xi32> to vector<16xi32>
      %swap3A_1784 = vector.shape_cast %add3A_1780 : vector<16xi32> to vector<16xi32>
      tpu.vector_store %arg15[%swap3A_1781], %swap3A_1784 {strides = array<i32>} : memref<1280xi32, #tpu.memory_space<vmem>>, vector<16xi32>,
      %get3A_1785 = arith.constant 1216 : index
      %get3A_1786 = tpu.vector_load %arg15[%get3A_1785] {strides = array<i32>} : memref<1280xi32, #tpu.memory_space<vmem>>, vector<16xi32>,
      %get3A_1787 = vector.shape_cast %get3A_1786 : vector<16xi32> to vector<16xi32>
      %add3A_1788 = arith.constant 248 : i32
      %add3A_1789 = arith.addi %mul3A_2, %add3A_1788 : i32
      %add3A_1790 = vector.broadcast %add3A_1789 : i32 to vector<16xi32>
      %add3A_1791 = arith.addi %get3A_1787, %add3A_1790 : vector<16xi32>
      %swap3A_1792 = arith.constant 1216 : index
      %swap3A_1793 = tpu.vector_load %arg15[%swap3A_1792] {strides = array<i32>} : memref<1280xi32, #tpu.memory_space<vmem>>, vector<16xi32>,
      %swap3A_1794 = vector.shape_cast %swap3A_1793 : vector<16xi32> to vector<16xi32>
      %swap3A_1795 = vector.shape_cast %add3A_1791 : vector<16xi32> to vector<16xi32>
      tpu.vector_store %arg15[%swap3A_1792], %swap3A_1795 {strides = array<i32>} : memref<1280xi32, #tpu.memory_space<vmem>>, vector<16xi32>,
      %get3A_1796 = arith.constant 1232 : index
      %get3A_1797 = tpu.vector_load %arg15[%get3A_1796] {strides = array<i32>} : memref<1280xi32, #tpu.memory_space<vmem>>, vector<16xi32>,
      %get3A_1798 = vector.shape_cast %get3A_1797 : vector<16xi32> to vector<16xi32>
      %add3A_1799 = arith.constant 248 : i32
      %add3A_1800 = arith.addi %mul3A_2, %add3A_1799 : i32
      %add3A_1801 = vector.broadcast %add3A_1800 : i32 to vector<16xi32>
      %add3A_1802 = arith.addi %get3A_1798, %add3A_1801 : vector<16xi32>
      %swap3A_1803 = arith.constant 1232 : index
      %swap3A_1804 = tpu.vector_load %arg15[%swap3A_1803] {strides = array<i32>} : memref<1280xi32, #tpu.memory_space<vmem>>, vector<16xi32>,
      %swap3A_1805 = vector.shape_cast %swap3A_1804 : vector<16xi32> to vector<16xi32>
      %swap3A_1806 = vector.shape_cast %add3A_1802 : vector<16xi32> to vector<16xi32>
      tpu.vector_store %arg15[%swap3A_1803], %swap3A_1806 {strides = array<i32>} : memref<1280xi32, #tpu.memory_space<vmem>>, vector<16xi32>,
      %get3A_1807 = arith.constant 1248 : index
      %get3A_1808 = tpu.vector_load %arg15[%get3A_1807] {strides = array<i32>} : memref<1280xi32, #tpu.memory_space<vmem>>, vector<16xi32>,
      %get3A_1809 = vector.shape_cast %get3A_1808 : vector<16xi32> to vector<16xi32>
      %add3A_1810 = arith.constant 248 : i32
      %add3A_1811 = arith.addi %mul3A_2, %add3A_1810 : i32
      %add3A_1812 = vector.broadcast %add3A_1811 : i32 to vector<16xi32>
      %add3A_1813 = arith.addi %get3A_1809, %add3A_1812 : vector<16xi32>
      %swap3A_1814 = arith.constant 1248 : index
      %swap3A_1815 = tpu.vector_load %arg15[%swap3A_1814] {strides = array<i32>} : memref<1280xi32, #tpu.memory_space<vmem>>, vector<16xi32>,
      %swap3A_1816 = vector.shape_cast %swap3A_1815 : vector<16xi32> to vector<16xi32>
      %swap3A_1817 = vector.shape_cast %add3A_1813 : vector<16xi32> to vector<16xi32>
      tpu.vector_store %arg15[%swap3A_1814], %swap3A_1817 {strides = array<i32>} : memref<1280xi32, #tpu.memory_space<vmem>>, vector<16xi32>,
      %get3A_1818 = arith.constant 1264 : index
      %get3A_1819 = tpu.vector_load %arg15[%get3A_1818] {strides = array<i32>} : memref<1280xi32, #tpu.memory_space<vmem>>, vector<16xi32>,
      %get3A_1820 = vector.shape_cast %get3A_1819 : vector<16xi32> to vector<16xi32>
      %add3A_1821 = arith.constant 248 : i32
      %add3A_1822 = arith.addi %mul3A_2, %add3A_1821 : i32
      %add3A_1823 = vector.broadcast %add3A_1822 : i32 to vector<16xi32>
      %add3A_1824 = arith.addi %get3A_1820, %add3A_1823 : vector<16xi32>
      %swap3A_1825 = arith.constant 1264 : index
      %swap3A_1826 = tpu.vector_load %arg15[%swap3A_1825] {strides = array<i32>} : memref<1280xi32, #tpu.memory_space<vmem>>, vector<16xi32>,
      %swap3A_1827 = vector.shape_cast %swap3A_1826 : vector<16xi32> to vector<16xi32>
      %swap3A_1828 = vector.shape_cast %add3A_1824 : vector<16xi32> to vector<16xi32>
      tpu.vector_store %arg15[%swap3A_1825], %swap3A_1828 {strides = array<i32>} : memref<1280xi32, #tpu.memory_space<vmem>>, vector<16xi32>,
      %dma_start3A_1829 = arith.constant 0 : i32
      %dma_start3A_1830 = arith.constant 0 : i32
      %dma_start3A_1831 = tpu.memref_slice %arg7[%dma_start3A_1829, %dma_start3A_1830] : memref<1000000x64xf32, #tpu.memory_space<hbm>> -> memref<1000000x64xf32, #tpu.memory_space<hbm>>
      tpu.enqueue_indirect_dma source(%dma_start3A_1831 : memref<1000000x64xf32, #tpu.memory_space<hbm>>) target(%arg16 : memref<320x64xf32, #tpu.memory_space<vmem>>) offsets(%arg14 : memref<320xi32, #tpu.memory_space<vmem>>) semaphore(%arg22 : memref<!tpu.dma_semaphore, #tpu.memory_space<semaphore_mem>>)
      %dma_start3A_1832 = arith.constant 0 : i32
      %dma_start3A_1833 = arith.constant 0 : i32
      %dma_start3A_1834 = tpu.memref_slice %arg8[%dma_start3A_1832, %dma_start3A_1833] : memref<8576x32xf32, #tpu.memory_space<hbm>> -> memref<8576x32xf32, #tpu.memory_space<hbm>>
      tpu.enqueue_indirect_dma source(%dma_start3A_1834 : memref<8576x32xf32, #tpu.memory_space<hbm>>) target(%arg17 : memref<1280x32xf32, #tpu.memory_space<vmem>>) offsets(%arg15 : memref<1280xi32, #tpu.memory_space<vmem>>) semaphore(%arg22 : memref<!tpu.dma_semaphore, #tpu.memory_space<semaphore_mem>>)
      %dma_wait3A_1835 = arith.constant 0 : i32
      %dma_wait3A_1836 = arith.constant 0 : i32
      %dma_wait3A_1837 = tpu.memref_slice %arg7[%dma_wait3A_1835, %dma_wait3A_1836] : memref<1000000x64xf32, #tpu.memory_space<hbm>> -> memref<1000000x64xf32, #tpu.memory_space<hbm>>
      tpu.wait_indirect_dma semaphore(%arg19 : memref<!tpu.dma_semaphore, #tpu.memory_space<semaphore_mem>>) src(%dma_wait3A_1837 : memref<1000000x64xf32, #tpu.memory_space<hbm>>) dst(%arg12 : memref<320x64xf32, #tpu.memory_space<vmem>>)
      %dma_wait3A_1838 = arith.constant 0 : i32
      %dma_wait3A_1839 = arith.constant 0 : i32
      %dma_wait3A_1840 = tpu.memref_slice %arg8[%dma_wait3A_1838, %dma_wait3A_1839] : memref<8576x32xf32, #tpu.memory_space<hbm>> -> memref<8576x32xf32, #tpu.memory_space<hbm>>
      tpu.wait_indirect_dma semaphore(%arg19 : memref<!tpu.dma_semaphore, #tpu.memory_space<semaphore_mem>>) src(%dma_wait3A_1840 : memref<8576x32xf32, #tpu.memory_space<hbm>>) dst(%arg13 : memref<1280x32xf32, #tpu.memory_space<vmem>>)
      %mul3A_1841 = arith.constant 25600 : i32
      %mul3A_1842 = arith.muli %add3A, %mul3A_1841 : i32
      %mul3A_1843 = arith.constant 320 : i32
      %mul3A_1844 = arith.muli %mul3A_967, %mul3A_1843 : i32
      %add3A_1845 = arith.addi %mul3A_1842, %mul3A_1844 : i32
      %dma_start3A_1846 = arith.constant 0 : i32
      %dma_start3A_1847 = tpu.memref_slice %arg9[%add3A_1845, %dma_start3A_1846] : memref<819200x192xf32, #tpu.memory_space<hbm>> -> memref<320x64xf32, #tpu.memory_space<hbm>>
      %dma_start3A_1848 = arith.constant 0 : i32
      %dma_start3A_1849 = tpu.memref_slice %arg9[%add3A_1845, %dma_start3A_1848] : memref<819200x192xf32, #tpu.memory_space<hbm>> -> memref<320x64xf32, #tpu.memory_space<hbm>>
      tpu.enqueue_dma source(%arg12 : memref<320x64xf32, #tpu.memory_space<vmem>>) target(%dma_start3A_1849 : memref<320x64xf32, #tpu.memory_space<hbm>>) target_semaphore(%arg20 : memref<!tpu.dma_semaphore, #tpu.memory_space<semaphore_mem>>)
      %dma_start3A_1850 = arith.constant 0 : i32
      %dma_start3A_1851 = arith.constant 0 : i32
      %dma_start3A_1852 = tpu.memref_slice %arg13[%dma_start3A_1850, %dma_start3A_1851] : memref<1280x32xf32, #tpu.memory_space<vmem>> -> memref<320x32xf32, #tpu.memory_space<vmem>>
      %dma_start3A_1853 = arith.constant 64 : i32
      %dma_start3A_1854 = tpu.memref_slice %arg9[%add3A_1845, %dma_start3A_1853] : memref<819200x192xf32, #tpu.memory_space<hbm>> -> memref<320x32xf32, #tpu.memory_space<hbm>>
      %dma_start3A_1855 = arith.constant 64 : i32
      %dma_start3A_1856 = tpu.memref_slice %arg9[%add3A_1845, %dma_start3A_1855] : memref<819200x192xf32, #tpu.memory_space<hbm>> -> memref<320x32xf32, #tpu.memory_space<hbm>>
      %dma_start3A_1857 = arith.constant 0 : i32
      %dma_start3A_1858 = arith.constant 0 : i32
      %dma_start3A_1859 = tpu.memref_slice %arg13[%dma_start3A_1857, %dma_start3A_1858] : memref<1280x32xf32, #tpu.memory_space<vmem>> -> memref<320x32xf32, #tpu.memory_space<vmem>>
      tpu.enqueue_dma source(%dma_start3A_1859 : memref<320x32xf32, #tpu.memory_space<vmem>>) target(%dma_start3A_1856 : memref<320x32xf32, #tpu.memory_space<hbm>>) target_semaphore(%arg20 : memref<!tpu.dma_semaphore, #tpu.memory_space<semaphore_mem>>)
      %dma_start3A_1860 = arith.constant 320 : i32
      %dma_start3A_1861 = arith.constant 0 : i32
      %dma_start3A_1862 = tpu.memref_slice %arg13[%dma_start3A_1860, %dma_start3A_1861] : memref<1280x32xf32, #tpu.memory_space<vmem>> -> memref<320x32xf32, #tpu.memory_space<vmem>>
      %dma_start3A_1863 = arith.constant 96 : i32
      %dma_start3A_1864 = tpu.memref_slice %arg9[%add3A_1845, %dma_start3A_1863] : memref<819200x192xf32, #tpu.memory_space<hbm>> -> memref<320x32xf32, #tpu.memory_space<hbm>>
      %dma_start3A_1865 = arith.constant 96 : i32
      %dma_start3A_1866 = tpu.memref_slice %arg9[%add3A_1845, %dma_start3A_1865] : memref<819200x192xf32, #tpu.memory_space<hbm>> -> memref<320x32xf32, #tpu.memory_space<hbm>>
      %dma_start3A_1867 = arith.constant 320 : i32
      %dma_start3A_1868 = arith.constant 0 : i32
      %dma_start3A_1869 = tpu.memref_slice %arg13[%dma_start3A_1867, %dma_start3A_1868] : memref<1280x32xf32, #tpu.memory_space<vmem>> -> memref<320x32xf32, #tpu.memory_space<vmem>>
      tpu.enqueue_dma source(%dma_start3A_1869 : memref<320x32xf32, #tpu.memory_space<vmem>>) target(%dma_start3A_1866 : memref<320x32xf32, #tpu.memory_space<hbm>>) target_semaphore(%arg20 : memref<!tpu.dma_semaphore, #tpu.memory_space<semaphore_mem>>)
      %dma_start3A_1870 = arith.constant 640 : i32
      %dma_start3A_1871 = arith.constant 0 : i32
      %dma_start3A_1872 = tpu.memref_slice %arg13[%dma_start3A_1870, %dma_start3A_1871] : memref<1280x32xf32, #tpu.memory_space<vmem>> -> memref<320x32xf32, #tpu.memory_space<vmem>>
      %dma_start3A_1873 = arith.constant 128 : i32
      %dma_start3A_1874 = tpu.memref_slice %arg9[%add3A_1845, %dma_start3A_1873] : memref<819200x192xf32, #tpu.memory_space<hbm>> -> memref<320x32xf32, #tpu.memory_space<hbm>>
      %dma_start3A_1875 = arith.constant 128 : i32
      %dma_start3A_1876 = tpu.memref_slice %arg9[%add3A_1845, %dma_start3A_1875] : memref<819200x192xf32, #tpu.memory_space<hbm>> -> memref<320x32xf32, #tpu.memory_space<hbm>>
      %dma_start3A_1877 = arith.constant 640 : i32
      %dma_start3A_1878 = arith.constant 0 : i32
      %dma_start3A_1879 = tpu.memref_slice %arg13[%dma_start3A_1877, %dma_start3A_1878] : memref<1280x32xf32, #tpu.memory_space<vmem>> -> memref<320x32xf32, #tpu.memory_space<vmem>>
      tpu.enqueue_dma source(%dma_start3A_1879 : memref<320x32xf32, #tpu.memory_space<vmem>>) target(%dma_start3A_1876 : memref<320x32xf32, #tpu.memory_space<hbm>>) target_semaphore(%arg20 : memref<!tpu.dma_semaphore, #tpu.memory_space<semaphore_mem>>)
      %dma_start3A_1880 = arith.constant 960 : i32
      %dma_start3A_1881 = arith.constant 0 : i32
      %dma_start3A_1882 = tpu.memref_slice %arg13[%dma_start3A_1880, %dma_start3A_1881] : memref<1280x32xf32, #tpu.memory_space<vmem>> -> memref<320x32xf32, #tpu.memory_space<vmem>>
      %dma_start3A_1883 = arith.constant 160 : i32
      %dma_start3A_1884 = tpu.memref_slice %arg9[%add3A_1845, %dma_start3A_1883] : memref<819200x192xf32, #tpu.memory_space<hbm>> -> memref<320x32xf32, #tpu.memory_space<hbm>>
      %dma_start3A_1885 = arith.constant 160 : i32
      %dma_start3A_1886 = tpu.memref_slice %arg9[%add3A_1845, %dma_start3A_1885] : memref<819200x192xf32, #tpu.memory_space<hbm>> -> memref<320x32xf32, #tpu.memory_space<hbm>>
      %dma_start3A_1887 = arith.constant 960 : i32
      %dma_start3A_1888 = arith.constant 0 : i32
      %dma_start3A_1889 = tpu.memref_slice %arg13[%dma_start3A_1887, %dma_start3A_1888] : memref<1280x32xf32, #tpu.memory_space<vmem>> -> memref<320x32xf32, #tpu.memory_space<vmem>>
      tpu.enqueue_dma source(%dma_start3A_1889 : memref<320x32xf32, #tpu.memory_space<vmem>>) target(%dma_start3A_1886 : memref<320x32xf32, #tpu.memory_space<hbm>>) target_semaphore(%arg20 : memref<!tpu.dma_semaphore, #tpu.memory_space<semaphore_mem>>)
      %lt3A = arith.constant 39 : i32
      %lt3A_1890 = arith.cmpi slt, %add3A_965, %lt3A : i32
      %convert_element_type3A_1891 = arith.extui %lt3A_1890 : i1 to i32
      %cond3A_1892 = arith.constant 0 : i32
      %cond3A_1893 = arith.cmpi ne, %convert_element_type3A_1891, %cond3A_1892 : i32
      scf.if %cond3A_1893 {
        %mul3A_1949 = arith.constant 25600 : i32
        %mul3A_1950 = arith.muli %add3A, %mul3A_1949 : i32
        %mul3A_1951 = arith.constant 320 : i32
        %mul3A_1952 = arith.muli %mul3A_967, %mul3A_1951 : i32
        %add3A_1953 = arith.addi %mul3A_1950, %mul3A_1952 : i32
        %dma_wait3A_1954 = arith.constant 0 : i32
        %dma_wait3A_1955 = tpu.memref_slice %arg9[%add3A_1953, %dma_wait3A_1954] : memref<819200x192xf32, #tpu.memory_space<hbm>> -> memref<320x64xf32, #tpu.memory_space<hbm>>
        %dma_wait3A_1956 = arith.constant 0 : i32
        %dma_wait3A_1957 = tpu.memref_slice %arg9[%add3A_1953, %dma_wait3A_1956] : memref<819200x192xf32, #tpu.memory_space<hbm>> -> memref<320x64xf32, #tpu.memory_space<hbm>>
        tpu.wait_dma2 semaphore(%arg20 : memref<!tpu.dma_semaphore, #tpu.memory_space<semaphore_mem>>) src(%arg12 : memref<320x64xf32, #tpu.memory_space<vmem>>) dst(%dma_wait3A_1957 : memref<320x64xf32, #tpu.memory_space<hbm>>)
        %dma_wait3A_1958 = arith.constant 0 : i32
        %dma_wait3A_1959 = arith.constant 0 : i32
        %dma_wait3A_1960 = tpu.memref_slice %arg13[%dma_wait3A_1958, %dma_wait3A_1959] : memref<1280x32xf32, #tpu.memory_space<vmem>> -> memref<320x32xf32, #tpu.memory_space<vmem>>
        %dma_wait3A_1961 = arith.constant 64 : i32
        %dma_wait3A_1962 = tpu.memref_slice %arg9[%add3A_1953, %dma_wait3A_1961] : memref<819200x192xf32, #tpu.memory_space<hbm>> -> memref<320x32xf32, #tpu.memory_space<hbm>>
        %dma_wait3A_1963 = arith.constant 64 : i32
        %dma_wait3A_1964 = tpu.memref_slice %arg9[%add3A_1953, %dma_wait3A_1963] : memref<819200x192xf32, #tpu.memory_space<hbm>> -> memref<320x32xf32, #tpu.memory_space<hbm>>
        %dma_wait3A_1965 = arith.constant 0 : i32
        %dma_wait3A_1966 = arith.constant 0 : i32
        %dma_wait3A_1967 = tpu.memref_slice %arg13[%dma_wait3A_1965, %dma_wait3A_1966] : memref<1280x32xf32, #tpu.memory_space<vmem>> -> memref<320x32xf32, #tpu.memory_space<vmem>>
        tpu.wait_dma2 semaphore(%arg20 : memref<!tpu.dma_semaphore, #tpu.memory_space<semaphore_mem>>) src(%dma_wait3A_1967 : memref<320x32xf32, #tpu.memory_space<vmem>>) dst(%dma_wait3A_1964 : memref<320x32xf32, #tpu.memory_space<hbm>>)
        %dma_wait3A_1968 = arith.constant 320 : i32
        %dma_wait3A_1969 = arith.constant 0 : i32
        %dma_wait3A_1970 = tpu.memref_slice %arg13[%dma_wait3A_1968, %dma_wait3A_1969] : memref<1280x32xf32, #tpu.memory_space<vmem>> -> memref<320x32xf32, #tpu.memory_space<vmem>>
        %dma_wait3A_1971 = arith.constant 96 : i32
        %dma_wait3A_1972 = tpu.memref_slice %arg9[%add3A_1953, %dma_wait3A_1971] : memref<819200x192xf32, #tpu.memory_space<hbm>> -> memref<320x32xf32, #tpu.memory_space<hbm>>
        %dma_wait3A_1973 = arith.constant 96 : i32
        %dma_wait3A_1974 = tpu.memref_slice %arg9[%add3A_1953, %dma_wait3A_1973] : memref<819200x192xf32, #tpu.memory_space<hbm>> -> memref<320x32xf32, #tpu.memory_space<hbm>>
        %dma_wait3A_1975 = arith.constant 320 : i32
        %dma_wait3A_1976 = arith.constant 0 : i32
        %dma_wait3A_1977 = tpu.memref_slice %arg13[%dma_wait3A_1975, %dma_wait3A_1976] : memref<1280x32xf32, #tpu.memory_space<vmem>> -> memref<320x32xf32, #tpu.memory_space<vmem>>
        tpu.wait_dma2 semaphore(%arg20 : memref<!tpu.dma_semaphore, #tpu.memory_space<semaphore_mem>>) src(%dma_wait3A_1977 : memref<320x32xf32, #tpu.memory_space<vmem>>) dst(%dma_wait3A_1974 : memref<320x32xf32, #tpu.memory_space<hbm>>)
        %dma_wait3A_1978 = arith.constant 640 : i32
        %dma_wait3A_1979 = arith.constant 0 : i32
        %dma_wait3A_1980 = tpu.memref_slice %arg13[%dma_wait3A_1978, %dma_wait3A_1979] : memref<1280x32xf32, #tpu.memory_space<vmem>> -> memref<320x32xf32, #tpu.memory_space<vmem>>
        %dma_wait3A_1981 = arith.constant 128 : i32
        %dma_wait3A_1982 = tpu.memref_slice %arg9[%add3A_1953, %dma_wait3A_1981] : memref<819200x192xf32, #tpu.memory_space<hbm>> -> memref<320x32xf32, #tpu.memory_space<hbm>>
        %dma_wait3A_1983 = arith.constant 128 : i32
        %dma_wait3A_1984 = tpu.memref_slice %arg9[%add3A_1953, %dma_wait3A_1983] : memref<819200x192xf32, #tpu.memory_space<hbm>> -> memref<320x32xf32, #tpu.memory_space<hbm>>
        %dma_wait3A_1985 = arith.constant 640 : i32
        %dma_wait3A_1986 = arith.constant 0 : i32
        %dma_wait3A_1987 = tpu.memref_slice %arg13[%dma_wait3A_1985, %dma_wait3A_1986] : memref<1280x32xf32, #tpu.memory_space<vmem>> -> memref<320x32xf32, #tpu.memory_space<vmem>>
        tpu.wait_dma2 semaphore(%arg20 : memref<!tpu.dma_semaphore, #tpu.memory_space<semaphore_mem>>) src(%dma_wait3A_1987 : memref<320x32xf32, #tpu.memory_space<vmem>>) dst(%dma_wait3A_1984 : memref<320x32xf32, #tpu.memory_space<hbm>>)
        %dma_wait3A_1988 = arith.constant 960 : i32
        %dma_wait3A_1989 = arith.constant 0 : i32
        %dma_wait3A_1990 = tpu.memref_slice %arg13[%dma_wait3A_1988, %dma_wait3A_1989] : memref<1280x32xf32, #tpu.memory_space<vmem>> -> memref<320x32xf32, #tpu.memory_space<vmem>>
        %dma_wait3A_1991 = arith.constant 160 : i32
        %dma_wait3A_1992 = tpu.memref_slice %arg9[%add3A_1953, %dma_wait3A_1991] : memref<819200x192xf32, #tpu.memory_space<hbm>> -> memref<320x32xf32, #tpu.memory_space<hbm>>
        %dma_wait3A_1993 = arith.constant 160 : i32
        %dma_wait3A_1994 = tpu.memref_slice %arg9[%add3A_1953, %dma_wait3A_1993] : memref<819200x192xf32, #tpu.memory_space<hbm>> -> memref<320x32xf32, #tpu.memory_space<hbm>>
        %dma_wait3A_1995 = arith.constant 960 : i32
        %dma_wait3A_1996 = arith.constant 0 : i32
        %dma_wait3A_1997 = tpu.memref_slice %arg13[%dma_wait3A_1995, %dma_wait3A_1996] : memref<1280x32xf32, #tpu.memory_space<vmem>> -> memref<320x32xf32, #tpu.memory_space<vmem>>
        tpu.wait_dma2 semaphore(%arg20 : memref<!tpu.dma_semaphore, #tpu.memory_space<semaphore_mem>>) src(%dma_wait3A_1997 : memref<320x32xf32, #tpu.memory_space<vmem>>) dst(%dma_wait3A_1994 : memref<320x32xf32, #tpu.memory_space<hbm>>)
        %add3A_1998 = arith.constant 2 : i32
        %add3A_1999 = arith.addi %mul3A_967, %add3A_1998 : i32
        %mul3A_2000 = arith.constant 25600 : i32
        %mul3A_2001 = arith.muli %add3A, %mul3A_2000 : i32
        %mul3A_2002 = arith.constant 320 : i32
        %mul3A_2003 = arith.muli %add3A_1999, %mul3A_2002 : i32
        %add3A_2004 = arith.addi %mul3A_2001, %mul3A_2003 : i32
        %dma_start3A_2005 = tpu.memref_slice %arg2[%add3A_2004] : memref<819200xi32, #tpu.memory_space<hbm>> -> memref<320xi32, #tpu.memory_space<hbm>>
        %dma_start3A_2006 = tpu.memref_slice %arg2[%add3A_2004] : memref<819200xi32, #tpu.memory_space<hbm>> -> memref<320xi32, #tpu.memory_space<hbm>>
        tpu.enqueue_dma source(%dma_start3A_2006 : memref<320xi32, #tpu.memory_space<hbm>>) target(%arg10 : memref<320xi32, #tpu.memory_space<vmem>>) target_semaphore(%arg18 : memref<!tpu.dma_semaphore, #tpu.memory_space<semaphore_mem>>)
        %dma_start3A_2007 = arith.constant 0 : i32
        %dma_start3A_2008 = tpu.memref_slice %arg11[%dma_start3A_2007] : memref<1280xi32, #tpu.memory_space<vmem>> -> memref<320xi32, #tpu.memory_space<vmem>>
        %dma_start3A_2009 = tpu.memref_slice %arg3[%add3A_2004] : memref<819200xi32, #tpu.memory_space<hbm>> -> memref<320xi32, #tpu.memory_space<hbm>>
        %dma_start3A_2010 = arith.constant 0 : i32
        %dma_start3A_2011 = tpu.memref_slice %arg11[%dma_start3A_2010] : memref<1280xi32, #tpu.memory_space<vmem>> -> memref<320xi32, #tpu.memory_space<vmem>>
        %dma_start3A_2012 = tpu.memref_slice %arg3[%add3A_2004] : memref<819200xi32, #tpu.memory_space<hbm>> -> memref<320xi32, #tpu.memory_space<hbm>>
        tpu.enqueue_dma source(%dma_start3A_2012 : memref<320xi32, #tpu.memory_space<hbm>>) target(%dma_start3A_2011 : memref<320xi32, #tpu.memory_space<vmem>>) target_semaphore(%arg18 : memref<!tpu.dma_semaphore, #tpu.memory_space<semaphore_mem>>)
        %dma_start3A_2013 = arith.constant 320 : i32
        %dma_start3A_2014 = tpu.memref_slice %arg11[%dma_start3A_2013] : memref<1280xi32, #tpu.memory_space<vmem>> -> memref<320xi32, #tpu.memory_space<vmem>>
        %dma_start3A_2015 = tpu.memref_slice %arg4[%add3A_2004] : memref<819200xi32, #tpu.memory_space<hbm>> -> memref<320xi32, #tpu.memory_space<hbm>>
        %dma_start3A_2016 = arith.constant 320 : i32
        %dma_start3A_2017 = tpu.memref_slice %arg11[%dma_start3A_2016] : memref<1280xi32, #tpu.memory_space<vmem>> -> memref<320xi32, #tpu.memory_space<vmem>>
        %dma_start3A_2018 = tpu.memref_slice %arg4[%add3A_2004] : memref<819200xi32, #tpu.memory_space<hbm>> -> memref<320xi32, #tpu.memory_space<hbm>>
        tpu.enqueue_dma source(%dma_start3A_2018 : memref<320xi32, #tpu.memory_space<hbm>>) target(%dma_start3A_2017 : memref<320xi32, #tpu.memory_space<vmem>>) target_semaphore(%arg18 : memref<!tpu.dma_semaphore, #tpu.memory_space<semaphore_mem>>)
        %dma_start3A_2019 = arith.constant 640 : i32
        %dma_start3A_2020 = tpu.memref_slice %arg11[%dma_start3A_2019] : memref<1280xi32, #tpu.memory_space<vmem>> -> memref<320xi32, #tpu.memory_space<vmem>>
        %dma_start3A_2021 = tpu.memref_slice %arg5[%add3A_2004] : memref<819200xi32, #tpu.memory_space<hbm>> -> memref<320xi32, #tpu.memory_space<hbm>>
        %dma_start3A_2022 = arith.constant 640 : i32
        %dma_start3A_2023 = tpu.memref_slice %arg11[%dma_start3A_2022] : memref<1280xi32, #tpu.memory_space<vmem>> -> memref<320xi32, #tpu.memory_space<vmem>>
        %dma_start3A_2024 = tpu.memref_slice %arg5[%add3A_2004] : memref<819200xi32, #tpu.memory_space<hbm>> -> memref<320xi32, #tpu.memory_space<hbm>>
        tpu.enqueue_dma source(%dma_start3A_2024 : memref<320xi32, #tpu.memory_space<hbm>>) target(%dma_start3A_2023 : memref<320xi32, #tpu.memory_space<vmem>>) target_semaphore(%arg18 : memref<!tpu.dma_semaphore, #tpu.memory_space<semaphore_mem>>)
        %dma_start3A_2025 = arith.constant 960 : i32
        %dma_start3A_2026 = tpu.memref_slice %arg11[%dma_start3A_2025] : memref<1280xi32, #tpu.memory_space<vmem>> -> memref<320xi32, #tpu.memory_space<vmem>>
        %dma_start3A_2027 = tpu.memref_slice %arg6[%add3A_2004] : memref<819200xi32, #tpu.memory_space<hbm>> -> memref<320xi32, #tpu.memory_space<hbm>>
        %dma_start3A_2028 = arith.constant 960 : i32
        %dma_start3A_2029 = tpu.memref_slice %arg11[%dma_start3A_2028] : memref<1280xi32, #tpu.memory_space<vmem>> -> memref<320xi32, #tpu.memory_space<vmem>>
        %dma_start3A_2030 = tpu.memref_slice %arg6[%add3A_2004] : memref<819200xi32, #tpu.memory_space<hbm>> -> memref<320xi32, #tpu.memory_space<hbm>>
        tpu.enqueue_dma source(%dma_start3A_2030 : memref<320xi32, #tpu.memory_space<hbm>>) target(%dma_start3A_2029 : memref<320xi32, #tpu.memory_space<vmem>>) target_semaphore(%arg18 : memref<!tpu.dma_semaphore, #tpu.memory_space<semaphore_mem>>)
        %dma_wait3A_2031 = tpu.memref_slice %arg2[%add3A_2004] : memref<819200xi32, #tpu.memory_space<hbm>> -> memref<320xi32, #tpu.memory_space<hbm>>
        %dma_wait3A_2032 = tpu.memref_slice %arg2[%add3A_2004] : memref<819200xi32, #tpu.memory_space<hbm>> -> memref<320xi32, #tpu.memory_space<hbm>>
        tpu.wait_dma2 semaphore(%arg18 : memref<!tpu.dma_semaphore, #tpu.memory_space<semaphore_mem>>) src(%dma_wait3A_2032 : memref<320xi32, #tpu.memory_space<hbm>>) dst(%arg10 : memref<320xi32, #tpu.memory_space<vmem>>)
        %dma_wait3A_2033 = arith.constant 0 : i32
        %dma_wait3A_2034 = tpu.memref_slice %arg11[%dma_wait3A_2033] : memref<1280xi32, #tpu.memory_space<vmem>> -> memref<320xi32, #tpu.memory_space<vmem>>
        %dma_wait3A_2035 = tpu.memref_slice %arg3[%add3A_2004] : memref<819200xi32, #tpu.memory_space<hbm>> -> memref<320xi32, #tpu.memory_space<hbm>>
        %dma_wait3A_2036 = arith.constant 0 : i32
        %dma_wait3A_2037 = tpu.memref_slice %arg11[%dma_wait3A_2036] : memref<1280xi32, #tpu.memory_space<vmem>> -> memref<320xi32, #tpu.memory_space<vmem>>
        %dma_wait3A_2038 = tpu.memref_slice %arg3[%add3A_2004] : memref<819200xi32, #tpu.memory_space<hbm>> -> memref<320xi32, #tpu.memory_space<hbm>>
        tpu.wait_dma2 semaphore(%arg18 : memref<!tpu.dma_semaphore, #tpu.memory_space<semaphore_mem>>) src(%dma_wait3A_2038 : memref<320xi32, #tpu.memory_space<hbm>>) dst(%dma_wait3A_2037 : memref<320xi32, #tpu.memory_space<vmem>>)
        %dma_wait3A_2039 = arith.constant 320 : i32
        %dma_wait3A_2040 = tpu.memref_slice %arg11[%dma_wait3A_2039] : memref<1280xi32, #tpu.memory_space<vmem>> -> memref<320xi32, #tpu.memory_space<vmem>>
        %dma_wait3A_2041 = tpu.memref_slice %arg4[%add3A_2004] : memref<819200xi32, #tpu.memory_space<hbm>> -> memref<320xi32, #tpu.memory_space<hbm>>
        %dma_wait3A_2042 = arith.constant 320 : i32
        %dma_wait3A_2043 = tpu.memref_slice %arg11[%dma_wait3A_2042] : memref<1280xi32, #tpu.memory_space<vmem>> -> memref<320xi32, #tpu.memory_space<vmem>>
        %dma_wait3A_2044 = tpu.memref_slice %arg4[%add3A_2004] : memref<819200xi32, #tpu.memory_space<hbm>> -> memref<320xi32, #tpu.memory_space<hbm>>
        tpu.wait_dma2 semaphore(%arg18 : memref<!tpu.dma_semaphore, #tpu.memory_space<semaphore_mem>>) src(%dma_wait3A_2044 : memref<320xi32, #tpu.memory_space<hbm>>) dst(%dma_wait3A_2043 : memref<320xi32, #tpu.memory_space<vmem>>)
        %dma_wait3A_2045 = arith.constant 640 : i32
        %dma_wait3A_2046 = tpu.memref_slice %arg11[%dma_wait3A_2045] : memref<1280xi32, #tpu.memory_space<vmem>> -> memref<320xi32, #tpu.memory_space<vmem>>
        %dma_wait3A_2047 = tpu.memref_slice %arg5[%add3A_2004] : memref<819200xi32, #tpu.memory_space<hbm>> -> memref<320xi32, #tpu.memory_space<hbm>>
        %dma_wait3A_2048 = arith.constant 640 : i32
        %dma_wait3A_2049 = tpu.memref_slice %arg11[%dma_wait3A_2048] : memref<1280xi32, #tpu.memory_space<vmem>> -> memref<320xi32, #tpu.memory_space<vmem>>
        %dma_wait3A_2050 = tpu.memref_slice %arg5[%add3A_2004] : memref<819200xi32, #tpu.memory_space<hbm>> -> memref<320xi32, #tpu.memory_space<hbm>>
        tpu.wait_dma2 semaphore(%arg18 : memref<!tpu.dma_semaphore, #tpu.memory_space<semaphore_mem>>) src(%dma_wait3A_2050 : memref<320xi32, #tpu.memory_space<hbm>>) dst(%dma_wait3A_2049 : memref<320xi32, #tpu.memory_space<vmem>>)
        %dma_wait3A_2051 = arith.constant 960 : i32
        %dma_wait3A_2052 = tpu.memref_slice %arg11[%dma_wait3A_2051] : memref<1280xi32, #tpu.memory_space<vmem>> -> memref<320xi32, #tpu.memory_space<vmem>>
        %dma_wait3A_2053 = tpu.memref_slice %arg6[%add3A_2004] : memref<819200xi32, #tpu.memory_space<hbm>> -> memref<320xi32, #tpu.memory_space<hbm>>
        %dma_wait3A_2054 = arith.constant 960 : i32
        %dma_wait3A_2055 = tpu.memref_slice %arg11[%dma_wait3A_2054] : memref<1280xi32, #tpu.memory_space<vmem>> -> memref<320xi32, #tpu.memory_space<vmem>>
        %dma_wait3A_2056 = tpu.memref_slice %arg6[%add3A_2004] : memref<819200xi32, #tpu.memory_space<hbm>> -> memref<320xi32, #tpu.memory_space<hbm>>
        tpu.wait_dma2 semaphore(%arg18 : memref<!tpu.dma_semaphore, #tpu.memory_space<semaphore_mem>>) src(%dma_wait3A_2056 : memref<320xi32, #tpu.memory_space<hbm>>) dst(%dma_wait3A_2055 : memref<320xi32, #tpu.memory_space<vmem>>)
        %get3A_2057 = arith.constant 0 : index
        %get3A_2058 = tpu.vector_load %arg11[%get3A_2057] {strides = array<i32>} : memref<1280xi32, #tpu.memory_space<vmem>>, vector<16xi32>,
        %get3A_2059 = vector.shape_cast %get3A_2058 : vector<16xi32> to vector<16xi32>
        %add3A_2060 = vector.broadcast %mul3A_2 : i32 to vector<16xi32>
        %add3A_2061 = arith.addi %get3A_2059, %add3A_2060 : vector<16xi32>
        %swap3A_2062 = arith.constant 0 : index
        %swap3A_2063 = tpu.vector_load %arg11[%swap3A_2062] {strides = array<i32>} : memref<1280xi32, #tpu.memory_space<vmem>>, vector<16xi32>,
        %swap3A_2064 = vector.shape_cast %swap3A_2063 : vector<16xi32> to vector<16xi32>
        %swap3A_2065 = vector.shape_cast %add3A_2061 : vector<16xi32> to vector<16xi32>
        tpu.vector_store %arg11[%swap3A_2062], %swap3A_2065 {strides = array<i32>} : memref<1280xi32, #tpu.memory_space<vmem>>, vector<16xi32>,
        %get3A_2066 = arith.constant 16 : index
        %get3A_2067 = tpu.vector_load %arg11[%get3A_2066] {strides = array<i32>} : memref<1280xi32, #tpu.memory_space<vmem>>, vector<16xi32>,
        %get3A_2068 = vector.shape_cast %get3A_2067 : vector<16xi32> to vector<16xi32>
        %add3A_2069 = vector.broadcast %mul3A_2 : i32 to vector<16xi32>
        %add3A_2070 = arith.addi %get3A_2068, %add3A_2069 : vector<16xi32>
        %swap3A_2071 = arith.constant 16 : index
        %swap3A_2072 = tpu.vector_load %arg11[%swap3A_2071] {strides = array<i32>} : memref<1280xi32, #tpu.memory_space<vmem>>, vector<16xi32>,
        %swap3A_2073 = vector.shape_cast %swap3A_2072 : vector<16xi32> to vector<16xi32>
        %swap3A_2074 = vector.shape_cast %add3A_2070 : vector<16xi32> to vector<16xi32>
        tpu.vector_store %arg11[%swap3A_2071], %swap3A_2074 {strides = array<i32>} : memref<1280xi32, #tpu.memory_space<vmem>>, vector<16xi32>,
        %get3A_2075 = arith.constant 32 : index
        %get3A_2076 = tpu.vector_load %arg11[%get3A_2075] {strides = array<i32>} : memref<1280xi32, #tpu.memory_space<vmem>>, vector<16xi32>,
        %get3A_2077 = vector.shape_cast %get3A_2076 : vector<16xi32> to vector<16xi32>
        %add3A_2078 = vector.broadcast %mul3A_2 : i32 to vector<16xi32>
        %add3A_2079 = arith.addi %get3A_2077, %add3A_2078 : vector<16xi32>
        %swap3A_2080 = arith.constant 32 : index
        %swap3A_2081 = tpu.vector_load %arg11[%swap3A_2080] {strides = array<i32>} : memref<1280xi32, #tpu.memory_space<vmem>>, vector<16xi32>,
        %swap3A_2082 = vector.shape_cast %swap3A_2081 : vector<16xi32> to vector<16xi32>
        %swap3A_2083 = vector.shape_cast %add3A_2079 : vector<16xi32> to vector<16xi32>
        tpu.vector_store %arg11[%swap3A_2080], %swap3A_2083 {strides = array<i32>} : memref<1280xi32, #tpu.memory_space<vmem>>, vector<16xi32>,
        %get3A_2084 = arith.constant 48 : index
        %get3A_2085 = tpu.vector_load %arg11[%get3A_2084] {strides = array<i32>} : memref<1280xi32, #tpu.memory_space<vmem>>, vector<16xi32>,
        %get3A_2086 = vector.shape_cast %get3A_2085 : vector<16xi32> to vector<16xi32>
        %add3A_2087 = vector.broadcast %mul3A_2 : i32 to vector<16xi32>
        %add3A_2088 = arith.addi %get3A_2086, %add3A_2087 : vector<16xi32>
        %swap3A_2089 = arith.constant 48 : index
        %swap3A_2090 = tpu.vector_load %arg11[%swap3A_2089] {strides = array<i32>} : memref<1280xi32, #tpu.memory_space<vmem>>, vector<16xi32>,
        %swap3A_2091 = vector.shape_cast %swap3A_2090 : vector<16xi32> to vector<16xi32>
        %swap3A_2092 = vector.shape_cast %add3A_2088 : vector<16xi32> to vector<16xi32>
        tpu.vector_store %arg11[%swap3A_2089], %swap3A_2092 {strides = array<i32>} : memref<1280xi32, #tpu.memory_space<vmem>>, vector<16xi32>,
        %get3A_2093 = arith.constant 64 : index
        %get3A_2094 = tpu.vector_load %arg11[%get3A_2093] {strides = array<i32>} : memref<1280xi32, #tpu.memory_space<vmem>>, vector<16xi32>,
        %get3A_2095 = vector.shape_cast %get3A_2094 : vector<16xi32> to vector<16xi32>
        %add3A_2096 = vector.broadcast %mul3A_2 : i32 to vector<16xi32>
        %add3A_2097 = arith.addi %get3A_2095, %add3A_2096 : vector<16xi32>
        %swap3A_2098 = arith.constant 64 : index
        %swap3A_2099 = tpu.vector_load %arg11[%swap3A_2098] {strides = array<i32>} : memref<1280xi32, #tpu.memory_space<vmem>>, vector<16xi32>,
        %swap3A_2100 = vector.shape_cast %swap3A_2099 : vector<16xi32> to vector<16xi32>
        %swap3A_2101 = vector.shape_cast %add3A_2097 : vector<16xi32> to vector<16xi32>
        tpu.vector_store %arg11[%swap3A_2098], %swap3A_2101 {strides = array<i32>} : memref<1280xi32, #tpu.memory_space<vmem>>, vector<16xi32>,
        %get3A_2102 = arith.constant 80 : index
        %get3A_2103 = tpu.vector_load %arg11[%get3A_2102] {strides = array<i32>} : memref<1280xi32, #tpu.memory_space<vmem>>, vector<16xi32>,
        %get3A_2104 = vector.shape_cast %get3A_2103 : vector<16xi32> to vector<16xi32>
        %add3A_2105 = vector.broadcast %mul3A_2 : i32 to vector<16xi32>
        %add3A_2106 = arith.addi %get3A_2104, %add3A_2105 : vector<16xi32>
        %swap3A_2107 = arith.constant 80 : index
        %swap3A_2108 = tpu.vector_load %arg11[%swap3A_2107] {strides = array<i32>} : memref<1280xi32, #tpu.memory_space<vmem>>, vector<16xi32>,
        %swap3A_2109 = vector.shape_cast %swap3A_2108 : vector<16xi32> to vector<16xi32>
        %swap3A_2110 = vector.shape_cast %add3A_2106 : vector<16xi32> to vector<16xi32>
        tpu.vector_store %arg11[%swap3A_2107], %swap3A_2110 {strides = array<i32>} : memref<1280xi32, #tpu.memory_space<vmem>>, vector<16xi32>,
        %get3A_2111 = arith.constant 96 : index
        %get3A_2112 = tpu.vector_load %arg11[%get3A_2111] {strides = array<i32>} : memref<1280xi32, #tpu.memory_space<vmem>>, vector<16xi32>,
        %get3A_2113 = vector.shape_cast %get3A_2112 : vector<16xi32> to vector<16xi32>
        %add3A_2114 = vector.broadcast %mul3A_2 : i32 to vector<16xi32>
        %add3A_2115 = arith.addi %get3A_2113, %add3A_2114 : vector<16xi32>
        %swap3A_2116 = arith.constant 96 : index
        %swap3A_2117 = tpu.vector_load %arg11[%swap3A_2116] {strides = array<i32>} : memref<1280xi32, #tpu.memory_space<vmem>>, vector<16xi32>,
        %swap3A_2118 = vector.shape_cast %swap3A_2117 : vector<16xi32> to vector<16xi32>
        %swap3A_2119 = vector.shape_cast %add3A_2115 : vector<16xi32> to vector<16xi32>
        tpu.vector_store %arg11[%swap3A_2116], %swap3A_2119 {strides = array<i32>} : memref<1280xi32, #tpu.memory_space<vmem>>, vector<16xi32>,
        %get3A_2120 = arith.constant 112 : index
        %get3A_2121 = tpu.vector_load %arg11[%get3A_2120] {strides = array<i32>} : memref<1280xi32, #tpu.memory_space<vmem>>, vector<16xi32>,
        %get3A_2122 = vector.shape_cast %get3A_2121 : vector<16xi32> to vector<16xi32>
        %add3A_2123 = vector.broadcast %mul3A_2 : i32 to vector<16xi32>
        %add3A_2124 = arith.addi %get3A_2122, %add3A_2123 : vector<16xi32>
        %swap3A_2125 = arith.constant 112 : index
        %swap3A_2126 = tpu.vector_load %arg11[%swap3A_2125] {strides = array<i32>} : memref<1280xi32, #tpu.memory_space<vmem>>, vector<16xi32>,
        %swap3A_2127 = vector.shape_cast %swap3A_2126 : vector<16xi32> to vector<16xi32>
        %swap3A_2128 = vector.shape_cast %add3A_2124 : vector<16xi32> to vector<16xi32>
        tpu.vector_store %arg11[%swap3A_2125], %swap3A_2128 {strides = array<i32>} : memref<1280xi32, #tpu.memory_space<vmem>>, vector<16xi32>,
        %get3A_2129 = arith.constant 128 : index
        %get3A_2130 = tpu.vector_load %arg11[%get3A_2129] {strides = array<i32>} : memref<1280xi32, #tpu.memory_space<vmem>>, vector<16xi32>,
        %get3A_2131 = vector.shape_cast %get3A_2130 : vector<16xi32> to vector<16xi32>
        %add3A_2132 = vector.broadcast %mul3A_2 : i32 to vector<16xi32>
        %add3A_2133 = arith.addi %get3A_2131, %add3A_2132 : vector<16xi32>
        %swap3A_2134 = arith.constant 128 : index
        %swap3A_2135 = tpu.vector_load %arg11[%swap3A_2134] {strides = array<i32>} : memref<1280xi32, #tpu.memory_space<vmem>>, vector<16xi32>,
        %swap3A_2136 = vector.shape_cast %swap3A_2135 : vector<16xi32> to vector<16xi32>
        %swap3A_2137 = vector.shape_cast %add3A_2133 : vector<16xi32> to vector<16xi32>
        tpu.vector_store %arg11[%swap3A_2134], %swap3A_2137 {strides = array<i32>} : memref<1280xi32, #tpu.memory_space<vmem>>, vector<16xi32>,
        %get3A_2138 = arith.constant 144 : index
        %get3A_2139 = tpu.vector_load %arg11[%get3A_2138] {strides = array<i32>} : memref<1280xi32, #tpu.memory_space<vmem>>, vector<16xi32>,
        %get3A_2140 = vector.shape_cast %get3A_2139 : vector<16xi32> to vector<16xi32>
        %add3A_2141 = vector.broadcast %mul3A_2 : i32 to vector<16xi32>
        %add3A_2142 = arith.addi %get3A_2140, %add3A_2141 : vector<16xi32>
        %swap3A_2143 = arith.constant 144 : index
        %swap3A_2144 = tpu.vector_load %arg11[%swap3A_2143] {strides = array<i32>} : memref<1280xi32, #tpu.memory_space<vmem>>, vector<16xi32>,
        %swap3A_2145 = vector.shape_cast %swap3A_2144 : vector<16xi32> to vector<16xi32>
        %swap3A_2146 = vector.shape_cast %add3A_2142 : vector<16xi32> to vector<16xi32>
        tpu.vector_store %arg11[%swap3A_2143], %swap3A_2146 {strides = array<i32>} : memref<1280xi32, #tpu.memory_space<vmem>>, vector<16xi32>,
        %get3A_2147 = arith.constant 160 : index
        %get3A_2148 = tpu.vector_load %arg11[%get3A_2147] {strides = array<i32>} : memref<1280xi32, #tpu.memory_space<vmem>>, vector<16xi32>,
        %get3A_2149 = vector.shape_cast %get3A_2148 : vector<16xi32> to vector<16xi32>
        %add3A_2150 = vector.broadcast %mul3A_2 : i32 to vector<16xi32>
        %add3A_2151 = arith.addi %get3A_2149, %add3A_2150 : vector<16xi32>
        %swap3A_2152 = arith.constant 160 : index
        %swap3A_2153 = tpu.vector_load %arg11[%swap3A_2152] {strides = array<i32>} : memref<1280xi32, #tpu.memory_space<vmem>>, vector<16xi32>,
        %swap3A_2154 = vector.shape_cast %swap3A_2153 : vector<16xi32> to vector<16xi32>
        %swap3A_2155 = vector.shape_cast %add3A_2151 : vector<16xi32> to vector<16xi32>
        tpu.vector_store %arg11[%swap3A_2152], %swap3A_2155 {strides = array<i32>} : memref<1280xi32, #tpu.memory_space<vmem>>, vector<16xi32>,
        %get3A_2156 = arith.constant 176 : index
        %get3A_2157 = tpu.vector_load %arg11[%get3A_2156] {strides = array<i32>} : memref<1280xi32, #tpu.memory_space<vmem>>, vector<16xi32>,
        %get3A_2158 = vector.shape_cast %get3A_2157 : vector<16xi32> to vector<16xi32>
        %add3A_2159 = vector.broadcast %mul3A_2 : i32 to vector<16xi32>
        %add3A_2160 = arith.addi %get3A_2158, %add3A_2159 : vector<16xi32>
        %swap3A_2161 = arith.constant 176 : index
        %swap3A_2162 = tpu.vector_load %arg11[%swap3A_2161] {strides = array<i32>} : memref<1280xi32, #tpu.memory_space<vmem>>, vector<16xi32>,
        %swap3A_2163 = vector.shape_cast %swap3A_2162 : vector<16xi32> to vector<16xi32>
        %swap3A_2164 = vector.shape_cast %add3A_2160 : vector<16xi32> to vector<16xi32>
        tpu.vector_store %arg11[%swap3A_2161], %swap3A_2164 {strides = array<i32>} : memref<1280xi32, #tpu.memory_space<vmem>>, vector<16xi32>,
        %get3A_2165 = arith.constant 192 : index
        %get3A_2166 = tpu.vector_load %arg11[%get3A_2165] {strides = array<i32>} : memref<1280xi32, #tpu.memory_space<vmem>>, vector<16xi32>,
        %get3A_2167 = vector.shape_cast %get3A_2166 : vector<16xi32> to vector<16xi32>
        %add3A_2168 = vector.broadcast %mul3A_2 : i32 to vector<16xi32>
        %add3A_2169 = arith.addi %get3A_2167, %add3A_2168 : vector<16xi32>
        %swap3A_2170 = arith.constant 192 : index
        %swap3A_2171 = tpu.vector_load %arg11[%swap3A_2170] {strides = array<i32>} : memref<1280xi32, #tpu.memory_space<vmem>>, vector<16xi32>,
        %swap3A_2172 = vector.shape_cast %swap3A_2171 : vector<16xi32> to vector<16xi32>
        %swap3A_2173 = vector.shape_cast %add3A_2169 : vector<16xi32> to vector<16xi32>
        tpu.vector_store %arg11[%swap3A_2170], %swap3A_2173 {strides = array<i32>} : memref<1280xi32, #tpu.memory_space<vmem>>, vector<16xi32>,
        %get3A_2174 = arith.constant 208 : index
        %get3A_2175 = tpu.vector_load %arg11[%get3A_2174] {strides = array<i32>} : memref<1280xi32, #tpu.memory_space<vmem>>, vector<16xi32>,
        %get3A_2176 = vector.shape_cast %get3A_2175 : vector<16xi32> to vector<16xi32>
        %add3A_2177 = vector.broadcast %mul3A_2 : i32 to vector<16xi32>
        %add3A_2178 = arith.addi %get3A_2176, %add3A_2177 : vector<16xi32>
        %swap3A_2179 = arith.constant 208 : index
        %swap3A_2180 = tpu.vector_load %arg11[%swap3A_2179] {strides = array<i32>} : memref<1280xi32, #tpu.memory_space<vmem>>, vector<16xi32>,
        %swap3A_2181 = vector.shape_cast %swap3A_2180 : vector<16xi32> to vector<16xi32>
        %swap3A_2182 = vector.shape_cast %add3A_2178 : vector<16xi32> to vector<16xi32>
        tpu.vector_store %arg11[%swap3A_2179], %swap3A_2182 {strides = array<i32>} : memref<1280xi32, #tpu.memory_space<vmem>>, vector<16xi32>,
        %get3A_2183 = arith.constant 224 : index
        %get3A_2184 = tpu.vector_load %arg11[%get3A_2183] {strides = array<i32>} : memref<1280xi32, #tpu.memory_space<vmem>>, vector<16xi32>,
        %get3A_2185 = vector.shape_cast %get3A_2184 : vector<16xi32> to vector<16xi32>
        %add3A_2186 = vector.broadcast %mul3A_2 : i32 to vector<16xi32>
        %add3A_2187 = arith.addi %get3A_2185, %add3A_2186 : vector<16xi32>
        %swap3A_2188 = arith.constant 224 : index
        %swap3A_2189 = tpu.vector_load %arg11[%swap3A_2188] {strides = array<i32>} : memref<1280xi32, #tpu.memory_space<vmem>>, vector<16xi32>,
        %swap3A_2190 = vector.shape_cast %swap3A_2189 : vector<16xi32> to vector<16xi32>
        %swap3A_2191 = vector.shape_cast %add3A_2187 : vector<16xi32> to vector<16xi32>
        tpu.vector_store %arg11[%swap3A_2188], %swap3A_2191 {strides = array<i32>} : memref<1280xi32, #tpu.memory_space<vmem>>, vector<16xi32>,
        %get3A_2192 = arith.constant 240 : index
        %get3A_2193 = tpu.vector_load %arg11[%get3A_2192] {strides = array<i32>} : memref<1280xi32, #tpu.memory_space<vmem>>, vector<16xi32>,
        %get3A_2194 = vector.shape_cast %get3A_2193 : vector<16xi32> to vector<16xi32>
        %add3A_2195 = vector.broadcast %mul3A_2 : i32 to vector<16xi32>
        %add3A_2196 = arith.addi %get3A_2194, %add3A_2195 : vector<16xi32>
        %swap3A_2197 = arith.constant 240 : index
        %swap3A_2198 = tpu.vector_load %arg11[%swap3A_2197] {strides = array<i32>} : memref<1280xi32, #tpu.memory_space<vmem>>, vector<16xi32>,
        %swap3A_2199 = vector.shape_cast %swap3A_2198 : vector<16xi32> to vector<16xi32>
        %swap3A_2200 = vector.shape_cast %add3A_2196 : vector<16xi32> to vector<16xi32>
        tpu.vector_store %arg11[%swap3A_2197], %swap3A_2200 {strides = array<i32>} : memref<1280xi32, #tpu.memory_space<vmem>>, vector<16xi32>,
        %get3A_2201 = arith.constant 256 : index
        %get3A_2202 = tpu.vector_load %arg11[%get3A_2201] {strides = array<i32>} : memref<1280xi32, #tpu.memory_space<vmem>>, vector<16xi32>,
        %get3A_2203 = vector.shape_cast %get3A_2202 : vector<16xi32> to vector<16xi32>
        %add3A_2204 = vector.broadcast %mul3A_2 : i32 to vector<16xi32>
        %add3A_2205 = arith.addi %get3A_2203, %add3A_2204 : vector<16xi32>
        %swap3A_2206 = arith.constant 256 : index
        %swap3A_2207 = tpu.vector_load %arg11[%swap3A_2206] {strides = array<i32>} : memref<1280xi32, #tpu.memory_space<vmem>>, vector<16xi32>,
        %swap3A_2208 = vector.shape_cast %swap3A_2207 : vector<16xi32> to vector<16xi32>
        %swap3A_2209 = vector.shape_cast %add3A_2205 : vector<16xi32> to vector<16xi32>
        tpu.vector_store %arg11[%swap3A_2206], %swap3A_2209 {strides = array<i32>} : memref<1280xi32, #tpu.memory_space<vmem>>, vector<16xi32>,
        %get3A_2210 = arith.constant 272 : index
        %get3A_2211 = tpu.vector_load %arg11[%get3A_2210] {strides = array<i32>} : memref<1280xi32, #tpu.memory_space<vmem>>, vector<16xi32>,
        %get3A_2212 = vector.shape_cast %get3A_2211 : vector<16xi32> to vector<16xi32>
        %add3A_2213 = vector.broadcast %mul3A_2 : i32 to vector<16xi32>
        %add3A_2214 = arith.addi %get3A_2212, %add3A_2213 : vector<16xi32>
        %swap3A_2215 = arith.constant 272 : index
        %swap3A_2216 = tpu.vector_load %arg11[%swap3A_2215] {strides = array<i32>} : memref<1280xi32, #tpu.memory_space<vmem>>, vector<16xi32>,
        %swap3A_2217 = vector.shape_cast %swap3A_2216 : vector<16xi32> to vector<16xi32>
        %swap3A_2218 = vector.shape_cast %add3A_2214 : vector<16xi32> to vector<16xi32>
        tpu.vector_store %arg11[%swap3A_2215], %swap3A_2218 {strides = array<i32>} : memref<1280xi32, #tpu.memory_space<vmem>>, vector<16xi32>,
        %get3A_2219 = arith.constant 288 : index
        %get3A_2220 = tpu.vector_load %arg11[%get3A_2219] {strides = array<i32>} : memref<1280xi32, #tpu.memory_space<vmem>>, vector<16xi32>,
        %get3A_2221 = vector.shape_cast %get3A_2220 : vector<16xi32> to vector<16xi32>
        %add3A_2222 = vector.broadcast %mul3A_2 : i32 to vector<16xi32>
        %add3A_2223 = arith.addi %get3A_2221, %add3A_2222 : vector<16xi32>
        %swap3A_2224 = arith.constant 288 : index
        %swap3A_2225 = tpu.vector_load %arg11[%swap3A_2224] {strides = array<i32>} : memref<1280xi32, #tpu.memory_space<vmem>>, vector<16xi32>,
        %swap3A_2226 = vector.shape_cast %swap3A_2225 : vector<16xi32> to vector<16xi32>
        %swap3A_2227 = vector.shape_cast %add3A_2223 : vector<16xi32> to vector<16xi32>
        tpu.vector_store %arg11[%swap3A_2224], %swap3A_2227 {strides = array<i32>} : memref<1280xi32, #tpu.memory_space<vmem>>, vector<16xi32>,
        %get3A_2228 = arith.constant 304 : index
        %get3A_2229 = tpu.vector_load %arg11[%get3A_2228] {strides = array<i32>} : memref<1280xi32, #tpu.memory_space<vmem>>, vector<16xi32>,
        %get3A_2230 = vector.shape_cast %get3A_2229 : vector<16xi32> to vector<16xi32>
        %add3A_2231 = vector.broadcast %mul3A_2 : i32 to vector<16xi32>
        %add3A_2232 = arith.addi %get3A_2230, %add3A_2231 : vector<16xi32>
        %swap3A_2233 = arith.constant 304 : index
        %swap3A_2234 = tpu.vector_load %arg11[%swap3A_2233] {strides = array<i32>} : memref<1280xi32, #tpu.memory_space<vmem>>, vector<16xi32>,
        %swap3A_2235 = vector.shape_cast %swap3A_2234 : vector<16xi32> to vector<16xi32>
        %swap3A_2236 = vector.shape_cast %add3A_2232 : vector<16xi32> to vector<16xi32>
        tpu.vector_store %arg11[%swap3A_2233], %swap3A_2236 {strides = array<i32>} : memref<1280xi32, #tpu.memory_space<vmem>>, vector<16xi32>,
        %get3A_2237 = arith.constant 320 : index
        %get3A_2238 = tpu.vector_load %arg11[%get3A_2237] {strides = array<i32>} : memref<1280xi32, #tpu.memory_space<vmem>>, vector<16xi32>,
        %get3A_2239 = vector.shape_cast %get3A_2238 : vector<16xi32> to vector<16xi32>
        %add3A_2240 = vector.broadcast %mul3A_2 : i32 to vector<16xi32>
        %add3A_2241 = arith.addi %get3A_2239, %add3A_2240 : vector<16xi32>
        %swap3A_2242 = arith.constant 320 : index
        %swap3A_2243 = tpu.vector_load %arg11[%swap3A_2242] {strides = array<i32>} : memref<1280xi32, #tpu.memory_space<vmem>>, vector<16xi32>,
        %swap3A_2244 = vector.shape_cast %swap3A_2243 : vector<16xi32> to vector<16xi32>
        %swap3A_2245 = vector.shape_cast %add3A_2241 : vector<16xi32> to vector<16xi32>
        tpu.vector_store %arg11[%swap3A_2242], %swap3A_2245 {strides = array<i32>} : memref<1280xi32, #tpu.memory_space<vmem>>, vector<16xi32>,
        %get3A_2246 = arith.constant 336 : index
        %get3A_2247 = tpu.vector_load %arg11[%get3A_2246] {strides = array<i32>} : memref<1280xi32, #tpu.memory_space<vmem>>, vector<16xi32>,
        %get3A_2248 = vector.shape_cast %get3A_2247 : vector<16xi32> to vector<16xi32>
        %add3A_2249 = vector.broadcast %mul3A_2 : i32 to vector<16xi32>
        %add3A_2250 = arith.addi %get3A_2248, %add3A_2249 : vector<16xi32>
        %swap3A_2251 = arith.constant 336 : index
        %swap3A_2252 = tpu.vector_load %arg11[%swap3A_2251] {strides = array<i32>} : memref<1280xi32, #tpu.memory_space<vmem>>, vector<16xi32>,
        %swap3A_2253 = vector.shape_cast %swap3A_2252 : vector<16xi32> to vector<16xi32>
        %swap3A_2254 = vector.shape_cast %add3A_2250 : vector<16xi32> to vector<16xi32>
        tpu.vector_store %arg11[%swap3A_2251], %swap3A_2254 {strides = array<i32>} : memref<1280xi32, #tpu.memory_space<vmem>>, vector<16xi32>,
        %get3A_2255 = arith.constant 352 : index
        %get3A_2256 = tpu.vector_load %arg11[%get3A_2255] {strides = array<i32>} : memref<1280xi32, #tpu.memory_space<vmem>>, vector<16xi32>,
        %get3A_2257 = vector.shape_cast %get3A_2256 : vector<16xi32> to vector<16xi32>
        %add3A_2258 = vector.broadcast %mul3A_2 : i32 to vector<16xi32>
        %add3A_2259 = arith.addi %get3A_2257, %add3A_2258 : vector<16xi32>
        %swap3A_2260 = arith.constant 352 : index
        %swap3A_2261 = tpu.vector_load %arg11[%swap3A_2260] {strides = array<i32>} : memref<1280xi32, #tpu.memory_space<vmem>>, vector<16xi32>,
        %swap3A_2262 = vector.shape_cast %swap3A_2261 : vector<16xi32> to vector<16xi32>
        %swap3A_2263 = vector.shape_cast %add3A_2259 : vector<16xi32> to vector<16xi32>
        tpu.vector_store %arg11[%swap3A_2260], %swap3A_2263 {strides = array<i32>} : memref<1280xi32, #tpu.memory_space<vmem>>, vector<16xi32>,
        %get3A_2264 = arith.constant 368 : index
        %get3A_2265 = tpu.vector_load %arg11[%get3A_2264] {strides = array<i32>} : memref<1280xi32, #tpu.memory_space<vmem>>, vector<16xi32>,
        %get3A_2266 = vector.shape_cast %get3A_2265 : vector<16xi32> to vector<16xi32>
        %add3A_2267 = vector.broadcast %mul3A_2 : i32 to vector<16xi32>
        %add3A_2268 = arith.addi %get3A_2266, %add3A_2267 : vector<16xi32>
        %swap3A_2269 = arith.constant 368 : index
        %swap3A_2270 = tpu.vector_load %arg11[%swap3A_2269] {strides = array<i32>} : memref<1280xi32, #tpu.memory_space<vmem>>, vector<16xi32>,
        %swap3A_2271 = vector.shape_cast %swap3A_2270 : vector<16xi32> to vector<16xi32>
        %swap3A_2272 = vector.shape_cast %add3A_2268 : vector<16xi32> to vector<16xi32>
        tpu.vector_store %arg11[%swap3A_2269], %swap3A_2272 {strides = array<i32>} : memref<1280xi32, #tpu.memory_space<vmem>>, vector<16xi32>,
        %get3A_2273 = arith.constant 384 : index
        %get3A_2274 = tpu.vector_load %arg11[%get3A_2273] {strides = array<i32>} : memref<1280xi32, #tpu.memory_space<vmem>>, vector<16xi32>,
        %get3A_2275 = vector.shape_cast %get3A_2274 : vector<16xi32> to vector<16xi32>
        %add3A_2276 = vector.broadcast %mul3A_2 : i32 to vector<16xi32>
        %add3A_2277 = arith.addi %get3A_2275, %add3A_2276 : vector<16xi32>
        %swap3A_2278 = arith.constant 384 : index
        %swap3A_2279 = tpu.vector_load %arg11[%swap3A_2278] {strides = array<i32>} : memref<1280xi32, #tpu.memory_space<vmem>>, vector<16xi32>,
        %swap3A_2280 = vector.shape_cast %swap3A_2279 : vector<16xi32> to vector<16xi32>
        %swap3A_2281 = vector.shape_cast %add3A_2277 : vector<16xi32> to vector<16xi32>
        tpu.vector_store %arg11[%swap3A_2278], %swap3A_2281 {strides = array<i32>} : memref<1280xi32, #tpu.memory_space<vmem>>, vector<16xi32>,
        %get3A_2282 = arith.constant 400 : index
        %get3A_2283 = tpu.vector_load %arg11[%get3A_2282] {strides = array<i32>} : memref<1280xi32, #tpu.memory_space<vmem>>, vector<16xi32>,
        %get3A_2284 = vector.shape_cast %get3A_2283 : vector<16xi32> to vector<16xi32>
        %add3A_2285 = vector.broadcast %mul3A_2 : i32 to vector<16xi32>
        %add3A_2286 = arith.addi %get3A_2284, %add3A_2285 : vector<16xi32>
        %swap3A_2287 = arith.constant 400 : index
        %swap3A_2288 = tpu.vector_load %arg11[%swap3A_2287] {strides = array<i32>} : memref<1280xi32, #tpu.memory_space<vmem>>, vector<16xi32>,
        %swap3A_2289 = vector.shape_cast %swap3A_2288 : vector<16xi32> to vector<16xi32>
        %swap3A_2290 = vector.shape_cast %add3A_2286 : vector<16xi32> to vector<16xi32>
        tpu.vector_store %arg11[%swap3A_2287], %swap3A_2290 {strides = array<i32>} : memref<1280xi32, #tpu.memory_space<vmem>>, vector<16xi32>,
        %get3A_2291 = arith.constant 416 : index
        %get3A_2292 = tpu.vector_load %arg11[%get3A_2291] {strides = array<i32>} : memref<1280xi32, #tpu.memory_space<vmem>>, vector<16xi32>,
        %get3A_2293 = vector.shape_cast %get3A_2292 : vector<16xi32> to vector<16xi32>
        %add3A_2294 = vector.broadcast %mul3A_2 : i32 to vector<16xi32>
        %add3A_2295 = arith.addi %get3A_2293, %add3A_2294 : vector<16xi32>
        %swap3A_2296 = arith.constant 416 : index
        %swap3A_2297 = tpu.vector_load %arg11[%swap3A_2296] {strides = array<i32>} : memref<1280xi32, #tpu.memory_space<vmem>>, vector<16xi32>,
        %swap3A_2298 = vector.shape_cast %swap3A_2297 : vector<16xi32> to vector<16xi32>
        %swap3A_2299 = vector.shape_cast %add3A_2295 : vector<16xi32> to vector<16xi32>
        tpu.vector_store %arg11[%swap3A_2296], %swap3A_2299 {strides = array<i32>} : memref<1280xi32, #tpu.memory_space<vmem>>, vector<16xi32>,
        %get3A_2300 = arith.constant 432 : index
        %get3A_2301 = tpu.vector_load %arg11[%get3A_2300] {strides = array<i32>} : memref<1280xi32, #tpu.memory_space<vmem>>, vector<16xi32>,
        %get3A_2302 = vector.shape_cast %get3A_2301 : vector<16xi32> to vector<16xi32>
        %add3A_2303 = vector.broadcast %mul3A_2 : i32 to vector<16xi32>
        %add3A_2304 = arith.addi %get3A_2302, %add3A_2303 : vector<16xi32>
        %swap3A_2305 = arith.constant 432 : index
        %swap3A_2306 = tpu.vector_load %arg11[%swap3A_2305] {strides = array<i32>} : memref<1280xi32, #tpu.memory_space<vmem>>, vector<16xi32>,
        %swap3A_2307 = vector.shape_cast %swap3A_2306 : vector<16xi32> to vector<16xi32>
        %swap3A_2308 = vector.shape_cast %add3A_2304 : vector<16xi32> to vector<16xi32>
        tpu.vector_store %arg11[%swap3A_2305], %swap3A_2308 {strides = array<i32>} : memref<1280xi32, #tpu.memory_space<vmem>>, vector<16xi32>,
        %get3A_2309 = arith.constant 448 : index
        %get3A_2310 = tpu.vector_load %arg11[%get3A_2309] {strides = array<i32>} : memref<1280xi32, #tpu.memory_space<vmem>>, vector<16xi32>,
        %get3A_2311 = vector.shape_cast %get3A_2310 : vector<16xi32> to vector<16xi32>
        %add3A_2312 = vector.broadcast %mul3A_2 : i32 to vector<16xi32>
        %add3A_2313 = arith.addi %get3A_2311, %add3A_2312 : vector<16xi32>
        %swap3A_2314 = arith.constant 448 : index
        %swap3A_2315 = tpu.vector_load %arg11[%swap3A_2314] {strides = array<i32>} : memref<1280xi32, #tpu.memory_space<vmem>>, vector<16xi32>,
        %swap3A_2316 = vector.shape_cast %swap3A_2315 : vector<16xi32> to vector<16xi32>
        %swap3A_2317 = vector.shape_cast %add3A_2313 : vector<16xi32> to vector<16xi32>
        tpu.vector_store %arg11[%swap3A_2314], %swap3A_2317 {strides = array<i32>} : memref<1280xi32, #tpu.memory_space<vmem>>, vector<16xi32>,
        %get3A_2318 = arith.constant 464 : index
        %get3A_2319 = tpu.vector_load %arg11[%get3A_2318] {strides = array<i32>} : memref<1280xi32, #tpu.memory_space<vmem>>, vector<16xi32>,
        %get3A_2320 = vector.shape_cast %get3A_2319 : vector<16xi32> to vector<16xi32>
        %add3A_2321 = vector.broadcast %mul3A_2 : i32 to vector<16xi32>
        %add3A_2322 = arith.addi %get3A_2320, %add3A_2321 : vector<16xi32>
        %swap3A_2323 = arith.constant 464 : index
        %swap3A_2324 = tpu.vector_load %arg11[%swap3A_2323] {strides = array<i32>} : memref<1280xi32, #tpu.memory_space<vmem>>, vector<16xi32>,
        %swap3A_2325 = vector.shape_cast %swap3A_2324 : vector<16xi32> to vector<16xi32>
        %swap3A_2326 = vector.shape_cast %add3A_2322 : vector<16xi32> to vector<16xi32>
        tpu.vector_store %arg11[%swap3A_2323], %swap3A_2326 {strides = array<i32>} : memref<1280xi32, #tpu.memory_space<vmem>>, vector<16xi32>,
        %get3A_2327 = arith.constant 480 : index
        %get3A_2328 = tpu.vector_load %arg11[%get3A_2327] {strides = array<i32>} : memref<1280xi32, #tpu.memory_space<vmem>>, vector<16xi32>,
        %get3A_2329 = vector.shape_cast %get3A_2328 : vector<16xi32> to vector<16xi32>
        %add3A_2330 = vector.broadcast %mul3A_2 : i32 to vector<16xi32>
        %add3A_2331 = arith.addi %get3A_2329, %add3A_2330 : vector<16xi32>
        %swap3A_2332 = arith.constant 480 : index
        %swap3A_2333 = tpu.vector_load %arg11[%swap3A_2332] {strides = array<i32>} : memref<1280xi32, #tpu.memory_space<vmem>>, vector<16xi32>,
        %swap3A_2334 = vector.shape_cast %swap3A_2333 : vector<16xi32> to vector<16xi32>
        %swap3A_2335 = vector.shape_cast %add3A_2331 : vector<16xi32> to vector<16xi32>
        tpu.vector_store %arg11[%swap3A_2332], %swap3A_2335 {strides = array<i32>} : memref<1280xi32, #tpu.memory_space<vmem>>, vector<16xi32>,
        %get3A_2336 = arith.constant 496 : index
        %get3A_2337 = tpu.vector_load %arg11[%get3A_2336] {strides = array<i32>} : memref<1280xi32, #tpu.memory_space<vmem>>, vector<16xi32>,
        %get3A_2338 = vector.shape_cast %get3A_2337 : vector<16xi32> to vector<16xi32>
        %add3A_2339 = vector.broadcast %mul3A_2 : i32 to vector<16xi32>
        %add3A_2340 = arith.addi %get3A_2338, %add3A_2339 : vector<16xi32>
        %swap3A_2341 = arith.constant 496 : index
        %swap3A_2342 = tpu.vector_load %arg11[%swap3A_2341] {strides = array<i32>} : memref<1280xi32, #tpu.memory_space<vmem>>, vector<16xi32>,
        %swap3A_2343 = vector.shape_cast %swap3A_2342 : vector<16xi32> to vector<16xi32>
        %swap3A_2344 = vector.shape_cast %add3A_2340 : vector<16xi32> to vector<16xi32>
        tpu.vector_store %arg11[%swap3A_2341], %swap3A_2344 {strides = array<i32>} : memref<1280xi32, #tpu.memory_space<vmem>>, vector<16xi32>,
        %get3A_2345 = arith.constant 512 : index
        %get3A_2346 = tpu.vector_load %arg11[%get3A_2345] {strides = array<i32>} : memref<1280xi32, #tpu.memory_space<vmem>>, vector<16xi32>,
        %get3A_2347 = vector.shape_cast %get3A_2346 : vector<16xi32> to vector<16xi32>
        %add3A_2348 = vector.broadcast %mul3A_2 : i32 to vector<16xi32>
        %add3A_2349 = arith.addi %get3A_2347, %add3A_2348 : vector<16xi32>
        %swap3A_2350 = arith.constant 512 : index
        %swap3A_2351 = tpu.vector_load %arg11[%swap3A_2350] {strides = array<i32>} : memref<1280xi32, #tpu.memory_space<vmem>>, vector<16xi32>,
        %swap3A_2352 = vector.shape_cast %swap3A_2351 : vector<16xi32> to vector<16xi32>
        %swap3A_2353 = vector.shape_cast %add3A_2349 : vector<16xi32> to vector<16xi32>
        tpu.vector_store %arg11[%swap3A_2350], %swap3A_2353 {strides = array<i32>} : memref<1280xi32, #tpu.memory_space<vmem>>, vector<16xi32>,
        %get3A_2354 = arith.constant 528 : index
        %get3A_2355 = tpu.vector_load %arg11[%get3A_2354] {strides = array<i32>} : memref<1280xi32, #tpu.memory_space<vmem>>, vector<16xi32>,
        %get3A_2356 = vector.shape_cast %get3A_2355 : vector<16xi32> to vector<16xi32>
        %add3A_2357 = vector.broadcast %mul3A_2 : i32 to vector<16xi32>
        %add3A_2358 = arith.addi %get3A_2356, %add3A_2357 : vector<16xi32>
        %swap3A_2359 = arith.constant 528 : index
        %swap3A_2360 = tpu.vector_load %arg11[%swap3A_2359] {strides = array<i32>} : memref<1280xi32, #tpu.memory_space<vmem>>, vector<16xi32>,
        %swap3A_2361 = vector.shape_cast %swap3A_2360 : vector<16xi32> to vector<16xi32>
        %swap3A_2362 = vector.shape_cast %add3A_2358 : vector<16xi32> to vector<16xi32>
        tpu.vector_store %arg11[%swap3A_2359], %swap3A_2362 {strides = array<i32>} : memref<1280xi32, #tpu.memory_space<vmem>>, vector<16xi32>,
        %get3A_2363 = arith.constant 544 : index
        %get3A_2364 = tpu.vector_load %arg11[%get3A_2363] {strides = array<i32>} : memref<1280xi32, #tpu.memory_space<vmem>>, vector<16xi32>,
        %get3A_2365 = vector.shape_cast %get3A_2364 : vector<16xi32> to vector<16xi32>
        %add3A_2366 = vector.broadcast %mul3A_2 : i32 to vector<16xi32>
        %add3A_2367 = arith.addi %get3A_2365, %add3A_2366 : vector<16xi32>
        %swap3A_2368 = arith.constant 544 : index
        %swap3A_2369 = tpu.vector_load %arg11[%swap3A_2368] {strides = array<i32>} : memref<1280xi32, #tpu.memory_space<vmem>>, vector<16xi32>,
        %swap3A_2370 = vector.shape_cast %swap3A_2369 : vector<16xi32> to vector<16xi32>
        %swap3A_2371 = vector.shape_cast %add3A_2367 : vector<16xi32> to vector<16xi32>
        tpu.vector_store %arg11[%swap3A_2368], %swap3A_2371 {strides = array<i32>} : memref<1280xi32, #tpu.memory_space<vmem>>, vector<16xi32>,
        %get3A_2372 = arith.constant 560 : index
        %get3A_2373 = tpu.vector_load %arg11[%get3A_2372] {strides = array<i32>} : memref<1280xi32, #tpu.memory_space<vmem>>, vector<16xi32>,
        %get3A_2374 = vector.shape_cast %get3A_2373 : vector<16xi32> to vector<16xi32>
        %add3A_2375 = vector.broadcast %mul3A_2 : i32 to vector<16xi32>
        %add3A_2376 = arith.addi %get3A_2374, %add3A_2375 : vector<16xi32>
        %swap3A_2377 = arith.constant 560 : index
        %swap3A_2378 = tpu.vector_load %arg11[%swap3A_2377] {strides = array<i32>} : memref<1280xi32, #tpu.memory_space<vmem>>, vector<16xi32>,
        %swap3A_2379 = vector.shape_cast %swap3A_2378 : vector<16xi32> to vector<16xi32>
        %swap3A_2380 = vector.shape_cast %add3A_2376 : vector<16xi32> to vector<16xi32>
        tpu.vector_store %arg11[%swap3A_2377], %swap3A_2380 {strides = array<i32>} : memref<1280xi32, #tpu.memory_space<vmem>>, vector<16xi32>,
        %get3A_2381 = arith.constant 576 : index
        %get3A_2382 = tpu.vector_load %arg11[%get3A_2381] {strides = array<i32>} : memref<1280xi32, #tpu.memory_space<vmem>>, vector<16xi32>,
        %get3A_2383 = vector.shape_cast %get3A_2382 : vector<16xi32> to vector<16xi32>
        %add3A_2384 = vector.broadcast %mul3A_2 : i32 to vector<16xi32>
        %add3A_2385 = arith.addi %get3A_2383, %add3A_2384 : vector<16xi32>
        %swap3A_2386 = arith.constant 576 : index
        %swap3A_2387 = tpu.vector_load %arg11[%swap3A_2386] {strides = array<i32>} : memref<1280xi32, #tpu.memory_space<vmem>>, vector<16xi32>,
        %swap3A_2388 = vector.shape_cast %swap3A_2387 : vector<16xi32> to vector<16xi32>
        %swap3A_2389 = vector.shape_cast %add3A_2385 : vector<16xi32> to vector<16xi32>
        tpu.vector_store %arg11[%swap3A_2386], %swap3A_2389 {strides = array<i32>} : memref<1280xi32, #tpu.memory_space<vmem>>, vector<16xi32>,
        %get3A_2390 = arith.constant 592 : index
        %get3A_2391 = tpu.vector_load %arg11[%get3A_2390] {strides = array<i32>} : memref<1280xi32, #tpu.memory_space<vmem>>, vector<16xi32>,
        %get3A_2392 = vector.shape_cast %get3A_2391 : vector<16xi32> to vector<16xi32>
        %add3A_2393 = vector.broadcast %mul3A_2 : i32 to vector<16xi32>
        %add3A_2394 = arith.addi %get3A_2392, %add3A_2393 : vector<16xi32>
        %swap3A_2395 = arith.constant 592 : index
        %swap3A_2396 = tpu.vector_load %arg11[%swap3A_2395] {strides = array<i32>} : memref<1280xi32, #tpu.memory_space<vmem>>, vector<16xi32>,
        %swap3A_2397 = vector.shape_cast %swap3A_2396 : vector<16xi32> to vector<16xi32>
        %swap3A_2398 = vector.shape_cast %add3A_2394 : vector<16xi32> to vector<16xi32>
        tpu.vector_store %arg11[%swap3A_2395], %swap3A_2398 {strides = array<i32>} : memref<1280xi32, #tpu.memory_space<vmem>>, vector<16xi32>,
        %get3A_2399 = arith.constant 608 : index
        %get3A_2400 = tpu.vector_load %arg11[%get3A_2399] {strides = array<i32>} : memref<1280xi32, #tpu.memory_space<vmem>>, vector<16xi32>,
        %get3A_2401 = vector.shape_cast %get3A_2400 : vector<16xi32> to vector<16xi32>
        %add3A_2402 = vector.broadcast %mul3A_2 : i32 to vector<16xi32>
        %add3A_2403 = arith.addi %get3A_2401, %add3A_2402 : vector<16xi32>
        %swap3A_2404 = arith.constant 608 : index
        %swap3A_2405 = tpu.vector_load %arg11[%swap3A_2404] {strides = array<i32>} : memref<1280xi32, #tpu.memory_space<vmem>>, vector<16xi32>,
        %swap3A_2406 = vector.shape_cast %swap3A_2405 : vector<16xi32> to vector<16xi32>
        %swap3A_2407 = vector.shape_cast %add3A_2403 : vector<16xi32> to vector<16xi32>
        tpu.vector_store %arg11[%swap3A_2404], %swap3A_2407 {strides = array<i32>} : memref<1280xi32, #tpu.memory_space<vmem>>, vector<16xi32>,
        %get3A_2408 = arith.constant 624 : index
        %get3A_2409 = tpu.vector_load %arg11[%get3A_2408] {strides = array<i32>} : memref<1280xi32, #tpu.memory_space<vmem>>, vector<16xi32>,
        %get3A_2410 = vector.shape_cast %get3A_2409 : vector<16xi32> to vector<16xi32>
        %add3A_2411 = vector.broadcast %mul3A_2 : i32 to vector<16xi32>
        %add3A_2412 = arith.addi %get3A_2410, %add3A_2411 : vector<16xi32>
        %swap3A_2413 = arith.constant 624 : index
        %swap3A_2414 = tpu.vector_load %arg11[%swap3A_2413] {strides = array<i32>} : memref<1280xi32, #tpu.memory_space<vmem>>, vector<16xi32>,
        %swap3A_2415 = vector.shape_cast %swap3A_2414 : vector<16xi32> to vector<16xi32>
        %swap3A_2416 = vector.shape_cast %add3A_2412 : vector<16xi32> to vector<16xi32>
        tpu.vector_store %arg11[%swap3A_2413], %swap3A_2416 {strides = array<i32>} : memref<1280xi32, #tpu.memory_space<vmem>>, vector<16xi32>,
        %get3A_2417 = arith.constant 640 : index
        %get3A_2418 = tpu.vector_load %arg11[%get3A_2417] {strides = array<i32>} : memref<1280xi32, #tpu.memory_space<vmem>>, vector<16xi32>,
        %get3A_2419 = vector.shape_cast %get3A_2418 : vector<16xi32> to vector<16xi32>
        %add3A_2420 = arith.constant 200 : i32
        %add3A_2421 = arith.addi %mul3A_2, %add3A_2420 : i32
        %add3A_2422 = vector.broadcast %add3A_2421 : i32 to vector<16xi32>
        %add3A_2423 = arith.addi %get3A_2419, %add3A_2422 : vector<16xi32>
        %swap3A_2424 = arith.constant 640 : index
        %swap3A_2425 = tpu.vector_load %arg11[%swap3A_2424] {strides = array<i32>} : memref<1280xi32, #tpu.memory_space<vmem>>, vector<16xi32>,
        %swap3A_2426 = vector.shape_cast %swap3A_2425 : vector<16xi32> to vector<16xi32>
        %swap3A_2427 = vector.shape_cast %add3A_2423 : vector<16xi32> to vector<16xi32>
        tpu.vector_store %arg11[%swap3A_2424], %swap3A_2427 {strides = array<i32>} : memref<1280xi32, #tpu.memory_space<vmem>>, vector<16xi32>,
        %get3A_2428 = arith.constant 656 : index
        %get3A_2429 = tpu.vector_load %arg11[%get3A_2428] {strides = array<i32>} : memref<1280xi32, #tpu.memory_space<vmem>>, vector<16xi32>,
        %get3A_2430 = vector.shape_cast %get3A_2429 : vector<16xi32> to vector<16xi32>
        %add3A_2431 = arith.constant 200 : i32
        %add3A_2432 = arith.addi %mul3A_2, %add3A_2431 : i32
        %add3A_2433 = vector.broadcast %add3A_2432 : i32 to vector<16xi32>
        %add3A_2434 = arith.addi %get3A_2430, %add3A_2433 : vector<16xi32>
        %swap3A_2435 = arith.constant 656 : index
        %swap3A_2436 = tpu.vector_load %arg11[%swap3A_2435] {strides = array<i32>} : memref<1280xi32, #tpu.memory_space<vmem>>, vector<16xi32>,
        %swap3A_2437 = vector.shape_cast %swap3A_2436 : vector<16xi32> to vector<16xi32>
        %swap3A_2438 = vector.shape_cast %add3A_2434 : vector<16xi32> to vector<16xi32>
        tpu.vector_store %arg11[%swap3A_2435], %swap3A_2438 {strides = array<i32>} : memref<1280xi32, #tpu.memory_space<vmem>>, vector<16xi32>,
        %get3A_2439 = arith.constant 672 : index
        %get3A_2440 = tpu.vector_load %arg11[%get3A_2439] {strides = array<i32>} : memref<1280xi32, #tpu.memory_space<vmem>>, vector<16xi32>,
        %get3A_2441 = vector.shape_cast %get3A_2440 : vector<16xi32> to vector<16xi32>
        %add3A_2442 = arith.constant 200 : i32
        %add3A_2443 = arith.addi %mul3A_2, %add3A_2442 : i32
        %add3A_2444 = vector.broadcast %add3A_2443 : i32 to vector<16xi32>
        %add3A_2445 = arith.addi %get3A_2441, %add3A_2444 : vector<16xi32>
        %swap3A_2446 = arith.constant 672 : index
        %swap3A_2447 = tpu.vector_load %arg11[%swap3A_2446] {strides = array<i32>} : memref<1280xi32, #tpu.memory_space<vmem>>, vector<16xi32>,
        %swap3A_2448 = vector.shape_cast %swap3A_2447 : vector<16xi32> to vector<16xi32>
        %swap3A_2449 = vector.shape_cast %add3A_2445 : vector<16xi32> to vector<16xi32>
        tpu.vector_store %arg11[%swap3A_2446], %swap3A_2449 {strides = array<i32>} : memref<1280xi32, #tpu.memory_space<vmem>>, vector<16xi32>,
        %get3A_2450 = arith.constant 688 : index
        %get3A_2451 = tpu.vector_load %arg11[%get3A_2450] {strides = array<i32>} : memref<1280xi32, #tpu.memory_space<vmem>>, vector<16xi32>,
        %get3A_2452 = vector.shape_cast %get3A_2451 : vector<16xi32> to vector<16xi32>
        %add3A_2453 = arith.constant 200 : i32
        %add3A_2454 = arith.addi %mul3A_2, %add3A_2453 : i32
        %add3A_2455 = vector.broadcast %add3A_2454 : i32 to vector<16xi32>
        %add3A_2456 = arith.addi %get3A_2452, %add3A_2455 : vector<16xi32>
        %swap3A_2457 = arith.constant 688 : index
        %swap3A_2458 = tpu.vector_load %arg11[%swap3A_2457] {strides = array<i32>} : memref<1280xi32, #tpu.memory_space<vmem>>, vector<16xi32>,
        %swap3A_2459 = vector.shape_cast %swap3A_2458 : vector<16xi32> to vector<16xi32>
        %swap3A_2460 = vector.shape_cast %add3A_2456 : vector<16xi32> to vector<16xi32>
        tpu.vector_store %arg11[%swap3A_2457], %swap3A_2460 {strides = array<i32>} : memref<1280xi32, #tpu.memory_space<vmem>>, vector<16xi32>,
        %get3A_2461 = arith.constant 704 : index
        %get3A_2462 = tpu.vector_load %arg11[%get3A_2461] {strides = array<i32>} : memref<1280xi32, #tpu.memory_space<vmem>>, vector<16xi32>,
        %get3A_2463 = vector.shape_cast %get3A_2462 : vector<16xi32> to vector<16xi32>
        %add3A_2464 = arith.constant 200 : i32
        %add3A_2465 = arith.addi %mul3A_2, %add3A_2464 : i32
        %add3A_2466 = vector.broadcast %add3A_2465 : i32 to vector<16xi32>
        %add3A_2467 = arith.addi %get3A_2463, %add3A_2466 : vector<16xi32>
        %swap3A_2468 = arith.constant 704 : index
        %swap3A_2469 = tpu.vector_load %arg11[%swap3A_2468] {strides = array<i32>} : memref<1280xi32, #tpu.memory_space<vmem>>, vector<16xi32>,
        %swap3A_2470 = vector.shape_cast %swap3A_2469 : vector<16xi32> to vector<16xi32>
        %swap3A_2471 = vector.shape_cast %add3A_2467 : vector<16xi32> to vector<16xi32>
        tpu.vector_store %arg11[%swap3A_2468], %swap3A_2471 {strides = array<i32>} : memref<1280xi32, #tpu.memory_space<vmem>>, vector<16xi32>,
        %get3A_2472 = arith.constant 720 : index
        %get3A_2473 = tpu.vector_load %arg11[%get3A_2472] {strides = array<i32>} : memref<1280xi32, #tpu.memory_space<vmem>>, vector<16xi32>,
        %get3A_2474 = vector.shape_cast %get3A_2473 : vector<16xi32> to vector<16xi32>
        %add3A_2475 = arith.constant 200 : i32
        %add3A_2476 = arith.addi %mul3A_2, %add3A_2475 : i32
        %add3A_2477 = vector.broadcast %add3A_2476 : i32 to vector<16xi32>
        %add3A_2478 = arith.addi %get3A_2474, %add3A_2477 : vector<16xi32>
        %swap3A_2479 = arith.constant 720 : index
        %swap3A_2480 = tpu.vector_load %arg11[%swap3A_2479] {strides = array<i32>} : memref<1280xi32, #tpu.memory_space<vmem>>, vector<16xi32>,
        %swap3A_2481 = vector.shape_cast %swap3A_2480 : vector<16xi32> to vector<16xi32>
        %swap3A_2482 = vector.shape_cast %add3A_2478 : vector<16xi32> to vector<16xi32>
        tpu.vector_store %arg11[%swap3A_2479], %swap3A_2482 {strides = array<i32>} : memref<1280xi32, #tpu.memory_space<vmem>>, vector<16xi32>,
        %get3A_2483 = arith.constant 736 : index
        %get3A_2484 = tpu.vector_load %arg11[%get3A_2483] {strides = array<i32>} : memref<1280xi32, #tpu.memory_space<vmem>>, vector<16xi32>,
        %get3A_2485 = vector.shape_cast %get3A_2484 : vector<16xi32> to vector<16xi32>
        %add3A_2486 = arith.constant 200 : i32
        %add3A_2487 = arith.addi %mul3A_2, %add3A_2486 : i32
        %add3A_2488 = vector.broadcast %add3A_2487 : i32 to vector<16xi32>
        %add3A_2489 = arith.addi %get3A_2485, %add3A_2488 : vector<16xi32>
        %swap3A_2490 = arith.constant 736 : index
        %swap3A_2491 = tpu.vector_load %arg11[%swap3A_2490] {strides = array<i32>} : memref<1280xi32, #tpu.memory_space<vmem>>, vector<16xi32>,
        %swap3A_2492 = vector.shape_cast %swap3A_2491 : vector<16xi32> to vector<16xi32>
        %swap3A_2493 = vector.shape_cast %add3A_2489 : vector<16xi32> to vector<16xi32>
        tpu.vector_store %arg11[%swap3A_2490], %swap3A_2493 {strides = array<i32>} : memref<1280xi32, #tpu.memory_space<vmem>>, vector<16xi32>,
        %get3A_2494 = arith.constant 752 : index
        %get3A_2495 = tpu.vector_load %arg11[%get3A_2494] {strides = array<i32>} : memref<1280xi32, #tpu.memory_space<vmem>>, vector<16xi32>,
        %get3A_2496 = vector.shape_cast %get3A_2495 : vector<16xi32> to vector<16xi32>
        %add3A_2497 = arith.constant 200 : i32
        %add3A_2498 = arith.addi %mul3A_2, %add3A_2497 : i32
        %add3A_2499 = vector.broadcast %add3A_2498 : i32 to vector<16xi32>
        %add3A_2500 = arith.addi %get3A_2496, %add3A_2499 : vector<16xi32>
        %swap3A_2501 = arith.constant 752 : index
        %swap3A_2502 = tpu.vector_load %arg11[%swap3A_2501] {strides = array<i32>} : memref<1280xi32, #tpu.memory_space<vmem>>, vector<16xi32>,
        %swap3A_2503 = vector.shape_cast %swap3A_2502 : vector<16xi32> to vector<16xi32>
        %swap3A_2504 = vector.shape_cast %add3A_2500 : vector<16xi32> to vector<16xi32>
        tpu.vector_store %arg11[%swap3A_2501], %swap3A_2504 {strides = array<i32>} : memref<1280xi32, #tpu.memory_space<vmem>>, vector<16xi32>,
        %get3A_2505 = arith.constant 768 : index
        %get3A_2506 = tpu.vector_load %arg11[%get3A_2505] {strides = array<i32>} : memref<1280xi32, #tpu.memory_space<vmem>>, vector<16xi32>,
        %get3A_2507 = vector.shape_cast %get3A_2506 : vector<16xi32> to vector<16xi32>
        %add3A_2508 = arith.constant 200 : i32
        %add3A_2509 = arith.addi %mul3A_2, %add3A_2508 : i32
        %add3A_2510 = vector.broadcast %add3A_2509 : i32 to vector<16xi32>
        %add3A_2511 = arith.addi %get3A_2507, %add3A_2510 : vector<16xi32>
        %swap3A_2512 = arith.constant 768 : index
        %swap3A_2513 = tpu.vector_load %arg11[%swap3A_2512] {strides = array<i32>} : memref<1280xi32, #tpu.memory_space<vmem>>, vector<16xi32>,
        %swap3A_2514 = vector.shape_cast %swap3A_2513 : vector<16xi32> to vector<16xi32>
        %swap3A_2515 = vector.shape_cast %add3A_2511 : vector<16xi32> to vector<16xi32>
        tpu.vector_store %arg11[%swap3A_2512], %swap3A_2515 {strides = array<i32>} : memref<1280xi32, #tpu.memory_space<vmem>>, vector<16xi32>,
        %get3A_2516 = arith.constant 784 : index
        %get3A_2517 = tpu.vector_load %arg11[%get3A_2516] {strides = array<i32>} : memref<1280xi32, #tpu.memory_space<vmem>>, vector<16xi32>,
        %get3A_2518 = vector.shape_cast %get3A_2517 : vector<16xi32> to vector<16xi32>
        %add3A_2519 = arith.constant 200 : i32
        %add3A_2520 = arith.addi %mul3A_2, %add3A_2519 : i32
        %add3A_2521 = vector.broadcast %add3A_2520 : i32 to vector<16xi32>
        %add3A_2522 = arith.addi %get3A_2518, %add3A_2521 : vector<16xi32>
        %swap3A_2523 = arith.constant 784 : index
        %swap3A_2524 = tpu.vector_load %arg11[%swap3A_2523] {strides = array<i32>} : memref<1280xi32, #tpu.memory_space<vmem>>, vector<16xi32>,
        %swap3A_2525 = vector.shape_cast %swap3A_2524 : vector<16xi32> to vector<16xi32>
        %swap3A_2526 = vector.shape_cast %add3A_2522 : vector<16xi32> to vector<16xi32>
        tpu.vector_store %arg11[%swap3A_2523], %swap3A_2526 {strides = array<i32>} : memref<1280xi32, #tpu.memory_space<vmem>>, vector<16xi32>,
        %get3A_2527 = arith.constant 800 : index
        %get3A_2528 = tpu.vector_load %arg11[%get3A_2527] {strides = array<i32>} : memref<1280xi32, #tpu.memory_space<vmem>>, vector<16xi32>,
        %get3A_2529 = vector.shape_cast %get3A_2528 : vector<16xi32> to vector<16xi32>
        %add3A_2530 = arith.constant 200 : i32
        %add3A_2531 = arith.addi %mul3A_2, %add3A_2530 : i32
        %add3A_2532 = vector.broadcast %add3A_2531 : i32 to vector<16xi32>
        %add3A_2533 = arith.addi %get3A_2529, %add3A_2532 : vector<16xi32>
        %swap3A_2534 = arith.constant 800 : index
        %swap3A_2535 = tpu.vector_load %arg11[%swap3A_2534] {strides = array<i32>} : memref<1280xi32, #tpu.memory_space<vmem>>, vector<16xi32>,
        %swap3A_2536 = vector.shape_cast %swap3A_2535 : vector<16xi32> to vector<16xi32>
        %swap3A_2537 = vector.shape_cast %add3A_2533 : vector<16xi32> to vector<16xi32>
        tpu.vector_store %arg11[%swap3A_2534], %swap3A_2537 {strides = array<i32>} : memref<1280xi32, #tpu.memory_space<vmem>>, vector<16xi32>,
        %get3A_2538 = arith.constant 816 : index
        %get3A_2539 = tpu.vector_load %arg11[%get3A_2538] {strides = array<i32>} : memref<1280xi32, #tpu.memory_space<vmem>>, vector<16xi32>,
        %get3A_2540 = vector.shape_cast %get3A_2539 : vector<16xi32> to vector<16xi32>
        %add3A_2541 = arith.constant 200 : i32
        %add3A_2542 = arith.addi %mul3A_2, %add3A_2541 : i32
        %add3A_2543 = vector.broadcast %add3A_2542 : i32 to vector<16xi32>
        %add3A_2544 = arith.addi %get3A_2540, %add3A_2543 : vector<16xi32>
        %swap3A_2545 = arith.constant 816 : index
        %swap3A_2546 = tpu.vector_load %arg11[%swap3A_2545] {strides = array<i32>} : memref<1280xi32, #tpu.memory_space<vmem>>, vector<16xi32>,
        %swap3A_2547 = vector.shape_cast %swap3A_2546 : vector<16xi32> to vector<16xi32>
        %swap3A_2548 = vector.shape_cast %add3A_2544 : vector<16xi32> to vector<16xi32>
        tpu.vector_store %arg11[%swap3A_2545], %swap3A_2548 {strides = array<i32>} : memref<1280xi32, #tpu.memory_space<vmem>>, vector<16xi32>,
        %get3A_2549 = arith.constant 832 : index
        %get3A_2550 = tpu.vector_load %arg11[%get3A_2549] {strides = array<i32>} : memref<1280xi32, #tpu.memory_space<vmem>>, vector<16xi32>,
        %get3A_2551 = vector.shape_cast %get3A_2550 : vector<16xi32> to vector<16xi32>
        %add3A_2552 = arith.constant 200 : i32
        %add3A_2553 = arith.addi %mul3A_2, %add3A_2552 : i32
        %add3A_2554 = vector.broadcast %add3A_2553 : i32 to vector<16xi32>
        %add3A_2555 = arith.addi %get3A_2551, %add3A_2554 : vector<16xi32>
        %swap3A_2556 = arith.constant 832 : index
        %swap3A_2557 = tpu.vector_load %arg11[%swap3A_2556] {strides = array<i32>} : memref<1280xi32, #tpu.memory_space<vmem>>, vector<16xi32>,
        %swap3A_2558 = vector.shape_cast %swap3A_2557 : vector<16xi32> to vector<16xi32>
        %swap3A_2559 = vector.shape_cast %add3A_2555 : vector<16xi32> to vector<16xi32>
        tpu.vector_store %arg11[%swap3A_2556], %swap3A_2559 {strides = array<i32>} : memref<1280xi32, #tpu.memory_space<vmem>>, vector<16xi32>,
        %get3A_2560 = arith.constant 848 : index
        %get3A_2561 = tpu.vector_load %arg11[%get3A_2560] {strides = array<i32>} : memref<1280xi32, #tpu.memory_space<vmem>>, vector<16xi32>,
        %get3A_2562 = vector.shape_cast %get3A_2561 : vector<16xi32> to vector<16xi32>
        %add3A_2563 = arith.constant 200 : i32
        %add3A_2564 = arith.addi %mul3A_2, %add3A_2563 : i32
        %add3A_2565 = vector.broadcast %add3A_2564 : i32 to vector<16xi32>
        %add3A_2566 = arith.addi %get3A_2562, %add3A_2565 : vector<16xi32>
        %swap3A_2567 = arith.constant 848 : index
        %swap3A_2568 = tpu.vector_load %arg11[%swap3A_2567] {strides = array<i32>} : memref<1280xi32, #tpu.memory_space<vmem>>, vector<16xi32>,
        %swap3A_2569 = vector.shape_cast %swap3A_2568 : vector<16xi32> to vector<16xi32>
        %swap3A_2570 = vector.shape_cast %add3A_2566 : vector<16xi32> to vector<16xi32>
        tpu.vector_store %arg11[%swap3A_2567], %swap3A_2570 {strides = array<i32>} : memref<1280xi32, #tpu.memory_space<vmem>>, vector<16xi32>,
        %get3A_2571 = arith.constant 864 : index
        %get3A_2572 = tpu.vector_load %arg11[%get3A_2571] {strides = array<i32>} : memref<1280xi32, #tpu.memory_space<vmem>>, vector<16xi32>,
        %get3A_2573 = vector.shape_cast %get3A_2572 : vector<16xi32> to vector<16xi32>
        %add3A_2574 = arith.constant 200 : i32
        %add3A_2575 = arith.addi %mul3A_2, %add3A_2574 : i32
        %add3A_2576 = vector.broadcast %add3A_2575 : i32 to vector<16xi32>
        %add3A_2577 = arith.addi %get3A_2573, %add3A_2576 : vector<16xi32>
        %swap3A_2578 = arith.constant 864 : index
        %swap3A_2579 = tpu.vector_load %arg11[%swap3A_2578] {strides = array<i32>} : memref<1280xi32, #tpu.memory_space<vmem>>, vector<16xi32>,
        %swap3A_2580 = vector.shape_cast %swap3A_2579 : vector<16xi32> to vector<16xi32>
        %swap3A_2581 = vector.shape_cast %add3A_2577 : vector<16xi32> to vector<16xi32>
        tpu.vector_store %arg11[%swap3A_2578], %swap3A_2581 {strides = array<i32>} : memref<1280xi32, #tpu.memory_space<vmem>>, vector<16xi32>,
        %get3A_2582 = arith.constant 880 : index
        %get3A_2583 = tpu.vector_load %arg11[%get3A_2582] {strides = array<i32>} : memref<1280xi32, #tpu.memory_space<vmem>>, vector<16xi32>,
        %get3A_2584 = vector.shape_cast %get3A_2583 : vector<16xi32> to vector<16xi32>
        %add3A_2585 = arith.constant 200 : i32
        %add3A_2586 = arith.addi %mul3A_2, %add3A_2585 : i32
        %add3A_2587 = vector.broadcast %add3A_2586 : i32 to vector<16xi32>
        %add3A_2588 = arith.addi %get3A_2584, %add3A_2587 : vector<16xi32>
        %swap3A_2589 = arith.constant 880 : index
        %swap3A_2590 = tpu.vector_load %arg11[%swap3A_2589] {strides = array<i32>} : memref<1280xi32, #tpu.memory_space<vmem>>, vector<16xi32>,
        %swap3A_2591 = vector.shape_cast %swap3A_2590 : vector<16xi32> to vector<16xi32>
        %swap3A_2592 = vector.shape_cast %add3A_2588 : vector<16xi32> to vector<16xi32>
        tpu.vector_store %arg11[%swap3A_2589], %swap3A_2592 {strides = array<i32>} : memref<1280xi32, #tpu.memory_space<vmem>>, vector<16xi32>,
        %get3A_2593 = arith.constant 896 : index
        %get3A_2594 = tpu.vector_load %arg11[%get3A_2593] {strides = array<i32>} : memref<1280xi32, #tpu.memory_space<vmem>>, vector<16xi32>,
        %get3A_2595 = vector.shape_cast %get3A_2594 : vector<16xi32> to vector<16xi32>
        %add3A_2596 = arith.constant 200 : i32
        %add3A_2597 = arith.addi %mul3A_2, %add3A_2596 : i32
        %add3A_2598 = vector.broadcast %add3A_2597 : i32 to vector<16xi32>
        %add3A_2599 = arith.addi %get3A_2595, %add3A_2598 : vector<16xi32>
        %swap3A_2600 = arith.constant 896 : index
        %swap3A_2601 = tpu.vector_load %arg11[%swap3A_2600] {strides = array<i32>} : memref<1280xi32, #tpu.memory_space<vmem>>, vector<16xi32>,
        %swap3A_2602 = vector.shape_cast %swap3A_2601 : vector<16xi32> to vector<16xi32>
        %swap3A_2603 = vector.shape_cast %add3A_2599 : vector<16xi32> to vector<16xi32>
        tpu.vector_store %arg11[%swap3A_2600], %swap3A_2603 {strides = array<i32>} : memref<1280xi32, #tpu.memory_space<vmem>>, vector<16xi32>,
        %get3A_2604 = arith.constant 912 : index
        %get3A_2605 = tpu.vector_load %arg11[%get3A_2604] {strides = array<i32>} : memref<1280xi32, #tpu.memory_space<vmem>>, vector<16xi32>,
        %get3A_2606 = vector.shape_cast %get3A_2605 : vector<16xi32> to vector<16xi32>
        %add3A_2607 = arith.constant 200 : i32
        %add3A_2608 = arith.addi %mul3A_2, %add3A_2607 : i32
        %add3A_2609 = vector.broadcast %add3A_2608 : i32 to vector<16xi32>
        %add3A_2610 = arith.addi %get3A_2606, %add3A_2609 : vector<16xi32>
        %swap3A_2611 = arith.constant 912 : index
        %swap3A_2612 = tpu.vector_load %arg11[%swap3A_2611] {strides = array<i32>} : memref<1280xi32, #tpu.memory_space<vmem>>, vector<16xi32>,
        %swap3A_2613 = vector.shape_cast %swap3A_2612 : vector<16xi32> to vector<16xi32>
        %swap3A_2614 = vector.shape_cast %add3A_2610 : vector<16xi32> to vector<16xi32>
        tpu.vector_store %arg11[%swap3A_2611], %swap3A_2614 {strides = array<i32>} : memref<1280xi32, #tpu.memory_space<vmem>>, vector<16xi32>,
        %get3A_2615 = arith.constant 928 : index
        %get3A_2616 = tpu.vector_load %arg11[%get3A_2615] {strides = array<i32>} : memref<1280xi32, #tpu.memory_space<vmem>>, vector<16xi32>,
        %get3A_2617 = vector.shape_cast %get3A_2616 : vector<16xi32> to vector<16xi32>
        %add3A_2618 = arith.constant 200 : i32
        %add3A_2619 = arith.addi %mul3A_2, %add3A_2618 : i32
        %add3A_2620 = vector.broadcast %add3A_2619 : i32 to vector<16xi32>
        %add3A_2621 = arith.addi %get3A_2617, %add3A_2620 : vector<16xi32>
        %swap3A_2622 = arith.constant 928 : index
        %swap3A_2623 = tpu.vector_load %arg11[%swap3A_2622] {strides = array<i32>} : memref<1280xi32, #tpu.memory_space<vmem>>, vector<16xi32>,
        %swap3A_2624 = vector.shape_cast %swap3A_2623 : vector<16xi32> to vector<16xi32>
        %swap3A_2625 = vector.shape_cast %add3A_2621 : vector<16xi32> to vector<16xi32>
        tpu.vector_store %arg11[%swap3A_2622], %swap3A_2625 {strides = array<i32>} : memref<1280xi32, #tpu.memory_space<vmem>>, vector<16xi32>,
        %get3A_2626 = arith.constant 944 : index
        %get3A_2627 = tpu.vector_load %arg11[%get3A_2626] {strides = array<i32>} : memref<1280xi32, #tpu.memory_space<vmem>>, vector<16xi32>,
        %get3A_2628 = vector.shape_cast %get3A_2627 : vector<16xi32> to vector<16xi32>
        %add3A_2629 = arith.constant 200 : i32
        %add3A_2630 = arith.addi %mul3A_2, %add3A_2629 : i32
        %add3A_2631 = vector.broadcast %add3A_2630 : i32 to vector<16xi32>
        %add3A_2632 = arith.addi %get3A_2628, %add3A_2631 : vector<16xi32>
        %swap3A_2633 = arith.constant 944 : index
        %swap3A_2634 = tpu.vector_load %arg11[%swap3A_2633] {strides = array<i32>} : memref<1280xi32, #tpu.memory_space<vmem>>, vector<16xi32>,
        %swap3A_2635 = vector.shape_cast %swap3A_2634 : vector<16xi32> to vector<16xi32>
        %swap3A_2636 = vector.shape_cast %add3A_2632 : vector<16xi32> to vector<16xi32>
        tpu.vector_store %arg11[%swap3A_2633], %swap3A_2636 {strides = array<i32>} : memref<1280xi32, #tpu.memory_space<vmem>>, vector<16xi32>,
        %get3A_2637 = arith.constant 960 : index
        %get3A_2638 = tpu.vector_load %arg11[%get3A_2637] {strides = array<i32>} : memref<1280xi32, #tpu.memory_space<vmem>>, vector<16xi32>,
        %get3A_2639 = vector.shape_cast %get3A_2638 : vector<16xi32> to vector<16xi32>
        %add3A_2640 = arith.constant 248 : i32
        %add3A_2641 = arith.addi %mul3A_2, %add3A_2640 : i32
        %add3A_2642 = vector.broadcast %add3A_2641 : i32 to vector<16xi32>
        %add3A_2643 = arith.addi %get3A_2639, %add3A_2642 : vector<16xi32>
        %swap3A_2644 = arith.constant 960 : index
        %swap3A_2645 = tpu.vector_load %arg11[%swap3A_2644] {strides = array<i32>} : memref<1280xi32, #tpu.memory_space<vmem>>, vector<16xi32>,
        %swap3A_2646 = vector.shape_cast %swap3A_2645 : vector<16xi32> to vector<16xi32>
        %swap3A_2647 = vector.shape_cast %add3A_2643 : vector<16xi32> to vector<16xi32>
        tpu.vector_store %arg11[%swap3A_2644], %swap3A_2647 {strides = array<i32>} : memref<1280xi32, #tpu.memory_space<vmem>>, vector<16xi32>,
        %get3A_2648 = arith.constant 976 : index
        %get3A_2649 = tpu.vector_load %arg11[%get3A_2648] {strides = array<i32>} : memref<1280xi32, #tpu.memory_space<vmem>>, vector<16xi32>,
        %get3A_2650 = vector.shape_cast %get3A_2649 : vector<16xi32> to vector<16xi32>
        %add3A_2651 = arith.constant 248 : i32
        %add3A_2652 = arith.addi %mul3A_2, %add3A_2651 : i32
        %add3A_2653 = vector.broadcast %add3A_2652 : i32 to vector<16xi32>
        %add3A_2654 = arith.addi %get3A_2650, %add3A_2653 : vector<16xi32>
        %swap3A_2655 = arith.constant 976 : index
        %swap3A_2656 = tpu.vector_load %arg11[%swap3A_2655] {strides = array<i32>} : memref<1280xi32, #tpu.memory_space<vmem>>, vector<16xi32>,
        %swap3A_2657 = vector.shape_cast %swap3A_2656 : vector<16xi32> to vector<16xi32>
        %swap3A_2658 = vector.shape_cast %add3A_2654 : vector<16xi32> to vector<16xi32>
        tpu.vector_store %arg11[%swap3A_2655], %swap3A_2658 {strides = array<i32>} : memref<1280xi32, #tpu.memory_space<vmem>>, vector<16xi32>,
        %get3A_2659 = arith.constant 992 : index
        %get3A_2660 = tpu.vector_load %arg11[%get3A_2659] {strides = array<i32>} : memref<1280xi32, #tpu.memory_space<vmem>>, vector<16xi32>,
        %get3A_2661 = vector.shape_cast %get3A_2660 : vector<16xi32> to vector<16xi32>
        %add3A_2662 = arith.constant 248 : i32
        %add3A_2663 = arith.addi %mul3A_2, %add3A_2662 : i32
        %add3A_2664 = vector.broadcast %add3A_2663 : i32 to vector<16xi32>
        %add3A_2665 = arith.addi %get3A_2661, %add3A_2664 : vector<16xi32>
        %swap3A_2666 = arith.constant 992 : index
        %swap3A_2667 = tpu.vector_load %arg11[%swap3A_2666] {strides = array<i32>} : memref<1280xi32, #tpu.memory_space<vmem>>, vector<16xi32>,
        %swap3A_2668 = vector.shape_cast %swap3A_2667 : vector<16xi32> to vector<16xi32>
        %swap3A_2669 = vector.shape_cast %add3A_2665 : vector<16xi32> to vector<16xi32>
        tpu.vector_store %arg11[%swap3A_2666], %swap3A_2669 {strides = array<i32>} : memref<1280xi32, #tpu.memory_space<vmem>>, vector<16xi32>,
        %get3A_2670 = arith.constant 1008 : index
        %get3A_2671 = tpu.vector_load %arg11[%get3A_2670] {strides = array<i32>} : memref<1280xi32, #tpu.memory_space<vmem>>, vector<16xi32>,
        %get3A_2672 = vector.shape_cast %get3A_2671 : vector<16xi32> to vector<16xi32>
        %add3A_2673 = arith.constant 248 : i32
        %add3A_2674 = arith.addi %mul3A_2, %add3A_2673 : i32
        %add3A_2675 = vector.broadcast %add3A_2674 : i32 to vector<16xi32>
        %add3A_2676 = arith.addi %get3A_2672, %add3A_2675 : vector<16xi32>
        %swap3A_2677 = arith.constant 1008 : index
        %swap3A_2678 = tpu.vector_load %arg11[%swap3A_2677] {strides = array<i32>} : memref<1280xi32, #tpu.memory_space<vmem>>, vector<16xi32>,
        %swap3A_2679 = vector.shape_cast %swap3A_2678 : vector<16xi32> to vector<16xi32>
        %swap3A_2680 = vector.shape_cast %add3A_2676 : vector<16xi32> to vector<16xi32>
        tpu.vector_store %arg11[%swap3A_2677], %swap3A_2680 {strides = array<i32>} : memref<1280xi32, #tpu.memory_space<vmem>>, vector<16xi32>,
        %get3A_2681 = arith.constant 1024 : index
        %get3A_2682 = tpu.vector_load %arg11[%get3A_2681] {strides = array<i32>} : memref<1280xi32, #tpu.memory_space<vmem>>, vector<16xi32>,
        %get3A_2683 = vector.shape_cast %get3A_2682 : vector<16xi32> to vector<16xi32>
        %add3A_2684 = arith.constant 248 : i32
        %add3A_2685 = arith.addi %mul3A_2, %add3A_2684 : i32
        %add3A_2686 = vector.broadcast %add3A_2685 : i32 to vector<16xi32>
        %add3A_2687 = arith.addi %get3A_2683, %add3A_2686 : vector<16xi32>
        %swap3A_2688 = arith.constant 1024 : index
        %swap3A_2689 = tpu.vector_load %arg11[%swap3A_2688] {strides = array<i32>} : memref<1280xi32, #tpu.memory_space<vmem>>, vector<16xi32>,
        %swap3A_2690 = vector.shape_cast %swap3A_2689 : vector<16xi32> to vector<16xi32>
        %swap3A_2691 = vector.shape_cast %add3A_2687 : vector<16xi32> to vector<16xi32>
        tpu.vector_store %arg11[%swap3A_2688], %swap3A_2691 {strides = array<i32>} : memref<1280xi32, #tpu.memory_space<vmem>>, vector<16xi32>,
        %get3A_2692 = arith.constant 1040 : index
        %get3A_2693 = tpu.vector_load %arg11[%get3A_2692] {strides = array<i32>} : memref<1280xi32, #tpu.memory_space<vmem>>, vector<16xi32>,
        %get3A_2694 = vector.shape_cast %get3A_2693 : vector<16xi32> to vector<16xi32>
        %add3A_2695 = arith.constant 248 : i32
        %add3A_2696 = arith.addi %mul3A_2, %add3A_2695 : i32
        %add3A_2697 = vector.broadcast %add3A_2696 : i32 to vector<16xi32>
        %add3A_2698 = arith.addi %get3A_2694, %add3A_2697 : vector<16xi32>
        %swap3A_2699 = arith.constant 1040 : index
        %swap3A_2700 = tpu.vector_load %arg11[%swap3A_2699] {strides = array<i32>} : memref<1280xi32, #tpu.memory_space<vmem>>, vector<16xi32>,
        %swap3A_2701 = vector.shape_cast %swap3A_2700 : vector<16xi32> to vector<16xi32>
        %swap3A_2702 = vector.shape_cast %add3A_2698 : vector<16xi32> to vector<16xi32>
        tpu.vector_store %arg11[%swap3A_2699], %swap3A_2702 {strides = array<i32>} : memref<1280xi32, #tpu.memory_space<vmem>>, vector<16xi32>,
        %get3A_2703 = arith.constant 1056 : index
        %get3A_2704 = tpu.vector_load %arg11[%get3A_2703] {strides = array<i32>} : memref<1280xi32, #tpu.memory_space<vmem>>, vector<16xi32>,
        %get3A_2705 = vector.shape_cast %get3A_2704 : vector<16xi32> to vector<16xi32>
        %add3A_2706 = arith.constant 248 : i32
        %add3A_2707 = arith.addi %mul3A_2, %add3A_2706 : i32
        %add3A_2708 = vector.broadcast %add3A_2707 : i32 to vector<16xi32>
        %add3A_2709 = arith.addi %get3A_2705, %add3A_2708 : vector<16xi32>
        %swap3A_2710 = arith.constant 1056 : index
        %swap3A_2711 = tpu.vector_load %arg11[%swap3A_2710] {strides = array<i32>} : memref<1280xi32, #tpu.memory_space<vmem>>, vector<16xi32>,
        %swap3A_2712 = vector.shape_cast %swap3A_2711 : vector<16xi32> to vector<16xi32>
        %swap3A_2713 = vector.shape_cast %add3A_2709 : vector<16xi32> to vector<16xi32>
        tpu.vector_store %arg11[%swap3A_2710], %swap3A_2713 {strides = array<i32>} : memref<1280xi32, #tpu.memory_space<vmem>>, vector<16xi32>,
        %get3A_2714 = arith.constant 1072 : index
        %get3A_2715 = tpu.vector_load %arg11[%get3A_2714] {strides = array<i32>} : memref<1280xi32, #tpu.memory_space<vmem>>, vector<16xi32>,
        %get3A_2716 = vector.shape_cast %get3A_2715 : vector<16xi32> to vector<16xi32>
        %add3A_2717 = arith.constant 248 : i32
        %add3A_2718 = arith.addi %mul3A_2, %add3A_2717 : i32
        %add3A_2719 = vector.broadcast %add3A_2718 : i32 to vector<16xi32>
        %add3A_2720 = arith.addi %get3A_2716, %add3A_2719 : vector<16xi32>
        %swap3A_2721 = arith.constant 1072 : index
        %swap3A_2722 = tpu.vector_load %arg11[%swap3A_2721] {strides = array<i32>} : memref<1280xi32, #tpu.memory_space<vmem>>, vector<16xi32>,
        %swap3A_2723 = vector.shape_cast %swap3A_2722 : vector<16xi32> to vector<16xi32>
        %swap3A_2724 = vector.shape_cast %add3A_2720 : vector<16xi32> to vector<16xi32>
        tpu.vector_store %arg11[%swap3A_2721], %swap3A_2724 {strides = array<i32>} : memref<1280xi32, #tpu.memory_space<vmem>>, vector<16xi32>,
        %get3A_2725 = arith.constant 1088 : index
        %get3A_2726 = tpu.vector_load %arg11[%get3A_2725] {strides = array<i32>} : memref<1280xi32, #tpu.memory_space<vmem>>, vector<16xi32>,
        %get3A_2727 = vector.shape_cast %get3A_2726 : vector<16xi32> to vector<16xi32>
        %add3A_2728 = arith.constant 248 : i32
        %add3A_2729 = arith.addi %mul3A_2, %add3A_2728 : i32
        %add3A_2730 = vector.broadcast %add3A_2729 : i32 to vector<16xi32>
        %add3A_2731 = arith.addi %get3A_2727, %add3A_2730 : vector<16xi32>
        %swap3A_2732 = arith.constant 1088 : index
        %swap3A_2733 = tpu.vector_load %arg11[%swap3A_2732] {strides = array<i32>} : memref<1280xi32, #tpu.memory_space<vmem>>, vector<16xi32>,
        %swap3A_2734 = vector.shape_cast %swap3A_2733 : vector<16xi32> to vector<16xi32>
        %swap3A_2735 = vector.shape_cast %add3A_2731 : vector<16xi32> to vector<16xi32>
        tpu.vector_store %arg11[%swap3A_2732], %swap3A_2735 {strides = array<i32>} : memref<1280xi32, #tpu.memory_space<vmem>>, vector<16xi32>,
        %get3A_2736 = arith.constant 1104 : index
        %get3A_2737 = tpu.vector_load %arg11[%get3A_2736] {strides = array<i32>} : memref<1280xi32, #tpu.memory_space<vmem>>, vector<16xi32>,
        %get3A_2738 = vector.shape_cast %get3A_2737 : vector<16xi32> to vector<16xi32>
        %add3A_2739 = arith.constant 248 : i32
        %add3A_2740 = arith.addi %mul3A_2, %add3A_2739 : i32
        %add3A_2741 = vector.broadcast %add3A_2740 : i32 to vector<16xi32>
        %add3A_2742 = arith.addi %get3A_2738, %add3A_2741 : vector<16xi32>
        %swap3A_2743 = arith.constant 1104 : index
        %swap3A_2744 = tpu.vector_load %arg11[%swap3A_2743] {strides = array<i32>} : memref<1280xi32, #tpu.memory_space<vmem>>, vector<16xi32>,
        %swap3A_2745 = vector.shape_cast %swap3A_2744 : vector<16xi32> to vector<16xi32>
        %swap3A_2746 = vector.shape_cast %add3A_2742 : vector<16xi32> to vector<16xi32>
        tpu.vector_store %arg11[%swap3A_2743], %swap3A_2746 {strides = array<i32>} : memref<1280xi32, #tpu.memory_space<vmem>>, vector<16xi32>,
        %get3A_2747 = arith.constant 1120 : index
        %get3A_2748 = tpu.vector_load %arg11[%get3A_2747] {strides = array<i32>} : memref<1280xi32, #tpu.memory_space<vmem>>, vector<16xi32>,
        %get3A_2749 = vector.shape_cast %get3A_2748 : vector<16xi32> to vector<16xi32>
        %add3A_2750 = arith.constant 248 : i32
        %add3A_2751 = arith.addi %mul3A_2, %add3A_2750 : i32
        %add3A_2752 = vector.broadcast %add3A_2751 : i32 to vector<16xi32>
        %add3A_2753 = arith.addi %get3A_2749, %add3A_2752 : vector<16xi32>
        %swap3A_2754 = arith.constant 1120 : index
        %swap3A_2755 = tpu.vector_load %arg11[%swap3A_2754] {strides = array<i32>} : memref<1280xi32, #tpu.memory_space<vmem>>, vector<16xi32>,
        %swap3A_2756 = vector.shape_cast %swap3A_2755 : vector<16xi32> to vector<16xi32>
        %swap3A_2757 = vector.shape_cast %add3A_2753 : vector<16xi32> to vector<16xi32>
        tpu.vector_store %arg11[%swap3A_2754], %swap3A_2757 {strides = array<i32>} : memref<1280xi32, #tpu.memory_space<vmem>>, vector<16xi32>,
        %get3A_2758 = arith.constant 1136 : index
        %get3A_2759 = tpu.vector_load %arg11[%get3A_2758] {strides = array<i32>} : memref<1280xi32, #tpu.memory_space<vmem>>, vector<16xi32>,
        %get3A_2760 = vector.shape_cast %get3A_2759 : vector<16xi32> to vector<16xi32>
        %add3A_2761 = arith.constant 248 : i32
        %add3A_2762 = arith.addi %mul3A_2, %add3A_2761 : i32
        %add3A_2763 = vector.broadcast %add3A_2762 : i32 to vector<16xi32>
        %add3A_2764 = arith.addi %get3A_2760, %add3A_2763 : vector<16xi32>
        %swap3A_2765 = arith.constant 1136 : index
        %swap3A_2766 = tpu.vector_load %arg11[%swap3A_2765] {strides = array<i32>} : memref<1280xi32, #tpu.memory_space<vmem>>, vector<16xi32>,
        %swap3A_2767 = vector.shape_cast %swap3A_2766 : vector<16xi32> to vector<16xi32>
        %swap3A_2768 = vector.shape_cast %add3A_2764 : vector<16xi32> to vector<16xi32>
        tpu.vector_store %arg11[%swap3A_2765], %swap3A_2768 {strides = array<i32>} : memref<1280xi32, #tpu.memory_space<vmem>>, vector<16xi32>,
        %get3A_2769 = arith.constant 1152 : index
        %get3A_2770 = tpu.vector_load %arg11[%get3A_2769] {strides = array<i32>} : memref<1280xi32, #tpu.memory_space<vmem>>, vector<16xi32>,
        %get3A_2771 = vector.shape_cast %get3A_2770 : vector<16xi32> to vector<16xi32>
        %add3A_2772 = arith.constant 248 : i32
        %add3A_2773 = arith.addi %mul3A_2, %add3A_2772 : i32
        %add3A_2774 = vector.broadcast %add3A_2773 : i32 to vector<16xi32>
        %add3A_2775 = arith.addi %get3A_2771, %add3A_2774 : vector<16xi32>
        %swap3A_2776 = arith.constant 1152 : index
        %swap3A_2777 = tpu.vector_load %arg11[%swap3A_2776] {strides = array<i32>} : memref<1280xi32, #tpu.memory_space<vmem>>, vector<16xi32>,
        %swap3A_2778 = vector.shape_cast %swap3A_2777 : vector<16xi32> to vector<16xi32>
        %swap3A_2779 = vector.shape_cast %add3A_2775 : vector<16xi32> to vector<16xi32>
        tpu.vector_store %arg11[%swap3A_2776], %swap3A_2779 {strides = array<i32>} : memref<1280xi32, #tpu.memory_space<vmem>>, vector<16xi32>,
        %get3A_2780 = arith.constant 1168 : index
        %get3A_2781 = tpu.vector_load %arg11[%get3A_2780] {strides = array<i32>} : memref<1280xi32, #tpu.memory_space<vmem>>, vector<16xi32>,
        %get3A_2782 = vector.shape_cast %get3A_2781 : vector<16xi32> to vector<16xi32>
        %add3A_2783 = arith.constant 248 : i32
        %add3A_2784 = arith.addi %mul3A_2, %add3A_2783 : i32
        %add3A_2785 = vector.broadcast %add3A_2784 : i32 to vector<16xi32>
        %add3A_2786 = arith.addi %get3A_2782, %add3A_2785 : vector<16xi32>
        %swap3A_2787 = arith.constant 1168 : index
        %swap3A_2788 = tpu.vector_load %arg11[%swap3A_2787] {strides = array<i32>} : memref<1280xi32, #tpu.memory_space<vmem>>, vector<16xi32>,
        %swap3A_2789 = vector.shape_cast %swap3A_2788 : vector<16xi32> to vector<16xi32>
        %swap3A_2790 = vector.shape_cast %add3A_2786 : vector<16xi32> to vector<16xi32>
        tpu.vector_store %arg11[%swap3A_2787], %swap3A_2790 {strides = array<i32>} : memref<1280xi32, #tpu.memory_space<vmem>>, vector<16xi32>,
        %get3A_2791 = arith.constant 1184 : index
        %get3A_2792 = tpu.vector_load %arg11[%get3A_2791] {strides = array<i32>} : memref<1280xi32, #tpu.memory_space<vmem>>, vector<16xi32>,
        %get3A_2793 = vector.shape_cast %get3A_2792 : vector<16xi32> to vector<16xi32>
        %add3A_2794 = arith.constant 248 : i32
        %add3A_2795 = arith.addi %mul3A_2, %add3A_2794 : i32
        %add3A_2796 = vector.broadcast %add3A_2795 : i32 to vector<16xi32>
        %add3A_2797 = arith.addi %get3A_2793, %add3A_2796 : vector<16xi32>
        %swap3A_2798 = arith.constant 1184 : index
        %swap3A_2799 = tpu.vector_load %arg11[%swap3A_2798] {strides = array<i32>} : memref<1280xi32, #tpu.memory_space<vmem>>, vector<16xi32>,
        %swap3A_2800 = vector.shape_cast %swap3A_2799 : vector<16xi32> to vector<16xi32>
        %swap3A_2801 = vector.shape_cast %add3A_2797 : vector<16xi32> to vector<16xi32>
        tpu.vector_store %arg11[%swap3A_2798], %swap3A_2801 {strides = array<i32>} : memref<1280xi32, #tpu.memory_space<vmem>>, vector<16xi32>,
        %get3A_2802 = arith.constant 1200 : index
        %get3A_2803 = tpu.vector_load %arg11[%get3A_2802] {strides = array<i32>} : memref<1280xi32, #tpu.memory_space<vmem>>, vector<16xi32>,
        %get3A_2804 = vector.shape_cast %get3A_2803 : vector<16xi32> to vector<16xi32>
        %add3A_2805 = arith.constant 248 : i32
        %add3A_2806 = arith.addi %mul3A_2, %add3A_2805 : i32
        %add3A_2807 = vector.broadcast %add3A_2806 : i32 to vector<16xi32>
        %add3A_2808 = arith.addi %get3A_2804, %add3A_2807 : vector<16xi32>
        %swap3A_2809 = arith.constant 1200 : index
        %swap3A_2810 = tpu.vector_load %arg11[%swap3A_2809] {strides = array<i32>} : memref<1280xi32, #tpu.memory_space<vmem>>, vector<16xi32>,
        %swap3A_2811 = vector.shape_cast %swap3A_2810 : vector<16xi32> to vector<16xi32>
        %swap3A_2812 = vector.shape_cast %add3A_2808 : vector<16xi32> to vector<16xi32>
        tpu.vector_store %arg11[%swap3A_2809], %swap3A_2812 {strides = array<i32>} : memref<1280xi32, #tpu.memory_space<vmem>>, vector<16xi32>,
        %get3A_2813 = arith.constant 1216 : index
        %get3A_2814 = tpu.vector_load %arg11[%get3A_2813] {strides = array<i32>} : memref<1280xi32, #tpu.memory_space<vmem>>, vector<16xi32>,
        %get3A_2815 = vector.shape_cast %get3A_2814 : vector<16xi32> to vector<16xi32>
        %add3A_2816 = arith.constant 248 : i32
        %add3A_2817 = arith.addi %mul3A_2, %add3A_2816 : i32
        %add3A_2818 = vector.broadcast %add3A_2817 : i32 to vector<16xi32>
        %add3A_2819 = arith.addi %get3A_2815, %add3A_2818 : vector<16xi32>
        %swap3A_2820 = arith.constant 1216 : index
        %swap3A_2821 = tpu.vector_load %arg11[%swap3A_2820] {strides = array<i32>} : memref<1280xi32, #tpu.memory_space<vmem>>, vector<16xi32>,
        %swap3A_2822 = vector.shape_cast %swap3A_2821 : vector<16xi32> to vector<16xi32>
        %swap3A_2823 = vector.shape_cast %add3A_2819 : vector<16xi32> to vector<16xi32>
        tpu.vector_store %arg11[%swap3A_2820], %swap3A_2823 {strides = array<i32>} : memref<1280xi32, #tpu.memory_space<vmem>>, vector<16xi32>,
        %get3A_2824 = arith.constant 1232 : index
        %get3A_2825 = tpu.vector_load %arg11[%get3A_2824] {strides = array<i32>} : memref<1280xi32, #tpu.memory_space<vmem>>, vector<16xi32>,
        %get3A_2826 = vector.shape_cast %get3A_2825 : vector<16xi32> to vector<16xi32>
        %add3A_2827 = arith.constant 248 : i32
        %add3A_2828 = arith.addi %mul3A_2, %add3A_2827 : i32
        %add3A_2829 = vector.broadcast %add3A_2828 : i32 to vector<16xi32>
        %add3A_2830 = arith.addi %get3A_2826, %add3A_2829 : vector<16xi32>
        %swap3A_2831 = arith.constant 1232 : index
        %swap3A_2832 = tpu.vector_load %arg11[%swap3A_2831] {strides = array<i32>} : memref<1280xi32, #tpu.memory_space<vmem>>, vector<16xi32>,
        %swap3A_2833 = vector.shape_cast %swap3A_2832 : vector<16xi32> to vector<16xi32>
        %swap3A_2834 = vector.shape_cast %add3A_2830 : vector<16xi32> to vector<16xi32>
        tpu.vector_store %arg11[%swap3A_2831], %swap3A_2834 {strides = array<i32>} : memref<1280xi32, #tpu.memory_space<vmem>>, vector<16xi32>,
        %get3A_2835 = arith.constant 1248 : index
        %get3A_2836 = tpu.vector_load %arg11[%get3A_2835] {strides = array<i32>} : memref<1280xi32, #tpu.memory_space<vmem>>, vector<16xi32>,
        %get3A_2837 = vector.shape_cast %get3A_2836 : vector<16xi32> to vector<16xi32>
        %add3A_2838 = arith.constant 248 : i32
        %add3A_2839 = arith.addi %mul3A_2, %add3A_2838 : i32
        %add3A_2840 = vector.broadcast %add3A_2839 : i32 to vector<16xi32>
        %add3A_2841 = arith.addi %get3A_2837, %add3A_2840 : vector<16xi32>
        %swap3A_2842 = arith.constant 1248 : index
        %swap3A_2843 = tpu.vector_load %arg11[%swap3A_2842] {strides = array<i32>} : memref<1280xi32, #tpu.memory_space<vmem>>, vector<16xi32>,
        %swap3A_2844 = vector.shape_cast %swap3A_2843 : vector<16xi32> to vector<16xi32>
        %swap3A_2845 = vector.shape_cast %add3A_2841 : vector<16xi32> to vector<16xi32>
        tpu.vector_store %arg11[%swap3A_2842], %swap3A_2845 {strides = array<i32>} : memref<1280xi32, #tpu.memory_space<vmem>>, vector<16xi32>,
        %get3A_2846 = arith.constant 1264 : index
        %get3A_2847 = tpu.vector_load %arg11[%get3A_2846] {strides = array<i32>} : memref<1280xi32, #tpu.memory_space<vmem>>, vector<16xi32>,
        %get3A_2848 = vector.shape_cast %get3A_2847 : vector<16xi32> to vector<16xi32>
        %add3A_2849 = arith.constant 248 : i32
        %add3A_2850 = arith.addi %mul3A_2, %add3A_2849 : i32
        %add3A_2851 = vector.broadcast %add3A_2850 : i32 to vector<16xi32>
        %add3A_2852 = arith.addi %get3A_2848, %add3A_2851 : vector<16xi32>
        %swap3A_2853 = arith.constant 1264 : index
        %swap3A_2854 = tpu.vector_load %arg11[%swap3A_2853] {strides = array<i32>} : memref<1280xi32, #tpu.memory_space<vmem>>, vector<16xi32>,
        %swap3A_2855 = vector.shape_cast %swap3A_2854 : vector<16xi32> to vector<16xi32>
        %swap3A_2856 = vector.shape_cast %add3A_2852 : vector<16xi32> to vector<16xi32>
        tpu.vector_store %arg11[%swap3A_2853], %swap3A_2856 {strides = array<i32>} : memref<1280xi32, #tpu.memory_space<vmem>>, vector<16xi32>,
        %dma_start3A_2857 = arith.constant 0 : i32
        %dma_start3A_2858 = arith.constant 0 : i32
        %dma_start3A_2859 = tpu.memref_slice %arg7[%dma_start3A_2857, %dma_start3A_2858] : memref<1000000x64xf32, #tpu.memory_space<hbm>> -> memref<1000000x64xf32, #tpu.memory_space<hbm>>
        tpu.enqueue_indirect_dma source(%dma_start3A_2859 : memref<1000000x64xf32, #tpu.memory_space<hbm>>) target(%arg12 : memref<320x64xf32, #tpu.memory_space<vmem>>) offsets(%arg10 : memref<320xi32, #tpu.memory_space<vmem>>) semaphore(%arg19 : memref<!tpu.dma_semaphore, #tpu.memory_space<semaphore_mem>>)
        %dma_start3A_2860 = arith.constant 0 : i32
        %dma_start3A_2861 = arith.constant 0 : i32
        %dma_start3A_2862 = tpu.memref_slice %arg8[%dma_start3A_2860, %dma_start3A_2861] : memref<8576x32xf32, #tpu.memory_space<hbm>> -> memref<8576x32xf32, #tpu.memory_space<hbm>>
        tpu.enqueue_indirect_dma source(%dma_start3A_2862 : memref<8576x32xf32, #tpu.memory_space<hbm>>) target(%arg13 : memref<1280x32xf32, #tpu.memory_space<vmem>>) offsets(%arg11 : memref<1280xi32, #tpu.memory_space<vmem>>) semaphore(%arg19 : memref<!tpu.dma_semaphore, #tpu.memory_space<semaphore_mem>>)
      } else {
      }
      %dma_wait3A_1894 = arith.constant 0 : i32
      %dma_wait3A_1895 = arith.constant 0 : i32
      %dma_wait3A_1896 = tpu.memref_slice %arg7[%dma_wait3A_1894, %dma_wait3A_1895] : memref<1000000x64xf32, #tpu.memory_space<hbm>> -> memref<1000000x64xf32, #tpu.memory_space<hbm>>
      tpu.wait_indirect_dma semaphore(%arg22 : memref<!tpu.dma_semaphore, #tpu.memory_space<semaphore_mem>>) src(%dma_wait3A_1896 : memref<1000000x64xf32, #tpu.memory_space<hbm>>) dst(%arg16 : memref<320x64xf32, #tpu.memory_space<vmem>>)
      %dma_wait3A_1897 = arith.constant 0 : i32
      %dma_wait3A_1898 = arith.constant 0 : i32
      %dma_wait3A_1899 = tpu.memref_slice %arg8[%dma_wait3A_1897, %dma_wait3A_1898] : memref<8576x32xf32, #tpu.memory_space<hbm>> -> memref<8576x32xf32, #tpu.memory_space<hbm>>
      tpu.wait_indirect_dma semaphore(%arg22 : memref<!tpu.dma_semaphore, #tpu.memory_space<semaphore_mem>>) src(%dma_wait3A_1899 : memref<8576x32xf32, #tpu.memory_space<hbm>>) dst(%arg17 : memref<1280x32xf32, #tpu.memory_space<vmem>>)
      %mul3A_1900 = arith.constant 25600 : i32
      %mul3A_1901 = arith.muli %add3A, %mul3A_1900 : i32
      %mul3A_1902 = arith.constant 320 : i32
      %mul3A_1903 = arith.muli %add3A_969, %mul3A_1902 : i32
      %add3A_1904 = arith.addi %mul3A_1901, %mul3A_1903 : i32
      %dma_start3A_1905 = arith.constant 0 : i32
      %dma_start3A_1906 = tpu.memref_slice %arg9[%add3A_1904, %dma_start3A_1905] : memref<819200x192xf32, #tpu.memory_space<hbm>> -> memref<320x64xf32, #tpu.memory_space<hbm>>
      %dma_start3A_1907 = arith.constant 0 : i32
      %dma_start3A_1908 = tpu.memref_slice %arg9[%add3A_1904, %dma_start3A_1907] : memref<819200x192xf32, #tpu.memory_space<hbm>> -> memref<320x64xf32, #tpu.memory_space<hbm>>
      tpu.enqueue_dma source(%arg16 : memref<320x64xf32, #tpu.memory_space<vmem>>) target(%dma_start3A_1908 : memref<320x64xf32, #tpu.memory_space<hbm>>) target_semaphore(%arg23 : memref<!tpu.dma_semaphore, #tpu.memory_space<semaphore_mem>>)
      %dma_start3A_1909 = arith.constant 0 : i32
      %dma_start3A_1910 = arith.constant 0 : i32
      %dma_start3A_1911 = tpu.memref_slice %arg17[%dma_start3A_1909, %dma_start3A_1910] : memref<1280x32xf32, #tpu.memory_space<vmem>> -> memref<320x32xf32, #tpu.memory_space<vmem>>
      %dma_start3A_1912 = arith.constant 64 : i32
      %dma_start3A_1913 = tpu.memref_slice %arg9[%add3A_1904, %dma_start3A_1912] : memref<819200x192xf32, #tpu.memory_space<hbm>> -> memref<320x32xf32, #tpu.memory_space<hbm>>
      %dma_start3A_1914 = arith.constant 64 : i32
      %dma_start3A_1915 = tpu.memref_slice %arg9[%add3A_1904, %dma_start3A_1914] : memref<819200x192xf32, #tpu.memory_space<hbm>> -> memref<320x32xf32, #tpu.memory_space<hbm>>
      %dma_start3A_1916 = arith.constant 0 : i32
      %dma_start3A_1917 = arith.constant 0 : i32
      %dma_start3A_1918 = tpu.memref_slice %arg17[%dma_start3A_1916, %dma_start3A_1917] : memref<1280x32xf32, #tpu.memory_space<vmem>> -> memref<320x32xf32, #tpu.memory_space<vmem>>
      tpu.enqueue_dma source(%dma_start3A_1918 : memref<320x32xf32, #tpu.memory_space<vmem>>) target(%dma_start3A_1915 : memref<320x32xf32, #tpu.memory_space<hbm>>) target_semaphore(%arg23 : memref<!tpu.dma_semaphore, #tpu.memory_space<semaphore_mem>>)
      %dma_start3A_1919 = arith.constant 320 : i32
      %dma_start3A_1920 = arith.constant 0 : i32
      %dma_start3A_1921 = tpu.memref_slice %arg17[%dma_start3A_1919, %dma_start3A_1920] : memref<1280x32xf32, #tpu.memory_space<vmem>> -> memref<320x32xf32, #tpu.memory_space<vmem>>
      %dma_start3A_1922 = arith.constant 96 : i32
      %dma_start3A_1923 = tpu.memref_slice %arg9[%add3A_1904, %dma_start3A_1922] : memref<819200x192xf32, #tpu.memory_space<hbm>> -> memref<320x32xf32, #tpu.memory_space<hbm>>
      %dma_start3A_1924 = arith.constant 96 : i32
      %dma_start3A_1925 = tpu.memref_slice %arg9[%add3A_1904, %dma_start3A_1924] : memref<819200x192xf32, #tpu.memory_space<hbm>> -> memref<320x32xf32, #tpu.memory_space<hbm>>
      %dma_start3A_1926 = arith.constant 320 : i32
      %dma_start3A_1927 = arith.constant 0 : i32
      %dma_start3A_1928 = tpu.memref_slice %arg17[%dma_start3A_1926, %dma_start3A_1927] : memref<1280x32xf32, #tpu.memory_space<vmem>> -> memref<320x32xf32, #tpu.memory_space<vmem>>
      tpu.enqueue_dma source(%dma_start3A_1928 : memref<320x32xf32, #tpu.memory_space<vmem>>) target(%dma_start3A_1925 : memref<320x32xf32, #tpu.memory_space<hbm>>) target_semaphore(%arg23 : memref<!tpu.dma_semaphore, #tpu.memory_space<semaphore_mem>>)
      %dma_start3A_1929 = arith.constant 640 : i32
      %dma_start3A_1930 = arith.constant 0 : i32
      %dma_start3A_1931 = tpu.memref_slice %arg17[%dma_start3A_1929, %dma_start3A_1930] : memref<1280x32xf32, #tpu.memory_space<vmem>> -> memref<320x32xf32, #tpu.memory_space<vmem>>
      %dma_start3A_1932 = arith.constant 128 : i32
      %dma_start3A_1933 = tpu.memref_slice %arg9[%add3A_1904, %dma_start3A_1932] : memref<819200x192xf32, #tpu.memory_space<hbm>> -> memref<320x32xf32, #tpu.memory_space<hbm>>
      %dma_start3A_1934 = arith.constant 128 : i32
      %dma_start3A_1935 = tpu.memref_slice %arg9[%add3A_1904, %dma_start3A_1934] : memref<819200x192xf32, #tpu.memory_space<hbm>> -> memref<320x32xf32, #tpu.memory_space<hbm>>
      %dma_start3A_1936 = arith.constant 640 : i32
      %dma_start3A_1937 = arith.constant 0 : i32
      %dma_start3A_1938 = tpu.memref_slice %arg17[%dma_start3A_1936, %dma_start3A_1937] : memref<1280x32xf32, #tpu.memory_space<vmem>> -> memref<320x32xf32, #tpu.memory_space<vmem>>
      tpu.enqueue_dma source(%dma_start3A_1938 : memref<320x32xf32, #tpu.memory_space<vmem>>) target(%dma_start3A_1935 : memref<320x32xf32, #tpu.memory_space<hbm>>) target_semaphore(%arg23 : memref<!tpu.dma_semaphore, #tpu.memory_space<semaphore_mem>>)
      %dma_start3A_1939 = arith.constant 960 : i32
      %dma_start3A_1940 = arith.constant 0 : i32
      %dma_start3A_1941 = tpu.memref_slice %arg17[%dma_start3A_1939, %dma_start3A_1940] : memref<1280x32xf32, #tpu.memory_space<vmem>> -> memref<320x32xf32, #tpu.memory_space<vmem>>
      %dma_start3A_1942 = arith.constant 160 : i32
      %dma_start3A_1943 = tpu.memref_slice %arg9[%add3A_1904, %dma_start3A_1942] : memref<819200x192xf32, #tpu.memory_space<hbm>> -> memref<320x32xf32, #tpu.memory_space<hbm>>
      %dma_start3A_1944 = arith.constant 160 : i32
      %dma_start3A_1945 = tpu.memref_slice %arg9[%add3A_1904, %dma_start3A_1944] : memref<819200x192xf32, #tpu.memory_space<hbm>> -> memref<320x32xf32, #tpu.memory_space<hbm>>
      %dma_start3A_1946 = arith.constant 960 : i32
      %dma_start3A_1947 = arith.constant 0 : i32
      %dma_start3A_1948 = tpu.memref_slice %arg17[%dma_start3A_1946, %dma_start3A_1947] : memref<1280x32xf32, #tpu.memory_space<vmem>> -> memref<320x32xf32, #tpu.memory_space<vmem>>
      tpu.enqueue_dma source(%dma_start3A_1948 : memref<320x32xf32, #tpu.memory_space<vmem>>) target(%dma_start3A_1945 : memref<320x32xf32, #tpu.memory_space<hbm>>) target_semaphore(%arg23 : memref<!tpu.dma_semaphore, #tpu.memory_space<semaphore_mem>>)
    }
    %scan3A_864 = arith.constant 40 : i32
    %mul3A_865 = arith.constant 25600 : i32
    %mul3A_866 = arith.muli %add3A, %mul3A_865 : i32
    %add3A_867 = arith.constant 0 : i32
    %add3A_868 = arith.addi %mul3A_866, %add3A_867 : i32
    %dma_wait3A_869 = arith.constant 0 : i32
    %dma_wait3A_870 = tpu.memref_slice %arg9[%add3A_868, %dma_wait3A_869] : memref<819200x192xf32, #tpu.memory_space<hbm>> -> memref<320x64xf32, #tpu.memory_space<hbm>>
    %dma_wait3A_871 = arith.constant 0 : i32
    %dma_wait3A_872 = tpu.memref_slice %arg9[%add3A_868, %dma_wait3A_871] : memref<819200x192xf32, #tpu.memory_space<hbm>> -> memref<320x64xf32, #tpu.memory_space<hbm>>
    tpu.wait_dma2 semaphore(%arg20 : memref<!tpu.dma_semaphore, #tpu.memory_space<semaphore_mem>>) src(%arg12 : memref<320x64xf32, #tpu.memory_space<vmem>>) dst(%dma_wait3A_872 : memref<320x64xf32, #tpu.memory_space<hbm>>)
    %dma_wait3A_873 = arith.constant 0 : i32
    %dma_wait3A_874 = arith.constant 0 : i32
    %dma_wait3A_875 = tpu.memref_slice %arg13[%dma_wait3A_873, %dma_wait3A_874] : memref<1280x32xf32, #tpu.memory_space<vmem>> -> memref<320x32xf32, #tpu.memory_space<vmem>>
    %dma_wait3A_876 = arith.constant 64 : i32
    %dma_wait3A_877 = tpu.memref_slice %arg9[%add3A_868, %dma_wait3A_876] : memref<819200x192xf32, #tpu.memory_space<hbm>> -> memref<320x32xf32, #tpu.memory_space<hbm>>
    %dma_wait3A_878 = arith.constant 64 : i32
    %dma_wait3A_879 = tpu.memref_slice %arg9[%add3A_868, %dma_wait3A_878] : memref<819200x192xf32, #tpu.memory_space<hbm>> -> memref<320x32xf32, #tpu.memory_space<hbm>>
    %dma_wait3A_880 = arith.constant 0 : i32
    %dma_wait3A_881 = arith.constant 0 : i32
    %dma_wait3A_882 = tpu.memref_slice %arg13[%dma_wait3A_880, %dma_wait3A_881] : memref<1280x32xf32, #tpu.memory_space<vmem>> -> memref<320x32xf32, #tpu.memory_space<vmem>>
    tpu.wait_dma2 semaphore(%arg20 : memref<!tpu.dma_semaphore, #tpu.memory_space<semaphore_mem>>) src(%dma_wait3A_882 : memref<320x32xf32, #tpu.memory_space<vmem>>) dst(%dma_wait3A_879 : memref<320x32xf32, #tpu.memory_space<hbm>>)
    %dma_wait3A_883 = arith.constant 320 : i32
    %dma_wait3A_884 = arith.constant 0 : i32
    %dma_wait3A_885 = tpu.memref_slice %arg13[%dma_wait3A_883, %dma_wait3A_884] : memref<1280x32xf32, #tpu.memory_space<vmem>> -> memref<320x32xf32, #tpu.memory_space<vmem>>
    %dma_wait3A_886 = arith.constant 96 : i32
    %dma_wait3A_887 = tpu.memref_slice %arg9[%add3A_868, %dma_wait3A_886] : memref<819200x192xf32, #tpu.memory_space<hbm>> -> memref<320x32xf32, #tpu.memory_space<hbm>>
    %dma_wait3A_888 = arith.constant 96 : i32
    %dma_wait3A_889 = tpu.memref_slice %arg9[%add3A_868, %dma_wait3A_888] : memref<819200x192xf32, #tpu.memory_space<hbm>> -> memref<320x32xf32, #tpu.memory_space<hbm>>
    %dma_wait3A_890 = arith.constant 320 : i32
    %dma_wait3A_891 = arith.constant 0 : i32
    %dma_wait3A_892 = tpu.memref_slice %arg13[%dma_wait3A_890, %dma_wait3A_891] : memref<1280x32xf32, #tpu.memory_space<vmem>> -> memref<320x32xf32, #tpu.memory_space<vmem>>
    tpu.wait_dma2 semaphore(%arg20 : memref<!tpu.dma_semaphore, #tpu.memory_space<semaphore_mem>>) src(%dma_wait3A_892 : memref<320x32xf32, #tpu.memory_space<vmem>>) dst(%dma_wait3A_889 : memref<320x32xf32, #tpu.memory_space<hbm>>)
    %dma_wait3A_893 = arith.constant 640 : i32
    %dma_wait3A_894 = arith.constant 0 : i32
    %dma_wait3A_895 = tpu.memref_slice %arg13[%dma_wait3A_893, %dma_wait3A_894] : memref<1280x32xf32, #tpu.memory_space<vmem>> -> memref<320x32xf32, #tpu.memory_space<vmem>>
    %dma_wait3A_896 = arith.constant 128 : i32
    %dma_wait3A_897 = tpu.memref_slice %arg9[%add3A_868, %dma_wait3A_896] : memref<819200x192xf32, #tpu.memory_space<hbm>> -> memref<320x32xf32, #tpu.memory_space<hbm>>
    %dma_wait3A_898 = arith.constant 128 : i32
    %dma_wait3A_899 = tpu.memref_slice %arg9[%add3A_868, %dma_wait3A_898] : memref<819200x192xf32, #tpu.memory_space<hbm>> -> memref<320x32xf32, #tpu.memory_space<hbm>>
    %dma_wait3A_900 = arith.constant 640 : i32
    %dma_wait3A_901 = arith.constant 0 : i32
    %dma_wait3A_902 = tpu.memref_slice %arg13[%dma_wait3A_900, %dma_wait3A_901] : memref<1280x32xf32, #tpu.memory_space<vmem>> -> memref<320x32xf32, #tpu.memory_space<vmem>>
    tpu.wait_dma2 semaphore(%arg20 : memref<!tpu.dma_semaphore, #tpu.memory_space<semaphore_mem>>) src(%dma_wait3A_902 : memref<320x32xf32, #tpu.memory_space<vmem>>) dst(%dma_wait3A_899 : memref<320x32xf32, #tpu.memory_space<hbm>>)
    %dma_wait3A_903 = arith.constant 960 : i32
    %dma_wait3A_904 = arith.constant 0 : i32
    %dma_wait3A_905 = tpu.memref_slice %arg13[%dma_wait3A_903, %dma_wait3A_904] : memref<1280x32xf32, #tpu.memory_space<vmem>> -> memref<320x32xf32, #tpu.memory_space<vmem>>
    %dma_wait3A_906 = arith.constant 160 : i32
    %dma_wait3A_907 = tpu.memref_slice %arg9[%add3A_868, %dma_wait3A_906] : memref<819200x192xf32, #tpu.memory_space<hbm>> -> memref<320x32xf32, #tpu.memory_space<hbm>>
    %dma_wait3A_908 = arith.constant 160 : i32
    %dma_wait3A_909 = tpu.memref_slice %arg9[%add3A_868, %dma_wait3A_908] : memref<819200x192xf32, #tpu.memory_space<hbm>> -> memref<320x32xf32, #tpu.memory_space<hbm>>
    %dma_wait3A_910 = arith.constant 960 : i32
    %dma_wait3A_911 = arith.constant 0 : i32
    %dma_wait3A_912 = tpu.memref_slice %arg13[%dma_wait3A_910, %dma_wait3A_911] : memref<1280x32xf32, #tpu.memory_space<vmem>> -> memref<320x32xf32, #tpu.memory_space<vmem>>
    tpu.wait_dma2 semaphore(%arg20 : memref<!tpu.dma_semaphore, #tpu.memory_space<semaphore_mem>>) src(%dma_wait3A_912 : memref<320x32xf32, #tpu.memory_space<vmem>>) dst(%dma_wait3A_909 : memref<320x32xf32, #tpu.memory_space<hbm>>)
    %mul3A_913 = arith.constant 25600 : i32
    %mul3A_914 = arith.muli %add3A, %mul3A_913 : i32
    %add3A_915 = arith.constant 0 : i32
    %add3A_916 = arith.addi %mul3A_914, %add3A_915 : i32
    %dma_wait3A_917 = arith.constant 0 : i32
    %dma_wait3A_918 = tpu.memref_slice %arg9[%add3A_916, %dma_wait3A_917] : memref<819200x192xf32, #tpu.memory_space<hbm>> -> memref<320x64xf32, #tpu.memory_space<hbm>>
    %dma_wait3A_919 = arith.constant 0 : i32
    %dma_wait3A_920 = tpu.memref_slice %arg9[%add3A_916, %dma_wait3A_919] : memref<819200x192xf32, #tpu.memory_space<hbm>> -> memref<320x64xf32, #tpu.memory_space<hbm>>
    tpu.wait_dma2 semaphore(%arg23 : memref<!tpu.dma_semaphore, #tpu.memory_space<semaphore_mem>>) src(%arg16 : memref<320x64xf32, #tpu.memory_space<vmem>>) dst(%dma_wait3A_920 : memref<320x64xf32, #tpu.memory_space<hbm>>)
    %dma_wait3A_921 = arith.constant 0 : i32
    %dma_wait3A_922 = arith.constant 0 : i32
    %dma_wait3A_923 = tpu.memref_slice %arg17[%dma_wait3A_921, %dma_wait3A_922] : memref<1280x32xf32, #tpu.memory_space<vmem>> -> memref<320x32xf32, #tpu.memory_space<vmem>>
    %dma_wait3A_924 = arith.constant 64 : i32
    %dma_wait3A_925 = tpu.memref_slice %arg9[%add3A_916, %dma_wait3A_924] : memref<819200x192xf32, #tpu.memory_space<hbm>> -> memref<320x32xf32, #tpu.memory_space<hbm>>
    %dma_wait3A_926 = arith.constant 64 : i32
    %dma_wait3A_927 = tpu.memref_slice %arg9[%add3A_916, %dma_wait3A_926] : memref<819200x192xf32, #tpu.memory_space<hbm>> -> memref<320x32xf32, #tpu.memory_space<hbm>>
    %dma_wait3A_928 = arith.constant 0 : i32
    %dma_wait3A_929 = arith.constant 0 : i32
    %dma_wait3A_930 = tpu.memref_slice %arg17[%dma_wait3A_928, %dma_wait3A_929] : memref<1280x32xf32, #tpu.memory_space<vmem>> -> memref<320x32xf32, #tpu.memory_space<vmem>>
    tpu.wait_dma2 semaphore(%arg23 : memref<!tpu.dma_semaphore, #tpu.memory_space<semaphore_mem>>) src(%dma_wait3A_930 : memref<320x32xf32, #tpu.memory_space<vmem>>) dst(%dma_wait3A_927 : memref<320x32xf32, #tpu.memory_space<hbm>>)
    %dma_wait3A_931 = arith.constant 320 : i32
    %dma_wait3A_932 = arith.constant 0 : i32
    %dma_wait3A_933 = tpu.memref_slice %arg17[%dma_wait3A_931, %dma_wait3A_932] : memref<1280x32xf32, #tpu.memory_space<vmem>> -> memref<320x32xf32, #tpu.memory_space<vmem>>
    %dma_wait3A_934 = arith.constant 96 : i32
    %dma_wait3A_935 = tpu.memref_slice %arg9[%add3A_916, %dma_wait3A_934] : memref<819200x192xf32, #tpu.memory_space<hbm>> -> memref<320x32xf32, #tpu.memory_space<hbm>>
    %dma_wait3A_936 = arith.constant 96 : i32
    %dma_wait3A_937 = tpu.memref_slice %arg9[%add3A_916, %dma_wait3A_936] : memref<819200x192xf32, #tpu.memory_space<hbm>> -> memref<320x32xf32, #tpu.memory_space<hbm>>
    %dma_wait3A_938 = arith.constant 320 : i32
    %dma_wait3A_939 = arith.constant 0 : i32
    %dma_wait3A_940 = tpu.memref_slice %arg17[%dma_wait3A_938, %dma_wait3A_939] : memref<1280x32xf32, #tpu.memory_space<vmem>> -> memref<320x32xf32, #tpu.memory_space<vmem>>
    tpu.wait_dma2 semaphore(%arg23 : memref<!tpu.dma_semaphore, #tpu.memory_space<semaphore_mem>>) src(%dma_wait3A_940 : memref<320x32xf32, #tpu.memory_space<vmem>>) dst(%dma_wait3A_937 : memref<320x32xf32, #tpu.memory_space<hbm>>)
    %dma_wait3A_941 = arith.constant 640 : i32
    %dma_wait3A_942 = arith.constant 0 : i32
    %dma_wait3A_943 = tpu.memref_slice %arg17[%dma_wait3A_941, %dma_wait3A_942] : memref<1280x32xf32, #tpu.memory_space<vmem>> -> memref<320x32xf32, #tpu.memory_space<vmem>>
    %dma_wait3A_944 = arith.constant 128 : i32
    %dma_wait3A_945 = tpu.memref_slice %arg9[%add3A_916, %dma_wait3A_944] : memref<819200x192xf32, #tpu.memory_space<hbm>> -> memref<320x32xf32, #tpu.memory_space<hbm>>
    %dma_wait3A_946 = arith.constant 128 : i32
    %dma_wait3A_947 = tpu.memref_slice %arg9[%add3A_916, %dma_wait3A_946] : memref<819200x192xf32, #tpu.memory_space<hbm>> -> memref<320x32xf32, #tpu.memory_space<hbm>>
    %dma_wait3A_948 = arith.constant 640 : i32
    %dma_wait3A_949 = arith.constant 0 : i32
    %dma_wait3A_950 = tpu.memref_slice %arg17[%dma_wait3A_948, %dma_wait3A_949] : memref<1280x32xf32, #tpu.memory_space<vmem>> -> memref<320x32xf32, #tpu.memory_space<vmem>>
    tpu.wait_dma2 semaphore(%arg23 : memref<!tpu.dma_semaphore, #tpu.memory_space<semaphore_mem>>) src(%dma_wait3A_950 : memref<320x32xf32, #tpu.memory_space<vmem>>) dst(%dma_wait3A_947 : memref<320x32xf32, #tpu.memory_space<hbm>>)
    %dma_wait3A_951 = arith.constant 960 : i32
    %dma_wait3A_952 = arith.constant 0 : i32
    %dma_wait3A_953 = tpu.memref_slice %arg17[%dma_wait3A_951, %dma_wait3A_952] : memref<1280x32xf32, #tpu.memory_space<vmem>> -> memref<320x32xf32, #tpu.memory_space<vmem>>
    %dma_wait3A_954 = arith.constant 160 : i32
    %dma_wait3A_955 = tpu.memref_slice %arg9[%add3A_916, %dma_wait3A_954] : memref<819200x192xf32, #tpu.memory_space<hbm>> -> memref<320x32xf32, #tpu.memory_space<hbm>>
    %dma_wait3A_956 = arith.constant 160 : i32
    %dma_wait3A_957 = tpu.memref_slice %arg9[%add3A_916, %dma_wait3A_956] : memref<819200x192xf32, #tpu.memory_space<hbm>> -> memref<320x32xf32, #tpu.memory_space<hbm>>
    %dma_wait3A_958 = arith.constant 960 : i32
    %dma_wait3A_959 = arith.constant 0 : i32
    %dma_wait3A_960 = tpu.memref_slice %arg17[%dma_wait3A_958, %dma_wait3A_959] : memref<1280x32xf32, #tpu.memory_space<vmem>> -> memref<320x32xf32, #tpu.memory_space<vmem>>
    tpu.wait_dma2 semaphore(%arg23 : memref<!tpu.dma_semaphore, #tpu.memory_space<semaphore_mem>>) src(%dma_wait3A_960 : memref<320x32xf32, #tpu.memory_space<vmem>>) dst(%dma_wait3A_957 : memref<320x32xf32, #tpu.memory_space<hbm>>)
    return
  }
}

</mosaic_0001>

<sc_bundles>
// kernel: embed_concat_sc.3.cloned.1.call-start
scs
__scs_entry_jumppad:
0x0: {  	(pc) =	sbr.rel $0x88, $3  }
0x1: {  	(tag) =	ssettag $0x0;
	lr =	simm.s32 $0x1  }
0x2: {  	[smem:$0x3F9A] =	sst lr;
	_ =	strace $0xD0000000  }
0x3: {  	_ = 	snop  }
0x4: {  	_ = 	snop  }
0x5: {  	_ = 	snop  }
0x6: {  	_ = 	snop  }
0x7: {  	_ = 	snop  }
__scs_overlays_trampoline_lowered:
0x8: {  	[smem:$0x3FA9] =	sst s0  }
0x9: {  	[smem:$0x3FAA] =	sst s1  }
0xa: {  	[smem:$0x3FAB] =	sst s2  }
0xb: {  	[smem:$0x3FAC] =	sst s3  }
0xc: {  	[smem:$0x3FAD] =	sst s4  }
0xd: {  	[smem:$0x3FAE] =	sst s5  }
0xe: {  	[smem:$0x3FAF] =	sst s6  }
0xf: {  	[smem:$0x3FB0] =	sst s7  }
0x10: {  	[smem:$0x3FB1] =	sst s8  }
0x11: {  	[smem:$0x3FB2] =	sst s9;
	s0 =	simm.s32 @!p0 $0x0  }
0x12: {  	s1 =	sld [smem:$0x3F98];
	s0 =	simm.s32 @p0 $0x1  }
0x13: {  	[smem:$0x3FB3] =	sst s0;
	s0 =	simm.s32 @!p1 $0x0  }
0x14: {  	s2 =	sld [smem:$0x3F97];
	s0 =	simm.s32 @p1 $0x1  }
0x15: {  	[smem:$0x3FB4] =	sst s0;
	s0 =	simm.s32 @!p2 $0x0  }
0x16: {  	s3 =	sld [smem:$0x3FDB];
	s0 =	simm.s32 @p2 $0x1  }
0x17: {  	s4 =	simm.s32 $0x1BF5;
	[smem:$0x3FB6] =	sst s0  }
0x18: {  	s0 =	sld [smem:$0x3F99];
	_ =	swait.ge [sflag:s4], $0x0  }
0x19: {  	s7 =	sld [smem:$0x3F9A]  }
0x1a: {  	s8 =	sadd.s32 $0xFFFFE003, lr  }
0x1b: {  	s9 =	sadd.s32 $0xFFFFFEF7, lr;
	s5 =	simm.s32 $0xFFFFFFFF;
	p2 =	slt.u32 s8, $0xFFFFF086  }
0x1c: {  	p1 =	slt.u32 s9, $0xF7A;
	s5 =	simm.s32 @!p2 $0x0  }
0x1d: {  	s5 =	simm.s32 @p1 $0x1;
	p0 =	seq.s32 s7, s2  }
0x1e: {  	s7 =	smul.u32 @!p0 $0xF7A, s2;
	p2 =	seq.s32 @!p0 s5, $0x0  }
0x1f: {  	s9 =	smul.u32 $0xF7A, s1;
	s8 =	simm.s32 @!p0 $0x1BF5;
	p2 =	por !p2, p0  }
0x20: {  	[sflag:s8] =	ssyncset.s32 @!p0 $0xFFFFF086;
	s6 =	sadd.s32 @!p0 s3, s7;
	s7 =	simm.s32 @!p0 $0x108  }
0x21: {  	s3 =	sadd.s32 s3, s9;
	s6 =	sadd.s32 @!p0 $0x88, s6;
	s7 =	simm.s32 @p2 $0x1082  }
0x22: {  	[simem:s7], [sflag:s8] =	dma.local @!p0 [hbm:s6], $0xF7A  }
0x23: {  	s9 =	sor.u32 $0xD0000000, s2;
	s6 =	simm.s32 $0x108;
	_ =	swait.ge @!p0 [sflag:s8], $0x0  }
0x24: {  	s3 =	sadd.s32 $0x88, s3;
	s6 =	simm.s32 @!p1 $0x1082;
	[sflag:s4] =	ssyncset.s32 $0xFFFFF086  }
0x25: {  	[simem:s6], [sflag:s4] =	dma.local [hbm:s3], $0xF7A  }
0x26: {  	[smem:$0x3F9A] =	sst s1;
	(tag) =	ssettag s2;
	_ =	strace s9  }
0x27: {  	s1 =	sld [smem:$0x3FAA]  }
0x28: {  	s2 =	sld [smem:$0x3FAB]  }
0x29: {  	s4 =	sld [smem:$0x3FAD]  }
0x2a: {  	p0 =	seq.s32 s5, $0x0;
	s5 =	sld [smem:$0x3FAE]  }
0x2b: {  	s6 =	sld [smem:$0x3FAF]  }
0x2c: {  	s7 =	sld [smem:$0x3FB0]  }
0x2d: {  	s3 =	simm.s32 $0x108;
	s8 =	sld [smem:$0x3FB1]  }
0x2e: {  	s3 =	simm.s32 @!p0 $0x1082;
	s9 =	sld [smem:$0x3FB2]  }
0x2f: {  	lr =	sadd.s32 s0, s3;
	s0 =	sld [smem:$0x3FA9]  }
0x30: {  	s3 =	sld [smem:$0x3FAC]  }
0x31: {  	[smem:$0x3FB5] =	sst s10  }
0x32: {  	s10 =	sld [smem:$0x3FB3];
	_ =	sdelay $0x3  }
0x33: {  	p0 =	seq.s32 s10, $0x1;
	s10 =	sld [smem:$0x3FB5];
	_ =	sdelay $0x3  }
0x34: {  	[smem:$0x3FB5] =	sst s10  }
0x35: {  	s10 =	sld [smem:$0x3FB4];
	_ =	sdelay $0x3  }
0x36: {  	p1 =	seq.s32 s10, $0x1;
	s10 =	sld [smem:$0x3FB5];
	_ =	sdelay $0x3  }
0x37: {  	[smem:$0x3FB5] =	sst s10  }
0x38: {  	s10 =	sld [smem:$0x3FB6]  }
0x39: {  	_ = 	snop;
	(pc) =	sbr.ind lr, $3  }
0x3a: {  	_ = 	snop  }
0x3b: {  	_ = 	snop  }
0x3c: {  	p2 =	seq.s32 s10, $0x1;
	s10 =	sld [smem:$0x3FB5]  }
0x3d: {  	_ =	shalt  }
0x3e: {  	_ =	shalt  }
0x3f: {  	_ =	shalt  }
0x40: {  	_ =	shalt  }
0x41: {  	_ =	shalt  }
0x42: {  	_ =	shalt  }
0x43: {  	_ =	shalt  }
0x44: {  	_ =	shalt  }
0x45: {  	_ =	shalt  }
0x46: {  	_ =	shalt  }
0x47: {  	_ =	shalt  }
0x48: {  	_ =	shalt  }
0x49: {  	_ =	shalt  }
0x4a: {  	_ =	shalt  }
0x4b: {  	_ =	shalt  }
0x4c: {  	_ =	shalt  }
0x4d: {  	_ =	shalt  }
0x4e: {  	_ =	shalt  }
0x4f: {  	_ =	shalt  }
0x50: {  	_ =	shalt  }
0x51: {  	_ =	shalt  }
0x52: {  	_ =	shalt  }
0x53: {  	_ =	shalt  }
0x54: {  	_ =	shalt  }
0x55: {  	_ =	shalt  }
0x56: {  	_ =	shalt  }
0x57: {  	_ =	shalt  }
0x58: {  	_ =	shalt  }
0x59: {  	_ =	shalt  }
0x5a: {  	_ =	shalt  }
0x5b: {  	_ =	shalt  }
0x5c: {  	_ =	shalt  }
0x5d: {  	_ =	shalt  }
0x5e: {  	_ =	shalt  }
0x5f: {  	_ =	shalt  }
0x60: {  	_ =	shalt  }
0x61: {  	_ =	shalt  }
0x62: {  	_ =	shalt  }
0x63: {  	_ =	shalt  }
0x64: {  	_ =	shalt  }
0x65: {  	_ =	shalt  }
0x66: {  	_ =	shalt  }
0x67: {  	_ =	shalt  }
0x68: {  	_ =	shalt  }
0x69: {  	_ =	shalt  }
0x6a: {  	_ =	shalt  }
0x6b: {  	_ =	shalt  }
0x6c: {  	_ =	shalt  }
0x6d: {  	_ =	shalt  }
0x6e: {  	_ =	shalt  }
0x6f: {  	_ =	shalt  }
0x70: {  	_ =	shalt  }
0x71: {  	_ =	shalt  }
0x72: {  	_ =	shalt  }
0x73: {  	_ =	shalt  }
0x74: {  	_ =	shalt  }
0x75: {  	_ =	shalt  }
0x76: {  	_ =	shalt  }
0x77: {  	_ =	shalt  }
0x78: {  	_ =	shalt  }
0x79: {  	_ =	shalt  }
0x7a: {  	_ =	shalt  }
0x7b: {  	_ =	shalt  }
0x7c: {  	_ =	shalt  }
0x7d: {  	_ =	shalt  }
0x7e: {  	_ =	shalt  }
0x7f: {  	_ =	shalt  }
0x80: {  	_ =	shalt  }
0x81: {  	_ =	shalt  }
0x82: {  	_ =	shalt  }
0x83: {  	_ =	shalt  }
0x84: {  	_ =	shalt  }
0x85: {  	_ =	shalt  }
0x86: {  	_ =	shalt  }
0x87: {  	_ =	shalt  }
.Lfunc_end0:
.L_simem_size_0:
called_computation.1_lowered:
.L_overlay_start_0:
0x88: {  	s2 =	sld [smem:$0x3FD9]  }
0x89: {  	s3 =	sld [smem:$0x3FFE];
	_ =	sdelay $0x1  }
0x8a: {  	s1 =	srdreg.scid  }
0x8b: {  	s0 =	sand.u32 $0x1, s1  }
0x8c: {  	s17 =	sshll.u32 s0, $0xA;
	s2 =	sadd.s32 s3, s2  }
0x8d: {  	s2 =	sadd.s32 s2, s17  }
0x8e: {  	[smem:$0x3FC1] =	sst s2  }
0x8f: {  	_ = 	snop  }
0x90: {  	s2 =	sld [smem:$0x3FC9]  }
0x91: {  	s18 =	sld [smem:$0x3FC8]  }
0x92: {  	s4 =	sld [smem:$0x3FC7]  }
0x93: {  	s5 =	sld [smem:$0x3FC6]  }
0x94: {  	s6 =	sld [smem:$0x3FC5]  }
0x95: {  	s7 =	sld [smem:$0x3FD0];
	(tm) =	ssettm $0x1  }
0x96: {  	s8 =	sld [smem:$0x3FFB];
	_ =	sdelay $0x3  }
0x97: {  	_ =	strace s8  }
0x98: {  	s8 =	sld [smem:$0x3FFC];
	_ =	sdelay $0x3  }
0x99: {  	_ =	strace s8  }
0x9a: {  	s8 =	sld [smem:$0x3FFD];
	_ =	sdelay $0x3  }
0x9b: {  	_ =	strace s8  }
0x9c: {  	_ =	strace $0x8FFFFFFF  }
0x9d: {  	s19 =	sld [smem:$0x3FDB];
	_ =	sdelay $0x1  }
0x9e: {  	s9 =	simm.s32 $_scs_section_size  }
0x9f: {  	s10 =	simm.s32 $_size__tile_overlayer_lowered;
	s11 =	simm.s32 $_tile_overlayer_lowered  }
0xa0: {  	s22 =	simm.s32 $0x1BFF;
	s21 =	sshll.u32 s11, $0x1;
	s8 =	sadd.s32 s9, s19  }
0xa1: {  	s12 =	simm.s32 $0x0;
	s20 =	sshll.u32 s10, $0x1;
	s10 =	sadd.s32 s21, s8  }
0xa2: {  	[timem:s12], [sflag:s22] =	dma.local [hbm:s10], s20  }
0xa3: {  	_ =	swait.ge [sflag:s22], s20  }
0xa4: {  	s9 =	ssub.s32 $0x0, s20;
	[sflag:s22] =	ssyncset.done $0x0  }
0xa5: {  	[sflag:s22] =	ssyncadd.s32 s9;
	_ =	sdelay $0x1  }
0xa6: {  	s23 =	simm.s32 $0x1B8B  }
0xa7: {  	_ =	swait.ge [sflag:s23], $0x1  }
0xa8: {  	[sflag:s23] =	ssyncset.done $0x0  }
0xa9: {  	s25 =	simm.s32 $0x1B8E;
	s24 =	sld [smem:$0x3FFE];
	[sflag:s23] =	ssyncadd.s32 $0xFFFFFFFF  }
0xaa: {  	s26 =	simm.s32 $execute0_lowered;
	[smem:$0x3FD2] =	sst s25  }
0xab: {  	s10 =	sshll.u32 s26, $0x1;
	_ =	strace $0x80000046;
	[dreg:$0x1] =	wrdreg $0xFFFFFFFF  }
0xac: {  	s28 =	simm.s32 $_size_execute0_lowered;
	s8 =	sadd.s32 s8, s10;
	[dreg:$0x0] =	wrdreg $0x0  }
0xad: {  	s10 =	sshll.u32 s28, $0x1;
	[dreg:$0x2] =	wrdreg s8  }
0xae: {  	[dreg:$0x3] =	wrdreg s10  }
0xaf: {  	[dreg:$0x4] =	wrdreg $0xC0  }
0xb0: {  	_ =	task [dreg:s12], $0x5FFFF  }
0xb1: {  	[dreg:$0x1] =	wrdreg $0xFFFFFFFF  }
0xb2: {  	[dreg:$0x0] =	wrdreg $0x60  }
0xb3: {  	[dreg:$0x2] =	wrdreg s2  }
0xb4: {  	[dreg:$0x3] =	wrdreg s18  }
0xb5: {  	[dreg:$0x4] =	wrdreg s4  }
0xb6: {  	[dreg:$0x5] =	wrdreg s5  }
0xb7: {  	[dreg:$0x6] =	wrdreg s6  }
0xb8: {  	[dreg:$0x7] =	wrdreg s24  }
0xb9: {  	[dreg:$0x8] =	wrdreg s7  }
0xba: {  	[dreg:$0x9] =	wrdreg $0x9  }
0xbb: {  	_ =	task.clear_ibuf [dreg:s12], $0xAFFFF;
	_ =	strace $0x90000046  }
0xbc: {  	s29 =	simm.s32 $0x9;
	_ =	strace $0x80000048  }
0xbd: {  	_ =	swait.ge [sflag:s29], $0x1  }
0xbe: {  	[sflag:s29] =	ssyncadd.s32 $0xFFFFFFFF  }
0xbf: {  	_ =	strace $0x90000048  }
0xc0: {  	_ =	sfence  }
0xc1: {  	s30 =	sld [smem:$0x0];
	_ =	sdelay $0x2  }
0xc2: {  	s31 =	sshll.u32 s1, $0xD;
	s1 =	sshrl.u32 s1, $0x2  }
0xc3: {  	s3 =	sand.u32 $0x4000, s31;
	s1 =	sadd.s32 s1, s30  }
0xc4: {  	s0 =	sor.u32 s3, s0;
	s1 =	sshll.u32 s1, $0x11  }
0xc5: {  	s0 =	sor.u32 s1, s0  }
0xc6: {  	s0 =	sadd.s32 $0x8F2B, s0  }
0xc7: {  	[sflag:s0] =	ssyncadd.remote.s32 $0x1  }
0xc8: {  	_ =	sfence.sel $0xFFFF  }
0xc9: {  	[dreg:$0x0] =	wrdreg $0xFFFFFFFF;
	(pc) =	sbr.abs _section_cstart, $3  }
0xca: {  	[dreg:$0x1] =	wrdreg $0xFFFFFFFF  }
0xcb: {  	_ =	task.clear_ibuf [dreg:s12], $0x2FFFF;
	_ =	strace $0x9FFFFFFF  }
0xcc: {  	(tm) =	ssettm $0x7FFFFFFF  }
0xcd: {  	_ =	shalt  }
tec
execute0_lowered:
.L_overlay_start_1:
0x0: {  	(tag) =	ssettag $0x1  }
0x1: {  	s0 =	rddreg [dreg:$0x0]  }
0x2: {  	s15 =	rddreg [dreg:$0x1]  }
0x3: {  	s6 =	rddreg [dreg:$0x2]  }
0x4: {  	s7 =	rddreg [dreg:$0x3]  }
0x5: {  	s8 =	rddreg [dreg:$0x4]  }
0x6: {  	s4 =	rddreg [dreg:$0x5]  }
0x7: {  	s9 =	rddreg [dreg:$0x6];
	s1 =	srdreg.scid  }
0x8: {  	s16 =	stileid.u32;
	s2 =	simm.s32 $0x0;
	s28 =	simm.s32 $0x640  }
0x9: {  	s29 =	simm.s32 $0x5640;
	s30 =	simm.s32 $0xF640;
	s31 =	simm.s32 $0xF780  }
0xa: {  	s10 =	sand.u32 $0x1, s1;
	s22 =	sshll.u32 s16, $0x1;
	s14 =	smul.u32 $0xC800, s16  }
0xb: {  	[smem:$0x7FF] =	sst s2;
	s3 =	sadd.s32 $0x8E00, s4;
	s19 =	smul.u32 $0x12C000, s16  }
0xc: {  	s4 =	sadd.s32 $0x800, s4;
	s16 =	simm.s32 $0xC0;
	s23 =	smul.u32 $0x6400, s10  }
0xd: {  	s11 =	sor.u32 s10, s22;
	s12 =	ssub.s32 $0x2, s10;
	s10 =	smul.u32 $0x96000, s10  }
0xe: {  	_ =	strace $0x80000047;
	s1 =	smul.u32 $0x10C, s11;
	s13 =	sshrl.u32 s12, $0x1  }
0xf: {  	s11 =	smul.u32 $0x6400, s11;
	s9 =	sadd.s32 s19, s9;
	s12 =	ssub.s32 s12, s13  }
0x10: {  	s17 =	sadd.s32 s23, s14;
	s9 =	sadd.s32 s10, s9;
	s12 =	smax.u32 s12, $0x1  }
0x11: {  	s11 =	sshrl.u32 s11, $0x3;
	s9 =	sadd.s32 $0x1E14, s9;
	[dreg:$0xd] =	wrdreg s12  }
0x12: {  	s10 =	simm.s32 $0x40;
	s5 =	sadd.s32 s0, s11;
	[dreg:$0x13] =	wrdreg s9  }
0x13: {  	s14 =	simm.s32 $0x0;
	s24 =	sadd.s32 s15, s11;
	[dreg:$0x8] =	wrdreg s5  }
0x14: {  	s13 =	sor.u32 $0x280, s17;
	s25 =	sadd.s32 s6, s11;
	[dreg:$0x9] =	wrdreg s24  }
0x15: {  	s26 =	sadd.s32 s7, s11;
	s11 =	sadd.s32 s8, s11;
	[dreg:$0xa] =	wrdreg s25  }
0x16: {  	s18 =	sshrl.u32 s13, $0x3;
	s12 =	simm.s32 $0xF8C0;
	[dreg:$0xb] =	wrdreg s26  }
0x17: {  	s9 =	simm.s32 $0x2;
	[dreg:$0xc] =	wrdreg s11;
	s20 =	sadd.s32 s18, s8  }
0x18: {  	s13 =	simm.s32 $0x5;
	s21 =	sadd.s32 s18, s7;
	[dreg:$0xe] =	wrdreg s20  }
0x19: {  	s24 =	sadd.s32 $0xC8, s1;
	s22 =	sadd.s32 s18, s6;
	[dreg:$0xf] =	wrdreg s21  }
0x1a: {  	s5 =	sadd.s32 $0xF8, s1;
	s23 =	sadd.s32 s18, s15;
	[dreg:$0x10] =	wrdreg s22  }
0x1b: {  	s11 =	sor.u32 $0x140, s17;
	s26 =	sadd.s32 s18, s0;
	[dreg:$0x11] =	wrdreg s23  }
0x1c: {  	v0 =	vmov s1;
	s1 =	simm.s32 $0x3;
	s25 =	sshrl.u32 s11, $0x3;
	[dreg:$0x12] =	wrdreg s26  }
.Ltmp0:
0x1d: {  	s22 =	simm.s32 $0x140;
	s26 =	simm.s32 $0x1;
	(pc) =	sbr.rel .LBB2_1-.Ltmp0, $4  }
0x1e: {  	s23 =	simm.s32 $0x20;
	s17 =	sadd.s32 s25, s8;
	s18 =	sadd.s32 s25, s7  }
0x1f: {  	s19 =	sadd.s32 s25, s6;
	s20 =	sadd.s32 s25, s15;
	s21 =	sadd.s32 s25, s0  }
0x20: {  	s25 =	simm.s32 $0x500;
	s6 =	simm.s32 $0x4;
	s7 =	simm.s32 $0xFC80  }
0x21: {  	v1 =	vmov s24;
	v2 =	vmov s5;
	s8 =	simm.s32 $0x14C80;
	s15 =	simm.s32 $0x19C80;
	s0 =	simm.s32 $0x1C480  }
.LBB2_5:
0x22: {  	_ =	swait.ge [sflag:s1], $0x5000  }
0x23: {  	[sflag:s1] =	ssyncset.done $0x0  }
0x24: {  	[sflag:s1] =	ssyncadd.s32 $0xFFFFB000  }
0x25: {  	_ =	swait.ge [sflag:s1], $0x2800  }
0x26: {  	[sflag:s1] =	ssyncset.done $0x0  }
0x27: {  	[sflag:s1] =	ssyncadd.s32 $0xFFFFD800  }
0x28: {  	_ =	swait.ge [sflag:s1], $0x2800  }
0x29: {  	[sflag:s1] =	ssyncset.done $0x0  }
0x2a: {  	[sflag:s1] =	ssyncadd.s32 $0xFFFFD800  }
0x2b: {  	_ =	swait.ge [sflag:s1], $0x2800  }
0x2c: {  	[sflag:s1] =	ssyncset.done $0x0  }
0x2d: {  	[sflag:s1] =	ssyncadd.s32 $0xFFFFD800  }
0x2e: {  	_ =	swait.ge [sflag:s1], $0x2800  }
0x2f: {  	[sflag:s1] =	ssyncset.done $0x0  }
0x30: {  	s11 =	simm.s32 $0x6;
	[sflag:s1] =	ssyncadd.s32 $0xFFFFD800  }
0x31: {  	_ =	swait.ge [sflag:s11], $0x5000  }
0x32: {  	[sflag:s11] =	ssyncset.done $0x0  }
0x33: {  	[sflag:s11] =	ssyncadd.s32 $0xFFFFB000  }
0x34: {  	_ =	swait.ge [sflag:s11], $0x2800  }
0x35: {  	[sflag:s11] =	ssyncset.done $0x0  }
0x36: {  	[sflag:s11] =	ssyncadd.s32 $0xFFFFD800  }
0x37: {  	_ =	swait.ge [sflag:s11], $0x2800  }
0x38: {  	[sflag:s11] =	ssyncset.done $0x0  }
0x39: {  	[sflag:s11] =	ssyncadd.s32 $0xFFFFD800  }
0x3a: {  	_ =	swait.ge [sflag:s11], $0x2800  }
0x3b: {  	[sflag:s11] =	ssyncset.done $0x0  }
0x3c: {  	[sflag:s11] =	ssyncadd.s32 $0xFFFFD800  }
0x3d: {  	_ =	swait.ge [sflag:s11], $0x2800  }
0x3e: {  	s14 =	rddreg [dreg:$0x14]  }
0x3f: {  	s5 =	rddreg [dreg:$0xd];
	s14 =	sadd.s32 $0x1, s14  }
0x40: {  	p0 =	sne.s32 s14, s5  }
.Ltmp1:
0x41: {  	_ = 	snop;
	(pc) =	sbr.rel @!p0 .LBB2_6-.Ltmp1, $3  }
0x42: {  	_ =	sdelay $0x1  }
0x43: {  	[sflag:s11] =	ssyncset.done $0x0  }
0x44: {  	[sflag:s11] =	ssyncadd.s32 $0xFFFFD800  }
.LBB2_1:
0x45: {  	[dreg:$0x14] =	wrdreg s14  }
0x46: {  	s5 =	rddreg [dreg:$0x8]  }
0x47: {  	[tilespmem:s2], [sflag:$0x1] =	stream.linear.gather [hbm4b:s5+s2], $0x140, $0x38;
	[tilespmem:$0x1EC80] =	vst v63  }
0x48: {  	s14 =	rddreg [dreg:$0x9]  }
0x49: {  	[tilespmem:s22], [sflag:$0x1] =	stream.linear.gather [hbm4b:s14+s2], $0x140, $0x38;
	[tilespmem:$0x1EC80] =	vst v63  }
0x4a: {  	s24 =	rddreg [dreg:$0xa];
	s11 =	simm.s32 $0x280  }
0x4b: {  	[tilespmem:s11], [sflag:$0x1] =	stream.linear.gather [hbm4b:s24+s2], $0x140, $0x38;
	[tilespmem:$0x1EC80] =	vst v63  }
0x4c: {  	s14 =	simm.s32 $0x3C0;
	s11 =	rddreg [dreg:$0xb]  }
0x4d: {  	[tilespmem:s14], [sflag:$0x1] =	stream.linear.gather [hbm4b:s11+s2], $0x140, $0x38;
	[tilespmem:$0x1EC80] =	vst v63  }
0x4e: {  	s24 =	rddreg [dreg:$0xc]  }
0x4f: {  	[tilespmem:s25], [sflag:$0x1] =	stream.linear.gather [hbm4b:s24+s2], $0x140, $0x38;
	[tilespmem:$0x1EC80] =	vst v63  }
0x50: {  	_ =	swait.ge [sflag:s26], $0x140  }
0x51: {  	[sflag:s26] =	ssyncset.done $0x0  }
0x52: {  	[sflag:s26] =	ssyncadd.s32 $0xFFFFFEC0  }
0x53: {  	_ =	swait.ge [sflag:s26], $0x140  }
0x54: {  	[sflag:s26] =	ssyncset.done $0x0  }
0x55: {  	[sflag:s26] =	ssyncadd.s32 $0xFFFFFEC0  }
0x56: {  	_ =	swait.ge [sflag:s26], $0x140  }
0x57: {  	[sflag:s26] =	ssyncset.done $0x0  }
0x58: {  	[sflag:s26] =	ssyncadd.s32 $0xFFFFFEC0  }
0x59: {  	_ =	swait.ge [sflag:s26], $0x140  }
0x5a: {  	[sflag:s26] =	ssyncset.done $0x0  }
0x5b: {  	[sflag:s26] =	ssyncadd.s32 $0xFFFFFEC0  }
0x5c: {  	_ =	swait.ge [sflag:s26], $0x140  }
0x5d: {  	[sflag:s26] =	ssyncset.done $0x0  }
0x5e: {  	[sflag:s26] =	ssyncadd.s32 $0xFFFFFEC0  }
0x5f: {  	v3 =	vld [tilespmem:$0x140]  }
0x60: {  	v4 =	vld [tilespmem:$0x150]  }
0x61: {  	v5 =	vld [tilespmem:$0x160]  }
0x62: {  	v6 =	vld [tilespmem:$0x170]  }
0x63: {  	v7 =	vld [tilespmem:$0x180]  }
0x64: {  	v8 =	vld [tilespmem:$0x190];
	v3 =	vadd.s32 v0, v3  }
0x65: {  	v42 =	vld [tilespmem:$0x1A0];
	[tilespmem:$0x140] =	vst v3;
	v3 =	vadd.s32 v0, v4  }
0x66: {  	v43 =	vld [tilespmem:$0x1B0];
	[tilespmem:$0x150] =	vst v3;
	v3 =	vadd.s32 v0, v5  }
0x67: {  	v44 =	vld [tilespmem:$0x1C0];
	[tilespmem:$0x160] =	vst v3;
	v3 =	vadd.s32 v0, v6  }
0x68: {  	v45 =	vld [tilespmem:$0x1D0];
	[tilespmem:$0x170] =	vst v3;
	v3 =	vadd.s32 v0, v7  }
0x69: {  	v46 =	vld [tilespmem:$0x1E0];
	[tilespmem:$0x180] =	vst v3;
	v3 =	vadd.s32 v0, v8  }
0x6a: {  	v47 =	vld [tilespmem:$0x1F0];
	[tilespmem:$0x190] =	vst v3;
	v3 =	vadd.s32 v0, v42  }
0x6b: {  	v48 =	vld [tilespmem:$0x200];
	[tilespmem:$0x1A0] =	vst v3;
	v3 =	vadd.s32 v0, v43  }
0x6c: {  	v49 =	vld [tilespmem:$0x210];
	[tilespmem:$0x1B0] =	vst v3;
	v3 =	vadd.s32 v0, v44  }
0x6d: {  	v50 =	vld [tilespmem:$0x220];
	[tilespmem:$0x1C0] =	vst v3;
	v3 =	vadd.s32 v0, v45  }
0x6e: {  	v51 =	vld [tilespmem:$0x230];
	[tilespmem:$0x1D0] =	vst v3;
	v3 =	vadd.s32 v0, v46  }
0x6f: {  	v52 =	vld [tilespmem:$0x240];
	[tilespmem:$0x1E0] =	vst v3;
	v3 =	vadd.s32 v0, v47  }
0x70: {  	v53 =	vld [tilespmem:$0x250];
	[tilespmem:$0x1F0] =	vst v3;
	v3 =	vadd.s32 v0, v48  }
0x71: {  	v54 =	vld [tilespmem:$0x260];
	[tilespmem:$0x200] =	vst v3;
	v3 =	vadd.s32 v0, v49  }
0x72: {  	v55 =	vld [tilespmem:$0x270];
	[tilespmem:$0x210] =	vst v3;
	v3 =	vadd.s32 v0, v50  }
0x73: {  	v56 =	vld [tilespmem:$0x280];
	[tilespmem:$0x220] =	vst v3;
	v3 =	vadd.s32 v0, v51  }
0x74: {  	v57 =	vld [tilespmem:$0x290];
	[tilespmem:$0x230] =	vst v3;
	v3 =	vadd.s32 v0, v52  }
0x75: {  	v58 =	vld [tilespmem:$0x2A0];
	[tilespmem:$0x240] =	vst v3;
	v3 =	vadd.s32 v0, v53  }
0x76: {  	v59 =	vld [tilespmem:$0x2B0];
	[tilespmem:$0x250] =	vst v3;
	v3 =	vadd.s32 v0, v54  }
0x77: {  	v60 =	vld [tilespmem:$0x2C0];
	[tilespmem:$0x260] =	vst v3;
	v3 =	vadd.s32 v0, v55  }
0x78: {  	v61 =	vld [tilespmem:$0x2D0];
	[tilespmem:$0x270] =	vst v3;
	v3 =	vadd.s32 v0, v56  }
0x79: {  	v62 =	vld [tilespmem:$0x2E0];
	[tilespmem:$0x280] =	vst v3;
	v3 =	vadd.s32 v0, v57  }
0x7a: {  	v63 =	vld [tilespmem:$0x2F0];
	[tilespmem:$0x290] =	vst v3;
	v3 =	vadd.s32 v0, v58  }
0x7b: {  	v12 =	vld [tilespmem:$0x300];
	[tilespmem:$0x2A0] =	vst v3;
	v3 =	vadd.s32 v0, v59  }
0x7c: {  	v13 =	vld [tilespmem:$0x310];
	[tilespmem:$0x2B0] =	vst v3;
	v3 =	vadd.s32 v0, v60  }
0x7d: {  	v14 =	vld [tilespmem:$0x320];
	[tilespmem:$0x2C0] =	vst v3;
	v3 =	vadd.s32 v0, v61  }
0x7e: {  	v15 =	vld [tilespmem:$0x330];
	[tilespmem:$0x2D0] =	vst v3;
	v3 =	vadd.s32 v0, v62  }
0x7f: {  	v16 =	vld [tilespmem:$0x340];
	[tilespmem:$0x2E0] =	vst v3;
	v3 =	vadd.s32 v0, v63  }
0x80: {  	v17 =	vld [tilespmem:$0x350];
	[tilespmem:$0x2F0] =	vst v3;
	v3 =	vadd.s32 v0, v12  }
0x81: {  	v18 =	vld [tilespmem:$0x360];
	[tilespmem:$0x300] =	vst v3;
	v3 =	vadd.s32 v0, v13  }
0x82: {  	v19 =	vld [tilespmem:$0x370];
	[tilespmem:$0x310] =	vst v3;
	v3 =	vadd.s32 v0, v14  }
0x83: {  	v20 =	vld [tilespmem:$0x380];
	[tilespmem:$0x320] =	vst v3;
	v3 =	vadd.s32 v0, v15  }
0x84: {  	v21 =	vld [tilespmem:$0x390];
	[tilespmem:$0x330] =	vst v3;
	v3 =	vadd.s32 v0, v16  }
0x85: {  	v22 =	vld [tilespmem:$0x3A0];
	[tilespmem:$0x340] =	vst v3;
	v3 =	vadd.s32 v0, v17  }
0x86: {  	v23 =	vld [tilespmem:$0x3B0];
	[tilespmem:$0x350] =	vst v3;
	v3 =	vadd.s32 v0, v18  }
0x87: {  	v24 =	vld [tilespmem:$0x3C0];
	[tilespmem:$0x360] =	vst v3;
	v3 =	vadd.s32 v0, v19  }
0x88: {  	v25 =	vld [tilespmem:$0x3D0];
	[tilespmem:$0x370] =	vst v3;
	v3 =	vadd.s32 v0, v20  }
0x89: {  	v26 =	vld [tilespmem:$0x3E0];
	[tilespmem:$0x380] =	vst v3;
	v3 =	vadd.s32 v0, v21  }
0x8a: {  	v27 =	vld [tilespmem:$0x3F0];
	[tilespmem:$0x390] =	vst v3;
	v3 =	vadd.s32 v0, v22  }
0x8b: {  	v28 =	vld [tilespmem:$0x400];
	[tilespmem:$0x3A0] =	vst v3;
	v3 =	vadd.s32 v0, v23  }
0x8c: {  	v29 =	vld [tilespmem:$0x410];
	[tilespmem:$0x3B0] =	vst v3;
	v3 =	vadd.s32 v1, v24  }
0x8d: {  	v30 =	vld [tilespmem:$0x420];
	[tilespmem:$0x3C0] =	vst v3;
	v3 =	vadd.s32 v1, v25  }
0x8e: {  	v31 =	vld [tilespmem:$0x430];
	[tilespmem:$0x3D0] =	vst v3;
	v3 =	vadd.s32 v1, v26  }
0x8f: {  	v32 =	vld [tilespmem:$0x440];
	[tilespmem:$0x3E0] =	vst v3;
	v3 =	vadd.s32 v1, v27  }
0x90: {  	v33 =	vld [tilespmem:$0x450];
	[tilespmem:$0x3F0] =	vst v3;
	v3 =	vadd.s32 v1, v28  }
0x91: {  	v34 =	vld [tilespmem:$0x460];
	[tilespmem:$0x400] =	vst v3;
	v3 =	vadd.s32 v1, v29  }
0x92: {  	v35 =	vld [tilespmem:$0x470];
	[tilespmem:$0x410] =	vst v3;
	v3 =	vadd.s32 v1, v30  }
0x93: {  	v36 =	vld [tilespmem:$0x480];
	[tilespmem:$0x420] =	vst v3;
	v3 =	vadd.s32 v1, v31  }
0x94: {  	v37 =	vld [tilespmem:$0x490];
	[tilespmem:$0x430] =	vst v3;
	v3 =	vadd.s32 v1, v32  }
0x95: {  	v38 =	vld [tilespmem:$0x4A0];
	[tilespmem:$0x440] =	vst v3;
	v3 =	vadd.s32 v1, v33  }
0x96: {  	v39 =	vld [tilespmem:$0x4B0];
	[tilespmem:$0x450] =	vst v3;
	v3 =	vadd.s32 v1, v34  }
0x97: {  	v40 =	vld [tilespmem:$0x4C0];
	[tilespmem:$0x460] =	vst v3;
	v3 =	vadd.s32 v1, v35  }
0x98: {  	v41 =	vld [tilespmem:$0x4D0];
	[tilespmem:$0x470] =	vst v3;
	v3 =	vadd.s32 v1, v36  }
0x99: {  	v42 =	vld [tilespmem:$0x4E0];
	[tilespmem:$0x480] =	vst v3;
	v3 =	vadd.s32 v1, v37  }
0x9a: {  	v43 =	vld [tilespmem:$0x4F0];
	[tilespmem:$0x490] =	vst v3;
	v3 =	vadd.s32 v1, v38  }
0x9b: {  	v44 =	vld [tilespmem:$0x500];
	[tilespmem:$0x4A0] =	vst v3;
	v3 =	vadd.s32 v1, v39  }
0x9c: {  	v45 =	vld [tilespmem:$0x510];
	[tilespmem:$0x4B0] =	vst v3;
	v3 =	vadd.s32 v1, v40  }
0x9d: {  	v46 =	vld [tilespmem:$0x520];
	[tilespmem:$0x4C0] =	vst v3;
	v3 =	vadd.s32 v1, v41  }
0x9e: {  	v47 =	vld [tilespmem:$0x530];
	[tilespmem:$0x4D0] =	vst v3;
	v3 =	vadd.s32 v1, v42  }
0x9f: {  	v48 =	vld [tilespmem:$0x540];
	[tilespmem:$0x4E0] =	vst v3;
	v3 =	vadd.s32 v1, v43  }
0xa0: {  	v49 =	vld [tilespmem:$0x550];
	[tilespmem:$0x4F0] =	vst v3;
	v3 =	vadd.s32 v2, v44  }
0xa1: {  	v50 =	vld [tilespmem:$0x560];
	[tilespmem:$0x500] =	vst v3;
	v3 =	vadd.s32 v2, v45  }
0xa2: {  	v51 =	vld [tilespmem:$0x570];
	[tilespmem:$0x510] =	vst v3;
	v3 =	vadd.s32 v2, v46  }
0xa3: {  	v52 =	vld [tilespmem:$0x580];
	[tilespmem:$0x520] =	vst v3;
	v3 =	vadd.s32 v2, v47  }
0xa4: {  	v53 =	vld [tilespmem:$0x590];
	[tilespmem:$0x530] =	vst v3;
	v3 =	vadd.s32 v2, v48  }
0xa5: {  	v54 =	vld [tilespmem:$0x5A0];
	[tilespmem:$0x540] =	vst v3;
	v3 =	vadd.s32 v2, v49  }
0xa6: {  	v55 =	vld [tilespmem:$0x5B0];
	[tilespmem:$0x550] =	vst v3;
	v3 =	vadd.s32 v2, v50  }
0xa7: {  	v56 =	vld [tilespmem:$0x5C0];
	[tilespmem:$0x560] =	vst v3;
	v3 =	vadd.s32 v2, v51  }
0xa8: {  	v57 =	vld [tilespmem:$0x5D0];
	[tilespmem:$0x570] =	vst v3;
	v3 =	vadd.s32 v2, v52  }
0xa9: {  	v58 =	vld [tilespmem:$0x5E0];
	[tilespmem:$0x580] =	vst v3;
	v3 =	vadd.s32 v2, v53  }
0xaa: {  	v59 =	vld [tilespmem:$0x5F0];
	[tilespmem:$0x590] =	vst v3;
	v3 =	vadd.s32 v2, v54  }
0xab: {  	v60 =	vld [tilespmem:$0x600];
	[tilespmem:$0x5A0] =	vst v3;
	v3 =	vadd.s32 v2, v55  }
0xac: {  	v61 =	vld [tilespmem:$0x610];
	[tilespmem:$0x5B0] =	vst v3;
	v3 =	vadd.s32 v2, v56  }
0xad: {  	v62 =	vld [tilespmem:$0x620];
	[tilespmem:$0x5C0] =	vst v3;
	v3 =	vadd.s32 v2, v57  }
0xae: {  	v63 =	vld [tilespmem:$0x630];
	[tilespmem:$0x5D0] =	vst v3;
	v3 =	vadd.s32 v2, v58  }
0xaf: {  	[tilespmem:$0x5E0] =	vst v3;
	v3 =	vadd.s32 v2, v59  }
0xb0: {  	[tilespmem:$0x5F0] =	vst v3;
	v3 =	vadd.s32 v2, v60  }
0xb1: {  	[tilespmem:$0x600] =	vst v3;
	v3 =	vadd.s32 v2, v61  }
0xb2: {  	[tilespmem:$0x610] =	vst v3;
	v3 =	vadd.s32 v2, v62  }
.Ltmp2:
0xb3: {  	[tilespmem:$0x620] =	vst v3;
	v3 =	vadd.s32 v2, v63;
	(pc) =	sbr.rel .LBB2_2-.Ltmp2, $4  }
0xb4: {  	[tilespmem:$0x630] =	vst v3  }
0xb5: {  	[tilespmem:s28], [sflag:$0x2] =	stream.indirect.gather [hbm4b:s3+s22], $0x40, s2, s22, $0xb8;
	[tilespmem:$0x1EC80] =	vst v63  }
0xb6: {  	s24 =	simm.s32 $0x0;
	s5 =	rddreg [dreg:$0x13]  }
0xb7: {  	[tilespmem:s29], [sflag:$0x2] =	stream.indirect.gather [hbm4b:s4+s25], $0x20, s22, s25, $0xb8;
	[tilespmem:$0x1EC80] =	vst v63  }
.LBB2_4:
0xb8: {  	_ =	swait.ge [sflag:s13], $0x5000  }
0xb9: {  	[sflag:s13] =	ssyncset.done $0x0  }
0xba: {  	[sflag:s13] =	ssyncadd.s32 $0xFFFFB000  }
0xbb: {  	_ =	swait.ge [sflag:s13], $0xA000  }
0xbc: {  	[sflag:s13] =	ssyncset.done $0x0  }
0xbd: {  	s11 =	sadd.s32 $0xFFFFFFEC, s5;
	[sflag:s13] =	ssyncadd.s32 $0xFFFF6000  }
0xbe: {  	[hbm4b:s11+s10] =	stream.strided.scatter [tilespmem:s7], [sflag:$0x6], $0x5000, s16, s10, $0x38;
	[tilespmem:$0x1EC80] =	vst v63  }
0xbf: {  	s14 =	sadd.s32 $0xFFFFFFF4, s5;
	s24 =	sadd.s32 $0x50, s24  }
0xc0: {  	[hbm4b:s14+s23] =	stream.strided.scatter [tilespmem:s8], [sflag:$0x6], $0x2800, s16, s23, $0x38;
	[tilespmem:$0x1EC80] =	vst v63  }
0xc1: {  	p0 =	sne.s32 s24, $0xC80;
	s11 =	sadd.s32 $0xFFFFFFF8, s5;
	s14 =	simm.s32 $0x17480  }
0xc2: {  	[hbm4b:s11+s23] =	stream.strided.scatter [tilespmem:s14], [sflag:$0x6], $0x2800, s16, s23, $0x38;
	[tilespmem:$0x1EC80] =	vst v63  }
.Ltmp3:
0xc3: {  	s14 =	sadd.s32 $0xFFFFFFFC, s5;
	(pc) =	sbr.rel @!p0 .LBB2_5-.Ltmp3, $4  }
0xc4: {  	[hbm4b:s14+s23] =	stream.strided.scatter [tilespmem:s15], [sflag:$0x6], $0x2800, s16, s23, $0x38;
	[tilespmem:$0x1EC80] =	vst v63  }
0xc5: {  	_ = 	snop  }
0xc6: {  	[hbm4b:s5+s23] =	stream.strided.scatter [tilespmem:s0], [sflag:$0x6], $0x2800, s16, s23, $0x38;
	[tilespmem:$0x1EC80] =	vst v63  }
0xc7: {  	s5 =	sadd.s32 $0x3C00, s5  }
.LBB2_2:
0xc8: {  	p0 =	seq.s32 s24, $0x0  }
0xc9: {  	s11 =	simm.s32 @!p0 $0x6  }
0xca: {  	_ =	swait.ge @!p0 [sflag:s11], $0x5000  }
0xcb: {  	[sflag:s11] =	ssyncset.done @!p0 $0x0  }
0xcc: {  	[sflag:s11] =	ssyncadd.s32 @!p0 $0xFFFFB000  }
0xcd: {  	_ =	swait.ge @!p0 [sflag:s11], $0x2800  }
0xce: {  	[sflag:s11] =	ssyncset.done @!p0 $0x0  }
0xcf: {  	[sflag:s11] =	ssyncadd.s32 @!p0 $0xFFFFD800  }
0xd0: {  	_ =	swait.ge @!p0 [sflag:s11], $0x2800  }
0xd1: {  	[sflag:s11] =	ssyncset.done @!p0 $0x0  }
0xd2: {  	[sflag:s11] =	ssyncadd.s32 @!p0 $0xFFFFD800  }
0xd3: {  	_ =	swait.ge @!p0 [sflag:s11], $0x2800  }
0xd4: {  	[sflag:s11] =	ssyncset.done @!p0 $0x0  }
0xd5: {  	[sflag:s11] =	ssyncadd.s32 @!p0 $0xFFFFD800  }
0xd6: {  	_ =	swait.ge @!p0 [sflag:s11], $0x2800  }
0xd7: {  	[sflag:s11] =	ssyncset.done @!p0 $0x0  }
0xd8: {  	s14 =	sadd.s32 s24, s21;
	[sflag:s11] =	ssyncadd.s32 @!p0 $0xFFFFD800  }
0xd9: {  	[tilespmem:s30], [sflag:$0x4] =	stream.linear.gather [hbm4b:s14+s2], $0x140, $0x38;
	[tilespmem:$0x1EC80] =	vst v63  }
0xda: {  	s14 =	sadd.s32 s24, s20  }
0xdb: {  	[tilespmem:s31], [sflag:$0x4] =	stream.linear.gather [hbm4b:s14+s2], $0x140, $0x38;
	[tilespmem:$0x1EC80] =	vst v63  }
0xdc: {  	s14 =	sadd.s32 s24, s19  }
0xdd: {  	[tilespmem:s12], [sflag:$0x4] =	stream.linear.gather [hbm4b:s14+s2], $0x140, $0x38;
	[tilespmem:$0x1EC80] =	vst v63  }
0xde: {  	s11 =	sadd.s32 s24, s18;
	s14 =	simm.s32 $0xFA00  }
0xdf: {  	[tilespmem:s14], [sflag:$0x4] =	stream.linear.gather [hbm4b:s11+s2], $0x140, $0x38;
	[tilespmem:$0x1EC80] =	vst v63  }
0xe0: {  	s11 =	sadd.s32 s24, s17;
	s14 =	simm.s32 $0xFB40  }
0xe1: {  	[tilespmem:s14], [sflag:$0x4] =	stream.linear.gather [hbm4b:s11+s2], $0x140, $0x38;
	[tilespmem:$0x1EC80] =	vst v63  }
0xe2: {  	_ =	swait.ge [sflag:s6], $0x140  }
0xe3: {  	[sflag:s6] =	ssyncset.done $0x0  }
0xe4: {  	[sflag:s6] =	ssyncadd.s32 $0xFFFFFEC0  }
0xe5: {  	_ =	swait.ge [sflag:s6], $0x140  }
0xe6: {  	[sflag:s6] =	ssyncset.done $0x0  }
0xe7: {  	[sflag:s6] =	ssyncadd.s32 $0xFFFFFEC0  }
0xe8: {  	_ =	swait.ge [sflag:s6], $0x140  }
0xe9: {  	[sflag:s6] =	ssyncset.done $0x0  }
0xea: {  	[sflag:s6] =	ssyncadd.s32 $0xFFFFFEC0  }
0xeb: {  	_ =	swait.ge [sflag:s6], $0x140  }
0xec: {  	[sflag:s6] =	ssyncset.done $0x0  }
0xed: {  	[sflag:s6] =	ssyncadd.s32 $0xFFFFFEC0  }
0xee: {  	_ =	swait.ge [sflag:s6], $0x140  }
0xef: {  	[sflag:s6] =	ssyncset.done $0x0  }
0xf0: {  	[sflag:s6] =	ssyncadd.s32 $0xFFFFFEC0  }
0xf1: {  	v3 =	vld [tilespmem:$0xF780]  }
0xf2: {  	v4 =	vld [tilespmem:$0xF790]  }
0xf3: {  	v5 =	vld [tilespmem:$0xF7A0]  }
0xf4: {  	v6 =	vld [tilespmem:$0xF7B0]  }
0xf5: {  	v7 =	vld [tilespmem:$0xF7C0]  }
0xf6: {  	v8 =	vld [tilespmem:$0xF7D0];
	v3 =	vadd.s32 v0, v3  }
0xf7: {  	v42 =	vld [tilespmem:$0xF7E0];
	[tilespmem:$0xF780] =	vst v3;
	v3 =	vadd.s32 v0, v4  }
0xf8: {  	v43 =	vld [tilespmem:$0xF7F0];
	[tilespmem:$0xF790] =	vst v3;
	v3 =	vadd.s32 v0, v5  }
0xf9: {  	v44 =	vld [tilespmem:$0xF800];
	[tilespmem:$0xF7A0] =	vst v3;
	v3 =	vadd.s32 v0, v6  }
0xfa: {  	v45 =	vld [tilespmem:$0xF810];
	[tilespmem:$0xF7B0] =	vst v3;
	v3 =	vadd.s32 v0, v7  }
0xfb: {  	v46 =	vld [tilespmem:$0xF820];
	[tilespmem:$0xF7C0] =	vst v3;
	v3 =	vadd.s32 v0, v8  }
0xfc: {  	v47 =	vld [tilespmem:$0xF830];
	[tilespmem:$0xF7D0] =	vst v3;
	v3 =	vadd.s32 v0, v42  }
0xfd: {  	v48 =	vld [tilespmem:$0xF840];
	[tilespmem:$0xF7E0] =	vst v3;
	v3 =	vadd.s32 v0, v43  }
0xfe: {  	v49 =	vld [tilespmem:$0xF850];
	[tilespmem:$0xF7F0] =	vst v3;
	v3 =	vadd.s32 v0, v44  }
0xff: {  	v50 =	vld [tilespmem:$0xF860];
	[tilespmem:$0xF800] =	vst v3;
	v3 =	vadd.s32 v0, v45  }
0x100: {  	v51 =	vld [tilespmem:$0xF870];
	[tilespmem:$0xF810] =	vst v3;
	v3 =	vadd.s32 v0, v46  }
0x101: {  	v52 =	vld [tilespmem:$0xF880];
	[tilespmem:$0xF820] =	vst v3;
	v3 =	vadd.s32 v0, v47  }
0x102: {  	v53 =	vld [tilespmem:$0xF890];
	[tilespmem:$0xF830] =	vst v3;
	v3 =	vadd.s32 v0, v48  }
0x103: {  	v54 =	vld [tilespmem:$0xF8A0];
	[tilespmem:$0xF840] =	vst v3;
	v3 =	vadd.s32 v0, v49  }
0x104: {  	v55 =	vld [tilespmem:$0xF8B0];
	[tilespmem:$0xF850] =	vst v3;
	v3 =	vadd.s32 v0, v50  }
0x105: {  	v56 =	vld [tilespmem:$0xF8C0];
	[tilespmem:$0xF860] =	vst v3;
	v3 =	vadd.s32 v0, v51  }
0x106: {  	v57 =	vld [tilespmem:$0xF8D0];
	[tilespmem:$0xF870] =	vst v3;
	v3 =	vadd.s32 v0, v52  }
0x107: {  	v58 =	vld [tilespmem:$0xF8E0];
	[tilespmem:$0xF880] =	vst v3;
	v3 =	vadd.s32 v0, v53  }
0x108: {  	v59 =	vld [tilespmem:$0xF8F0];
	[tilespmem:$0xF890] =	vst v3;
	v3 =	vadd.s32 v0, v54  }
0x109: {  	v60 =	vld [tilespmem:$0xF900];
	[tilespmem:$0xF8A0] =	vst v3;
	v3 =	vadd.s32 v0, v55  }
0x10a: {  	v61 =	vld [tilespmem:$0xF910];
	[tilespmem:$0xF8B0] =	vst v3;
	v3 =	vadd.s32 v0, v56  }
0x10b: {  	v62 =	vld [tilespmem:$0xF920];
	[tilespmem:$0xF8C0] =	vst v3;
	v3 =	vadd.s32 v0, v57  }
0x10c: {  	v63 =	vld [tilespmem:$0xF930];
	[tilespmem:$0xF8D0] =	vst v3;
	v3 =	vadd.s32 v0, v58  }
0x10d: {  	v12 =	vld [tilespmem:$0xF940];
	[tilespmem:$0xF8E0] =	vst v3;
	v3 =	vadd.s32 v0, v59  }
0x10e: {  	v13 =	vld [tilespmem:$0xF950];
	[tilespmem:$0xF8F0] =	vst v3;
	v3 =	vadd.s32 v0, v60  }
0x10f: {  	v14 =	vld [tilespmem:$0xF960];
	[tilespmem:$0xF900] =	vst v3;
	v3 =	vadd.s32 v0, v61  }
0x110: {  	v15 =	vld [tilespmem:$0xF970];
	[tilespmem:$0xF910] =	vst v3;
	v3 =	vadd.s32 v0, v62  }
0x111: {  	v16 =	vld [tilespmem:$0xF980];
	[tilespmem:$0xF920] =	vst v3;
	v3 =	vadd.s32 v0, v63  }
0x112: {  	v17 =	vld [tilespmem:$0xF990];
	[tilespmem:$0xF930] =	vst v3;
	v3 =	vadd.s32 v0, v12  }
0x113: {  	v18 =	vld [tilespmem:$0xF9A0];
	[tilespmem:$0xF940] =	vst v3;
	v3 =	vadd.s32 v0, v13  }
0x114: {  	v19 =	vld [tilespmem:$0xF9B0];
	[tilespmem:$0xF950] =	vst v3;
	v3 =	vadd.s32 v0, v14  }
0x115: {  	v20 =	vld [tilespmem:$0xF9C0];
	[tilespmem:$0xF960] =	vst v3;
	v3 =	vadd.s32 v0, v15  }
0x116: {  	v21 =	vld [tilespmem:$0xF9D0];
	[tilespmem:$0xF970] =	vst v3;
	v3 =	vadd.s32 v0, v16  }
0x117: {  	v22 =	vld [tilespmem:$0xF9E0];
	[tilespmem:$0xF980] =	vst v3;
	v3 =	vadd.s32 v0, v17  }
0x118: {  	v23 =	vld [tilespmem:$0xF9F0];
	[tilespmem:$0xF990] =	vst v3;
	v3 =	vadd.s32 v0, v18  }
0x119: {  	v24 =	vld [tilespmem:$0xFA00];
	[tilespmem:$0xF9A0] =	vst v3;
	v3 =	vadd.s32 v0, v19  }
0x11a: {  	v25 =	vld [tilespmem:$0xFA10];
	[tilespmem:$0xF9B0] =	vst v3;
	v3 =	vadd.s32 v0, v20  }
0x11b: {  	v26 =	vld [tilespmem:$0xFA20];
	[tilespmem:$0xF9C0] =	vst v3;
	v3 =	vadd.s32 v0, v21  }
0x11c: {  	v27 =	vld [tilespmem:$0xFA30];
	[tilespmem:$0xF9D0] =	vst v3;
	v3 =	vadd.s32 v0, v22  }
0x11d: {  	v28 =	vld [tilespmem:$0xFA40];
	[tilespmem:$0xF9E0] =	vst v3;
	v3 =	vadd.s32 v0, v23  }
0x11e: {  	v29 =	vld [tilespmem:$0xFA50];
	[tilespmem:$0xF9F0] =	vst v3;
	v3 =	vadd.s32 v1, v24  }
0x11f: {  	v30 =	vld [tilespmem:$0xFA60];
	[tilespmem:$0xFA00] =	vst v3;
	v3 =	vadd.s32 v1, v25  }
0x120: {  	v31 =	vld [tilespmem:$0xFA70];
	[tilespmem:$0xFA10] =	vst v3;
	v3 =	vadd.s32 v1, v26  }
0x121: {  	v32 =	vld [tilespmem:$0xFA80];
	[tilespmem:$0xFA20] =	vst v3;
	v3 =	vadd.s32 v1, v27  }
0x122: {  	v33 =	vld [tilespmem:$0xFA90];
	[tilespmem:$0xFA30] =	vst v3;
	v3 =	vadd.s32 v1, v28  }
0x123: {  	v34 =	vld [tilespmem:$0xFAA0];
	[tilespmem:$0xFA40] =	vst v3;
	v3 =	vadd.s32 v1, v29  }
0x124: {  	v35 =	vld [tilespmem:$0xFAB0];
	[tilespmem:$0xFA50] =	vst v3;
	v3 =	vadd.s32 v1, v30  }
0x125: {  	v36 =	vld [tilespmem:$0xFAC0];
	[tilespmem:$0xFA60] =	vst v3;
	v3 =	vadd.s32 v1, v31  }
0x126: {  	v37 =	vld [tilespmem:$0xFAD0];
	[tilespmem:$0xFA70] =	vst v3;
	v3 =	vadd.s32 v1, v32  }
0x127: {  	v38 =	vld [tilespmem:$0xFAE0];
	[tilespmem:$0xFA80] =	vst v3;
	v3 =	vadd.s32 v1, v33  }
0x128: {  	v39 =	vld [tilespmem:$0xFAF0];
	[tilespmem:$0xFA90] =	vst v3;
	v3 =	vadd.s32 v1, v34  }
0x129: {  	v40 =	vld [tilespmem:$0xFB00];
	[tilespmem:$0xFAA0] =	vst v3;
	v3 =	vadd.s32 v1, v35  }
0x12a: {  	v41 =	vld [tilespmem:$0xFB10];
	[tilespmem:$0xFAB0] =	vst v3;
	v3 =	vadd.s32 v1, v36  }
0x12b: {  	v42 =	vld [tilespmem:$0xFB20];
	[tilespmem:$0xFAC0] =	vst v3;
	v3 =	vadd.s32 v1, v37  }
0x12c: {  	v43 =	vld [tilespmem:$0xFB30];
	[tilespmem:$0xFAD0] =	vst v3;
	v3 =	vadd.s32 v1, v38  }
0x12d: {  	v44 =	vld [tilespmem:$0xFB40];
	[tilespmem:$0xFAE0] =	vst v3;
	v3 =	vadd.s32 v1, v39  }
0x12e: {  	v45 =	vld [tilespmem:$0xFB50];
	[tilespmem:$0xFAF0] =	vst v3;
	v3 =	vadd.s32 v1, v40  }
0x12f: {  	v46 =	vld [tilespmem:$0xFB60];
	[tilespmem:$0xFB00] =	vst v3;
	v3 =	vadd.s32 v1, v41  }
0x130: {  	v47 =	vld [tilespmem:$0xFB70];
	[tilespmem:$0xFB10] =	vst v3;
	v3 =	vadd.s32 v1, v42  }
0x131: {  	v48 =	vld [tilespmem:$0xFB80];
	[tilespmem:$0xFB20] =	vst v3;
	v3 =	vadd.s32 v1, v43  }
0x132: {  	v49 =	vld [tilespmem:$0xFB90];
	[tilespmem:$0xFB30] =	vst v3;
	v3 =	vadd.s32 v2, v44  }
0x133: {  	v50 =	vld [tilespmem:$0xFBA0];
	[tilespmem:$0xFB40] =	vst v3;
	v3 =	vadd.s32 v2, v45  }
0x134: {  	v51 =	vld [tilespmem:$0xFBB0];
	[tilespmem:$0xFB50] =	vst v3;
	v3 =	vadd.s32 v2, v46  }
0x135: {  	v52 =	vld [tilespmem:$0xFBC0];
	[tilespmem:$0xFB60] =	vst v3;
	v3 =	vadd.s32 v2, v47  }
0x136: {  	v53 =	vld [tilespmem:$0xFBD0];
	[tilespmem:$0xFB70] =	vst v3;
	v3 =	vadd.s32 v2, v48  }
0x137: {  	v54 =	vld [tilespmem:$0xFBE0];
	[tilespmem:$0xFB80] =	vst v3;
	v3 =	vadd.s32 v2, v49  }
0x138: {  	v55 =	vld [tilespmem:$0xFBF0];
	[tilespmem:$0xFB90] =	vst v3;
	v3 =	vadd.s32 v2, v50  }
0x139: {  	v56 =	vld [tilespmem:$0xFC00];
	[tilespmem:$0xFBA0] =	vst v3;
	v3 =	vadd.s32 v2, v51  }
0x13a: {  	v57 =	vld [tilespmem:$0xFC10];
	[tilespmem:$0xFBB0] =	vst v3;
	v3 =	vadd.s32 v2, v52  }
0x13b: {  	v58 =	vld [tilespmem:$0xFC20];
	[tilespmem:$0xFBC0] =	vst v3;
	v3 =	vadd.s32 v2, v53  }
0x13c: {  	v59 =	vld [tilespmem:$0xFC30];
	[tilespmem:$0xFBD0] =	vst v3;
	v3 =	vadd.s32 v2, v54  }
0x13d: {  	v60 =	vld [tilespmem:$0xFC40];
	[tilespmem:$0xFBE0] =	vst v3;
	v3 =	vadd.s32 v2, v55  }
0x13e: {  	v61 =	vld [tilespmem:$0xFC50];
	[tilespmem:$0xFBF0] =	vst v3;
	v3 =	vadd.s32 v2, v56  }
0x13f: {  	v62 =	vld [tilespmem:$0xFC60];
	[tilespmem:$0xFC00] =	vst v3;
	v3 =	vadd.s32 v2, v57  }
0x140: {  	v63 =	vld [tilespmem:$0xFC70];
	[tilespmem:$0xFC10] =	vst v3;
	v3 =	vadd.s32 v2, v58  }
0x141: {  	[tilespmem:$0xFC20] =	vst v3;
	v3 =	vadd.s32 v2, v59  }
0x142: {  	[tilespmem:$0xFC30] =	vst v3;
	v3 =	vadd.s32 v2, v60  }
0x143: {  	[tilespmem:$0xFC40] =	vst v3;
	v3 =	vadd.s32 v2, v61  }
0x144: {  	[tilespmem:$0xFC50] =	vst v3;
	v3 =	vadd.s32 v2, v62  }
0x145: {  	[tilespmem:$0xFC60] =	vst v3;
	v3 =	vadd.s32 v2, v63  }
0x146: {  	[tilespmem:$0xFC70] =	vst v3  }
0x147: {  	[tilespmem:s7], [sflag:$0x5] =	stream.indirect.gather [hbm4b:s3+s22], $0x40, s30, s22, $0xb8;
	[tilespmem:$0x1EC80] =	vst v63  }
0x148: {  	_ = 	snop  }
0x149: {  	[tilespmem:s8], [sflag:$0x5] =	stream.indirect.gather [hbm4b:s4+s25], $0x20, s31, s25, $0xb8;
	[tilespmem:$0x1EC80] =	vst v63  }
0x14a: {  	_ =	swait.ge [sflag:s9], $0x5000  }
0x14b: {  	[sflag:s9] =	ssyncset.done $0x0  }
0x14c: {  	[sflag:s9] =	ssyncadd.s32 $0xFFFFB000  }
0x14d: {  	_ =	swait.ge [sflag:s9], $0xA000  }
0x14e: {  	[sflag:s9] =	ssyncset.done $0x0  }
0x14f: {  	s14 =	sadd.s32 $0xFFFFE1EC, s5;
	[sflag:s9] =	ssyncadd.s32 $0xFFFF6000  }
0x150: {  	[hbm4b:s14+s10] =	stream.strided.scatter [tilespmem:s28], [sflag:$0x3], $0x5000, s16, s10, $0x38;
	[tilespmem:$0x1EC80] =	vst v63  }
0x151: {  	s14 =	sadd.s32 $0xFFFFE1F4, s5  }
0x152: {  	[hbm4b:s14+s23] =	stream.strided.scatter [tilespmem:s29], [sflag:$0x3], $0x2800, s16, s23, $0x38;
	[tilespmem:$0x1EC80] =	vst v63  }
0x153: {  	p0 =	seq.s32 s24, $0xC30;
	s11 =	sadd.s32 $0xFFFFE1F8, s5;
	s14 =	simm.s32 $0x7E40  }
0x154: {  	[hbm4b:s11+s23] =	stream.strided.scatter [tilespmem:s14], [sflag:$0x3], $0x2800, s16, s23, $0x38;
	[tilespmem:$0x1EC80] =	vst v63  }
.Ltmp4:
0x155: {  	_ = 	snop;
	(pc) =	sbr.rel @p0 .LBB2_4-.Ltmp4, $4  }
0x156: {  	s11 =	sadd.s32 $0xFFFFE1FC, s5;
	s14 =	simm.s32 $0xA640  }
0x157: {  	[hbm4b:s11+s23] =	stream.strided.scatter [tilespmem:s14], [sflag:$0x3], $0x2800, s16, s23, $0x38;
	[tilespmem:$0x1EC80] =	vst v63  }
0x158: {  	s11 =	sadd.s32 $0xFFFFE200, s5;
	s14 =	simm.s32 $0xCE40  }
0x159: {  	[hbm4b:s11+s23] =	stream.strided.scatter [tilespmem:s14], [sflag:$0x3], $0x2800, s16, s23, $0x38;
	[tilespmem:$0x1EC80] =	vst v63  }
0x15a: {  	_ =	swait.ge [sflag:s1], $0x5000  }
0x15b: {  	[sflag:s1] =	ssyncset.done $0x0  }
0x15c: {  	[sflag:s1] =	ssyncadd.s32 $0xFFFFB000  }
0x15d: {  	_ =	swait.ge [sflag:s1], $0x2800  }
0x15e: {  	[sflag:s1] =	ssyncset.done $0x0  }
0x15f: {  	[sflag:s1] =	ssyncadd.s32 $0xFFFFD800  }
0x160: {  	_ =	swait.ge [sflag:s1], $0x2800  }
0x161: {  	[sflag:s1] =	ssyncset.done $0x0  }
0x162: {  	[sflag:s1] =	ssyncadd.s32 $0xFFFFD800  }
0x163: {  	_ =	swait.ge [sflag:s1], $0x2800  }
0x164: {  	[sflag:s1] =	ssyncset.done $0x0  }
0x165: {  	[sflag:s1] =	ssyncadd.s32 $0xFFFFD800  }
0x166: {  	_ =	swait.ge [sflag:s1], $0x2800  }
0x167: {  	[sflag:s1] =	ssyncset.done $0x0;
	s11 =	rddreg [dreg:$0x12]  }
0x168: {  	s12 =	rddreg [dreg:$0x11];
	[sflag:s1] =	ssyncadd.s32 $0xFFFFD800;
	s11 =	sadd.s32 s24, s11  }
0x169: {  	[tilespmem:s2], [sflag:$0x1] =	stream.linear.gather [hbm4b:s11+s2], $0x140, $0x38;
	[tilespmem:$0x1EC80] =	vst v63  }
0x16a: {  	s14 =	rddreg [dreg:$0x10];
	s11 =	sadd.s32 s24, s12  }
0x16b: {  	[tilespmem:s22], [sflag:$0x1] =	stream.linear.gather [hbm4b:s11+s2], $0x140, $0x38;
	[tilespmem:$0x1EC80] =	vst v63  }
0x16c: {  	s12 =	simm.s32 $0x280;
	s11 =	sadd.s32 s24, s14  }
0x16d: {  	[tilespmem:s12], [sflag:$0x1] =	stream.linear.gather [hbm4b:s11+s2], $0x140, $0x38;
	[tilespmem:$0x1EC80] =	vst v63  }
0x16e: {  	s12 =	rddreg [dreg:$0xf]  }
0x16f: {  	s14 =	simm.s32 $0x3C0;
	s11 =	sadd.s32 s24, s12  }
0x170: {  	[tilespmem:s14], [sflag:$0x1] =	stream.linear.gather [hbm4b:s11+s2], $0x140, $0x38;
	[tilespmem:$0x1EC80] =	vst v63  }
0x171: {  	s14 =	rddreg [dreg:$0xe]  }
0x172: {  	s11 =	sadd.s32 s24, s14  }
0x173: {  	[tilespmem:s25], [sflag:$0x1] =	stream.linear.gather [hbm4b:s11+s2], $0x140, $0x38;
	[tilespmem:$0x1EC80] =	vst v63  }
0x174: {  	_ =	swait.ge [sflag:s26], $0x140  }
0x175: {  	[sflag:s26] =	ssyncset.done $0x0  }
0x176: {  	[sflag:s26] =	ssyncadd.s32 $0xFFFFFEC0  }
0x177: {  	_ =	swait.ge [sflag:s26], $0x140  }
0x178: {  	[sflag:s26] =	ssyncset.done $0x0  }
0x179: {  	[sflag:s26] =	ssyncadd.s32 $0xFFFFFEC0  }
0x17a: {  	_ =	swait.ge [sflag:s26], $0x140  }
0x17b: {  	[sflag:s26] =	ssyncset.done $0x0  }
0x17c: {  	[sflag:s26] =	ssyncadd.s32 $0xFFFFFEC0  }
0x17d: {  	_ =	swait.ge [sflag:s26], $0x140  }
0x17e: {  	[sflag:s26] =	ssyncset.done $0x0  }
0x17f: {  	[sflag:s26] =	ssyncadd.s32 $0xFFFFFEC0  }
0x180: {  	_ =	swait.ge [sflag:s26], $0x140  }
0x181: {  	[sflag:s26] =	ssyncset.done $0x0  }
0x182: {  	[sflag:s26] =	ssyncadd.s32 $0xFFFFFEC0  }
0x183: {  	v3 =	vld [tilespmem:$0x140]  }
0x184: {  	v4 =	vld [tilespmem:$0x150]  }
0x185: {  	v5 =	vld [tilespmem:$0x160]  }
0x186: {  	v6 =	vld [tilespmem:$0x170]  }
0x187: {  	v7 =	vld [tilespmem:$0x180]  }
0x188: {  	v8 =	vld [tilespmem:$0x190];
	v3 =	vadd.s32 v0, v3  }
0x189: {  	v42 =	vld [tilespmem:$0x1A0];
	[tilespmem:$0x140] =	vst v3;
	v3 =	vadd.s32 v0, v4  }
0x18a: {  	v43 =	vld [tilespmem:$0x1B0];
	[tilespmem:$0x150] =	vst v3;
	v3 =	vadd.s32 v0, v5  }
0x18b: {  	v44 =	vld [tilespmem:$0x1C0];
	[tilespmem:$0x160] =	vst v3;
	v3 =	vadd.s32 v0, v6  }
0x18c: {  	v45 =	vld [tilespmem:$0x1D0];
	[tilespmem:$0x170] =	vst v3;
	v3 =	vadd.s32 v0, v7  }
0x18d: {  	v46 =	vld [tilespmem:$0x1E0];
	[tilespmem:$0x180] =	vst v3;
	v3 =	vadd.s32 v0, v8  }
0x18e: {  	v47 =	vld [tilespmem:$0x1F0];
	[tilespmem:$0x190] =	vst v3;
	v3 =	vadd.s32 v0, v42  }
0x18f: {  	v48 =	vld [tilespmem:$0x200];
	[tilespmem:$0x1A0] =	vst v3;
	v3 =	vadd.s32 v0, v43  }
0x190: {  	v49 =	vld [tilespmem:$0x210];
	[tilespmem:$0x1B0] =	vst v3;
	v3 =	vadd.s32 v0, v44  }
0x191: {  	v50 =	vld [tilespmem:$0x220];
	[tilespmem:$0x1C0] =	vst v3;
	v3 =	vadd.s32 v0, v45  }
0x192: {  	v51 =	vld [tilespmem:$0x230];
	[tilespmem:$0x1D0] =	vst v3;
	v3 =	vadd.s32 v0, v46  }
0x193: {  	v52 =	vld [tilespmem:$0x240];
	[tilespmem:$0x1E0] =	vst v3;
	v3 =	vadd.s32 v0, v47  }
0x194: {  	v53 =	vld [tilespmem:$0x250];
	[tilespmem:$0x1F0] =	vst v3;
	v3 =	vadd.s32 v0, v48  }
0x195: {  	v54 =	vld [tilespmem:$0x260];
	[tilespmem:$0x200] =	vst v3;
	v3 =	vadd.s32 v0, v49  }
0x196: {  	v55 =	vld [tilespmem:$0x270];
	[tilespmem:$0x210] =	vst v3;
	v3 =	vadd.s32 v0, v50  }
0x197: {  	v56 =	vld [tilespmem:$0x280];
	[tilespmem:$0x220] =	vst v3;
	v3 =	vadd.s32 v0, v51  }
0x198: {  	v57 =	vld [tilespmem:$0x290];
	[tilespmem:$0x230] =	vst v3;
	v3 =	vadd.s32 v0, v52  }
0x199: {  	v58 =	vld [tilespmem:$0x2A0];
	[tilespmem:$0x240] =	vst v3;
	v3 =	vadd.s32 v0, v53  }
0x19a: {  	v59 =	vld [tilespmem:$0x2B0];
	[tilespmem:$0x250] =	vst v3;
	v3 =	vadd.s32 v0, v54  }
0x19b: {  	v60 =	vld [tilespmem:$0x2C0];
	[tilespmem:$0x260] =	vst v3;
	v3 =	vadd.s32 v0, v55  }
0x19c: {  	v61 =	vld [tilespmem:$0x2D0];
	[tilespmem:$0x270] =	vst v3;
	v3 =	vadd.s32 v0, v56  }
0x19d: {  	v62 =	vld [tilespmem:$0x2E0];
	[tilespmem:$0x280] =	vst v3;
	v3 =	vadd.s32 v0, v57  }
0x19e: {  	v63 =	vld [tilespmem:$0x2F0];
	[tilespmem:$0x290] =	vst v3;
	v3 =	vadd.s32 v0, v58  }
0x19f: {  	v12 =	vld [tilespmem:$0x300];
	[tilespmem:$0x2A0] =	vst v3;
	v3 =	vadd.s32 v0, v59  }
0x1a0: {  	v13 =	vld [tilespmem:$0x310];
	[tilespmem:$0x2B0] =	vst v3;
	v3 =	vadd.s32 v0, v60  }
0x1a1: {  	v14 =	vld [tilespmem:$0x320];
	[tilespmem:$0x2C0] =	vst v3;
	v3 =	vadd.s32 v0, v61  }
0x1a2: {  	v15 =	vld [tilespmem:$0x330];
	[tilespmem:$0x2D0] =	vst v3;
	v3 =	vadd.s32 v0, v62  }
0x1a3: {  	v16 =	vld [tilespmem:$0x340];
	[tilespmem:$0x2E0] =	vst v3;
	v3 =	vadd.s32 v0, v63  }
0x1a4: {  	v17 =	vld [tilespmem:$0x350];
	[tilespmem:$0x2F0] =	vst v3;
	v3 =	vadd.s32 v0, v12  }
0x1a5: {  	v18 =	vld [tilespmem:$0x360];
	[tilespmem:$0x300] =	vst v3;
	v3 =	vadd.s32 v0, v13  }
0x1a6: {  	v19 =	vld [tilespmem:$0x370];
	[tilespmem:$0x310] =	vst v3;
	v3 =	vadd.s32 v0, v14  }
0x1a7: {  	v20 =	vld [tilespmem:$0x380];
	[tilespmem:$0x320] =	vst v3;
	v3 =	vadd.s32 v0, v15  }
0x1a8: {  	v21 =	vld [tilespmem:$0x390];
	[tilespmem:$0x330] =	vst v3;
	v3 =	vadd.s32 v0, v16  }
0x1a9: {  	v22 =	vld [tilespmem:$0x3A0];
	[tilespmem:$0x340] =	vst v3;
	v3 =	vadd.s32 v0, v17  }
0x1aa: {  	v23 =	vld [tilespmem:$0x3B0];
	[tilespmem:$0x350] =	vst v3;
	v3 =	vadd.s32 v0, v18  }
0x1ab: {  	v24 =	vld [tilespmem:$0x3C0];
	[tilespmem:$0x360] =	vst v3;
	v3 =	vadd.s32 v0, v19  }
0x1ac: {  	v25 =	vld [tilespmem:$0x3D0];
	[tilespmem:$0x370] =	vst v3;
	v3 =	vadd.s32 v0, v20  }
0x1ad: {  	v26 =	vld [tilespmem:$0x3E0];
	[tilespmem:$0x380] =	vst v3;
	v3 =	vadd.s32 v0, v21  }
0x1ae: {  	v27 =	vld [tilespmem:$0x3F0];
	[tilespmem:$0x390] =	vst v3;
	v3 =	vadd.s32 v0, v22  }
0x1af: {  	v28 =	vld [tilespmem:$0x400];
	[tilespmem:$0x3A0] =	vst v3;
	v3 =	vadd.s32 v0, v23  }
0x1b0: {  	v29 =	vld [tilespmem:$0x410];
	[tilespmem:$0x3B0] =	vst v3;
	v3 =	vadd.s32 v1, v24  }
0x1b1: {  	v30 =	vld [tilespmem:$0x420];
	[tilespmem:$0x3C0] =	vst v3;
	v3 =	vadd.s32 v1, v25  }
0x1b2: {  	v31 =	vld [tilespmem:$0x430];
	[tilespmem:$0x3D0] =	vst v3;
	v3 =	vadd.s32 v1, v26  }
0x1b3: {  	v32 =	vld [tilespmem:$0x440];
	[tilespmem:$0x3E0] =	vst v3;
	v3 =	vadd.s32 v1, v27  }
0x1b4: {  	v33 =	vld [tilespmem:$0x450];
	[tilespmem:$0x3F0] =	vst v3;
	v3 =	vadd.s32 v1, v28  }
0x1b5: {  	v34 =	vld [tilespmem:$0x460];
	[tilespmem:$0x400] =	vst v3;
	v3 =	vadd.s32 v1, v29  }
0x1b6: {  	v35 =	vld [tilespmem:$0x470];
	[tilespmem:$0x410] =	vst v3;
	v3 =	vadd.s32 v1, v30  }
0x1b7: {  	v36 =	vld [tilespmem:$0x480];
	[tilespmem:$0x420] =	vst v3;
	v3 =	vadd.s32 v1, v31  }
0x1b8: {  	v37 =	vld [tilespmem:$0x490];
	[tilespmem:$0x430] =	vst v3;
	v3 =	vadd.s32 v1, v32  }
0x1b9: {  	v38 =	vld [tilespmem:$0x4A0];
	[tilespmem:$0x440] =	vst v3;
	v3 =	vadd.s32 v1, v33  }
0x1ba: {  	v39 =	vld [tilespmem:$0x4B0];
	[tilespmem:$0x450] =	vst v3;
	v3 =	vadd.s32 v1, v34  }
0x1bb: {  	v40 =	vld [tilespmem:$0x4C0];
	[tilespmem:$0x460] =	vst v3;
	v3 =	vadd.s32 v1, v35  }
0x1bc: {  	v41 =	vld [tilespmem:$0x4D0];
	[tilespmem:$0x470] =	vst v3;
	v3 =	vadd.s32 v1, v36  }
0x1bd: {  	v42 =	vld [tilespmem:$0x4E0];
	[tilespmem:$0x480] =	vst v3;
	v3 =	vadd.s32 v1, v37  }
0x1be: {  	v43 =	vld [tilespmem:$0x4F0];
	[tilespmem:$0x490] =	vst v3;
	v3 =	vadd.s32 v1, v38  }
0x1bf: {  	v44 =	vld [tilespmem:$0x500];
	[tilespmem:$0x4A0] =	vst v3;
	v3 =	vadd.s32 v1, v39  }
0x1c0: {  	v45 =	vld [tilespmem:$0x510];
	[tilespmem:$0x4B0] =	vst v3;
	v3 =	vadd.s32 v1, v40  }
0x1c1: {  	v46 =	vld [tilespmem:$0x520];
	[tilespmem:$0x4C0] =	vst v3;
	v3 =	vadd.s32 v1, v41  }
0x1c2: {  	v47 =	vld [tilespmem:$0x530];
	[tilespmem:$0x4D0] =	vst v3;
	v3 =	vadd.s32 v1, v42  }
0x1c3: {  	v48 =	vld [tilespmem:$0x540];
	[tilespmem:$0x4E0] =	vst v3;
	v3 =	vadd.s32 v1, v43  }
0x1c4: {  	v49 =	vld [tilespmem:$0x550];
	[tilespmem:$0x4F0] =	vst v3;
	v3 =	vadd.s32 v2, v44  }
0x1c5: {  	v50 =	vld [tilespmem:$0x560];
	[tilespmem:$0x500] =	vst v3;
	v3 =	vadd.s32 v2, v45  }
0x1c6: {  	v51 =	vld [tilespmem:$0x570];
	[tilespmem:$0x510] =	vst v3;
	v3 =	vadd.s32 v2, v46  }
0x1c7: {  	v52 =	vld [tilespmem:$0x580];
	[tilespmem:$0x520] =	vst v3;
	v3 =	vadd.s32 v2, v47  }
0x1c8: {  	v53 =	vld [tilespmem:$0x590];
	[tilespmem:$0x530] =	vst v3;
	v3 =	vadd.s32 v2, v48  }
0x1c9: {  	v54 =	vld [tilespmem:$0x5A0];
	[tilespmem:$0x540] =	vst v3;
	v3 =	vadd.s32 v2, v49  }
0x1ca: {  	v55 =	vld [tilespmem:$0x5B0];
	[tilespmem:$0x550] =	vst v3;
	v3 =	vadd.s32 v2, v50  }
0x1cb: {  	v56 =	vld [tilespmem:$0x5C0];
	[tilespmem:$0x560] =	vst v3;
	v3 =	vadd.s32 v2, v51  }
0x1cc: {  	v57 =	vld [tilespmem:$0x5D0];
	[tilespmem:$0x570] =	vst v3;
	v3 =	vadd.s32 v2, v52  }
0x1cd: {  	v58 =	vld [tilespmem:$0x5E0];
	[tilespmem:$0x580] =	vst v3;
	v3 =	vadd.s32 v2, v53  }
0x1ce: {  	v59 =	vld [tilespmem:$0x5F0];
	[tilespmem:$0x590] =	vst v3;
	v3 =	vadd.s32 v2, v54  }
0x1cf: {  	v60 =	vld [tilespmem:$0x600];
	[tilespmem:$0x5A0] =	vst v3;
	v3 =	vadd.s32 v2, v55  }
0x1d0: {  	v61 =	vld [tilespmem:$0x610];
	[tilespmem:$0x5B0] =	vst v3;
	v3 =	vadd.s32 v2, v56  }
0x1d1: {  	v62 =	vld [tilespmem:$0x620];
	[tilespmem:$0x5C0] =	vst v3;
	v3 =	vadd.s32 v2, v57  }
0x1d2: {  	v63 =	vld [tilespmem:$0x630];
	[tilespmem:$0x5D0] =	vst v3;
	v3 =	vadd.s32 v2, v58  }
0x1d3: {  	[tilespmem:$0x5E0] =	vst v3;
	v3 =	vadd.s32 v2, v59  }
0x1d4: {  	[tilespmem:$0x5F0] =	vst v3;
	v3 =	vadd.s32 v2, v60  }
0x1d5: {  	[tilespmem:$0x600] =	vst v3;
	v3 =	vadd.s32 v2, v61  }
0x1d6: {  	[tilespmem:$0x610] =	vst v3;
	v3 =	vadd.s32 v2, v62  }
.Ltmp5:
0x1d7: {  	[tilespmem:$0x620] =	vst v3;
	v3 =	vadd.s32 v2, v63;
	(pc) =	sbr.rel .LBB2_4-.Ltmp5, $4  }
0x1d8: {  	[tilespmem:$0x630] =	vst v3  }
0x1d9: {  	[tilespmem:s28], [sflag:$0x2] =	stream.indirect.gather [hbm4b:s3+s22], $0x40, s2, s22, $0xb8;
	[tilespmem:$0x1EC80] =	vst v63  }
0x1da: {  	s12 =	simm.s32 $0xF8C0  }
0x1db: {  	[tilespmem:s29], [sflag:$0x2] =	stream.indirect.gather [hbm4b:s4+s25], $0x20, s22, s25, $0xb8;
	[tilespmem:$0x1EC80] =	vst v63  }
.LBB2_6:
0x1dc: {  	_ =	sfence.sel $0x180000  }
0x1dd: {  	[bflag:$0x0] =	sbarrier.arrive $0xFFFF  }
0x1de: {  	_ =	strace $0x90000047  }
0x1df: {  	s0 =	stileid.u32;
	[bflag:$0x2] =	sbarrier.arrive $0xFFFF  }
0x1e0: {  	p0 =	sne.s32 s0, $0x0;
	s0 =	rddreg [dreg:$0x7]  }
0x1e1: {  	s0 =	sadd.s32 @!p0 $0x100000, s0  }
0x1e2: {  	[sflag:s0] =	ssyncadd.tile.s32 @!p0 $0x1;
	_ =	shalt  }
.Lfunc_end2:
_tile_overlayer_lowered:
.L_overlay_start_2:
0x1e3: {  	(tag) =	ssettag $0x2  }
0x1e4: {  	s0 =	rddreg [dreg:$0x0];
	s2 =	stileid.u32  }
0x1e5: {  	s1 =	rddreg [dreg:$0x1];
	p0 =	sne.s32 s2, $0x0  }
0x1e6: {  	s3 =	rddreg [dreg:$0x2];
	[bflag:$0x3] =	sbarrier.arrive $0xFFFF;
	s2 =	simm.s32 @!p0 $0x1C07  }
0x1e7: {  	[timem:s3], [sflag:s2] =	dma.local @!p0 [hbm:s0], s1  }
0x1e8: {  	s0 =	simm.s32 @!p0 $0x7  }
0x1e9: {  	_ =	swait.ge @!p0 [sflag:s0], s1  }
0x1ea: {  	s1 =	ssub.s32 @!p0 $0x0, s1;
	[sflag:s0] =	ssyncset.done @!p0 $0x0  }
0x1eb: {  	[sflag:s0] =	ssyncadd.s32 @!p0 s1  }
0x1ec: {  	[bflag:$0x3] =	sbarrier.arrive $0xFFFF  }
0x1ed: {  	_ =	shalt  }

// kernel: sparse-core-data-format-call.cloned.1.call-start
scs
called_computation_lowered:
.L_overlay_start_0:
0x0: {  	s2 =	sld [smem:$0x3FD9]  }
0x1: {  	s3 =	sld [smem:$0x3FFE];
	_ =	sdelay $0x1  }
0x2: {  	s1 =	srdreg.scid  }
0x3: {  	s0 =	sand.u32 $0x1, s1  }
0x4: {  	s18 =	sshll.u32 s0, $0xA;
	s2 =	sadd.s32 s3, s2  }
0x5: {  	s2 =	sadd.s32 s2, s18  }
0x6: {  	[smem:$0x3FC1] =	sst s2  }
0x7: {  	_ = 	snop  }
0x8: {  	s2 =	sld [smem:$0x3FD0];
	(tm) =	ssettm $0x1  }
0x9: {  	s19 =	sld [smem:$0x3FFB];
	_ =	sdelay $0x3  }
0xa: {  	_ =	strace s19  }
0xb: {  	s3 =	sld [smem:$0x3FFC];
	_ =	sdelay $0x3  }
0xc: {  	_ =	strace s3  }
0xd: {  	s3 =	sld [smem:$0x3FFD];
	_ =	sdelay $0x3  }
0xe: {  	_ =	strace s3  }
0xf: {  	_ =	strace $0x8FFFFFFF  }
0x10: {  	s20 =	sld [smem:$0x3FDB];
	_ =	sdelay $0x1  }
0x11: {  	s4 =	simm.s32 $_scs_section_size  }
0x12: {  	s5 =	simm.s32 $_size__tile_overlayer_lowered;
	s6 =	simm.s32 $_tile_overlayer_lowered  }
0x13: {  	s23 =	simm.s32 $0x1BFF;
	s22 =	sshll.u32 s6, $0x1;
	s3 =	sadd.s32 s4, s20  }
0x14: {  	s7 =	simm.s32 $0x0;
	s21 =	sshll.u32 s5, $0x1;
	s5 =	sadd.s32 s22, s3  }
0x15: {  	[timem:s7], [sflag:s23] =	dma.local [hbm:s5], s21  }
0x16: {  	_ =	swait.ge [sflag:s23], s21  }
0x17: {  	s4 =	ssub.s32 $0x0, s21;
	[sflag:s23] =	ssyncset.done $0x0  }
0x18: {  	[sflag:s23] =	ssyncadd.s32 s4;
	_ =	sdelay $0x1  }
0x19: {  	s24 =	simm.s32 $0x1B8B  }
0x1a: {  	_ =	swait.ge [sflag:s24], $0x1  }
0x1b: {  	[sflag:s24] =	ssyncset.done $0x0  }
0x1c: {  	s26 =	simm.s32 $0x1B8E;
	s25 =	sld [smem:$0x3FFE];
	[sflag:s24] =	ssyncadd.s32 $0xFFFFFFFF  }
0x1d: {  	s27 =	simm.s32 $execute0_lowered;
	[smem:$0x3FD2] =	sst s26  }
0x1e: {  	s5 =	sshll.u32 s27, $0x1;
	_ =	strace $0x80000049;
	[dreg:$0x1] =	wrdreg $0xFFFFFFFF  }
0x1f: {  	s28 =	simm.s32 $_size_execute0_lowered;
	s3 =	sadd.s32 s3, s5;
	[dreg:$0x0] =	wrdreg $0x0  }
0x20: {  	s5 =	sshll.u32 s28, $0x1;
	[dreg:$0x2] =	wrdreg s3  }
0x21: {  	[dreg:$0x3] =	wrdreg s5  }
0x22: {  	[dreg:$0x4] =	wrdreg $0xC0  }
0x23: {  	_ =	task [dreg:s7], $0x5FFFF  }
0x24: {  	[dreg:$0x1] =	wrdreg $0xFFFFFFFF  }
0x25: {  	[dreg:$0x0] =	wrdreg $0x60  }
0x26: {  	[dreg:$0x2] =	wrdreg s25  }
0x27: {  	[dreg:$0x3] =	wrdreg s2  }
0x28: {  	[dreg:$0x4] =	wrdreg $0x9  }
0x29: {  	_ =	task.clear_ibuf [dreg:s7], $0x5FFFF;
	_ =	strace $0x90000049  }
0x2a: {  	s29 =	simm.s32 $0x9;
	_ =	strace $0x8000004B  }
0x2b: {  	_ =	swait.ge [sflag:s29], $0x1  }
0x2c: {  	[sflag:s29] =	ssyncadd.s32 $0xFFFFFFFF  }
0x2d: {  	_ =	strace $0x9000004B  }
0x2e: {  	_ =	sfence  }
0x2f: {  	s30 =	sld [smem:$0x0];
	_ =	sdelay $0x2  }
0x30: {  	s31 =	sshll.u32 s1, $0xD;
	s1 =	sshrl.u32 s1, $0x2  }
0x31: {  	s3 =	sand.u32 $0x4000, s31;
	s1 =	sadd.s32 s1, s30  }
0x32: {  	s0 =	sor.u32 s3, s0;
	s1 =	sshll.u32 s1, $0x11  }
0x33: {  	s0 =	sor.u32 s1, s0  }
0x34: {  	s0 =	sadd.s32 $0x8F2B, s0  }
0x35: {  	[sflag:s0] =	ssyncadd.remote.s32 $0x1  }
0x36: {  	_ =	sfence.sel $0xFFFF  }
0x37: {  	[dreg:$0x0] =	wrdreg $0xFFFFFFFF;
	(pc) =	sbr.abs _section_cstart, $3  }
0x38: {  	[dreg:$0x1] =	wrdreg $0xFFFFFFFF  }
0x39: {  	_ =	task.clear_ibuf [dreg:s7], $0x2FFFF;
	_ =	strace $0x9FFFFFFF  }
0x3a: {  	(tm) =	ssettm $0x7FFFFFFF  }
0x3b: {  	_ =	shalt  }
tec
execute0_lowered:
.L_overlay_start_1:
0x0: {  	(tag) =	ssettag $0x1  }
0x1: {  	s5 =	rddreg [dreg:$0x0]  }
0x2: {  	s0 =	srdreg.scid;
	s3 =	rddreg [dreg:$0x1];
	s7 =	simm.s32 $0x1  }
0x3: {  	s8 =	simm.s32 $0x2;
	s15 =	simm.s32 $0x0;
	s1 =	sshll.u32 s0, $0x4  }
0x4: {  	s14 =	simm.s32 $0x0;
	s0 =	stileid.u32;
	s1 =	sand.u32 $0x10, s1  }
0x5: {  	s9 =	simm.s32 $0x0;
	s10 =	simm.s32 $0x0;
	s1 =	sor.u32 s0, s1  }
0x6: {  	s11 =	simm.s32 $0x0;
	s13 =	simm.s32 $0x0;
	s2 =	sshll.u32 s1, $0x7  }
0x7: {  	s5 =	sadd.s32 $0x800, s5;
	s1 =	rddreg [dreg:$0x2];
	s6 =	ssub.s32 $0xC8000, s2  }
.Ltmp0:
0x8: {  	_ =	strace $0x8000004A;
	s4 =	sand.u32 $0xF80, s6;
	(pc) =	sbr.rel .LBB1_1-.Ltmp0, $4  }
0x9: {  	s12 =	smov.u32 s2;
	p0 =	sne.s32 s4, $0x0;
	s4 =	simm.s32 $0x1  }
0xa: {  	s6 =	sshrl.u32 s6, $0xC;
	s7 =	simm.s32 @!p0 $0x0;
	[sflag:s4] =	ssyncpa.u1 $0x0  }
0xb: {  	p0 =	por $0x0, $0x0;
	s7 =	sadd.s32 s7, s6;
	[sflag:s8] =	ssyncpa.u1 $0x0  }
0xc: {  	s8 =	simm.s32 $0x640000;
	s6 =	sshll.u32 s7, $0x1;
	s7 =	sshllo.u32 s7, $0x1  }
.LBB1_4:
0xd: {  	s21 =	sshrl.u32 s9, $0x3;
	s22 =	sshll.u32 s10, $0x3  }
0xe: {  	s20 =	sshra.s32 s20, $0x2;
	s23 =	sshll.u32 s9, $0x7;
	s24 =	sand.u32 $0x7F, s10  }
0xf: {  	p1 =	sgt.s32 s9, $0x40;
	s28 =	sshra.s32 s9, $0x1F;
	s21 =	smul.u32 $0x640000, s21  }
0x10: {  	s29 =	sshra.s32 s10, $0x1F;
	s22 =	sand.u32 $0xFFFFFC00, s22;
	s25 =	sand.u32 $0x380, s23  }
0x11: {  	s19 =	sadd.s32 s20, s19;
	s26 =	sor.u32 s24, s25;
	s21 =	sadd.s32 s22, s21  }
0x12: {  	v5 =	vld [tilespmem:s17+$0xFFFFFFD0];
	s27 =	smulhi.u32 $0x51EB851F, s21;
	s20 =	sor.u32 s21, s26;
	s21 =	smov.u32 s9  }
0x13: {  	[tilespmem:s18+$0x2040 ss:$0x81] =	vst.msk $0xffff, v4;
	v58 =	vld [tilespmem:s17+$0xFFFFFFE0];
	s23 =	sand.u32 s28, s9;
	s24 =	sand.u32 s29, s10;
	s21 =	simm.s32 @!p1 $0x40  }
0x14: {  	[tilespmem:s18+$0x2850 ss:$0x81] =	vst.msk $0xffff, v3;
	p1 =	sgt.s32 s10, $0xC7F80;
	s30 =	smulhi.u32 $0x51EB851F, s20;
	s22 =	sshrl.u32 s27, $0x12  }
0x15: {  	v59 =	vld [tilespmem:s17+$0xFFFFFFF0];
	[tilespmem:s18+$0x3060 ss:$0x81] =	vst.msk $0xffff, v2;
	s21 =	ssub.s32 s21, s23;
	s23 =	smov.u32 s10;
	s25 =	smul.u32 $0xAAB, s22  }
0x16: {  	v60 =	vld [tilespmem:s17+$0x0];
	[tilespmem:s18+$0x0 ss:$0x81] =	vst.msk $0xffff, v0;
	s23 =	simm.s32 @!p1 $0xC7F80;
	s31 =	sadd.s32 $0xFFFFFFC0, s21;
	s18 =	sshrl.u32 s30, $0x12  }
0x17: {  	v61 =	vld [tilespmem:s17+$0x10];
	[tilespmem:s19+$0x3870 ss:$0x81] =	vst.msk $0xffff, v1;
	s23 =	ssub.s32 s23, s24;
	s28 =	smul.u32 $0xC8000, s18;
	s25 =	sshrl.u32 s25, $0x13  }
0x18: {  	v62 =	vld [tilespmem:s17+$0x20];
	[tilespmem:s19+$0x810 ss:$0x81] =	vst.msk $0xffff, v5;
	p1 =	sgt.s32 s31, $0x7F;
	s26 =	sadd.s32 $0xFFF38080, s23;
	s27 =	smul.u32 $0xC0, s25  }
0x19: {  	v63 =	vld [tilespmem:s17+$0xFFFFFFC0];
	[tilespmem:s19+$0x1020 ss:$0x81] =	vst.msk $0xffff, v58;
	s18 =	ssub.s32 $0xC0, s21;
	s21 =	ssub.s32 $0xC8000, s23;
	p2 =	sgt.s32 s26, $0x7F  }
0x1a: {  	[tilespmem:s19+$0x1830 ss:$0x81] =	vst.msk $0xffff, v59;
	s18 =	simm.s32 @p1 $0x0;
	s21 =	simm.s32 @p2 $0x0;
	s22 =	ssub.s32 s22, s27  }
0x1b: {  	[tilespmem:s19+$0x2040 ss:$0x81] =	vst.msk $0xffff, v60;
	s17 =	ssub.s32 s20, s28;
	s18 =	smul.u32 s21, s18;
	s29 =	sand.u32 $0xFFFF, s22  }
0x1c: {  	[tilespmem:s19+$0x2850 ss:$0x81] =	vst.msk $0xffff, v61;
	s30 =	sshrl.u32 s17, $0x3;
	s17 =	sand.u32 $0x7, s17;
	s20 =	smul.u32 $0x19000, s29  }
0x1d: {  	[tilespmem:s19+$0x3060 ss:$0x81] =	vst.msk $0xffff, v62;
	s21 =	sadd.s32 s3, s30;
	s17 =	sshll.u32 s17, $0x12  }
0x1e: {  	[tilespmem:s19+$0x0 ss:$0x81] =	vst.msk $0xffff, v63;
	s17 =	sor.u32 $0x400, s17;
	s18 =	sand.u32 $0x3FFFFFFF, s18;
	s31 =	sadd.s32 s20, s21  }
0x1f: {  	[hbm4b:s31+s17] =	stream.strided.scatter [tilespmem:s16], [sflag:$0x2], s18, s8, s17, $0x20;
	[tilespmem:$0x10100] =	vst v63  }
.LBB1_5:
0x20: {  	p1 =	slt.u32 s13, $0x2  }
0x21: {  	s17 =	smov.u32 s15;
	p2 =	sgt.s32 @!p1 s15, $0x40;
	s16 =	sshra.s32 @!p1 s15, $0x1F  }
0x22: {  	p3 =	sgt.s32 @!p1 s14, $0xC7F80;
	s18 =	sshra.s32 @!p1 s14, $0x1F;
	p2 =	por !p2, p1  }
0x23: {  	s15 =	sand.u32 @!p1 s16, s15;
	p3 =	por !p3, p1;
	s16 =	smov.u32 s14  }
0x24: {  	s14 =	sand.u32 @!p1 s18, s14;
	s17 =	simm.s32 @p2 $0x40;
	s16 =	simm.s32 @p3 $0xC7F80  }
0x25: {  	s15 =	ssub.s32 @!p1 s17, s15;
	s14 =	ssub.s32 @!p1 s16, s14  }
0x26: {  	s18 =	smov.u32 s12;
	s16 =	sadd.s32 @!p1 $0xFFFFFFC0, s15;
	s17 =	sadd.s32 @!p1 $0xFFF38080, s14  }
0x27: {  	s15 =	ssub.s32 @!p1 $0xC0, s15;
	p2 =	sgt.s32 @!p1 s16, $0x7F;
	p3 =	sgt.s32 @!p1 s17, $0x7F  }
0x28: {  	s14 =	ssub.s32 @!p1 $0xC8000, s14;
	p2 =	por !p2, p1;
	p3 =	por !p3, p1  }
0x29: {  	s16 =	sadd.s32 $0x80, s11;
	s15 =	simm.s32 @!p2 $0x0;
	s14 =	simm.s32 @!p3 $0x0  }
0x2a: {  	p2 =	sgt.s32 s16, $0xBF;
	s14 =	smul.u32 @!p1 s14, s15;
	s15 =	sadd.s32 $0x1000, s12  }
0x2b: {  	s18 =	smov.u32 @p2 s15  }
0x2c: {  	s16 =	simm.s32 @p2 $0x0;
	p2 =	sgt.s32 s18, $0xC7FFF  }
0x2d: {  	s18 =	smov.u32 @p2 s2;
	p2 =	sne.s32 s13, s7  }
.Ltmp1:
0x2e: {  	p0 =	por !p0, !p0;
	s17 =	simm.s32 @!p1 $0x2;
	(pc) =	sbr.rel @!p2 .LBB1_6-.Ltmp1, $4  }
0x2f: {  	s15 =	smov.u32 s9;
	s9 =	smov.u32 s11;
	s14 =	sand.u32 @!p1 $0x3FFFFFFF, s14  }
0x30: {  	s11 =	smov.u32 s16;
	_ =	swait.ge @!p1 [sflag:s17], s14;
	s19 =	ssub.s32 @!p1 $0x0, s14  }
0x31: {  	s14 =	smov.u32 s10;
	s13 =	sadd.s32 $0x1, s13;
	[sflag:s17] =	ssyncset.done @!p1 $0x0  }
0x32: {  	s10 =	smov.u32 s12;
	s12 =	smov.u32 s18;
	[sflag:s17] =	ssyncadd.s32 @!p1 s19  }
.LBB1_1:
0x33: {  	p1 =	sge.u32 s13, s6  }
0x34: {  	s16 =	sshll.u32 @!p1 s12, $0x8;
	s17 =	sshll.u32 @!p1 s11, $0x3  }
0x35: {  	s18 =	sshll.u32 @!p1 s12, $0x7;
	s16 =	sand.u32 @!p1 $0xFFFFF800, s16;
	s17 =	sand.u32 @!p1 $0xFFFFFC00, s17  }
0x36: {  	s16 =	sadd.s32 @!p1 s16, s17;
	s17 =	sand.u32 @!p1 $0x300, s18  }
0x37: {  	s16 =	sor.u32 @!p1 s17, s16  }
0x38: {  	s16 =	sshrl.u32 @!p1 s16, $0x8  }
0x39: {  	s17 =	smulhi.u32 @!p1 $0x147AE15, s16;
	_ =	sdelay $0x1  }
0x3a: {  	s19 =	sxor.u32 @!p1 $0xFFFFFFFF, s13;
	s20 =	sand.u32 @!p1 $0x78, s11;
	s17 =	sshrl.u32 @!p1 s17, $0xC  }
0x3b: {  	s19 =	sshll.u32 @!p1 s19, $0xE;
	s18 =	sand.u32 @!p1 $0x80, s18;
	s17 =	smul.u32 @!p1 $0xC8000, s17  }
0x3c: {  	s31 =	sadd.s32 $0xFFFFFFFF, s13;
	s19 =	sand.u32 @!p1 $0x4000, s19;
	s18 =	sor.u32 @!p1 s20, s18  }
0x3d: {  	s16 =	ssub.s32 @!p1 s16, s17;
	s17 =	sshrl.u32 @!p1 s18, $0x3;
	s18 =	sand.u32 @!p1 $0x7, s11  }
0x3e: {  	s16 =	sshll.u32 @!p1 s16, $0x5;
	s17 =	sadd.s32 @!p1 s5, s17;
	s18 =	sshll.u32 @!p1 s18, $0x12  }
0x3f: {  	s16 =	sadd.s32 @!p1 s16, s17;
	s17 =	sor.u32 @!p1 $0x400, s18;
	s18 =	simm.s32 @!p1 $0x800  }
0x40: {  	[tilespmem:s19], [sflag:$0x1] =	stream.strided.gather @!p1 [hbm4b:s16+s17], $0x4000, s18, s17, $0x38;
	[tilespmem:$0x10100] =	vst v63  }
0x41: {  	p1 =	sge.u32 s31, s6  }
.Ltmp2:
0x42: {  	_ = 	snop;
	(pc) =	sbr.rel @p1 .LBB1_5-.Ltmp2, $1  }
0x43: {  	_ =	sdelay $0x3  }
0x44: {  	s16 =	simm.s32 $0x1  }
0x45: {  	_ =	swait.ge [sflag:s4], $0x4000;
	s16 =	simm.s32 @!p0 $0x0  }
0x46: {  	[sflag:s4] =	ssyncset.done $0x0;
	s17 =	sshll.u32 s16, $0xE  }
0x47: {  	[sflag:s4] =	ssyncadd.s32 $0xFFFFC000;
	s17 =	sor.u32 $0x40, s17  }
0x48: {  	s16 =	smul.u32 $0x10200, s16;
	v0 =	vld [tilespmem:s17+$0x30]  }
0x49: {  	v1 =	vld [tilespmem:s17+$0xFFFFFFD0]  }
0x4a: {  	s16 =	sshrl.u32 s16, $0x2;
	v5 =	vld [tilespmem:s17+$0xFFFFFFE0]  }
0x4b: {  	v6 =	vld [tilespmem:s17+$0xFFFFFFF0];
	s19 =	sor.u32 $0x8000, s16  }
0x4c: {  	s31 =	sand.u32 $0x1, s13;
	v4 =	vld [tilespmem:s17+$0x0];
	s18 =	sadd.s32 $0x0, s19  }
0x4d: {  	v3 =	vld [tilespmem:s17+$0x10];
	s16 =	smul.u32 $0x10200, s31;
	[tilespmem:s18+$0x3870 ss:$0x81] =	vst.msk $0xffff, v0  }
0x4e: {  	v2 =	vld [tilespmem:s17+$0x20];
	[tilespmem:s18+$0x810 ss:$0x81] =	vst.msk $0xffff, v1  }
0x4f: {  	s16 =	sshrl.u32 s16, $0x2;
	v0 =	vld [tilespmem:s17+$0xFFFFFFC0];
	[tilespmem:s18+$0x1020 ss:$0x81] =	vst.msk $0xffff, v5;
	s17 =	sadd.s32 $0x80, s17  }
0x50: {  	s20 =	simm.s32 $0x4;
	s21 =	simm.s32 $0x8;
	s16 =	sor.u32 $0x8000, s16;
	[tilespmem:s18+$0x1830 ss:$0x81] =	vst.msk $0xffff, v6;
	v1 =	vld [tilespmem:s17+$0x30]  }
.LBB1_3:
0x51: {  	p1 =	sne.s32 s21, $0x1FC;
	v5 =	vld [tilespmem:s17+$0xFFFFFFD0];
	[tilespmem:s18+$0x2040 ss:$0x81] =	vst.msk $0xffff, v4  }
0x52: {  	v6 =	vld [tilespmem:s17+$0xFFFFFFE0];
	[tilespmem:s18+$0x2850 ss:$0x81] =	vst.msk $0xffff, v3  }
0x53: {  	s22 =	sshra.s32 s20, $0x2;
	s20 =	smov.u32 s21;
	v7 =	vld [tilespmem:s17+$0xFFFFFFF0];
	[tilespmem:s18+$0x3060 ss:$0x81] =	vst.msk $0xffff, v2  }
.Ltmp3:
0x54: {  	v4 =	vld [tilespmem:s17+$0x0];
	[tilespmem:s18+$0x0 ss:$0x81] =	vst.msk $0xffff, v0;
	s18 =	sadd.s32 s22, s19;
	(pc) =	sbr.rel @p1 .LBB1_3-.Ltmp3, $4  }
0x55: {  	v3 =	vld [tilespmem:s17+$0x10];
	[tilespmem:s18+$0x3870 ss:$0x81] =	vst.msk $0xffff, v1  }
0x56: {  	[tilespmem:s18+$0x810 ss:$0x81] =	vst.msk $0xffff, v5;
	v2 =	vld [tilespmem:s17+$0x20]  }
0x57: {  	v0 =	vld [tilespmem:s17+$0xFFFFFFC0];
	[tilespmem:s18+$0x1020 ss:$0x81] =	vst.msk $0xffff, v6;
	s17 =	sadd.s32 $0x80, s17  }
0x58: {  	s21 =	sadd.s32 $0x4, s21;
	v1 =	vld [tilespmem:s17+$0x30];
	[tilespmem:s18+$0x1830 ss:$0x81] =	vst.msk $0xffff, v7  }
.Ltmp4:
0x59: {  	_ = 	snop;
	(pc) =	sbr.rel .LBB1_4-.Ltmp4, $1  }
0x5a: {  	_ =	sdelay $0x3  }
.LBB1_6:
0x5b: {  	_ =	sfence.sel $0x180000  }
0x5c: {  	s2 =	simm.s32 $0x1;
	[bflag:$0x0] =	sbarrier.arrive $0xFFFF  }
0x5d: {  	s31 =	simm.s32 $0x2;
	[sflag:s2] =	ssyncpa.u1 $0x1  }
0x5e: {  	[sflag:s31] =	ssyncpa.u1 $0x1  }
0x5f: {  	p0 =	sne.s32 s0, $0x0;
	_ =	strace $0x9000004A  }
0x60: {  	s0 =	sadd.s32 @!p0 $0x100000, s1;
	[bflag:$0x2] =	sbarrier.arrive $0xFFFF  }
0x61: {  	[sflag:s0] =	ssyncadd.tile.s32 @!p0 $0x1;
	_ =	shalt  }
.Lfunc_end1:
_tile_overlayer_lowered:
.L_overlay_start_2:
0x62: {  	(tag) =	ssettag $0x2  }
0x63: {  	s0 =	rddreg [dreg:$0x0];
	s2 =	stileid.u32  }
0x64: {  	s1 =	rddreg [dreg:$0x1];
	p0 =	sne.s32 s2, $0x0  }
0x65: {  	s3 =	rddreg [dreg:$0x2];
	[bflag:$0x3] =	sbarrier.arrive $0xFFFF;
	s2 =	simm.s32 @!p0 $0x1C01  }
0x66: {  	[timem:s3], [sflag:s2] =	dma.local @!p0 [hbm:s0], s1  }
0x67: {  	s0 =	simm.s32 @!p0 $0x1  }
0x68: {  	_ =	swait.ge @!p0 [sflag:s0], s1  }
0x69: {  	s1 =	ssub.s32 @!p0 $0x0, s1;
	[sflag:s0] =	ssyncset.done @!p0 $0x0  }
0x6a: {  	[sflag:s0] =	ssyncadd.s32 @!p0 s1  }
0x6b: {  	[bflag:$0x3] =	sbarrier.arrive $0xFFFF  }
0x6c: {  	_ =	shalt  }

</sc_bundles>
